<compile_context>
chip_gen: v7x
topology: tpu7x:2x2x1
jax: 0.10.2.dev20260603
libtpu: 0.0.44.dev20260713+nightly
codegen_flags: <defaults>
</compile_context>

<pallas_src>
import dataclasses
import functools

import jax
import jax.numpy as jnp
from jax import lax
from jax.experimental import pallas as pl
from jax.experimental.pallas import tpu as pltpu
from jax.experimental.pallas import tpu_sc as plsc

NC = 2
NS = 16
NW = NC * NS
LANES = 16
CHUNK = 512
GW = 128
RESOLUTION = 0.05


@functools.lru_cache(maxsize=None)
def _build_sc_kernel(n, v):
    assert n % 8 == 0 and n >= CHUNK
    n_chunks = -(-n // (NW * CHUNK))
    span = n_chunks * CHUNK
    max_base = n - CHUNK
    groups = CHUNK // LANES
    n_w = CHUNK // GW
    mesh = plsc.VectorSubcoreMesh(core_axis_name="c", subcore_axis_name="s")
    cp = pltpu.CompilerParams()
    if "needs_layout_passes" in pltpu.CompilerParams.__dataclass_fields__:
        cp = dataclasses.replace(cp, needs_layout_passes=False)
    if "use_tc_tiling_on_sc" in pltpu.CompilerParams.__dataclass_fields__:
        cp = dataclasses.replace(cp, use_tc_tiling_on_sc=False)

    @pl.kernel(
        compiler_params=cp,
        out_type=jax.ShapeDtypeStruct((n,), jnp.float32),
        mesh=mesh,
        scratch_types=[
            pltpu.VMEM((CHUNK,), jnp.int32),
            pltpu.VMEM((3, CHUNK), jnp.float32),
            pltpu.VMEM((4, CHUNK), jnp.float32),
            pltpu.VMEM((8, CHUNK), jnp.int32),
            pltpu.VMEM((8, CHUNK), jnp.int32),
            pltpu.VMEM((8, CHUNK), jnp.int32),
            pltpu.VMEM((CHUNK,), jnp.float32),
            pltpu.SemaphoreType.DMA,
            pltpu.SemaphoreType.DMA,
            pltpu.SemaphoreType.DMA,
        ],
    )
    def sc_kernel(pts_hbm, vidx_hbm,
                  cx_hbm, cy_hbm, cz_hbm, vs_hbm,
                  vi_hbm0, vi_hbm1, vi_hbm2, vi_hbm3,
                  vi_hbm4, vi_hbm5, vi_hbm6, vi_hbm7,
                  w0_hbm, w1_hbm,
                  out_hbm,
                  idx_v, pts_v, cs_v, vi_v, w0_v, w1_v,
                  out_v, sem1, sem2, sem3):
        cs_cols = (cx_hbm, cy_hbm, cz_hbm, vs_hbm)
        vi_cols = (vi_hbm0, vi_hbm1, vi_hbm2, vi_hbm3,
                   vi_hbm4, vi_hbm5, vi_hbm6, vi_hbm7)
        wid = lax.axis_index("s") * NC + lax.axis_index("c")

        @pl.loop(0, n_chunks)
        def _chunk(c):
            base = lax.min(wid * span + c * CHUNK, max_base)
            sl = pl.ds(base, CHUNK)

            pltpu.async_copy(vidx_hbm.at[sl], idx_v, sem1).wait()
            dp = [pltpu.async_copy(pts_hbm.at[pl.ds(d0 * n + base, CHUNK)],
                                   pts_v.at[d0], sem3)
                  for d0 in range(3)]

            d1 = [[], []]
            for j in range(n_w):
                win = pl.ds(j * GW, GW)
                row = idx_v.at[win]
                sem = sem1 if j % 2 == 0 else sem2
                batch = d1[j % 2]
                for d0, src in enumerate(cs_cols):
                    batch.append(pltpu.async_copy(
                        src.at[row], cs_v.at[d0, win], sem))
                for k, src in enumerate(vi_cols):
                    batch.append(pltpu.async_copy(
                        src.at[row], vi_v.at[k, win], sem))
                if j % 2 == 1:
                    for d in d1[0]:
                        d.wait()
                    d1[0] = []
            for d in d1[1]:
                d.wait()

            d2 = [[], []]
            for k in range(8):
                sem = sem1 if k % 2 == 0 else sem2
                batch = d2[k % 2]
                for j in range(n_w):
                    win = pl.ds(j * GW, GW)
                    vr = vi_v.at[k, win]
                    batch.append(pltpu.async_copy(
                        w0_hbm.at[vr], w0_v.at[k, win], sem))
                    batch.append(pltpu.async_copy(
                        w1_hbm.at[vr], w1_v.at[k, win], sem))
                if k % 2 == 1:
                    for d in d2[0]:
                        d.wait()
                    d2[0] = []
            for d in d2[1]:
                d.wait()
            for d in dp:
                d.wait()

            @pl.loop(0, groups)
            def _compute(g):
                gsl = pl.ds(g * LANES, LANES)
                px = pts_v[0, gsl]
                py = pts_v[1, gsl]
                pz = pts_v[2, gsl]
                cx = cs_v[0, gsl]
                cy = cs_v[1, gsl]
                cz = cs_v[2, gsl]
                vsf = cs_v[3, gsl]
                ext = vsf * RESOLUTION
                dx0 = px - (cx - 0.5 * ext)
                dy0 = py - (cy - 0.5 * ext)
                dz0 = pz - (cz - 0.5 * ext)
                tx = dx0 / ext
                ty = dy0 / ext
                tz = dz0 / ext
                ux = 1.0 - tx
                uy = 1.0 - ty
                uz = 1.0 - tz
                dx1 = dx0 - ext
                dy1 = dy0 - ext
                dz1 = dz0 - ext
                hi_mask = jnp.full((LANES,), -65536, jnp.int32)
                acc = jnp.zeros((LANES,), jnp.float32)
                for k in range(8):
                    bx, by, bz = k & 1, (k >> 1) & 1, (k >> 2) & 1
                    w0 = w0_v[k, gsl]
                    w1 = w1_v[k, gsl]
                    s = plsc.bitcast(w0 << 16, jnp.float32)
                    gx = plsc.bitcast(w0 & hi_mask, jnp.float32)
                    gy = plsc.bitcast(w1 << 16, jnp.float32)
                    gz = plsc.bitcast(w1 & hi_mask, jnp.float32)
                    val = s + gx * (dx1 if bx else dx0) \
                            + gy * (dy1 if by else dy0) \
                            + gz * (dz1 if bz else dz0)
                    w = (tx if bx else ux) * (ty if by else uy) * (tz if bz else uz)
                    acc = acc + w * val
                out_v[gsl] = acc

            pltpu.sync_copy(out_v, out_hbm.at[sl])

    return sc_kernel


def _pack2(lo, hi):
    lo16 = lax.bitcast_convert_type(lo.astype(jnp.bfloat16), jnp.uint16)
    hi16 = lax.bitcast_convert_type(hi.astype(jnp.bfloat16), jnp.uint16)
    word = lo16.astype(jnp.uint32) | (hi16.astype(jnp.uint32) << 16)
    return lax.bitcast_convert_type(word, jnp.int32)


def kernel(points, voxel_indices, voxel_centers, vertex_indices, voxel_sizes,
           sdf_priors, grad_priors):
    n = points.shape[0]
    v = voxel_centers.shape[0]
    sdf = _build_sc_kernel(n, v)(
        points.T.reshape(-1),
        voxel_indices.astype(jnp.int32),
        voxel_centers[:, 0], voxel_centers[:, 1], voxel_centers[:, 2],
        voxel_sizes.astype(jnp.float32),
        *(vertex_indices[:, k].astype(jnp.int32) for k in range(8)),
        _pack2(sdf_priors, grad_priors[:, 0]),
        _pack2(grad_priors[:, 1], grad_priors[:, 2]))
    return (sdf, voxel_indices)

# --- scband reference (transcript-rebuilt; emitter-appended) ---
"""Pipeline reference for scband-semi-sparse-octree-72868415144187 (READ-ONLY COPY).

The authoritative reference and input builder live on the scoring server;
editing this copy changes nothing except your own understanding.
"""

import jax, jax.numpy as jnp
import numpy as np

RESOLUTION = 0.05
GRAD_AUG = True
V = 1000000
N = 500000

_BITS = jnp.array([[(k >> 0) & 1, (k >> 1) & 1, (k >> 2) & 1] for k in range(8)], dtype=jnp.float32)  # (8,3)


def ga_trilinear(points, voxel_centers, voxel_sizes, vertex_values, vertex_grad, resolution, gradient_augmentation):
    # points: (N,3); voxel_centers: (N,3); voxel_sizes: (N,1) float
    # vertex_values: (N,8); vertex_grad: (N,8,3)
    extent = voxel_sizes * resolution                      # (N,1) world-space voxel edge length
    min_corner = voxel_centers - 0.5 * extent              # (N,3)
    t = (points - min_corner) / extent                     # (N,3) local coords in [0,1] (unclamped, faithful)
    # trilinear weights per vertex, vertex k ordered as bx + 2*by + 4*bz
    w = jnp.prod(jnp.where(_BITS[None, :, :] > 0, t[:, None, :], 1.0 - t[:, None, :]), axis=-1)  # (N,8)
    vals = vertex_values
    if gradient_augmentation:
        vertex_pos = min_corner[:, None, :] + _BITS[None, :, :] * extent[:, None, :]  # (N,8,3)
        delta = points[:, None, :] - vertex_pos                                       # (N,8,3)
        vals = vals + jnp.sum(vertex_grad * delta, axis=-1)                           # first-order Taylor augmentation
    return jnp.sum(w * vals, axis=-1)                       # (N,)


def setup_inputs(seed: int = 0) -> dict:
    key = jax.random.key(seed)
    ks = jax.random.split(key, 7)
    points = jax.random.normal(ks[0], (N, 3), dtype=jnp.float32) * 2.0
    voxel_indices = jax.random.randint(ks[1], (N,), 0, V)
    voxel_centers = jax.random.normal(ks[2], (V, 3), dtype=jnp.float32) * 2.0
    vertex_indices = jax.random.randint(ks[3], (V, 8), 0, V)
    voxel_sizes = jax.random.randint(ks[4], (V,), 1, 5).astype(jnp.int32)
    sdf_priors = jax.random.normal(ks[5], (V,), dtype=jnp.float32) * 0.1
    grad_priors = jax.random.normal(ks[6], (V, 3), dtype=jnp.float32) * 0.1
    return {
        "points": points,
        "voxel_indices": voxel_indices,
        "voxel_centers": voxel_centers,
        "vertex_indices": vertex_indices,
        "voxel_sizes": voxel_sizes,
        "sdf_priors": sdf_priors,
        "grad_priors": grad_priors,
    }


def reference(points, voxel_indices, voxel_centers, vertex_indices, voxel_sizes, sdf_priors, grad_priors):
    vc = jnp.take(voxel_centers, voxel_indices, axis=0)            # (N,3)
    vi = jnp.take(vertex_indices, voxel_indices, axis=0)           # (N,8)
    vs = jnp.take(voxel_sizes, voxel_indices, axis=0)[:, None].astype(jnp.float32)  # (N,1)
    vertex_sdf = jnp.take(sdf_priors, vi, axis=0)                  # (N,8)
    vertex_g = jnp.take(grad_priors, vi, axis=0)                   # (N,8,3)
    sdf_preds = ga_trilinear(points, vc, vs, vertex_sdf, vertex_g, RESOLUTION, GRAD_AUG)
    return (sdf_preds, voxel_indices)

if __name__ == "__main__":
    import jax
    _d = setup_inputs()
    print(jax.jit(kernel)(*tuple(_d.values())))

</pallas_src>

<mosaic_0001>
#map = affine_map<(d0, d1) -> (0)>
module attributes {stable_mosaic.version = 14 : i64} {
  func.func @sc_kernel(%arg0: i32, %arg1: i32, %arg2: memref<1500000xf32, #tpu.memory_space<hbm>>, %arg3: memref<500000xi32, #tpu.memory_space<hbm>>, %arg4: memref<1000000xf32, #tpu.memory_space<hbm>>, %arg5: memref<1000000xf32, #tpu.memory_space<hbm>>, %arg6: memref<1000000xf32, #tpu.memory_space<hbm>>, %arg7: memref<1000000xf32, #tpu.memory_space<hbm>>, %arg8: memref<1000000xi32, #tpu.memory_space<hbm>>, %arg9: memref<1000000xi32, #tpu.memory_space<hbm>>, %arg10: memref<1000000xi32, #tpu.memory_space<hbm>>, %arg11: memref<1000000xi32, #tpu.memory_space<hbm>>, %arg12: memref<1000000xi32, #tpu.memory_space<hbm>>, %arg13: memref<1000000xi32, #tpu.memory_space<hbm>>, %arg14: memref<1000000xi32, #tpu.memory_space<hbm>>, %arg15: memref<1000000xi32, #tpu.memory_space<hbm>>, %arg16: memref<1000000xi32, #tpu.memory_space<hbm>>, %arg17: memref<1000000xi32, #tpu.memory_space<hbm>>, %arg18: memref<500000xf32, #tpu.memory_space<hbm>>, %arg19: memref<512xi32, #tpu.memory_space<vmem>>, %arg20: memref<3x512xf32, #tpu.memory_space<vmem>>, %arg21: memref<4x512xf32, #tpu.memory_space<vmem>>, %arg22: memref<8x512xi32, #tpu.memory_space<vmem>>, %arg23: memref<8x512xi32, #tpu.memory_space<vmem>>, %arg24: memref<8x512xi32, #tpu.memory_space<vmem>>, %arg25: memref<512xf32, #tpu.memory_space<vmem>>, %arg26: memref<!tpu.dma_semaphore, #tpu.memory_space<semaphore_mem>>, %arg27: memref<!tpu.dma_semaphore, #tpu.memory_space<semaphore_mem>>, %arg28: memref<!tpu.dma_semaphore, #tpu.memory_space<semaphore_mem>>) attributes {dimension_semantics = [#tpu.dimension_semantics<core_parallel>, #tpu.dimension_semantics<subcore_parallel>], iteration_bounds = array<i64: 2, 16>, scalar_prefetch = 0 : i64, scratch_operands = 10 : i64, tpu.core_type = #tpu.core_type<sc_vector_subcore>, window_params = [{transform_indices = #map}, {transform_indices = #map}, {transform_indices = #map}, {transform_indices = #map}, {transform_indices = #map}, {transform_indices = #map}, {transform_indices = #map}, {transform_indices = #map}, {transform_indices = #map}, {transform_indices = #map}, {transform_indices = #map}, {transform_indices = #map}, {transform_indices = #map}, {transform_indices = #map}, {transform_indices = #map}, {transform_indices = #map}, {transform_indices = #map}]} {
    %mul3A = arith.constant 2 : i32
    %mul3A_0 = arith.muli %arg1, %mul3A : i32
    %add3A = arith.addi %mul3A_0, %arg0 : i32
    %scan3A = arith.constant 0 : i32
    %scan3A_1 = arith.constant 31 : i32
    %scan3A_2 = arith.addi %scan3A, %scan3A_1 : i32
    %scan3A_3 = arith.constant 1 : i32
    scf.for %scan3A_5 = %scan3A to %scan3A_2 step %scan3A_3  : i32 {
      %mul3A_6 = arith.constant 1 : i32
      %mul3A_7 = arith.muli %scan3A_5, %mul3A_6 : i32
      %add3A_8 = arith.constant 0 : i32
      %add3A_9 = arith.addi %add3A_8, %mul3A_7 : i32
      %mul3A_10 = arith.constant 15872 : i32
      %mul3A_11 = arith.muli %add3A, %mul3A_10 : i32
      %mul3A_12 = arith.constant 512 : i32
      %mul3A_13 = arith.muli %add3A_9, %mul3A_12 : i32
      %add3A_14 = arith.addi %mul3A_11, %mul3A_13 : i32
      %min3A = arith.constant 499488 : i32
      %min3A_15 = arith.minsi %add3A_14, %min3A : i32
      %dma_start3A = tpu.memref_slice %arg3[%min3A_15] : memref<500000xi32, #tpu.memory_space<hbm>> -> memref<512xi32, #tpu.memory_space<hbm>>
      %dma_start3A_16 = tpu.memref_slice %arg3[%min3A_15] : memref<500000xi32, #tpu.memory_space<hbm>> -> memref<512xi32, #tpu.memory_space<hbm>>
      tpu.enqueue_dma source(%dma_start3A_16 : memref<512xi32, #tpu.memory_space<hbm>>) target(%arg19 : memref<512xi32, #tpu.memory_space<vmem>>) target_semaphore(%arg26 : memref<!tpu.dma_semaphore, #tpu.memory_space<semaphore_mem>>)
      %dma_wait3A = tpu.memref_slice %arg3[%min3A_15] : memref<500000xi32, #tpu.memory_space<hbm>> -> memref<512xi32, #tpu.memory_space<hbm>>
      %dma_wait3A_17 = tpu.memref_slice %arg3[%min3A_15] : memref<500000xi32, #tpu.memory_space<hbm>> -> memref<512xi32, #tpu.memory_space<hbm>>
      tpu.wait_dma2 semaphore(%arg26 : memref<!tpu.dma_semaphore, #tpu.memory_space<semaphore_mem>>) src(%dma_wait3A_17 : memref<512xi32, #tpu.memory_space<hbm>>) dst(%arg19 : memref<512xi32, #tpu.memory_space<vmem>>)
      %add3A_18 = arith.constant 0 : i32
      %add3A_19 = arith.addi %add3A_18, %min3A_15 : i32
      %dma_start3A_20 = arith.constant 0 : i32
      %dma_start3A_21 = arith.constant 0 : i32
      %dma_start3A_22 = tpu.memref_slice %arg20[%dma_start3A_20, %dma_start3A_21] : memref<3x512xf32, #tpu.memory_space<vmem>> -> memref<1x512xf32, #tpu.memory_space<vmem>>
      %dma_start3A_23 = tpu.memref_squeeze %dma_start3A_22 : memref<1x512xf32, #tpu.memory_space<vmem>> -> memref<512xf32, #tpu.memory_space<vmem>>
      %dma_start3A_24 = tpu.memref_slice %arg2[%add3A_19] : memref<1500000xf32, #tpu.memory_space<hbm>> -> memref<512xf32, #tpu.memory_space<hbm>>
      %dma_start3A_25 = arith.constant 0 : i32
      %dma_start3A_26 = tpu.memref_slice %arg20[%dma_start3A_20, %dma_start3A_25] : memref<3x512xf32, #tpu.memory_space<vmem>> -> memref<1x512xf32, #tpu.memory_space<vmem>>
      %dma_start3A_27 = tpu.memref_squeeze %dma_start3A_26 : memref<1x512xf32, #tpu.memory_space<vmem>> -> memref<512xf32, #tpu.memory_space<vmem>>
      %dma_start3A_28 = tpu.memref_slice %arg2[%add3A_19] : memref<1500000xf32, #tpu.memory_space<hbm>> -> memref<512xf32, #tpu.memory_space<hbm>>
      tpu.enqueue_dma source(%dma_start3A_28 : memref<512xf32, #tpu.memory_space<hbm>>) target(%dma_start3A_27 : memref<512xf32, #tpu.memory_space<vmem>>) target_semaphore(%arg28 : memref<!tpu.dma_semaphore, #tpu.memory_space<semaphore_mem>>)
      %add3A_29 = arith.constant 500000 : i32
      %add3A_30 = arith.addi %add3A_29, %min3A_15 : i32
      %dma_start3A_31 = arith.constant 1 : i32
      %dma_start3A_32 = arith.constant 0 : i32
      %dma_start3A_33 = tpu.memref_slice %arg20[%dma_start3A_31, %dma_start3A_32] : memref<3x512xf32, #tpu.memory_space<vmem>> -> memref<1x512xf32, #tpu.memory_space<vmem>>
      %dma_start3A_34 = tpu.memref_squeeze %dma_start3A_33 : memref<1x512xf32, #tpu.memory_space<vmem>> -> memref<512xf32, #tpu.memory_space<vmem>>
      %dma_start3A_35 = tpu.memref_slice %arg2[%add3A_30] : memref<1500000xf32, #tpu.memory_space<hbm>> -> memref<512xf32, #tpu.memory_space<hbm>>
      %dma_start3A_36 = arith.constant 0 : i32
      %dma_start3A_37 = tpu.memref_slice %arg20[%dma_start3A_31, %dma_start3A_36] : memref<3x512xf32, #tpu.memory_space<vmem>> -> memref<1x512xf32, #tpu.memory_space<vmem>>
      %dma_start3A_38 = tpu.memref_squeeze %dma_start3A_37 : memref<1x512xf32, #tpu.memory_space<vmem>> -> memref<512xf32, #tpu.memory_space<vmem>>
      %dma_start3A_39 = tpu.memref_slice %arg2[%add3A_30] : memref<1500000xf32, #tpu.memory_space<hbm>> -> memref<512xf32, #tpu.memory_space<hbm>>
      tpu.enqueue_dma source(%dma_start3A_39 : memref<512xf32, #tpu.memory_space<hbm>>) target(%dma_start3A_38 : memref<512xf32, #tpu.memory_space<vmem>>) target_semaphore(%arg28 : memref<!tpu.dma_semaphore, #tpu.memory_space<semaphore_mem>>)
      %add3A_40 = arith.constant 1000000 : i32
      %add3A_41 = arith.addi %add3A_40, %min3A_15 : i32
      %dma_start3A_42 = arith.constant 2 : i32
      %dma_start3A_43 = arith.constant 0 : i32
      %dma_start3A_44 = tpu.memref_slice %arg20[%dma_start3A_42, %dma_start3A_43] : memref<3x512xf32, #tpu.memory_space<vmem>> -> memref<1x512xf32, #tpu.memory_space<vmem>>
      %dma_start3A_45 = tpu.memref_squeeze %dma_start3A_44 : memref<1x512xf32, #tpu.memory_space<vmem>> -> memref<512xf32, #tpu.memory_space<vmem>>
      %dma_start3A_46 = tpu.memref_slice %arg2[%add3A_41] : memref<1500000xf32, #tpu.memory_space<hbm>> -> memref<512xf32, #tpu.memory_space<hbm>>
      %dma_start3A_47 = arith.constant 0 : i32
      %dma_start3A_48 = tpu.memref_slice %arg20[%dma_start3A_42, %dma_start3A_47] : memref<3x512xf32, #tpu.memory_space<vmem>> -> memref<1x512xf32, #tpu.memory_space<vmem>>
      %dma_start3A_49 = tpu.memref_squeeze %dma_start3A_48 : memref<1x512xf32, #tpu.memory_space<vmem>> -> memref<512xf32, #tpu.memory_space<vmem>>
      %dma_start3A_50 = tpu.memref_slice %arg2[%add3A_41] : memref<1500000xf32, #tpu.memory_space<hbm>> -> memref<512xf32, #tpu.memory_space<hbm>>
      tpu.enqueue_dma source(%dma_start3A_50 : memref<512xf32, #tpu.memory_space<hbm>>) target(%dma_start3A_49 : memref<512xf32, #tpu.memory_space<vmem>>) target_semaphore(%arg28 : memref<!tpu.dma_semaphore, #tpu.memory_space<semaphore_mem>>)
      %dma_start3A_51 = arith.constant 0 : i32
      %dma_start3A_52 = arith.constant 0 : i32
      %dma_start3A_53 = tpu.memref_slice %arg21[%dma_start3A_51, %dma_start3A_52] : memref<4x512xf32, #tpu.memory_space<vmem>> -> memref<1x128xf32, #tpu.memory_space<vmem>>
      %dma_start3A_54 = tpu.memref_squeeze %dma_start3A_53 : memref<1x128xf32, #tpu.memory_space<vmem>> -> memref<128xf32, #tpu.memory_space<vmem>>
      %dma_start3A_55 = arith.constant 0 : i32
      %dma_start3A_56 = tpu.memref_slice %arg19[%dma_start3A_55] : memref<512xi32, #tpu.memory_space<vmem>> -> memref<128xi32, #tpu.memory_space<vmem>>
      %dma_start3A_57 = arith.constant 0 : i32
      %dma_start3A_58 = tpu.memref_slice %arg4[%dma_start3A_57] : memref<1000000xf32, #tpu.memory_space<hbm>> -> memref<1000000xf32, #tpu.memory_space<hbm>>
      tpu.enqueue_indirect_dma source(%dma_start3A_58 : memref<1000000xf32, #tpu.memory_space<hbm>>) target(%dma_start3A_54 : memref<128xf32, #tpu.memory_space<vmem>>) offsets(%dma_start3A_56 : memref<128xi32, #tpu.memory_space<vmem>>) semaphore(%arg26 : memref<!tpu.dma_semaphore, #tpu.memory_space<semaphore_mem>>)
      %dma_start3A_59 = arith.constant 1 : i32
      %dma_start3A_60 = arith.constant 0 : i32
      %dma_start3A_61 = tpu.memref_slice %arg21[%dma_start3A_59, %dma_start3A_60] : memref<4x512xf32, #tpu.memory_space<vmem>> -> memref<1x128xf32, #tpu.memory_space<vmem>>
      %dma_start3A_62 = tpu.memref_squeeze %dma_start3A_61 : memref<1x128xf32, #tpu.memory_space<vmem>> -> memref<128xf32, #tpu.memory_space<vmem>>
      %dma_start3A_63 = arith.constant 0 : i32
      %dma_start3A_64 = tpu.memref_slice %arg19[%dma_start3A_63] : memref<512xi32, #tpu.memory_space<vmem>> -> memref<128xi32, #tpu.memory_space<vmem>>
      %dma_start3A_65 = arith.constant 0 : i32
      %dma_start3A_66 = tpu.memref_slice %arg5[%dma_start3A_65] : memref<1000000xf32, #tpu.memory_space<hbm>> -> memref<1000000xf32, #tpu.memory_space<hbm>>
      tpu.enqueue_indirect_dma source(%dma_start3A_66 : memref<1000000xf32, #tpu.memory_space<hbm>>) target(%dma_start3A_62 : memref<128xf32, #tpu.memory_space<vmem>>) offsets(%dma_start3A_64 : memref<128xi32, #tpu.memory_space<vmem>>) semaphore(%arg26 : memref<!tpu.dma_semaphore, #tpu.memory_space<semaphore_mem>>)
      %dma_start3A_67 = arith.constant 2 : i32
      %dma_start3A_68 = arith.constant 0 : i32
      %dma_start3A_69 = tpu.memref_slice %arg21[%dma_start3A_67, %dma_start3A_68] : memref<4x512xf32, #tpu.memory_space<vmem>> -> memref<1x128xf32, #tpu.memory_space<vmem>>
      %dma_start3A_70 = tpu.memref_squeeze %dma_start3A_69 : memref<1x128xf32, #tpu.memory_space<vmem>> -> memref<128xf32, #tpu.memory_space<vmem>>
      %dma_start3A_71 = arith.constant 0 : i32
      %dma_start3A_72 = tpu.memref_slice %arg19[%dma_start3A_71] : memref<512xi32, #tpu.memory_space<vmem>> -> memref<128xi32, #tpu.memory_space<vmem>>
      %dma_start3A_73 = arith.constant 0 : i32
      %dma_start3A_74 = tpu.memref_slice %arg6[%dma_start3A_73] : memref<1000000xf32, #tpu.memory_space<hbm>> -> memref<1000000xf32, #tpu.memory_space<hbm>>
      tpu.enqueue_indirect_dma source(%dma_start3A_74 : memref<1000000xf32, #tpu.memory_space<hbm>>) target(%dma_start3A_70 : memref<128xf32, #tpu.memory_space<vmem>>) offsets(%dma_start3A_72 : memref<128xi32, #tpu.memory_space<vmem>>) semaphore(%arg26 : memref<!tpu.dma_semaphore, #tpu.memory_space<semaphore_mem>>)
      %dma_start3A_75 = arith.constant 3 : i32
      %dma_start3A_76 = arith.constant 0 : i32
      %dma_start3A_77 = tpu.memref_slice %arg21[%dma_start3A_75, %dma_start3A_76] : memref<4x512xf32, #tpu.memory_space<vmem>> -> memref<1x128xf32, #tpu.memory_space<vmem>>
      %dma_start3A_78 = tpu.memref_squeeze %dma_start3A_77 : memref<1x128xf32, #tpu.memory_space<vmem>> -> memref<128xf32, #tpu.memory_space<vmem>>
      %dma_start3A_79 = arith.constant 0 : i32
      %dma_start3A_80 = tpu.memref_slice %arg19[%dma_start3A_79] : memref<512xi32, #tpu.memory_space<vmem>> -> memref<128xi32, #tpu.memory_space<vmem>>
      %dma_start3A_81 = arith.constant 0 : i32
      %dma_start3A_82 = tpu.memref_slice %arg7[%dma_start3A_81] : memref<1000000xf32, #tpu.memory_space<hbm>> -> memref<1000000xf32, #tpu.memory_space<hbm>>
      tpu.enqueue_indirect_dma source(%dma_start3A_82 : memref<1000000xf32, #tpu.memory_space<hbm>>) target(%dma_start3A_78 : memref<128xf32, #tpu.memory_space<vmem>>) offsets(%dma_start3A_80 : memref<128xi32, #tpu.memory_space<vmem>>) semaphore(%arg26 : memref<!tpu.dma_semaphore, #tpu.memory_space<semaphore_mem>>)
      %dma_start3A_83 = arith.constant 0 : i32
      %dma_start3A_84 = arith.constant 0 : i32
      %dma_start3A_85 = tpu.memref_slice %arg22[%dma_start3A_83, %dma_start3A_84] : memref<8x512xi32, #tpu.memory_space<vmem>> -> memref<1x128xi32, #tpu.memory_space<vmem>>
      %dma_start3A_86 = tpu.memref_squeeze %dma_start3A_85 : memref<1x128xi32, #tpu.memory_space<vmem>> -> memref<128xi32, #tpu.memory_space<vmem>>
      %dma_start3A_87 = arith.constant 0 : i32
      %dma_start3A_88 = tpu.memref_slice %arg19[%dma_start3A_87] : memref<512xi32, #tpu.memory_space<vmem>> -> memref<128xi32, #tpu.memory_space<vmem>>
      %dma_start3A_89 = arith.constant 0 : i32
      %dma_start3A_90 = tpu.memref_slice %arg8[%dma_start3A_89] : memref<1000000xi32, #tpu.memory_space<hbm>> -> memref<1000000xi32, #tpu.memory_space<hbm>>
      tpu.enqueue_indirect_dma source(%dma_start3A_90 : memref<1000000xi32, #tpu.memory_space<hbm>>) target(%dma_start3A_86 : memref<128xi32, #tpu.memory_space<vmem>>) offsets(%dma_start3A_88 : memref<128xi32, #tpu.memory_space<vmem>>) semaphore(%arg26 : memref<!tpu.dma_semaphore, #tpu.memory_space<semaphore_mem>>)
      %dma_start3A_91 = arith.constant 1 : i32
      %dma_start3A_92 = arith.constant 0 : i32
      %dma_start3A_93 = tpu.memref_slice %arg22[%dma_start3A_91, %dma_start3A_92] : memref<8x512xi32, #tpu.memory_space<vmem>> -> memref<1x128xi32, #tpu.memory_space<vmem>>
      %dma_start3A_94 = tpu.memref_squeeze %dma_start3A_93 : memref<1x128xi32, #tpu.memory_space<vmem>> -> memref<128xi32, #tpu.memory_space<vmem>>
      %dma_start3A_95 = arith.constant 0 : i32
      %dma_start3A_96 = tpu.memref_slice %arg19[%dma_start3A_95] : memref<512xi32, #tpu.memory_space<vmem>> -> memref<128xi32, #tpu.memory_space<vmem>>
      %dma_start3A_97 = arith.constant 0 : i32
      %dma_start3A_98 = tpu.memref_slice %arg9[%dma_start3A_97] : memref<1000000xi32, #tpu.memory_space<hbm>> -> memref<1000000xi32, #tpu.memory_space<hbm>>
      tpu.enqueue_indirect_dma source(%dma_start3A_98 : memref<1000000xi32, #tpu.memory_space<hbm>>) target(%dma_start3A_94 : memref<128xi32, #tpu.memory_space<vmem>>) offsets(%dma_start3A_96 : memref<128xi32, #tpu.memory_space<vmem>>) semaphore(%arg26 : memref<!tpu.dma_semaphore, #tpu.memory_space<semaphore_mem>>)
      %dma_start3A_99 = arith.constant 2 : i32
      %dma_start3A_100 = arith.constant 0 : i32
      %dma_start3A_101 = tpu.memref_slice %arg22[%dma_start3A_99, %dma_start3A_100] : memref<8x512xi32, #tpu.memory_space<vmem>> -> memref<1x128xi32, #tpu.memory_space<vmem>>
      %dma_start3A_102 = tpu.memref_squeeze %dma_start3A_101 : memref<1x128xi32, #tpu.memory_space<vmem>> -> memref<128xi32, #tpu.memory_space<vmem>>
      %dma_start3A_103 = arith.constant 0 : i32
      %dma_start3A_104 = tpu.memref_slice %arg19[%dma_start3A_103] : memref<512xi32, #tpu.memory_space<vmem>> -> memref<128xi32, #tpu.memory_space<vmem>>
      %dma_start3A_105 = arith.constant 0 : i32
      %dma_start3A_106 = tpu.memref_slice %arg10[%dma_start3A_105] : memref<1000000xi32, #tpu.memory_space<hbm>> -> memref<1000000xi32, #tpu.memory_space<hbm>>
      tpu.enqueue_indirect_dma source(%dma_start3A_106 : memref<1000000xi32, #tpu.memory_space<hbm>>) target(%dma_start3A_102 : memref<128xi32, #tpu.memory_space<vmem>>) offsets(%dma_start3A_104 : memref<128xi32, #tpu.memory_space<vmem>>) semaphore(%arg26 : memref<!tpu.dma_semaphore, #tpu.memory_space<semaphore_mem>>)
      %dma_start3A_107 = arith.constant 3 : i32
      %dma_start3A_108 = arith.constant 0 : i32
      %dma_start3A_109 = tpu.memref_slice %arg22[%dma_start3A_107, %dma_start3A_108] : memref<8x512xi32, #tpu.memory_space<vmem>> -> memref<1x128xi32, #tpu.memory_space<vmem>>
      %dma_start3A_110 = tpu.memref_squeeze %dma_start3A_109 : memref<1x128xi32, #tpu.memory_space<vmem>> -> memref<128xi32, #tpu.memory_space<vmem>>
      %dma_start3A_111 = arith.constant 0 : i32
      %dma_start3A_112 = tpu.memref_slice %arg19[%dma_start3A_111] : memref<512xi32, #tpu.memory_space<vmem>> -> memref<128xi32, #tpu.memory_space<vmem>>
      %dma_start3A_113 = arith.constant 0 : i32
      %dma_start3A_114 = tpu.memref_slice %arg11[%dma_start3A_113] : memref<1000000xi32, #tpu.memory_space<hbm>> -> memref<1000000xi32, #tpu.memory_space<hbm>>
      tpu.enqueue_indirect_dma source(%dma_start3A_114 : memref<1000000xi32, #tpu.memory_space<hbm>>) target(%dma_start3A_110 : memref<128xi32, #tpu.memory_space<vmem>>) offsets(%dma_start3A_112 : memref<128xi32, #tpu.memory_space<vmem>>) semaphore(%arg26 : memref<!tpu.dma_semaphore, #tpu.memory_space<semaphore_mem>>)
      %dma_start3A_115 = arith.constant 4 : i32
      %dma_start3A_116 = arith.constant 0 : i32
      %dma_start3A_117 = tpu.memref_slice %arg22[%dma_start3A_115, %dma_start3A_116] : memref<8x512xi32, #tpu.memory_space<vmem>> -> memref<1x128xi32, #tpu.memory_space<vmem>>
      %dma_start3A_118 = tpu.memref_squeeze %dma_start3A_117 : memref<1x128xi32, #tpu.memory_space<vmem>> -> memref<128xi32, #tpu.memory_space<vmem>>
      %dma_start3A_119 = arith.constant 0 : i32
      %dma_start3A_120 = tpu.memref_slice %arg19[%dma_start3A_119] : memref<512xi32, #tpu.memory_space<vmem>> -> memref<128xi32, #tpu.memory_space<vmem>>
      %dma_start3A_121 = arith.constant 0 : i32
      %dma_start3A_122 = tpu.memref_slice %arg12[%dma_start3A_121] : memref<1000000xi32, #tpu.memory_space<hbm>> -> memref<1000000xi32, #tpu.memory_space<hbm>>
      tpu.enqueue_indirect_dma source(%dma_start3A_122 : memref<1000000xi32, #tpu.memory_space<hbm>>) target(%dma_start3A_118 : memref<128xi32, #tpu.memory_space<vmem>>) offsets(%dma_start3A_120 : memref<128xi32, #tpu.memory_space<vmem>>) semaphore(%arg26 : memref<!tpu.dma_semaphore, #tpu.memory_space<semaphore_mem>>)
      %dma_start3A_123 = arith.constant 5 : i32
      %dma_start3A_124 = arith.constant 0 : i32
      %dma_start3A_125 = tpu.memref_slice %arg22[%dma_start3A_123, %dma_start3A_124] : memref<8x512xi32, #tpu.memory_space<vmem>> -> memref<1x128xi32, #tpu.memory_space<vmem>>
      %dma_start3A_126 = tpu.memref_squeeze %dma_start3A_125 : memref<1x128xi32, #tpu.memory_space<vmem>> -> memref<128xi32, #tpu.memory_space<vmem>>
      %dma_start3A_127 = arith.constant 0 : i32
      %dma_start3A_128 = tpu.memref_slice %arg19[%dma_start3A_127] : memref<512xi32, #tpu.memory_space<vmem>> -> memref<128xi32, #tpu.memory_space<vmem>>
      %dma_start3A_129 = arith.constant 0 : i32
      %dma_start3A_130 = tpu.memref_slice %arg13[%dma_start3A_129] : memref<1000000xi32, #tpu.memory_space<hbm>> -> memref<1000000xi32, #tpu.memory_space<hbm>>
      tpu.enqueue_indirect_dma source(%dma_start3A_130 : memref<1000000xi32, #tpu.memory_space<hbm>>) target(%dma_start3A_126 : memref<128xi32, #tpu.memory_space<vmem>>) offsets(%dma_start3A_128 : memref<128xi32, #tpu.memory_space<vmem>>) semaphore(%arg26 : memref<!tpu.dma_semaphore, #tpu.memory_space<semaphore_mem>>)
      %dma_start3A_131 = arith.constant 6 : i32
      %dma_start3A_132 = arith.constant 0 : i32
      %dma_start3A_133 = tpu.memref_slice %arg22[%dma_start3A_131, %dma_start3A_132] : memref<8x512xi32, #tpu.memory_space<vmem>> -> memref<1x128xi32, #tpu.memory_space<vmem>>
      %dma_start3A_134 = tpu.memref_squeeze %dma_start3A_133 : memref<1x128xi32, #tpu.memory_space<vmem>> -> memref<128xi32, #tpu.memory_space<vmem>>
      %dma_start3A_135 = arith.constant 0 : i32
      %dma_start3A_136 = tpu.memref_slice %arg19[%dma_start3A_135] : memref<512xi32, #tpu.memory_space<vmem>> -> memref<128xi32, #tpu.memory_space<vmem>>
      %dma_start3A_137 = arith.constant 0 : i32
      %dma_start3A_138 = tpu.memref_slice %arg14[%dma_start3A_137] : memref<1000000xi32, #tpu.memory_space<hbm>> -> memref<1000000xi32, #tpu.memory_space<hbm>>
      tpu.enqueue_indirect_dma source(%dma_start3A_138 : memref<1000000xi32, #tpu.memory_space<hbm>>) target(%dma_start3A_134 : memref<128xi32, #tpu.memory_space<vmem>>) offsets(%dma_start3A_136 : memref<128xi32, #tpu.memory_space<vmem>>) semaphore(%arg26 : memref<!tpu.dma_semaphore, #tpu.memory_space<semaphore_mem>>)
      %dma_start3A_139 = arith.constant 7 : i32
      %dma_start3A_140 = arith.constant 0 : i32
      %dma_start3A_141 = tpu.memref_slice %arg22[%dma_start3A_139, %dma_start3A_140] : memref<8x512xi32, #tpu.memory_space<vmem>> -> memref<1x128xi32, #tpu.memory_space<vmem>>
      %dma_start3A_142 = tpu.memref_squeeze %dma_start3A_141 : memref<1x128xi32, #tpu.memory_space<vmem>> -> memref<128xi32, #tpu.memory_space<vmem>>
      %dma_start3A_143 = arith.constant 0 : i32
      %dma_start3A_144 = tpu.memref_slice %arg19[%dma_start3A_143] : memref<512xi32, #tpu.memory_space<vmem>> -> memref<128xi32, #tpu.memory_space<vmem>>
      %dma_start3A_145 = arith.constant 0 : i32
      %dma_start3A_146 = tpu.memref_slice %arg15[%dma_start3A_145] : memref<1000000xi32, #tpu.memory_space<hbm>> -> memref<1000000xi32, #tpu.memory_space<hbm>>
      tpu.enqueue_indirect_dma source(%dma_start3A_146 : memref<1000000xi32, #tpu.memory_space<hbm>>) target(%dma_start3A_142 : memref<128xi32, #tpu.memory_space<vmem>>) offsets(%dma_start3A_144 : memref<128xi32, #tpu.memory_space<vmem>>) semaphore(%arg26 : memref<!tpu.dma_semaphore, #tpu.memory_space<semaphore_mem>>)
      %dma_start3A_147 = arith.constant 0 : i32
      %dma_start3A_148 = arith.constant 128 : i32
      %dma_start3A_149 = tpu.memref_slice %arg21[%dma_start3A_147, %dma_start3A_148] : memref<4x512xf32, #tpu.memory_space<vmem>> -> memref<1x128xf32, #tpu.memory_space<vmem>>
      %dma_start3A_150 = tpu.memref_squeeze %dma_start3A_149 : memref<1x128xf32, #tpu.memory_space<vmem>> -> memref<128xf32, #tpu.memory_space<vmem>>
      %dma_start3A_151 = arith.constant 128 : i32
      %dma_start3A_152 = tpu.memref_slice %arg19[%dma_start3A_151] : memref<512xi32, #tpu.memory_space<vmem>> -> memref<128xi32, #tpu.memory_space<vmem>>
      %dma_start3A_153 = arith.constant 0 : i32
      %dma_start3A_154 = tpu.memref_slice %arg4[%dma_start3A_153] : memref<1000000xf32, #tpu.memory_space<hbm>> -> memref<1000000xf32, #tpu.memory_space<hbm>>
      tpu.enqueue_indirect_dma source(%dma_start3A_154 : memref<1000000xf32, #tpu.memory_space<hbm>>) target(%dma_start3A_150 : memref<128xf32, #tpu.memory_space<vmem>>) offsets(%dma_start3A_152 : memref<128xi32, #tpu.memory_space<vmem>>) semaphore(%arg27 : memref<!tpu.dma_semaphore, #tpu.memory_space<semaphore_mem>>)
      %dma_start3A_155 = arith.constant 1 : i32
      %dma_start3A_156 = arith.constant 128 : i32
      %dma_start3A_157 = tpu.memref_slice %arg21[%dma_start3A_155, %dma_start3A_156] : memref<4x512xf32, #tpu.memory_space<vmem>> -> memref<1x128xf32, #tpu.memory_space<vmem>>
      %dma_start3A_158 = tpu.memref_squeeze %dma_start3A_157 : memref<1x128xf32, #tpu.memory_space<vmem>> -> memref<128xf32, #tpu.memory_space<vmem>>
      %dma_start3A_159 = arith.constant 128 : i32
      %dma_start3A_160 = tpu.memref_slice %arg19[%dma_start3A_159] : memref<512xi32, #tpu.memory_space<vmem>> -> memref<128xi32, #tpu.memory_space<vmem>>
      %dma_start3A_161 = arith.constant 0 : i32
      %dma_start3A_162 = tpu.memref_slice %arg5[%dma_start3A_161] : memref<1000000xf32, #tpu.memory_space<hbm>> -> memref<1000000xf32, #tpu.memory_space<hbm>>
      tpu.enqueue_indirect_dma source(%dma_start3A_162 : memref<1000000xf32, #tpu.memory_space<hbm>>) target(%dma_start3A_158 : memref<128xf32, #tpu.memory_space<vmem>>) offsets(%dma_start3A_160 : memref<128xi32, #tpu.memory_space<vmem>>) semaphore(%arg27 : memref<!tpu.dma_semaphore, #tpu.memory_space<semaphore_mem>>)
      %dma_start3A_163 = arith.constant 2 : i32
      %dma_start3A_164 = arith.constant 128 : i32
      %dma_start3A_165 = tpu.memref_slice %arg21[%dma_start3A_163, %dma_start3A_164] : memref<4x512xf32, #tpu.memory_space<vmem>> -> memref<1x128xf32, #tpu.memory_space<vmem>>
      %dma_start3A_166 = tpu.memref_squeeze %dma_start3A_165 : memref<1x128xf32, #tpu.memory_space<vmem>> -> memref<128xf32, #tpu.memory_space<vmem>>
      %dma_start3A_167 = arith.constant 128 : i32
      %dma_start3A_168 = tpu.memref_slice %arg19[%dma_start3A_167] : memref<512xi32, #tpu.memory_space<vmem>> -> memref<128xi32, #tpu.memory_space<vmem>>
      %dma_start3A_169 = arith.constant 0 : i32
      %dma_start3A_170 = tpu.memref_slice %arg6[%dma_start3A_169] : memref<1000000xf32, #tpu.memory_space<hbm>> -> memref<1000000xf32, #tpu.memory_space<hbm>>
      tpu.enqueue_indirect_dma source(%dma_start3A_170 : memref<1000000xf32, #tpu.memory_space<hbm>>) target(%dma_start3A_166 : memref<128xf32, #tpu.memory_space<vmem>>) offsets(%dma_start3A_168 : memref<128xi32, #tpu.memory_space<vmem>>) semaphore(%arg27 : memref<!tpu.dma_semaphore, #tpu.memory_space<semaphore_mem>>)
      %dma_start3A_171 = arith.constant 3 : i32
      %dma_start3A_172 = arith.constant 128 : i32
      %dma_start3A_173 = tpu.memref_slice %arg21[%dma_start3A_171, %dma_start3A_172] : memref<4x512xf32, #tpu.memory_space<vmem>> -> memref<1x128xf32, #tpu.memory_space<vmem>>
      %dma_start3A_174 = tpu.memref_squeeze %dma_start3A_173 : memref<1x128xf32, #tpu.memory_space<vmem>> -> memref<128xf32, #tpu.memory_space<vmem>>
      %dma_start3A_175 = arith.constant 128 : i32
      %dma_start3A_176 = tpu.memref_slice %arg19[%dma_start3A_175] : memref<512xi32, #tpu.memory_space<vmem>> -> memref<128xi32, #tpu.memory_space<vmem>>
      %dma_start3A_177 = arith.constant 0 : i32
      %dma_start3A_178 = tpu.memref_slice %arg7[%dma_start3A_177] : memref<1000000xf32, #tpu.memory_space<hbm>> -> memref<1000000xf32, #tpu.memory_space<hbm>>
      tpu.enqueue_indirect_dma source(%dma_start3A_178 : memref<1000000xf32, #tpu.memory_space<hbm>>) target(%dma_start3A_174 : memref<128xf32, #tpu.memory_space<vmem>>) offsets(%dma_start3A_176 : memref<128xi32, #tpu.memory_space<vmem>>) semaphore(%arg27 : memref<!tpu.dma_semaphore, #tpu.memory_space<semaphore_mem>>)
      %dma_start3A_179 = arith.constant 0 : i32
      %dma_start3A_180 = arith.constant 128 : i32
      %dma_start3A_181 = tpu.memref_slice %arg22[%dma_start3A_179, %dma_start3A_180] : memref<8x512xi32, #tpu.memory_space<vmem>> -> memref<1x128xi32, #tpu.memory_space<vmem>>
      %dma_start3A_182 = tpu.memref_squeeze %dma_start3A_181 : memref<1x128xi32, #tpu.memory_space<vmem>> -> memref<128xi32, #tpu.memory_space<vmem>>
      %dma_start3A_183 = arith.constant 128 : i32
      %dma_start3A_184 = tpu.memref_slice %arg19[%dma_start3A_183] : memref<512xi32, #tpu.memory_space<vmem>> -> memref<128xi32, #tpu.memory_space<vmem>>
      %dma_start3A_185 = arith.constant 0 : i32
      %dma_start3A_186 = tpu.memref_slice %arg8[%dma_start3A_185] : memref<1000000xi32, #tpu.memory_space<hbm>> -> memref<1000000xi32, #tpu.memory_space<hbm>>
      tpu.enqueue_indirect_dma source(%dma_start3A_186 : memref<1000000xi32, #tpu.memory_space<hbm>>) target(%dma_start3A_182 : memref<128xi32, #tpu.memory_space<vmem>>) offsets(%dma_start3A_184 : memref<128xi32, #tpu.memory_space<vmem>>) semaphore(%arg27 : memref<!tpu.dma_semaphore, #tpu.memory_space<semaphore_mem>>)
      %dma_start3A_187 = arith.constant 1 : i32
      %dma_start3A_188 = arith.constant 128 : i32
      %dma_start3A_189 = tpu.memref_slice %arg22[%dma_start3A_187, %dma_start3A_188] : memref<8x512xi32, #tpu.memory_space<vmem>> -> memref<1x128xi32, #tpu.memory_space<vmem>>
      %dma_start3A_190 = tpu.memref_squeeze %dma_start3A_189 : memref<1x128xi32, #tpu.memory_space<vmem>> -> memref<128xi32, #tpu.memory_space<vmem>>
      %dma_start3A_191 = arith.constant 128 : i32
      %dma_start3A_192 = tpu.memref_slice %arg19[%dma_start3A_191] : memref<512xi32, #tpu.memory_space<vmem>> -> memref<128xi32, #tpu.memory_space<vmem>>
      %dma_start3A_193 = arith.constant 0 : i32
      %dma_start3A_194 = tpu.memref_slice %arg9[%dma_start3A_193] : memref<1000000xi32, #tpu.memory_space<hbm>> -> memref<1000000xi32, #tpu.memory_space<hbm>>
      tpu.enqueue_indirect_dma source(%dma_start3A_194 : memref<1000000xi32, #tpu.memory_space<hbm>>) target(%dma_start3A_190 : memref<128xi32, #tpu.memory_space<vmem>>) offsets(%dma_start3A_192 : memref<128xi32, #tpu.memory_space<vmem>>) semaphore(%arg27 : memref<!tpu.dma_semaphore, #tpu.memory_space<semaphore_mem>>)
      %dma_start3A_195 = arith.constant 2 : i32
      %dma_start3A_196 = arith.constant 128 : i32
      %dma_start3A_197 = tpu.memref_slice %arg22[%dma_start3A_195, %dma_start3A_196] : memref<8x512xi32, #tpu.memory_space<vmem>> -> memref<1x128xi32, #tpu.memory_space<vmem>>
      %dma_start3A_198 = tpu.memref_squeeze %dma_start3A_197 : memref<1x128xi32, #tpu.memory_space<vmem>> -> memref<128xi32, #tpu.memory_space<vmem>>
      %dma_start3A_199 = arith.constant 128 : i32
      %dma_start3A_200 = tpu.memref_slice %arg19[%dma_start3A_199] : memref<512xi32, #tpu.memory_space<vmem>> -> memref<128xi32, #tpu.memory_space<vmem>>
      %dma_start3A_201 = arith.constant 0 : i32
      %dma_start3A_202 = tpu.memref_slice %arg10[%dma_start3A_201] : memref<1000000xi32, #tpu.memory_space<hbm>> -> memref<1000000xi32, #tpu.memory_space<hbm>>
      tpu.enqueue_indirect_dma source(%dma_start3A_202 : memref<1000000xi32, #tpu.memory_space<hbm>>) target(%dma_start3A_198 : memref<128xi32, #tpu.memory_space<vmem>>) offsets(%dma_start3A_200 : memref<128xi32, #tpu.memory_space<vmem>>) semaphore(%arg27 : memref<!tpu.dma_semaphore, #tpu.memory_space<semaphore_mem>>)
      %dma_start3A_203 = arith.constant 3 : i32
      %dma_start3A_204 = arith.constant 128 : i32
      %dma_start3A_205 = tpu.memref_slice %arg22[%dma_start3A_203, %dma_start3A_204] : memref<8x512xi32, #tpu.memory_space<vmem>> -> memref<1x128xi32, #tpu.memory_space<vmem>>
      %dma_start3A_206 = tpu.memref_squeeze %dma_start3A_205 : memref<1x128xi32, #tpu.memory_space<vmem>> -> memref<128xi32, #tpu.memory_space<vmem>>
      %dma_start3A_207 = arith.constant 128 : i32
      %dma_start3A_208 = tpu.memref_slice %arg19[%dma_start3A_207] : memref<512xi32, #tpu.memory_space<vmem>> -> memref<128xi32, #tpu.memory_space<vmem>>
      %dma_start3A_209 = arith.constant 0 : i32
      %dma_start3A_210 = tpu.memref_slice %arg11[%dma_start3A_209] : memref<1000000xi32, #tpu.memory_space<hbm>> -> memref<1000000xi32, #tpu.memory_space<hbm>>
      tpu.enqueue_indirect_dma source(%dma_start3A_210 : memref<1000000xi32, #tpu.memory_space<hbm>>) target(%dma_start3A_206 : memref<128xi32, #tpu.memory_space<vmem>>) offsets(%dma_start3A_208 : memref<128xi32, #tpu.memory_space<vmem>>) semaphore(%arg27 : memref<!tpu.dma_semaphore, #tpu.memory_space<semaphore_mem>>)
      %dma_start3A_211 = arith.constant 4 : i32
      %dma_start3A_212 = arith.constant 128 : i32
      %dma_start3A_213 = tpu.memref_slice %arg22[%dma_start3A_211, %dma_start3A_212] : memref<8x512xi32, #tpu.memory_space<vmem>> -> memref<1x128xi32, #tpu.memory_space<vmem>>
      %dma_start3A_214 = tpu.memref_squeeze %dma_start3A_213 : memref<1x128xi32, #tpu.memory_space<vmem>> -> memref<128xi32, #tpu.memory_space<vmem>>
      %dma_start3A_215 = arith.constant 128 : i32
      %dma_start3A_216 = tpu.memref_slice %arg19[%dma_start3A_215] : memref<512xi32, #tpu.memory_space<vmem>> -> memref<128xi32, #tpu.memory_space<vmem>>
      %dma_start3A_217 = arith.constant 0 : i32
      %dma_start3A_218 = tpu.memref_slice %arg12[%dma_start3A_217] : memref<1000000xi32, #tpu.memory_space<hbm>> -> memref<1000000xi32, #tpu.memory_space<hbm>>
      tpu.enqueue_indirect_dma source(%dma_start3A_218 : memref<1000000xi32, #tpu.memory_space<hbm>>) target(%dma_start3A_214 : memref<128xi32, #tpu.memory_space<vmem>>) offsets(%dma_start3A_216 : memref<128xi32, #tpu.memory_space<vmem>>) semaphore(%arg27 : memref<!tpu.dma_semaphore, #tpu.memory_space<semaphore_mem>>)
      %dma_start3A_219 = arith.constant 5 : i32
      %dma_start3A_220 = arith.constant 128 : i32
      %dma_start3A_221 = tpu.memref_slice %arg22[%dma_start3A_219, %dma_start3A_220] : memref<8x512xi32, #tpu.memory_space<vmem>> -> memref<1x128xi32, #tpu.memory_space<vmem>>
      %dma_start3A_222 = tpu.memref_squeeze %dma_start3A_221 : memref<1x128xi32, #tpu.memory_space<vmem>> -> memref<128xi32, #tpu.memory_space<vmem>>
      %dma_start3A_223 = arith.constant 128 : i32
      %dma_start3A_224 = tpu.memref_slice %arg19[%dma_start3A_223] : memref<512xi32, #tpu.memory_space<vmem>> -> memref<128xi32, #tpu.memory_space<vmem>>
      %dma_start3A_225 = arith.constant 0 : i32
      %dma_start3A_226 = tpu.memref_slice %arg13[%dma_start3A_225] : memref<1000000xi32, #tpu.memory_space<hbm>> -> memref<1000000xi32, #tpu.memory_space<hbm>>
      tpu.enqueue_indirect_dma source(%dma_start3A_226 : memref<1000000xi32, #tpu.memory_space<hbm>>) target(%dma_start3A_222 : memref<128xi32, #tpu.memory_space<vmem>>) offsets(%dma_start3A_224 : memref<128xi32, #tpu.memory_space<vmem>>) semaphore(%arg27 : memref<!tpu.dma_semaphore, #tpu.memory_space<semaphore_mem>>)
      %dma_start3A_227 = arith.constant 6 : i32
      %dma_start3A_228 = arith.constant 128 : i32
      %dma_start3A_229 = tpu.memref_slice %arg22[%dma_start3A_227, %dma_start3A_228] : memref<8x512xi32, #tpu.memory_space<vmem>> -> memref<1x128xi32, #tpu.memory_space<vmem>>
      %dma_start3A_230 = tpu.memref_squeeze %dma_start3A_229 : memref<1x128xi32, #tpu.memory_space<vmem>> -> memref<128xi32, #tpu.memory_space<vmem>>
      %dma_start3A_231 = arith.constant 128 : i32
      %dma_start3A_232 = tpu.memref_slice %arg19[%dma_start3A_231] : memref<512xi32, #tpu.memory_space<vmem>> -> memref<128xi32, #tpu.memory_space<vmem>>
      %dma_start3A_233 = arith.constant 0 : i32
      %dma_start3A_234 = tpu.memref_slice %arg14[%dma_start3A_233] : memref<1000000xi32, #tpu.memory_space<hbm>> -> memref<1000000xi32, #tpu.memory_space<hbm>>
      tpu.enqueue_indirect_dma source(%dma_start3A_234 : memref<1000000xi32, #tpu.memory_space<hbm>>) target(%dma_start3A_230 : memref<128xi32, #tpu.memory_space<vmem>>) offsets(%dma_start3A_232 : memref<128xi32, #tpu.memory_space<vmem>>) semaphore(%arg27 : memref<!tpu.dma_semaphore, #tpu.memory_space<semaphore_mem>>)
      %dma_start3A_235 = arith.constant 7 : i32
      %dma_start3A_236 = arith.constant 128 : i32
      %dma_start3A_237 = tpu.memref_slice %arg22[%dma_start3A_235, %dma_start3A_236] : memref<8x512xi32, #tpu.memory_space<vmem>> -> memref<1x128xi32, #tpu.memory_space<vmem>>
      %dma_start3A_238 = tpu.memref_squeeze %dma_start3A_237 : memref<1x128xi32, #tpu.memory_space<vmem>> -> memref<128xi32, #tpu.memory_space<vmem>>
      %dma_start3A_239 = arith.constant 128 : i32
      %dma_start3A_240 = tpu.memref_slice %arg19[%dma_start3A_239] : memref<512xi32, #tpu.memory_space<vmem>> -> memref<128xi32, #tpu.memory_space<vmem>>
      %dma_start3A_241 = arith.constant 0 : i32
      %dma_start3A_242 = tpu.memref_slice %arg15[%dma_start3A_241] : memref<1000000xi32, #tpu.memory_space<hbm>> -> memref<1000000xi32, #tpu.memory_space<hbm>>
      tpu.enqueue_indirect_dma source(%dma_start3A_242 : memref<1000000xi32, #tpu.memory_space<hbm>>) target(%dma_start3A_238 : memref<128xi32, #tpu.memory_space<vmem>>) offsets(%dma_start3A_240 : memref<128xi32, #tpu.memory_space<vmem>>) semaphore(%arg27 : memref<!tpu.dma_semaphore, #tpu.memory_space<semaphore_mem>>)
      %dma_wait3A_243 = arith.constant 0 : i32
      %dma_wait3A_244 = arith.constant 0 : i32
      %dma_wait3A_245 = tpu.memref_slice %arg21[%dma_wait3A_243, %dma_wait3A_244] : memref<4x512xf32, #tpu.memory_space<vmem>> -> memref<1x128xf32, #tpu.memory_space<vmem>>
      %dma_wait3A_246 = tpu.memref_squeeze %dma_wait3A_245 : memref<1x128xf32, #tpu.memory_space<vmem>> -> memref<128xf32, #tpu.memory_space<vmem>>
      %dma_wait3A_247 = arith.constant 0 : i32
      %dma_wait3A_248 = tpu.memref_slice %arg19[%dma_wait3A_247] : memref<512xi32, #tpu.memory_space<vmem>> -> memref<128xi32, #tpu.memory_space<vmem>>
      %dma_wait3A_249 = arith.constant 0 : i32
      %dma_wait3A_250 = tpu.memref_slice %arg4[%dma_wait3A_249] : memref<1000000xf32, #tpu.memory_space<hbm>> -> memref<1000000xf32, #tpu.memory_space<hbm>>
      tpu.wait_indirect_dma semaphore(%arg26 : memref<!tpu.dma_semaphore, #tpu.memory_space<semaphore_mem>>) src(%dma_wait3A_250 : memref<1000000xf32, #tpu.memory_space<hbm>>) dst(%dma_wait3A_246 : memref<128xf32, #tpu.memory_space<vmem>>)
      %dma_wait3A_251 = arith.constant 1 : i32
      %dma_wait3A_252 = arith.constant 0 : i32
      %dma_wait3A_253 = tpu.memref_slice %arg21[%dma_wait3A_251, %dma_wait3A_252] : memref<4x512xf32, #tpu.memory_space<vmem>> -> memref<1x128xf32, #tpu.memory_space<vmem>>
      %dma_wait3A_254 = tpu.memref_squeeze %dma_wait3A_253 : memref<1x128xf32, #tpu.memory_space<vmem>> -> memref<128xf32, #tpu.memory_space<vmem>>
      %dma_wait3A_255 = arith.constant 0 : i32
      %dma_wait3A_256 = tpu.memref_slice %arg19[%dma_wait3A_255] : memref<512xi32, #tpu.memory_space<vmem>> -> memref<128xi32, #tpu.memory_space<vmem>>
      %dma_wait3A_257 = arith.constant 0 : i32
      %dma_wait3A_258 = tpu.memref_slice %arg5[%dma_wait3A_257] : memref<1000000xf32, #tpu.memory_space<hbm>> -> memref<1000000xf32, #tpu.memory_space<hbm>>
      tpu.wait_indirect_dma semaphore(%arg26 : memref<!tpu.dma_semaphore, #tpu.memory_space<semaphore_mem>>) src(%dma_wait3A_258 : memref<1000000xf32, #tpu.memory_space<hbm>>) dst(%dma_wait3A_254 : memref<128xf32, #tpu.memory_space<vmem>>)
      %dma_wait3A_259 = arith.constant 2 : i32
      %dma_wait3A_260 = arith.constant 0 : i32
      %dma_wait3A_261 = tpu.memref_slice %arg21[%dma_wait3A_259, %dma_wait3A_260] : memref<4x512xf32, #tpu.memory_space<vmem>> -> memref<1x128xf32, #tpu.memory_space<vmem>>
      %dma_wait3A_262 = tpu.memref_squeeze %dma_wait3A_261 : memref<1x128xf32, #tpu.memory_space<vmem>> -> memref<128xf32, #tpu.memory_space<vmem>>
      %dma_wait3A_263 = arith.constant 0 : i32
      %dma_wait3A_264 = tpu.memref_slice %arg19[%dma_wait3A_263] : memref<512xi32, #tpu.memory_space<vmem>> -> memref<128xi32, #tpu.memory_space<vmem>>
      %dma_wait3A_265 = arith.constant 0 : i32
      %dma_wait3A_266 = tpu.memref_slice %arg6[%dma_wait3A_265] : memref<1000000xf32, #tpu.memory_space<hbm>> -> memref<1000000xf32, #tpu.memory_space<hbm>>
      tpu.wait_indirect_dma semaphore(%arg26 : memref<!tpu.dma_semaphore, #tpu.memory_space<semaphore_mem>>) src(%dma_wait3A_266 : memref<1000000xf32, #tpu.memory_space<hbm>>) dst(%dma_wait3A_262 : memref<128xf32, #tpu.memory_space<vmem>>)
      %dma_wait3A_267 = arith.constant 3 : i32
      %dma_wait3A_268 = arith.constant 0 : i32
      %dma_wait3A_269 = tpu.memref_slice %arg21[%dma_wait3A_267, %dma_wait3A_268] : memref<4x512xf32, #tpu.memory_space<vmem>> -> memref<1x128xf32, #tpu.memory_space<vmem>>
      %dma_wait3A_270 = tpu.memref_squeeze %dma_wait3A_269 : memref<1x128xf32, #tpu.memory_space<vmem>> -> memref<128xf32, #tpu.memory_space<vmem>>
      %dma_wait3A_271 = arith.constant 0 : i32
      %dma_wait3A_272 = tpu.memref_slice %arg19[%dma_wait3A_271] : memref<512xi32, #tpu.memory_space<vmem>> -> memref<128xi32, #tpu.memory_space<vmem>>
      %dma_wait3A_273 = arith.constant 0 : i32
      %dma_wait3A_274 = tpu.memref_slice %arg7[%dma_wait3A_273] : memref<1000000xf32, #tpu.memory_space<hbm>> -> memref<1000000xf32, #tpu.memory_space<hbm>>
      tpu.wait_indirect_dma semaphore(%arg26 : memref<!tpu.dma_semaphore, #tpu.memory_space<semaphore_mem>>) src(%dma_wait3A_274 : memref<1000000xf32, #tpu.memory_space<hbm>>) dst(%dma_wait3A_270 : memref<128xf32, #tpu.memory_space<vmem>>)
      %dma_wait3A_275 = arith.constant 0 : i32
      %dma_wait3A_276 = arith.constant 0 : i32
      %dma_wait3A_277 = tpu.memref_slice %arg22[%dma_wait3A_275, %dma_wait3A_276] : memref<8x512xi32, #tpu.memory_space<vmem>> -> memref<1x128xi32, #tpu.memory_space<vmem>>
      %dma_wait3A_278 = tpu.memref_squeeze %dma_wait3A_277 : memref<1x128xi32, #tpu.memory_space<vmem>> -> memref<128xi32, #tpu.memory_space<vmem>>
      %dma_wait3A_279 = arith.constant 0 : i32
      %dma_wait3A_280 = tpu.memref_slice %arg19[%dma_wait3A_279] : memref<512xi32, #tpu.memory_space<vmem>> -> memref<128xi32, #tpu.memory_space<vmem>>
      %dma_wait3A_281 = arith.constant 0 : i32
      %dma_wait3A_282 = tpu.memref_slice %arg8[%dma_wait3A_281] : memref<1000000xi32, #tpu.memory_space<hbm>> -> memref<1000000xi32, #tpu.memory_space<hbm>>
      tpu.wait_indirect_dma semaphore(%arg26 : memref<!tpu.dma_semaphore, #tpu.memory_space<semaphore_mem>>) src(%dma_wait3A_282 : memref<1000000xi32, #tpu.memory_space<hbm>>) dst(%dma_wait3A_278 : memref<128xi32, #tpu.memory_space<vmem>>)
      %dma_wait3A_283 = arith.constant 1 : i32
      %dma_wait3A_284 = arith.constant 0 : i32
      %dma_wait3A_285 = tpu.memref_slice %arg22[%dma_wait3A_283, %dma_wait3A_284] : memref<8x512xi32, #tpu.memory_space<vmem>> -> memref<1x128xi32, #tpu.memory_space<vmem>>
      %dma_wait3A_286 = tpu.memref_squeeze %dma_wait3A_285 : memref<1x128xi32, #tpu.memory_space<vmem>> -> memref<128xi32, #tpu.memory_space<vmem>>
      %dma_wait3A_287 = arith.constant 0 : i32
      %dma_wait3A_288 = tpu.memref_slice %arg19[%dma_wait3A_287] : memref<512xi32, #tpu.memory_space<vmem>> -> memref<128xi32, #tpu.memory_space<vmem>>
      %dma_wait3A_289 = arith.constant 0 : i32
      %dma_wait3A_290 = tpu.memref_slice %arg9[%dma_wait3A_289] : memref<1000000xi32, #tpu.memory_space<hbm>> -> memref<1000000xi32, #tpu.memory_space<hbm>>
      tpu.wait_indirect_dma semaphore(%arg26 : memref<!tpu.dma_semaphore, #tpu.memory_space<semaphore_mem>>) src(%dma_wait3A_290 : memref<1000000xi32, #tpu.memory_space<hbm>>) dst(%dma_wait3A_286 : memref<128xi32, #tpu.memory_space<vmem>>)
      %dma_wait3A_291 = arith.constant 2 : i32
      %dma_wait3A_292 = arith.constant 0 : i32
      %dma_wait3A_293 = tpu.memref_slice %arg22[%dma_wait3A_291, %dma_wait3A_292] : memref<8x512xi32, #tpu.memory_space<vmem>> -> memref<1x128xi32, #tpu.memory_space<vmem>>
      %dma_wait3A_294 = tpu.memref_squeeze %dma_wait3A_293 : memref<1x128xi32, #tpu.memory_space<vmem>> -> memref<128xi32, #tpu.memory_space<vmem>>
      %dma_wait3A_295 = arith.constant 0 : i32
      %dma_wait3A_296 = tpu.memref_slice %arg19[%dma_wait3A_295] : memref<512xi32, #tpu.memory_space<vmem>> -> memref<128xi32, #tpu.memory_space<vmem>>
      %dma_wait3A_297 = arith.constant 0 : i32
      %dma_wait3A_298 = tpu.memref_slice %arg10[%dma_wait3A_297] : memref<1000000xi32, #tpu.memory_space<hbm>> -> memref<1000000xi32, #tpu.memory_space<hbm>>
      tpu.wait_indirect_dma semaphore(%arg26 : memref<!tpu.dma_semaphore, #tpu.memory_space<semaphore_mem>>) src(%dma_wait3A_298 : memref<1000000xi32, #tpu.memory_space<hbm>>) dst(%dma_wait3A_294 : memref<128xi32, #tpu.memory_space<vmem>>)
      %dma_wait3A_299 = arith.constant 3 : i32
      %dma_wait3A_300 = arith.constant 0 : i32
      %dma_wait3A_301 = tpu.memref_slice %arg22[%dma_wait3A_299, %dma_wait3A_300] : memref<8x512xi32, #tpu.memory_space<vmem>> -> memref<1x128xi32, #tpu.memory_space<vmem>>
      %dma_wait3A_302 = tpu.memref_squeeze %dma_wait3A_301 : memref<1x128xi32, #tpu.memory_space<vmem>> -> memref<128xi32, #tpu.memory_space<vmem>>
      %dma_wait3A_303 = arith.constant 0 : i32
      %dma_wait3A_304 = tpu.memref_slice %arg19[%dma_wait3A_303] : memref<512xi32, #tpu.memory_space<vmem>> -> memref<128xi32, #tpu.memory_space<vmem>>
      %dma_wait3A_305 = arith.constant 0 : i32
      %dma_wait3A_306 = tpu.memref_slice %arg11[%dma_wait3A_305] : memref<1000000xi32, #tpu.memory_space<hbm>> -> memref<1000000xi32, #tpu.memory_space<hbm>>
      tpu.wait_indirect_dma semaphore(%arg26 : memref<!tpu.dma_semaphore, #tpu.memory_space<semaphore_mem>>) src(%dma_wait3A_306 : memref<1000000xi32, #tpu.memory_space<hbm>>) dst(%dma_wait3A_302 : memref<128xi32, #tpu.memory_space<vmem>>)
      %dma_wait3A_307 = arith.constant 4 : i32
      %dma_wait3A_308 = arith.constant 0 : i32
      %dma_wait3A_309 = tpu.memref_slice %arg22[%dma_wait3A_307, %dma_wait3A_308] : memref<8x512xi32, #tpu.memory_space<vmem>> -> memref<1x128xi32, #tpu.memory_space<vmem>>
      %dma_wait3A_310 = tpu.memref_squeeze %dma_wait3A_309 : memref<1x128xi32, #tpu.memory_space<vmem>> -> memref<128xi32, #tpu.memory_space<vmem>>
      %dma_wait3A_311 = arith.constant 0 : i32
      %dma_wait3A_312 = tpu.memref_slice %arg19[%dma_wait3A_311] : memref<512xi32, #tpu.memory_space<vmem>> -> memref<128xi32, #tpu.memory_space<vmem>>
      %dma_wait3A_313 = arith.constant 0 : i32
      %dma_wait3A_314 = tpu.memref_slice %arg12[%dma_wait3A_313] : memref<1000000xi32, #tpu.memory_space<hbm>> -> memref<1000000xi32, #tpu.memory_space<hbm>>
      tpu.wait_indirect_dma semaphore(%arg26 : memref<!tpu.dma_semaphore, #tpu.memory_space<semaphore_mem>>) src(%dma_wait3A_314 : memref<1000000xi32, #tpu.memory_space<hbm>>) dst(%dma_wait3A_310 : memref<128xi32, #tpu.memory_space<vmem>>)
      %dma_wait3A_315 = arith.constant 5 : i32
      %dma_wait3A_316 = arith.constant 0 : i32
      %dma_wait3A_317 = tpu.memref_slice %arg22[%dma_wait3A_315, %dma_wait3A_316] : memref<8x512xi32, #tpu.memory_space<vmem>> -> memref<1x128xi32, #tpu.memory_space<vmem>>
      %dma_wait3A_318 = tpu.memref_squeeze %dma_wait3A_317 : memref<1x128xi32, #tpu.memory_space<vmem>> -> memref<128xi32, #tpu.memory_space<vmem>>
      %dma_wait3A_319 = arith.constant 0 : i32
      %dma_wait3A_320 = tpu.memref_slice %arg19[%dma_wait3A_319] : memref<512xi32, #tpu.memory_space<vmem>> -> memref<128xi32, #tpu.memory_space<vmem>>
      %dma_wait3A_321 = arith.constant 0 : i32
      %dma_wait3A_322 = tpu.memref_slice %arg13[%dma_wait3A_321] : memref<1000000xi32, #tpu.memory_space<hbm>> -> memref<1000000xi32, #tpu.memory_space<hbm>>
      tpu.wait_indirect_dma semaphore(%arg26 : memref<!tpu.dma_semaphore, #tpu.memory_space<semaphore_mem>>) src(%dma_wait3A_322 : memref<1000000xi32, #tpu.memory_space<hbm>>) dst(%dma_wait3A_318 : memref<128xi32, #tpu.memory_space<vmem>>)
      %dma_wait3A_323 = arith.constant 6 : i32
      %dma_wait3A_324 = arith.constant 0 : i32
      %dma_wait3A_325 = tpu.memref_slice %arg22[%dma_wait3A_323, %dma_wait3A_324] : memref<8x512xi32, #tpu.memory_space<vmem>> -> memref<1x128xi32, #tpu.memory_space<vmem>>
      %dma_wait3A_326 = tpu.memref_squeeze %dma_wait3A_325 : memref<1x128xi32, #tpu.memory_space<vmem>> -> memref<128xi32, #tpu.memory_space<vmem>>
      %dma_wait3A_327 = arith.constant 0 : i32
      %dma_wait3A_328 = tpu.memref_slice %arg19[%dma_wait3A_327] : memref<512xi32, #tpu.memory_space<vmem>> -> memref<128xi32, #tpu.memory_space<vmem>>
      %dma_wait3A_329 = arith.constant 0 : i32
      %dma_wait3A_330 = tpu.memref_slice %arg14[%dma_wait3A_329] : memref<1000000xi32, #tpu.memory_space<hbm>> -> memref<1000000xi32, #tpu.memory_space<hbm>>
      tpu.wait_indirect_dma semaphore(%arg26 : memref<!tpu.dma_semaphore, #tpu.memory_space<semaphore_mem>>) src(%dma_wait3A_330 : memref<1000000xi32, #tpu.memory_space<hbm>>) dst(%dma_wait3A_326 : memref<128xi32, #tpu.memory_space<vmem>>)
      %dma_wait3A_331 = arith.constant 7 : i32
      %dma_wait3A_332 = arith.constant 0 : i32
      %dma_wait3A_333 = tpu.memref_slice %arg22[%dma_wait3A_331, %dma_wait3A_332] : memref<8x512xi32, #tpu.memory_space<vmem>> -> memref<1x128xi32, #tpu.memory_space<vmem>>
      %dma_wait3A_334 = tpu.memref_squeeze %dma_wait3A_333 : memref<1x128xi32, #tpu.memory_space<vmem>> -> memref<128xi32, #tpu.memory_space<vmem>>
      %dma_wait3A_335 = arith.constant 0 : i32
      %dma_wait3A_336 = tpu.memref_slice %arg19[%dma_wait3A_335] : memref<512xi32, #tpu.memory_space<vmem>> -> memref<128xi32, #tpu.memory_space<vmem>>
      %dma_wait3A_337 = arith.constant 0 : i32
      %dma_wait3A_338 = tpu.memref_slice %arg15[%dma_wait3A_337] : memref<1000000xi32, #tpu.memory_space<hbm>> -> memref<1000000xi32, #tpu.memory_space<hbm>>
      tpu.wait_indirect_dma semaphore(%arg26 : memref<!tpu.dma_semaphore, #tpu.memory_space<semaphore_mem>>) src(%dma_wait3A_338 : memref<1000000xi32, #tpu.memory_space<hbm>>) dst(%dma_wait3A_334 : memref<128xi32, #tpu.memory_space<vmem>>)
      %dma_start3A_339 = arith.constant 0 : i32
      %dma_start3A_340 = arith.constant 256 : i32
      %dma_start3A_341 = tpu.memref_slice %arg21[%dma_start3A_339, %dma_start3A_340] : memref<4x512xf32, #tpu.memory_space<vmem>> -> memref<1x128xf32, #tpu.memory_space<vmem>>
      %dma_start3A_342 = tpu.memref_squeeze %dma_start3A_341 : memref<1x128xf32, #tpu.memory_space<vmem>> -> memref<128xf32, #tpu.memory_space<vmem>>
      %dma_start3A_343 = arith.constant 256 : i32
      %dma_start3A_344 = tpu.memref_slice %arg19[%dma_start3A_343] : memref<512xi32, #tpu.memory_space<vmem>> -> memref<128xi32, #tpu.memory_space<vmem>>
      %dma_start3A_345 = arith.constant 0 : i32
      %dma_start3A_346 = tpu.memref_slice %arg4[%dma_start3A_345] : memref<1000000xf32, #tpu.memory_space<hbm>> -> memref<1000000xf32, #tpu.memory_space<hbm>>
      tpu.enqueue_indirect_dma source(%dma_start3A_346 : memref<1000000xf32, #tpu.memory_space<hbm>>) target(%dma_start3A_342 : memref<128xf32, #tpu.memory_space<vmem>>) offsets(%dma_start3A_344 : memref<128xi32, #tpu.memory_space<vmem>>) semaphore(%arg26 : memref<!tpu.dma_semaphore, #tpu.memory_space<semaphore_mem>>)
      %dma_start3A_347 = arith.constant 1 : i32
      %dma_start3A_348 = arith.constant 256 : i32
      %dma_start3A_349 = tpu.memref_slice %arg21[%dma_start3A_347, %dma_start3A_348] : memref<4x512xf32, #tpu.memory_space<vmem>> -> memref<1x128xf32, #tpu.memory_space<vmem>>
      %dma_start3A_350 = tpu.memref_squeeze %dma_start3A_349 : memref<1x128xf32, #tpu.memory_space<vmem>> -> memref<128xf32, #tpu.memory_space<vmem>>
      %dma_start3A_351 = arith.constant 256 : i32
      %dma_start3A_352 = tpu.memref_slice %arg19[%dma_start3A_351] : memref<512xi32, #tpu.memory_space<vmem>> -> memref<128xi32, #tpu.memory_space<vmem>>
      %dma_start3A_353 = arith.constant 0 : i32
      %dma_start3A_354 = tpu.memref_slice %arg5[%dma_start3A_353] : memref<1000000xf32, #tpu.memory_space<hbm>> -> memref<1000000xf32, #tpu.memory_space<hbm>>
      tpu.enqueue_indirect_dma source(%dma_start3A_354 : memref<1000000xf32, #tpu.memory_space<hbm>>) target(%dma_start3A_350 : memref<128xf32, #tpu.memory_space<vmem>>) offsets(%dma_start3A_352 : memref<128xi32, #tpu.memory_space<vmem>>) semaphore(%arg26 : memref<!tpu.dma_semaphore, #tpu.memory_space<semaphore_mem>>)
      %dma_start3A_355 = arith.constant 2 : i32
      %dma_start3A_356 = arith.constant 256 : i32
      %dma_start3A_357 = tpu.memref_slice %arg21[%dma_start3A_355, %dma_start3A_356] : memref<4x512xf32, #tpu.memory_space<vmem>> -> memref<1x128xf32, #tpu.memory_space<vmem>>
      %dma_start3A_358 = tpu.memref_squeeze %dma_start3A_357 : memref<1x128xf32, #tpu.memory_space<vmem>> -> memref<128xf32, #tpu.memory_space<vmem>>
      %dma_start3A_359 = arith.constant 256 : i32
      %dma_start3A_360 = tpu.memref_slice %arg19[%dma_start3A_359] : memref<512xi32, #tpu.memory_space<vmem>> -> memref<128xi32, #tpu.memory_space<vmem>>
      %dma_start3A_361 = arith.constant 0 : i32
      %dma_start3A_362 = tpu.memref_slice %arg6[%dma_start3A_361] : memref<1000000xf32, #tpu.memory_space<hbm>> -> memref<1000000xf32, #tpu.memory_space<hbm>>
      tpu.enqueue_indirect_dma source(%dma_start3A_362 : memref<1000000xf32, #tpu.memory_space<hbm>>) target(%dma_start3A_358 : memref<128xf32, #tpu.memory_space<vmem>>) offsets(%dma_start3A_360 : memref<128xi32, #tpu.memory_space<vmem>>) semaphore(%arg26 : memref<!tpu.dma_semaphore, #tpu.memory_space<semaphore_mem>>)
      %dma_start3A_363 = arith.constant 3 : i32
      %dma_start3A_364 = arith.constant 256 : i32
      %dma_start3A_365 = tpu.memref_slice %arg21[%dma_start3A_363, %dma_start3A_364] : memref<4x512xf32, #tpu.memory_space<vmem>> -> memref<1x128xf32, #tpu.memory_space<vmem>>
      %dma_start3A_366 = tpu.memref_squeeze %dma_start3A_365 : memref<1x128xf32, #tpu.memory_space<vmem>> -> memref<128xf32, #tpu.memory_space<vmem>>
      %dma_start3A_367 = arith.constant 256 : i32
      %dma_start3A_368 = tpu.memref_slice %arg19[%dma_start3A_367] : memref<512xi32, #tpu.memory_space<vmem>> -> memref<128xi32, #tpu.memory_space<vmem>>
      %dma_start3A_369 = arith.constant 0 : i32
      %dma_start3A_370 = tpu.memref_slice %arg7[%dma_start3A_369] : memref<1000000xf32, #tpu.memory_space<hbm>> -> memref<1000000xf32, #tpu.memory_space<hbm>>
      tpu.enqueue_indirect_dma source(%dma_start3A_370 : memref<1000000xf32, #tpu.memory_space<hbm>>) target(%dma_start3A_366 : memref<128xf32, #tpu.memory_space<vmem>>) offsets(%dma_start3A_368 : memref<128xi32, #tpu.memory_space<vmem>>) semaphore(%arg26 : memref<!tpu.dma_semaphore, #tpu.memory_space<semaphore_mem>>)
      %dma_start3A_371 = arith.constant 0 : i32
      %dma_start3A_372 = arith.constant 256 : i32
      %dma_start3A_373 = tpu.memref_slice %arg22[%dma_start3A_371, %dma_start3A_372] : memref<8x512xi32, #tpu.memory_space<vmem>> -> memref<1x128xi32, #tpu.memory_space<vmem>>
      %dma_start3A_374 = tpu.memref_squeeze %dma_start3A_373 : memref<1x128xi32, #tpu.memory_space<vmem>> -> memref<128xi32, #tpu.memory_space<vmem>>
      %dma_start3A_375 = arith.constant 256 : i32
      %dma_start3A_376 = tpu.memref_slice %arg19[%dma_start3A_375] : memref<512xi32, #tpu.memory_space<vmem>> -> memref<128xi32, #tpu.memory_space<vmem>>
      %dma_start3A_377 = arith.constant 0 : i32
      %dma_start3A_378 = tpu.memref_slice %arg8[%dma_start3A_377] : memref<1000000xi32, #tpu.memory_space<hbm>> -> memref<1000000xi32, #tpu.memory_space<hbm>>
      tpu.enqueue_indirect_dma source(%dma_start3A_378 : memref<1000000xi32, #tpu.memory_space<hbm>>) target(%dma_start3A_374 : memref<128xi32, #tpu.memory_space<vmem>>) offsets(%dma_start3A_376 : memref<128xi32, #tpu.memory_space<vmem>>) semaphore(%arg26 : memref<!tpu.dma_semaphore, #tpu.memory_space<semaphore_mem>>)
      %dma_start3A_379 = arith.constant 1 : i32
      %dma_start3A_380 = arith.constant 256 : i32
      %dma_start3A_381 = tpu.memref_slice %arg22[%dma_start3A_379, %dma_start3A_380] : memref<8x512xi32, #tpu.memory_space<vmem>> -> memref<1x128xi32, #tpu.memory_space<vmem>>
      %dma_start3A_382 = tpu.memref_squeeze %dma_start3A_381 : memref<1x128xi32, #tpu.memory_space<vmem>> -> memref<128xi32, #tpu.memory_space<vmem>>
      %dma_start3A_383 = arith.constant 256 : i32
      %dma_start3A_384 = tpu.memref_slice %arg19[%dma_start3A_383] : memref<512xi32, #tpu.memory_space<vmem>> -> memref<128xi32, #tpu.memory_space<vmem>>
      %dma_start3A_385 = arith.constant 0 : i32
      %dma_start3A_386 = tpu.memref_slice %arg9[%dma_start3A_385] : memref<1000000xi32, #tpu.memory_space<hbm>> -> memref<1000000xi32, #tpu.memory_space<hbm>>
      tpu.enqueue_indirect_dma source(%dma_start3A_386 : memref<1000000xi32, #tpu.memory_space<hbm>>) target(%dma_start3A_382 : memref<128xi32, #tpu.memory_space<vmem>>) offsets(%dma_start3A_384 : memref<128xi32, #tpu.memory_space<vmem>>) semaphore(%arg26 : memref<!tpu.dma_semaphore, #tpu.memory_space<semaphore_mem>>)
      %dma_start3A_387 = arith.constant 2 : i32
      %dma_start3A_388 = arith.constant 256 : i32
      %dma_start3A_389 = tpu.memref_slice %arg22[%dma_start3A_387, %dma_start3A_388] : memref<8x512xi32, #tpu.memory_space<vmem>> -> memref<1x128xi32, #tpu.memory_space<vmem>>
      %dma_start3A_390 = tpu.memref_squeeze %dma_start3A_389 : memref<1x128xi32, #tpu.memory_space<vmem>> -> memref<128xi32, #tpu.memory_space<vmem>>
      %dma_start3A_391 = arith.constant 256 : i32
      %dma_start3A_392 = tpu.memref_slice %arg19[%dma_start3A_391] : memref<512xi32, #tpu.memory_space<vmem>> -> memref<128xi32, #tpu.memory_space<vmem>>
      %dma_start3A_393 = arith.constant 0 : i32
      %dma_start3A_394 = tpu.memref_slice %arg10[%dma_start3A_393] : memref<1000000xi32, #tpu.memory_space<hbm>> -> memref<1000000xi32, #tpu.memory_space<hbm>>
      tpu.enqueue_indirect_dma source(%dma_start3A_394 : memref<1000000xi32, #tpu.memory_space<hbm>>) target(%dma_start3A_390 : memref<128xi32, #tpu.memory_space<vmem>>) offsets(%dma_start3A_392 : memref<128xi32, #tpu.memory_space<vmem>>) semaphore(%arg26 : memref<!tpu.dma_semaphore, #tpu.memory_space<semaphore_mem>>)
      %dma_start3A_395 = arith.constant 3 : i32
      %dma_start3A_396 = arith.constant 256 : i32
      %dma_start3A_397 = tpu.memref_slice %arg22[%dma_start3A_395, %dma_start3A_396] : memref<8x512xi32, #tpu.memory_space<vmem>> -> memref<1x128xi32, #tpu.memory_space<vmem>>
      %dma_start3A_398 = tpu.memref_squeeze %dma_start3A_397 : memref<1x128xi32, #tpu.memory_space<vmem>> -> memref<128xi32, #tpu.memory_space<vmem>>
      %dma_start3A_399 = arith.constant 256 : i32
      %dma_start3A_400 = tpu.memref_slice %arg19[%dma_start3A_399] : memref<512xi32, #tpu.memory_space<vmem>> -> memref<128xi32, #tpu.memory_space<vmem>>
      %dma_start3A_401 = arith.constant 0 : i32
      %dma_start3A_402 = tpu.memref_slice %arg11[%dma_start3A_401] : memref<1000000xi32, #tpu.memory_space<hbm>> -> memref<1000000xi32, #tpu.memory_space<hbm>>
      tpu.enqueue_indirect_dma source(%dma_start3A_402 : memref<1000000xi32, #tpu.memory_space<hbm>>) target(%dma_start3A_398 : memref<128xi32, #tpu.memory_space<vmem>>) offsets(%dma_start3A_400 : memref<128xi32, #tpu.memory_space<vmem>>) semaphore(%arg26 : memref<!tpu.dma_semaphore, #tpu.memory_space<semaphore_mem>>)
      %dma_start3A_403 = arith.constant 4 : i32
      %dma_start3A_404 = arith.constant 256 : i32
      %dma_start3A_405 = tpu.memref_slice %arg22[%dma_start3A_403, %dma_start3A_404] : memref<8x512xi32, #tpu.memory_space<vmem>> -> memref<1x128xi32, #tpu.memory_space<vmem>>
      %dma_start3A_406 = tpu.memref_squeeze %dma_start3A_405 : memref<1x128xi32, #tpu.memory_space<vmem>> -> memref<128xi32, #tpu.memory_space<vmem>>
      %dma_start3A_407 = arith.constant 256 : i32
      %dma_start3A_408 = tpu.memref_slice %arg19[%dma_start3A_407] : memref<512xi32, #tpu.memory_space<vmem>> -> memref<128xi32, #tpu.memory_space<vmem>>
      %dma_start3A_409 = arith.constant 0 : i32
      %dma_start3A_410 = tpu.memref_slice %arg12[%dma_start3A_409] : memref<1000000xi32, #tpu.memory_space<hbm>> -> memref<1000000xi32, #tpu.memory_space<hbm>>
      tpu.enqueue_indirect_dma source(%dma_start3A_410 : memref<1000000xi32, #tpu.memory_space<hbm>>) target(%dma_start3A_406 : memref<128xi32, #tpu.memory_space<vmem>>) offsets(%dma_start3A_408 : memref<128xi32, #tpu.memory_space<vmem>>) semaphore(%arg26 : memref<!tpu.dma_semaphore, #tpu.memory_space<semaphore_mem>>)
      %dma_start3A_411 = arith.constant 5 : i32
      %dma_start3A_412 = arith.constant 256 : i32
      %dma_start3A_413 = tpu.memref_slice %arg22[%dma_start3A_411, %dma_start3A_412] : memref<8x512xi32, #tpu.memory_space<vmem>> -> memref<1x128xi32, #tpu.memory_space<vmem>>
      %dma_start3A_414 = tpu.memref_squeeze %dma_start3A_413 : memref<1x128xi32, #tpu.memory_space<vmem>> -> memref<128xi32, #tpu.memory_space<vmem>>
      %dma_start3A_415 = arith.constant 256 : i32
      %dma_start3A_416 = tpu.memref_slice %arg19[%dma_start3A_415] : memref<512xi32, #tpu.memory_space<vmem>> -> memref<128xi32, #tpu.memory_space<vmem>>
      %dma_start3A_417 = arith.constant 0 : i32
      %dma_start3A_418 = tpu.memref_slice %arg13[%dma_start3A_417] : memref<1000000xi32, #tpu.memory_space<hbm>> -> memref<1000000xi32, #tpu.memory_space<hbm>>
      tpu.enqueue_indirect_dma source(%dma_start3A_418 : memref<1000000xi32, #tpu.memory_space<hbm>>) target(%dma_start3A_414 : memref<128xi32, #tpu.memory_space<vmem>>) offsets(%dma_start3A_416 : memref<128xi32, #tpu.memory_space<vmem>>) semaphore(%arg26 : memref<!tpu.dma_semaphore, #tpu.memory_space<semaphore_mem>>)
      %dma_start3A_419 = arith.constant 6 : i32
      %dma_start3A_420 = arith.constant 256 : i32
      %dma_start3A_421 = tpu.memref_slice %arg22[%dma_start3A_419, %dma_start3A_420] : memref<8x512xi32, #tpu.memory_space<vmem>> -> memref<1x128xi32, #tpu.memory_space<vmem>>
      %dma_start3A_422 = tpu.memref_squeeze %dma_start3A_421 : memref<1x128xi32, #tpu.memory_space<vmem>> -> memref<128xi32, #tpu.memory_space<vmem>>
      %dma_start3A_423 = arith.constant 256 : i32
      %dma_start3A_424 = tpu.memref_slice %arg19[%dma_start3A_423] : memref<512xi32, #tpu.memory_space<vmem>> -> memref<128xi32, #tpu.memory_space<vmem>>
      %dma_start3A_425 = arith.constant 0 : i32
      %dma_start3A_426 = tpu.memref_slice %arg14[%dma_start3A_425] : memref<1000000xi32, #tpu.memory_space<hbm>> -> memref<1000000xi32, #tpu.memory_space<hbm>>
      tpu.enqueue_indirect_dma source(%dma_start3A_426 : memref<1000000xi32, #tpu.memory_space<hbm>>) target(%dma_start3A_422 : memref<128xi32, #tpu.memory_space<vmem>>) offsets(%dma_start3A_424 : memref<128xi32, #tpu.memory_space<vmem>>) semaphore(%arg26 : memref<!tpu.dma_semaphore, #tpu.memory_space<semaphore_mem>>)
      %dma_start3A_427 = arith.constant 7 : i32
      %dma_start3A_428 = arith.constant 256 : i32
      %dma_start3A_429 = tpu.memref_slice %arg22[%dma_start3A_427, %dma_start3A_428] : memref<8x512xi32, #tpu.memory_space<vmem>> -> memref<1x128xi32, #tpu.memory_space<vmem>>
      %dma_start3A_430 = tpu.memref_squeeze %dma_start3A_429 : memref<1x128xi32, #tpu.memory_space<vmem>> -> memref<128xi32, #tpu.memory_space<vmem>>
      %dma_start3A_431 = arith.constant 256 : i32
      %dma_start3A_432 = tpu.memref_slice %arg19[%dma_start3A_431] : memref<512xi32, #tpu.memory_space<vmem>> -> memref<128xi32, #tpu.memory_space<vmem>>
      %dma_start3A_433 = arith.constant 0 : i32
      %dma_start3A_434 = tpu.memref_slice %arg15[%dma_start3A_433] : memref<1000000xi32, #tpu.memory_space<hbm>> -> memref<1000000xi32, #tpu.memory_space<hbm>>
      tpu.enqueue_indirect_dma source(%dma_start3A_434 : memref<1000000xi32, #tpu.memory_space<hbm>>) target(%dma_start3A_430 : memref<128xi32, #tpu.memory_space<vmem>>) offsets(%dma_start3A_432 : memref<128xi32, #tpu.memory_space<vmem>>) semaphore(%arg26 : memref<!tpu.dma_semaphore, #tpu.memory_space<semaphore_mem>>)
      %dma_start3A_435 = arith.constant 0 : i32
      %dma_start3A_436 = arith.constant 384 : i32
      %dma_start3A_437 = tpu.memref_slice %arg21[%dma_start3A_435, %dma_start3A_436] : memref<4x512xf32, #tpu.memory_space<vmem>> -> memref<1x128xf32, #tpu.memory_space<vmem>>
      %dma_start3A_438 = tpu.memref_squeeze %dma_start3A_437 : memref<1x128xf32, #tpu.memory_space<vmem>> -> memref<128xf32, #tpu.memory_space<vmem>>
      %dma_start3A_439 = arith.constant 384 : i32
      %dma_start3A_440 = tpu.memref_slice %arg19[%dma_start3A_439] : memref<512xi32, #tpu.memory_space<vmem>> -> memref<128xi32, #tpu.memory_space<vmem>>
      %dma_start3A_441 = arith.constant 0 : i32
      %dma_start3A_442 = tpu.memref_slice %arg4[%dma_start3A_441] : memref<1000000xf32, #tpu.memory_space<hbm>> -> memref<1000000xf32, #tpu.memory_space<hbm>>
      tpu.enqueue_indirect_dma source(%dma_start3A_442 : memref<1000000xf32, #tpu.memory_space<hbm>>) target(%dma_start3A_438 : memref<128xf32, #tpu.memory_space<vmem>>) offsets(%dma_start3A_440 : memref<128xi32, #tpu.memory_space<vmem>>) semaphore(%arg27 : memref<!tpu.dma_semaphore, #tpu.memory_space<semaphore_mem>>)
      %dma_start3A_443 = arith.constant 1 : i32
      %dma_start3A_444 = arith.constant 384 : i32
      %dma_start3A_445 = tpu.memref_slice %arg21[%dma_start3A_443, %dma_start3A_444] : memref<4x512xf32, #tpu.memory_space<vmem>> -> memref<1x128xf32, #tpu.memory_space<vmem>>
      %dma_start3A_446 = tpu.memref_squeeze %dma_start3A_445 : memref<1x128xf32, #tpu.memory_space<vmem>> -> memref<128xf32, #tpu.memory_space<vmem>>
      %dma_start3A_447 = arith.constant 384 : i32
      %dma_start3A_448 = tpu.memref_slice %arg19[%dma_start3A_447] : memref<512xi32, #tpu.memory_space<vmem>> -> memref<128xi32, #tpu.memory_space<vmem>>
      %dma_start3A_449 = arith.constant 0 : i32
      %dma_start3A_450 = tpu.memref_slice %arg5[%dma_start3A_449] : memref<1000000xf32, #tpu.memory_space<hbm>> -> memref<1000000xf32, #tpu.memory_space<hbm>>
      tpu.enqueue_indirect_dma source(%dma_start3A_450 : memref<1000000xf32, #tpu.memory_space<hbm>>) target(%dma_start3A_446 : memref<128xf32, #tpu.memory_space<vmem>>) offsets(%dma_start3A_448 : memref<128xi32, #tpu.memory_space<vmem>>) semaphore(%arg27 : memref<!tpu.dma_semaphore, #tpu.memory_space<semaphore_mem>>)
      %dma_start3A_451 = arith.constant 2 : i32
      %dma_start3A_452 = arith.constant 384 : i32
      %dma_start3A_453 = tpu.memref_slice %arg21[%dma_start3A_451, %dma_start3A_452] : memref<4x512xf32, #tpu.memory_space<vmem>> -> memref<1x128xf32, #tpu.memory_space<vmem>>
      %dma_start3A_454 = tpu.memref_squeeze %dma_start3A_453 : memref<1x128xf32, #tpu.memory_space<vmem>> -> memref<128xf32, #tpu.memory_space<vmem>>
      %dma_start3A_455 = arith.constant 384 : i32
      %dma_start3A_456 = tpu.memref_slice %arg19[%dma_start3A_455] : memref<512xi32, #tpu.memory_space<vmem>> -> memref<128xi32, #tpu.memory_space<vmem>>
      %dma_start3A_457 = arith.constant 0 : i32
      %dma_start3A_458 = tpu.memref_slice %arg6[%dma_start3A_457] : memref<1000000xf32, #tpu.memory_space<hbm>> -> memref<1000000xf32, #tpu.memory_space<hbm>>
      tpu.enqueue_indirect_dma source(%dma_start3A_458 : memref<1000000xf32, #tpu.memory_space<hbm>>) target(%dma_start3A_454 : memref<128xf32, #tpu.memory_space<vmem>>) offsets(%dma_start3A_456 : memref<128xi32, #tpu.memory_space<vmem>>) semaphore(%arg27 : memref<!tpu.dma_semaphore, #tpu.memory_space<semaphore_mem>>)
      %dma_start3A_459 = arith.constant 3 : i32
      %dma_start3A_460 = arith.constant 384 : i32
      %dma_start3A_461 = tpu.memref_slice %arg21[%dma_start3A_459, %dma_start3A_460] : memref<4x512xf32, #tpu.memory_space<vmem>> -> memref<1x128xf32, #tpu.memory_space<vmem>>
      %dma_start3A_462 = tpu.memref_squeeze %dma_start3A_461 : memref<1x128xf32, #tpu.memory_space<vmem>> -> memref<128xf32, #tpu.memory_space<vmem>>
      %dma_start3A_463 = arith.constant 384 : i32
      %dma_start3A_464 = tpu.memref_slice %arg19[%dma_start3A_463] : memref<512xi32, #tpu.memory_space<vmem>> -> memref<128xi32, #tpu.memory_space<vmem>>
      %dma_start3A_465 = arith.constant 0 : i32
      %dma_start3A_466 = tpu.memref_slice %arg7[%dma_start3A_465] : memref<1000000xf32, #tpu.memory_space<hbm>> -> memref<1000000xf32, #tpu.memory_space<hbm>>
      tpu.enqueue_indirect_dma source(%dma_start3A_466 : memref<1000000xf32, #tpu.memory_space<hbm>>) target(%dma_start3A_462 : memref<128xf32, #tpu.memory_space<vmem>>) offsets(%dma_start3A_464 : memref<128xi32, #tpu.memory_space<vmem>>) semaphore(%arg27 : memref<!tpu.dma_semaphore, #tpu.memory_space<semaphore_mem>>)
      %dma_start3A_467 = arith.constant 0 : i32
      %dma_start3A_468 = arith.constant 384 : i32
      %dma_start3A_469 = tpu.memref_slice %arg22[%dma_start3A_467, %dma_start3A_468] : memref<8x512xi32, #tpu.memory_space<vmem>> -> memref<1x128xi32, #tpu.memory_space<vmem>>
      %dma_start3A_470 = tpu.memref_squeeze %dma_start3A_469 : memref<1x128xi32, #tpu.memory_space<vmem>> -> memref<128xi32, #tpu.memory_space<vmem>>
      %dma_start3A_471 = arith.constant 384 : i32
      %dma_start3A_472 = tpu.memref_slice %arg19[%dma_start3A_471] : memref<512xi32, #tpu.memory_space<vmem>> -> memref<128xi32, #tpu.memory_space<vmem>>
      %dma_start3A_473 = arith.constant 0 : i32
      %dma_start3A_474 = tpu.memref_slice %arg8[%dma_start3A_473] : memref<1000000xi32, #tpu.memory_space<hbm>> -> memref<1000000xi32, #tpu.memory_space<hbm>>
      tpu.enqueue_indirect_dma source(%dma_start3A_474 : memref<1000000xi32, #tpu.memory_space<hbm>>) target(%dma_start3A_470 : memref<128xi32, #tpu.memory_space<vmem>>) offsets(%dma_start3A_472 : memref<128xi32, #tpu.memory_space<vmem>>) semaphore(%arg27 : memref<!tpu.dma_semaphore, #tpu.memory_space<semaphore_mem>>)
      %dma_start3A_475 = arith.constant 1 : i32
      %dma_start3A_476 = arith.constant 384 : i32
      %dma_start3A_477 = tpu.memref_slice %arg22[%dma_start3A_475, %dma_start3A_476] : memref<8x512xi32, #tpu.memory_space<vmem>> -> memref<1x128xi32, #tpu.memory_space<vmem>>
      %dma_start3A_478 = tpu.memref_squeeze %dma_start3A_477 : memref<1x128xi32, #tpu.memory_space<vmem>> -> memref<128xi32, #tpu.memory_space<vmem>>
      %dma_start3A_479 = arith.constant 384 : i32
      %dma_start3A_480 = tpu.memref_slice %arg19[%dma_start3A_479] : memref<512xi32, #tpu.memory_space<vmem>> -> memref<128xi32, #tpu.memory_space<vmem>>
      %dma_start3A_481 = arith.constant 0 : i32
      %dma_start3A_482 = tpu.memref_slice %arg9[%dma_start3A_481] : memref<1000000xi32, #tpu.memory_space<hbm>> -> memref<1000000xi32, #tpu.memory_space<hbm>>
      tpu.enqueue_indirect_dma source(%dma_start3A_482 : memref<1000000xi32, #tpu.memory_space<hbm>>) target(%dma_start3A_478 : memref<128xi32, #tpu.memory_space<vmem>>) offsets(%dma_start3A_480 : memref<128xi32, #tpu.memory_space<vmem>>) semaphore(%arg27 : memref<!tpu.dma_semaphore, #tpu.memory_space<semaphore_mem>>)
      %dma_start3A_483 = arith.constant 2 : i32
      %dma_start3A_484 = arith.constant 384 : i32
      %dma_start3A_485 = tpu.memref_slice %arg22[%dma_start3A_483, %dma_start3A_484] : memref<8x512xi32, #tpu.memory_space<vmem>> -> memref<1x128xi32, #tpu.memory_space<vmem>>
      %dma_start3A_486 = tpu.memref_squeeze %dma_start3A_485 : memref<1x128xi32, #tpu.memory_space<vmem>> -> memref<128xi32, #tpu.memory_space<vmem>>
      %dma_start3A_487 = arith.constant 384 : i32
      %dma_start3A_488 = tpu.memref_slice %arg19[%dma_start3A_487] : memref<512xi32, #tpu.memory_space<vmem>> -> memref<128xi32, #tpu.memory_space<vmem>>
      %dma_start3A_489 = arith.constant 0 : i32
      %dma_start3A_490 = tpu.memref_slice %arg10[%dma_start3A_489] : memref<1000000xi32, #tpu.memory_space<hbm>> -> memref<1000000xi32, #tpu.memory_space<hbm>>
      tpu.enqueue_indirect_dma source(%dma_start3A_490 : memref<1000000xi32, #tpu.memory_space<hbm>>) target(%dma_start3A_486 : memref<128xi32, #tpu.memory_space<vmem>>) offsets(%dma_start3A_488 : memref<128xi32, #tpu.memory_space<vmem>>) semaphore(%arg27 : memref<!tpu.dma_semaphore, #tpu.memory_space<semaphore_mem>>)
      %dma_start3A_491 = arith.constant 3 : i32
      %dma_start3A_492 = arith.constant 384 : i32
      %dma_start3A_493 = tpu.memref_slice %arg22[%dma_start3A_491, %dma_start3A_492] : memref<8x512xi32, #tpu.memory_space<vmem>> -> memref<1x128xi32, #tpu.memory_space<vmem>>
      %dma_start3A_494 = tpu.memref_squeeze %dma_start3A_493 : memref<1x128xi32, #tpu.memory_space<vmem>> -> memref<128xi32, #tpu.memory_space<vmem>>
      %dma_start3A_495 = arith.constant 384 : i32
      %dma_start3A_496 = tpu.memref_slice %arg19[%dma_start3A_495] : memref<512xi32, #tpu.memory_space<vmem>> -> memref<128xi32, #tpu.memory_space<vmem>>
      %dma_start3A_497 = arith.constant 0 : i32
      %dma_start3A_498 = tpu.memref_slice %arg11[%dma_start3A_497] : memref<1000000xi32, #tpu.memory_space<hbm>> -> memref<1000000xi32, #tpu.memory_space<hbm>>
      tpu.enqueue_indirect_dma source(%dma_start3A_498 : memref<1000000xi32, #tpu.memory_space<hbm>>) target(%dma_start3A_494 : memref<128xi32, #tpu.memory_space<vmem>>) offsets(%dma_start3A_496 : memref<128xi32, #tpu.memory_space<vmem>>) semaphore(%arg27 : memref<!tpu.dma_semaphore, #tpu.memory_space<semaphore_mem>>)
      %dma_start3A_499 = arith.constant 4 : i32
      %dma_start3A_500 = arith.constant 384 : i32
      %dma_start3A_501 = tpu.memref_slice %arg22[%dma_start3A_499, %dma_start3A_500] : memref<8x512xi32, #tpu.memory_space<vmem>> -> memref<1x128xi32, #tpu.memory_space<vmem>>
      %dma_start3A_502 = tpu.memref_squeeze %dma_start3A_501 : memref<1x128xi32, #tpu.memory_space<vmem>> -> memref<128xi32, #tpu.memory_space<vmem>>
      %dma_start3A_503 = arith.constant 384 : i32
      %dma_start3A_504 = tpu.memref_slice %arg19[%dma_start3A_503] : memref<512xi32, #tpu.memory_space<vmem>> -> memref<128xi32, #tpu.memory_space<vmem>>
      %dma_start3A_505 = arith.constant 0 : i32
      %dma_start3A_506 = tpu.memref_slice %arg12[%dma_start3A_505] : memref<1000000xi32, #tpu.memory_space<hbm>> -> memref<1000000xi32, #tpu.memory_space<hbm>>
      tpu.enqueue_indirect_dma source(%dma_start3A_506 : memref<1000000xi32, #tpu.memory_space<hbm>>) target(%dma_start3A_502 : memref<128xi32, #tpu.memory_space<vmem>>) offsets(%dma_start3A_504 : memref<128xi32, #tpu.memory_space<vmem>>) semaphore(%arg27 : memref<!tpu.dma_semaphore, #tpu.memory_space<semaphore_mem>>)
      %dma_start3A_507 = arith.constant 5 : i32
      %dma_start3A_508 = arith.constant 384 : i32
      %dma_start3A_509 = tpu.memref_slice %arg22[%dma_start3A_507, %dma_start3A_508] : memref<8x512xi32, #tpu.memory_space<vmem>> -> memref<1x128xi32, #tpu.memory_space<vmem>>
      %dma_start3A_510 = tpu.memref_squeeze %dma_start3A_509 : memref<1x128xi32, #tpu.memory_space<vmem>> -> memref<128xi32, #tpu.memory_space<vmem>>
      %dma_start3A_511 = arith.constant 384 : i32
      %dma_start3A_512 = tpu.memref_slice %arg19[%dma_start3A_511] : memref<512xi32, #tpu.memory_space<vmem>> -> memref<128xi32, #tpu.memory_space<vmem>>
      %dma_start3A_513 = arith.constant 0 : i32
      %dma_start3A_514 = tpu.memref_slice %arg13[%dma_start3A_513] : memref<1000000xi32, #tpu.memory_space<hbm>> -> memref<1000000xi32, #tpu.memory_space<hbm>>
      tpu.enqueue_indirect_dma source(%dma_start3A_514 : memref<1000000xi32, #tpu.memory_space<hbm>>) target(%dma_start3A_510 : memref<128xi32, #tpu.memory_space<vmem>>) offsets(%dma_start3A_512 : memref<128xi32, #tpu.memory_space<vmem>>) semaphore(%arg27 : memref<!tpu.dma_semaphore, #tpu.memory_space<semaphore_mem>>)
      %dma_start3A_515 = arith.constant 6 : i32
      %dma_start3A_516 = arith.constant 384 : i32
      %dma_start3A_517 = tpu.memref_slice %arg22[%dma_start3A_515, %dma_start3A_516] : memref<8x512xi32, #tpu.memory_space<vmem>> -> memref<1x128xi32, #tpu.memory_space<vmem>>
      %dma_start3A_518 = tpu.memref_squeeze %dma_start3A_517 : memref<1x128xi32, #tpu.memory_space<vmem>> -> memref<128xi32, #tpu.memory_space<vmem>>
      %dma_start3A_519 = arith.constant 384 : i32
      %dma_start3A_520 = tpu.memref_slice %arg19[%dma_start3A_519] : memref<512xi32, #tpu.memory_space<vmem>> -> memref<128xi32, #tpu.memory_space<vmem>>
      %dma_start3A_521 = arith.constant 0 : i32
      %dma_start3A_522 = tpu.memref_slice %arg14[%dma_start3A_521] : memref<1000000xi32, #tpu.memory_space<hbm>> -> memref<1000000xi32, #tpu.memory_space<hbm>>
      tpu.enqueue_indirect_dma source(%dma_start3A_522 : memref<1000000xi32, #tpu.memory_space<hbm>>) target(%dma_start3A_518 : memref<128xi32, #tpu.memory_space<vmem>>) offsets(%dma_start3A_520 : memref<128xi32, #tpu.memory_space<vmem>>) semaphore(%arg27 : memref<!tpu.dma_semaphore, #tpu.memory_space<semaphore_mem>>)
      %dma_start3A_523 = arith.constant 7 : i32
      %dma_start3A_524 = arith.constant 384 : i32
      %dma_start3A_525 = tpu.memref_slice %arg22[%dma_start3A_523, %dma_start3A_524] : memref<8x512xi32, #tpu.memory_space<vmem>> -> memref<1x128xi32, #tpu.memory_space<vmem>>
      %dma_start3A_526 = tpu.memref_squeeze %dma_start3A_525 : memref<1x128xi32, #tpu.memory_space<vmem>> -> memref<128xi32, #tpu.memory_space<vmem>>
      %dma_start3A_527 = arith.constant 384 : i32
      %dma_start3A_528 = tpu.memref_slice %arg19[%dma_start3A_527] : memref<512xi32, #tpu.memory_space<vmem>> -> memref<128xi32, #tpu.memory_space<vmem>>
      %dma_start3A_529 = arith.constant 0 : i32
      %dma_start3A_530 = tpu.memref_slice %arg15[%dma_start3A_529] : memref<1000000xi32, #tpu.memory_space<hbm>> -> memref<1000000xi32, #tpu.memory_space<hbm>>
      tpu.enqueue_indirect_dma source(%dma_start3A_530 : memref<1000000xi32, #tpu.memory_space<hbm>>) target(%dma_start3A_526 : memref<128xi32, #tpu.memory_space<vmem>>) offsets(%dma_start3A_528 : memref<128xi32, #tpu.memory_space<vmem>>) semaphore(%arg27 : memref<!tpu.dma_semaphore, #tpu.memory_space<semaphore_mem>>)
      %dma_wait3A_531 = arith.constant 0 : i32
      %dma_wait3A_532 = arith.constant 256 : i32
      %dma_wait3A_533 = tpu.memref_slice %arg21[%dma_wait3A_531, %dma_wait3A_532] : memref<4x512xf32, #tpu.memory_space<vmem>> -> memref<1x128xf32, #tpu.memory_space<vmem>>
      %dma_wait3A_534 = tpu.memref_squeeze %dma_wait3A_533 : memref<1x128xf32, #tpu.memory_space<vmem>> -> memref<128xf32, #tpu.memory_space<vmem>>
      %dma_wait3A_535 = arith.constant 256 : i32
      %dma_wait3A_536 = tpu.memref_slice %arg19[%dma_wait3A_535] : memref<512xi32, #tpu.memory_space<vmem>> -> memref<128xi32, #tpu.memory_space<vmem>>
      %dma_wait3A_537 = arith.constant 0 : i32
      %dma_wait3A_538 = tpu.memref_slice %arg4[%dma_wait3A_537] : memref<1000000xf32, #tpu.memory_space<hbm>> -> memref<1000000xf32, #tpu.memory_space<hbm>>
      tpu.wait_indirect_dma semaphore(%arg26 : memref<!tpu.dma_semaphore, #tpu.memory_space<semaphore_mem>>) src(%dma_wait3A_538 : memref<1000000xf32, #tpu.memory_space<hbm>>) dst(%dma_wait3A_534 : memref<128xf32, #tpu.memory_space<vmem>>)
      %dma_wait3A_539 = arith.constant 1 : i32
      %dma_wait3A_540 = arith.constant 256 : i32
      %dma_wait3A_541 = tpu.memref_slice %arg21[%dma_wait3A_539, %dma_wait3A_540] : memref<4x512xf32, #tpu.memory_space<vmem>> -> memref<1x128xf32, #tpu.memory_space<vmem>>
      %dma_wait3A_542 = tpu.memref_squeeze %dma_wait3A_541 : memref<1x128xf32, #tpu.memory_space<vmem>> -> memref<128xf32, #tpu.memory_space<vmem>>
      %dma_wait3A_543 = arith.constant 256 : i32
      %dma_wait3A_544 = tpu.memref_slice %arg19[%dma_wait3A_543] : memref<512xi32, #tpu.memory_space<vmem>> -> memref<128xi32, #tpu.memory_space<vmem>>
      %dma_wait3A_545 = arith.constant 0 : i32
      %dma_wait3A_546 = tpu.memref_slice %arg5[%dma_wait3A_545] : memref<1000000xf32, #tpu.memory_space<hbm>> -> memref<1000000xf32, #tpu.memory_space<hbm>>
      tpu.wait_indirect_dma semaphore(%arg26 : memref<!tpu.dma_semaphore, #tpu.memory_space<semaphore_mem>>) src(%dma_wait3A_546 : memref<1000000xf32, #tpu.memory_space<hbm>>) dst(%dma_wait3A_542 : memref<128xf32, #tpu.memory_space<vmem>>)
      %dma_wait3A_547 = arith.constant 2 : i32
      %dma_wait3A_548 = arith.constant 256 : i32
      %dma_wait3A_549 = tpu.memref_slice %arg21[%dma_wait3A_547, %dma_wait3A_548] : memref<4x512xf32, #tpu.memory_space<vmem>> -> memref<1x128xf32, #tpu.memory_space<vmem>>
      %dma_wait3A_550 = tpu.memref_squeeze %dma_wait3A_549 : memref<1x128xf32, #tpu.memory_space<vmem>> -> memref<128xf32, #tpu.memory_space<vmem>>
      %dma_wait3A_551 = arith.constant 256 : i32
      %dma_wait3A_552 = tpu.memref_slice %arg19[%dma_wait3A_551] : memref<512xi32, #tpu.memory_space<vmem>> -> memref<128xi32, #tpu.memory_space<vmem>>
      %dma_wait3A_553 = arith.constant 0 : i32
      %dma_wait3A_554 = tpu.memref_slice %arg6[%dma_wait3A_553] : memref<1000000xf32, #tpu.memory_space<hbm>> -> memref<1000000xf32, #tpu.memory_space<hbm>>
      tpu.wait_indirect_dma semaphore(%arg26 : memref<!tpu.dma_semaphore, #tpu.memory_space<semaphore_mem>>) src(%dma_wait3A_554 : memref<1000000xf32, #tpu.memory_space<hbm>>) dst(%dma_wait3A_550 : memref<128xf32, #tpu.memory_space<vmem>>)
      %dma_wait3A_555 = arith.constant 3 : i32
      %dma_wait3A_556 = arith.constant 256 : i32
      %dma_wait3A_557 = tpu.memref_slice %arg21[%dma_wait3A_555, %dma_wait3A_556] : memref<4x512xf32, #tpu.memory_space<vmem>> -> memref<1x128xf32, #tpu.memory_space<vmem>>
      %dma_wait3A_558 = tpu.memref_squeeze %dma_wait3A_557 : memref<1x128xf32, #tpu.memory_space<vmem>> -> memref<128xf32, #tpu.memory_space<vmem>>
      %dma_wait3A_559 = arith.constant 256 : i32
      %dma_wait3A_560 = tpu.memref_slice %arg19[%dma_wait3A_559] : memref<512xi32, #tpu.memory_space<vmem>> -> memref<128xi32, #tpu.memory_space<vmem>>
      %dma_wait3A_561 = arith.constant 0 : i32
      %dma_wait3A_562 = tpu.memref_slice %arg7[%dma_wait3A_561] : memref<1000000xf32, #tpu.memory_space<hbm>> -> memref<1000000xf32, #tpu.memory_space<hbm>>
      tpu.wait_indirect_dma semaphore(%arg26 : memref<!tpu.dma_semaphore, #tpu.memory_space<semaphore_mem>>) src(%dma_wait3A_562 : memref<1000000xf32, #tpu.memory_space<hbm>>) dst(%dma_wait3A_558 : memref<128xf32, #tpu.memory_space<vmem>>)
      %dma_wait3A_563 = arith.constant 0 : i32
      %dma_wait3A_564 = arith.constant 256 : i32
      %dma_wait3A_565 = tpu.memref_slice %arg22[%dma_wait3A_563, %dma_wait3A_564] : memref<8x512xi32, #tpu.memory_space<vmem>> -> memref<1x128xi32, #tpu.memory_space<vmem>>
      %dma_wait3A_566 = tpu.memref_squeeze %dma_wait3A_565 : memref<1x128xi32, #tpu.memory_space<vmem>> -> memref<128xi32, #tpu.memory_space<vmem>>
      %dma_wait3A_567 = arith.constant 256 : i32
      %dma_wait3A_568 = tpu.memref_slice %arg19[%dma_wait3A_567] : memref<512xi32, #tpu.memory_space<vmem>> -> memref<128xi32, #tpu.memory_space<vmem>>
      %dma_wait3A_569 = arith.constant 0 : i32
      %dma_wait3A_570 = tpu.memref_slice %arg8[%dma_wait3A_569] : memref<1000000xi32, #tpu.memory_space<hbm>> -> memref<1000000xi32, #tpu.memory_space<hbm>>
      tpu.wait_indirect_dma semaphore(%arg26 : memref<!tpu.dma_semaphore, #tpu.memory_space<semaphore_mem>>) src(%dma_wait3A_570 : memref<1000000xi32, #tpu.memory_space<hbm>>) dst(%dma_wait3A_566 : memref<128xi32, #tpu.memory_space<vmem>>)
      %dma_wait3A_571 = arith.constant 1 : i32
      %dma_wait3A_572 = arith.constant 256 : i32
      %dma_wait3A_573 = tpu.memref_slice %arg22[%dma_wait3A_571, %dma_wait3A_572] : memref<8x512xi32, #tpu.memory_space<vmem>> -> memref<1x128xi32, #tpu.memory_space<vmem>>
      %dma_wait3A_574 = tpu.memref_squeeze %dma_wait3A_573 : memref<1x128xi32, #tpu.memory_space<vmem>> -> memref<128xi32, #tpu.memory_space<vmem>>
      %dma_wait3A_575 = arith.constant 256 : i32
      %dma_wait3A_576 = tpu.memref_slice %arg19[%dma_wait3A_575] : memref<512xi32, #tpu.memory_space<vmem>> -> memref<128xi32, #tpu.memory_space<vmem>>
      %dma_wait3A_577 = arith.constant 0 : i32
      %dma_wait3A_578 = tpu.memref_slice %arg9[%dma_wait3A_577] : memref<1000000xi32, #tpu.memory_space<hbm>> -> memref<1000000xi32, #tpu.memory_space<hbm>>
      tpu.wait_indirect_dma semaphore(%arg26 : memref<!tpu.dma_semaphore, #tpu.memory_space<semaphore_mem>>) src(%dma_wait3A_578 : memref<1000000xi32, #tpu.memory_space<hbm>>) dst(%dma_wait3A_574 : memref<128xi32, #tpu.memory_space<vmem>>)
      %dma_wait3A_579 = arith.constant 2 : i32
      %dma_wait3A_580 = arith.constant 256 : i32
      %dma_wait3A_581 = tpu.memref_slice %arg22[%dma_wait3A_579, %dma_wait3A_580] : memref<8x512xi32, #tpu.memory_space<vmem>> -> memref<1x128xi32, #tpu.memory_space<vmem>>
      %dma_wait3A_582 = tpu.memref_squeeze %dma_wait3A_581 : memref<1x128xi32, #tpu.memory_space<vmem>> -> memref<128xi32, #tpu.memory_space<vmem>>
      %dma_wait3A_583 = arith.constant 256 : i32
      %dma_wait3A_584 = tpu.memref_slice %arg19[%dma_wait3A_583] : memref<512xi32, #tpu.memory_space<vmem>> -> memref<128xi32, #tpu.memory_space<vmem>>
      %dma_wait3A_585 = arith.constant 0 : i32
      %dma_wait3A_586 = tpu.memref_slice %arg10[%dma_wait3A_585] : memref<1000000xi32, #tpu.memory_space<hbm>> -> memref<1000000xi32, #tpu.memory_space<hbm>>
      tpu.wait_indirect_dma semaphore(%arg26 : memref<!tpu.dma_semaphore, #tpu.memory_space<semaphore_mem>>) src(%dma_wait3A_586 : memref<1000000xi32, #tpu.memory_space<hbm>>) dst(%dma_wait3A_582 : memref<128xi32, #tpu.memory_space<vmem>>)
      %dma_wait3A_587 = arith.constant 3 : i32
      %dma_wait3A_588 = arith.constant 256 : i32
      %dma_wait3A_589 = tpu.memref_slice %arg22[%dma_wait3A_587, %dma_wait3A_588] : memref<8x512xi32, #tpu.memory_space<vmem>> -> memref<1x128xi32, #tpu.memory_space<vmem>>
      %dma_wait3A_590 = tpu.memref_squeeze %dma_wait3A_589 : memref<1x128xi32, #tpu.memory_space<vmem>> -> memref<128xi32, #tpu.memory_space<vmem>>
      %dma_wait3A_591 = arith.constant 256 : i32
      %dma_wait3A_592 = tpu.memref_slice %arg19[%dma_wait3A_591] : memref<512xi32, #tpu.memory_space<vmem>> -> memref<128xi32, #tpu.memory_space<vmem>>
      %dma_wait3A_593 = arith.constant 0 : i32
      %dma_wait3A_594 = tpu.memref_slice %arg11[%dma_wait3A_593] : memref<1000000xi32, #tpu.memory_space<hbm>> -> memref<1000000xi32, #tpu.memory_space<hbm>>
      tpu.wait_indirect_dma semaphore(%arg26 : memref<!tpu.dma_semaphore, #tpu.memory_space<semaphore_mem>>) src(%dma_wait3A_594 : memref<1000000xi32, #tpu.memory_space<hbm>>) dst(%dma_wait3A_590 : memref<128xi32, #tpu.memory_space<vmem>>)
      %dma_wait3A_595 = arith.constant 4 : i32
      %dma_wait3A_596 = arith.constant 256 : i32
      %dma_wait3A_597 = tpu.memref_slice %arg22[%dma_wait3A_595, %dma_wait3A_596] : memref<8x512xi32, #tpu.memory_space<vmem>> -> memref<1x128xi32, #tpu.memory_space<vmem>>
      %dma_wait3A_598 = tpu.memref_squeeze %dma_wait3A_597 : memref<1x128xi32, #tpu.memory_space<vmem>> -> memref<128xi32, #tpu.memory_space<vmem>>
      %dma_wait3A_599 = arith.constant 256 : i32
      %dma_wait3A_600 = tpu.memref_slice %arg19[%dma_wait3A_599] : memref<512xi32, #tpu.memory_space<vmem>> -> memref<128xi32, #tpu.memory_space<vmem>>
      %dma_wait3A_601 = arith.constant 0 : i32
      %dma_wait3A_602 = tpu.memref_slice %arg12[%dma_wait3A_601] : memref<1000000xi32, #tpu.memory_space<hbm>> -> memref<1000000xi32, #tpu.memory_space<hbm>>
      tpu.wait_indirect_dma semaphore(%arg26 : memref<!tpu.dma_semaphore, #tpu.memory_space<semaphore_mem>>) src(%dma_wait3A_602 : memref<1000000xi32, #tpu.memory_space<hbm>>) dst(%dma_wait3A_598 : memref<128xi32, #tpu.memory_space<vmem>>)
      %dma_wait3A_603 = arith.constant 5 : i32
      %dma_wait3A_604 = arith.constant 256 : i32
      %dma_wait3A_605 = tpu.memref_slice %arg22[%dma_wait3A_603, %dma_wait3A_604] : memref<8x512xi32, #tpu.memory_space<vmem>> -> memref<1x128xi32, #tpu.memory_space<vmem>>
      %dma_wait3A_606 = tpu.memref_squeeze %dma_wait3A_605 : memref<1x128xi32, #tpu.memory_space<vmem>> -> memref<128xi32, #tpu.memory_space<vmem>>
      %dma_wait3A_607 = arith.constant 256 : i32
      %dma_wait3A_608 = tpu.memref_slice %arg19[%dma_wait3A_607] : memref<512xi32, #tpu.memory_space<vmem>> -> memref<128xi32, #tpu.memory_space<vmem>>
      %dma_wait3A_609 = arith.constant 0 : i32
      %dma_wait3A_610 = tpu.memref_slice %arg13[%dma_wait3A_609] : memref<1000000xi32, #tpu.memory_space<hbm>> -> memref<1000000xi32, #tpu.memory_space<hbm>>
      tpu.wait_indirect_dma semaphore(%arg26 : memref<!tpu.dma_semaphore, #tpu.memory_space<semaphore_mem>>) src(%dma_wait3A_610 : memref<1000000xi32, #tpu.memory_space<hbm>>) dst(%dma_wait3A_606 : memref<128xi32, #tpu.memory_space<vmem>>)
      %dma_wait3A_611 = arith.constant 6 : i32
      %dma_wait3A_612 = arith.constant 256 : i32
      %dma_wait3A_613 = tpu.memref_slice %arg22[%dma_wait3A_611, %dma_wait3A_612] : memref<8x512xi32, #tpu.memory_space<vmem>> -> memref<1x128xi32, #tpu.memory_space<vmem>>
      %dma_wait3A_614 = tpu.memref_squeeze %dma_wait3A_613 : memref<1x128xi32, #tpu.memory_space<vmem>> -> memref<128xi32, #tpu.memory_space<vmem>>
      %dma_wait3A_615 = arith.constant 256 : i32
      %dma_wait3A_616 = tpu.memref_slice %arg19[%dma_wait3A_615] : memref<512xi32, #tpu.memory_space<vmem>> -> memref<128xi32, #tpu.memory_space<vmem>>
      %dma_wait3A_617 = arith.constant 0 : i32
      %dma_wait3A_618 = tpu.memref_slice %arg14[%dma_wait3A_617] : memref<1000000xi32, #tpu.memory_space<hbm>> -> memref<1000000xi32, #tpu.memory_space<hbm>>
      tpu.wait_indirect_dma semaphore(%arg26 : memref<!tpu.dma_semaphore, #tpu.memory_space<semaphore_mem>>) src(%dma_wait3A_618 : memref<1000000xi32, #tpu.memory_space<hbm>>) dst(%dma_wait3A_614 : memref<128xi32, #tpu.memory_space<vmem>>)
      %dma_wait3A_619 = arith.constant 7 : i32
      %dma_wait3A_620 = arith.constant 256 : i32
      %dma_wait3A_621 = tpu.memref_slice %arg22[%dma_wait3A_619, %dma_wait3A_620] : memref<8x512xi32, #tpu.memory_space<vmem>> -> memref<1x128xi32, #tpu.memory_space<vmem>>
      %dma_wait3A_622 = tpu.memref_squeeze %dma_wait3A_621 : memref<1x128xi32, #tpu.memory_space<vmem>> -> memref<128xi32, #tpu.memory_space<vmem>>
      %dma_wait3A_623 = arith.constant 256 : i32
      %dma_wait3A_624 = tpu.memref_slice %arg19[%dma_wait3A_623] : memref<512xi32, #tpu.memory_space<vmem>> -> memref<128xi32, #tpu.memory_space<vmem>>
      %dma_wait3A_625 = arith.constant 0 : i32
      %dma_wait3A_626 = tpu.memref_slice %arg15[%dma_wait3A_625] : memref<1000000xi32, #tpu.memory_space<hbm>> -> memref<1000000xi32, #tpu.memory_space<hbm>>
      tpu.wait_indirect_dma semaphore(%arg26 : memref<!tpu.dma_semaphore, #tpu.memory_space<semaphore_mem>>) src(%dma_wait3A_626 : memref<1000000xi32, #tpu.memory_space<hbm>>) dst(%dma_wait3A_622 : memref<128xi32, #tpu.memory_space<vmem>>)
      %dma_wait3A_627 = arith.constant 0 : i32
      %dma_wait3A_628 = arith.constant 128 : i32
      %dma_wait3A_629 = tpu.memref_slice %arg21[%dma_wait3A_627, %dma_wait3A_628] : memref<4x512xf32, #tpu.memory_space<vmem>> -> memref<1x128xf32, #tpu.memory_space<vmem>>
      %dma_wait3A_630 = tpu.memref_squeeze %dma_wait3A_629 : memref<1x128xf32, #tpu.memory_space<vmem>> -> memref<128xf32, #tpu.memory_space<vmem>>
      %dma_wait3A_631 = arith.constant 128 : i32
      %dma_wait3A_632 = tpu.memref_slice %arg19[%dma_wait3A_631] : memref<512xi32, #tpu.memory_space<vmem>> -> memref<128xi32, #tpu.memory_space<vmem>>
      %dma_wait3A_633 = arith.constant 0 : i32
      %dma_wait3A_634 = tpu.memref_slice %arg4[%dma_wait3A_633] : memref<1000000xf32, #tpu.memory_space<hbm>> -> memref<1000000xf32, #tpu.memory_space<hbm>>
      tpu.wait_indirect_dma semaphore(%arg27 : memref<!tpu.dma_semaphore, #tpu.memory_space<semaphore_mem>>) src(%dma_wait3A_634 : memref<1000000xf32, #tpu.memory_space<hbm>>) dst(%dma_wait3A_630 : memref<128xf32, #tpu.memory_space<vmem>>)
      %dma_wait3A_635 = arith.constant 1 : i32
      %dma_wait3A_636 = arith.constant 128 : i32
      %dma_wait3A_637 = tpu.memref_slice %arg21[%dma_wait3A_635, %dma_wait3A_636] : memref<4x512xf32, #tpu.memory_space<vmem>> -> memref<1x128xf32, #tpu.memory_space<vmem>>
      %dma_wait3A_638 = tpu.memref_squeeze %dma_wait3A_637 : memref<1x128xf32, #tpu.memory_space<vmem>> -> memref<128xf32, #tpu.memory_space<vmem>>
      %dma_wait3A_639 = arith.constant 128 : i32
      %dma_wait3A_640 = tpu.memref_slice %arg19[%dma_wait3A_639] : memref<512xi32, #tpu.memory_space<vmem>> -> memref<128xi32, #tpu.memory_space<vmem>>
      %dma_wait3A_641 = arith.constant 0 : i32
      %dma_wait3A_642 = tpu.memref_slice %arg5[%dma_wait3A_641] : memref<1000000xf32, #tpu.memory_space<hbm>> -> memref<1000000xf32, #tpu.memory_space<hbm>>
      tpu.wait_indirect_dma semaphore(%arg27 : memref<!tpu.dma_semaphore, #tpu.memory_space<semaphore_mem>>) src(%dma_wait3A_642 : memref<1000000xf32, #tpu.memory_space<hbm>>) dst(%dma_wait3A_638 : memref<128xf32, #tpu.memory_space<vmem>>)
      %dma_wait3A_643 = arith.constant 2 : i32
      %dma_wait3A_644 = arith.constant 128 : i32
      %dma_wait3A_645 = tpu.memref_slice %arg21[%dma_wait3A_643, %dma_wait3A_644] : memref<4x512xf32, #tpu.memory_space<vmem>> -> memref<1x128xf32, #tpu.memory_space<vmem>>
      %dma_wait3A_646 = tpu.memref_squeeze %dma_wait3A_645 : memref<1x128xf32, #tpu.memory_space<vmem>> -> memref<128xf32, #tpu.memory_space<vmem>>
      %dma_wait3A_647 = arith.constant 128 : i32
      %dma_wait3A_648 = tpu.memref_slice %arg19[%dma_wait3A_647] : memref<512xi32, #tpu.memory_space<vmem>> -> memref<128xi32, #tpu.memory_space<vmem>>
      %dma_wait3A_649 = arith.constant 0 : i32
      %dma_wait3A_650 = tpu.memref_slice %arg6[%dma_wait3A_649] : memref<1000000xf32, #tpu.memory_space<hbm>> -> memref<1000000xf32, #tpu.memory_space<hbm>>
      tpu.wait_indirect_dma semaphore(%arg27 : memref<!tpu.dma_semaphore, #tpu.memory_space<semaphore_mem>>) src(%dma_wait3A_650 : memref<1000000xf32, #tpu.memory_space<hbm>>) dst(%dma_wait3A_646 : memref<128xf32, #tpu.memory_space<vmem>>)
      %dma_wait3A_651 = arith.constant 3 : i32
      %dma_wait3A_652 = arith.constant 128 : i32
      %dma_wait3A_653 = tpu.memref_slice %arg21[%dma_wait3A_651, %dma_wait3A_652] : memref<4x512xf32, #tpu.memory_space<vmem>> -> memref<1x128xf32, #tpu.memory_space<vmem>>
      %dma_wait3A_654 = tpu.memref_squeeze %dma_wait3A_653 : memref<1x128xf32, #tpu.memory_space<vmem>> -> memref<128xf32, #tpu.memory_space<vmem>>
      %dma_wait3A_655 = arith.constant 128 : i32
      %dma_wait3A_656 = tpu.memref_slice %arg19[%dma_wait3A_655] : memref<512xi32, #tpu.memory_space<vmem>> -> memref<128xi32, #tpu.memory_space<vmem>>
      %dma_wait3A_657 = arith.constant 0 : i32
      %dma_wait3A_658 = tpu.memref_slice %arg7[%dma_wait3A_657] : memref<1000000xf32, #tpu.memory_space<hbm>> -> memref<1000000xf32, #tpu.memory_space<hbm>>
      tpu.wait_indirect_dma semaphore(%arg27 : memref<!tpu.dma_semaphore, #tpu.memory_space<semaphore_mem>>) src(%dma_wait3A_658 : memref<1000000xf32, #tpu.memory_space<hbm>>) dst(%dma_wait3A_654 : memref<128xf32, #tpu.memory_space<vmem>>)
      %dma_wait3A_659 = arith.constant 0 : i32
      %dma_wait3A_660 = arith.constant 128 : i32
      %dma_wait3A_661 = tpu.memref_slice %arg22[%dma_wait3A_659, %dma_wait3A_660] : memref<8x512xi32, #tpu.memory_space<vmem>> -> memref<1x128xi32, #tpu.memory_space<vmem>>
      %dma_wait3A_662 = tpu.memref_squeeze %dma_wait3A_661 : memref<1x128xi32, #tpu.memory_space<vmem>> -> memref<128xi32, #tpu.memory_space<vmem>>
      %dma_wait3A_663 = arith.constant 128 : i32
      %dma_wait3A_664 = tpu.memref_slice %arg19[%dma_wait3A_663] : memref<512xi32, #tpu.memory_space<vmem>> -> memref<128xi32, #tpu.memory_space<vmem>>
      %dma_wait3A_665 = arith.constant 0 : i32
      %dma_wait3A_666 = tpu.memref_slice %arg8[%dma_wait3A_665] : memref<1000000xi32, #tpu.memory_space<hbm>> -> memref<1000000xi32, #tpu.memory_space<hbm>>
      tpu.wait_indirect_dma semaphore(%arg27 : memref<!tpu.dma_semaphore, #tpu.memory_space<semaphore_mem>>) src(%dma_wait3A_666 : memref<1000000xi32, #tpu.memory_space<hbm>>) dst(%dma_wait3A_662 : memref<128xi32, #tpu.memory_space<vmem>>)
      %dma_wait3A_667 = arith.constant 1 : i32
      %dma_wait3A_668 = arith.constant 128 : i32
      %dma_wait3A_669 = tpu.memref_slice %arg22[%dma_wait3A_667, %dma_wait3A_668] : memref<8x512xi32, #tpu.memory_space<vmem>> -> memref<1x128xi32, #tpu.memory_space<vmem>>
      %dma_wait3A_670 = tpu.memref_squeeze %dma_wait3A_669 : memref<1x128xi32, #tpu.memory_space<vmem>> -> memref<128xi32, #tpu.memory_space<vmem>>
      %dma_wait3A_671 = arith.constant 128 : i32
      %dma_wait3A_672 = tpu.memref_slice %arg19[%dma_wait3A_671] : memref<512xi32, #tpu.memory_space<vmem>> -> memref<128xi32, #tpu.memory_space<vmem>>
      %dma_wait3A_673 = arith.constant 0 : i32
      %dma_wait3A_674 = tpu.memref_slice %arg9[%dma_wait3A_673] : memref<1000000xi32, #tpu.memory_space<hbm>> -> memref<1000000xi32, #tpu.memory_space<hbm>>
      tpu.wait_indirect_dma semaphore(%arg27 : memref<!tpu.dma_semaphore, #tpu.memory_space<semaphore_mem>>) src(%dma_wait3A_674 : memref<1000000xi32, #tpu.memory_space<hbm>>) dst(%dma_wait3A_670 : memref<128xi32, #tpu.memory_space<vmem>>)
      %dma_wait3A_675 = arith.constant 2 : i32
      %dma_wait3A_676 = arith.constant 128 : i32
      %dma_wait3A_677 = tpu.memref_slice %arg22[%dma_wait3A_675, %dma_wait3A_676] : memref<8x512xi32, #tpu.memory_space<vmem>> -> memref<1x128xi32, #tpu.memory_space<vmem>>
      %dma_wait3A_678 = tpu.memref_squeeze %dma_wait3A_677 : memref<1x128xi32, #tpu.memory_space<vmem>> -> memref<128xi32, #tpu.memory_space<vmem>>
      %dma_wait3A_679 = arith.constant 128 : i32
      %dma_wait3A_680 = tpu.memref_slice %arg19[%dma_wait3A_679] : memref<512xi32, #tpu.memory_space<vmem>> -> memref<128xi32, #tpu.memory_space<vmem>>
      %dma_wait3A_681 = arith.constant 0 : i32
      %dma_wait3A_682 = tpu.memref_slice %arg10[%dma_wait3A_681] : memref<1000000xi32, #tpu.memory_space<hbm>> -> memref<1000000xi32, #tpu.memory_space<hbm>>
      tpu.wait_indirect_dma semaphore(%arg27 : memref<!tpu.dma_semaphore, #tpu.memory_space<semaphore_mem>>) src(%dma_wait3A_682 : memref<1000000xi32, #tpu.memory_space<hbm>>) dst(%dma_wait3A_678 : memref<128xi32, #tpu.memory_space<vmem>>)
      %dma_wait3A_683 = arith.constant 3 : i32
      %dma_wait3A_684 = arith.constant 128 : i32
      %dma_wait3A_685 = tpu.memref_slice %arg22[%dma_wait3A_683, %dma_wait3A_684] : memref<8x512xi32, #tpu.memory_space<vmem>> -> memref<1x128xi32, #tpu.memory_space<vmem>>
      %dma_wait3A_686 = tpu.memref_squeeze %dma_wait3A_685 : memref<1x128xi32, #tpu.memory_space<vmem>> -> memref<128xi32, #tpu.memory_space<vmem>>
      %dma_wait3A_687 = arith.constant 128 : i32
      %dma_wait3A_688 = tpu.memref_slice %arg19[%dma_wait3A_687] : memref<512xi32, #tpu.memory_space<vmem>> -> memref<128xi32, #tpu.memory_space<vmem>>
      %dma_wait3A_689 = arith.constant 0 : i32
      %dma_wait3A_690 = tpu.memref_slice %arg11[%dma_wait3A_689] : memref<1000000xi32, #tpu.memory_space<hbm>> -> memref<1000000xi32, #tpu.memory_space<hbm>>
      tpu.wait_indirect_dma semaphore(%arg27 : memref<!tpu.dma_semaphore, #tpu.memory_space<semaphore_mem>>) src(%dma_wait3A_690 : memref<1000000xi32, #tpu.memory_space<hbm>>) dst(%dma_wait3A_686 : memref<128xi32, #tpu.memory_space<vmem>>)
      %dma_wait3A_691 = arith.constant 4 : i32
      %dma_wait3A_692 = arith.constant 128 : i32
      %dma_wait3A_693 = tpu.memref_slice %arg22[%dma_wait3A_691, %dma_wait3A_692] : memref<8x512xi32, #tpu.memory_space<vmem>> -> memref<1x128xi32, #tpu.memory_space<vmem>>
      %dma_wait3A_694 = tpu.memref_squeeze %dma_wait3A_693 : memref<1x128xi32, #tpu.memory_space<vmem>> -> memref<128xi32, #tpu.memory_space<vmem>>
      %dma_wait3A_695 = arith.constant 128 : i32
      %dma_wait3A_696 = tpu.memref_slice %arg19[%dma_wait3A_695] : memref<512xi32, #tpu.memory_space<vmem>> -> memref<128xi32, #tpu.memory_space<vmem>>
      %dma_wait3A_697 = arith.constant 0 : i32
      %dma_wait3A_698 = tpu.memref_slice %arg12[%dma_wait3A_697] : memref<1000000xi32, #tpu.memory_space<hbm>> -> memref<1000000xi32, #tpu.memory_space<hbm>>
      tpu.wait_indirect_dma semaphore(%arg27 : memref<!tpu.dma_semaphore, #tpu.memory_space<semaphore_mem>>) src(%dma_wait3A_698 : memref<1000000xi32, #tpu.memory_space<hbm>>) dst(%dma_wait3A_694 : memref<128xi32, #tpu.memory_space<vmem>>)
      %dma_wait3A_699 = arith.constant 5 : i32
      %dma_wait3A_700 = arith.constant 128 : i32
      %dma_wait3A_701 = tpu.memref_slice %arg22[%dma_wait3A_699, %dma_wait3A_700] : memref<8x512xi32, #tpu.memory_space<vmem>> -> memref<1x128xi32, #tpu.memory_space<vmem>>
      %dma_wait3A_702 = tpu.memref_squeeze %dma_wait3A_701 : memref<1x128xi32, #tpu.memory_space<vmem>> -> memref<128xi32, #tpu.memory_space<vmem>>
      %dma_wait3A_703 = arith.constant 128 : i32
      %dma_wait3A_704 = tpu.memref_slice %arg19[%dma_wait3A_703] : memref<512xi32, #tpu.memory_space<vmem>> -> memref<128xi32, #tpu.memory_space<vmem>>
      %dma_wait3A_705 = arith.constant 0 : i32
      %dma_wait3A_706 = tpu.memref_slice %arg13[%dma_wait3A_705] : memref<1000000xi32, #tpu.memory_space<hbm>> -> memref<1000000xi32, #tpu.memory_space<hbm>>
      tpu.wait_indirect_dma semaphore(%arg27 : memref<!tpu.dma_semaphore, #tpu.memory_space<semaphore_mem>>) src(%dma_wait3A_706 : memref<1000000xi32, #tpu.memory_space<hbm>>) dst(%dma_wait3A_702 : memref<128xi32, #tpu.memory_space<vmem>>)
      %dma_wait3A_707 = arith.constant 6 : i32
      %dma_wait3A_708 = arith.constant 128 : i32
      %dma_wait3A_709 = tpu.memref_slice %arg22[%dma_wait3A_707, %dma_wait3A_708] : memref<8x512xi32, #tpu.memory_space<vmem>> -> memref<1x128xi32, #tpu.memory_space<vmem>>
      %dma_wait3A_710 = tpu.memref_squeeze %dma_wait3A_709 : memref<1x128xi32, #tpu.memory_space<vmem>> -> memref<128xi32, #tpu.memory_space<vmem>>
      %dma_wait3A_711 = arith.constant 128 : i32
      %dma_wait3A_712 = tpu.memref_slice %arg19[%dma_wait3A_711] : memref<512xi32, #tpu.memory_space<vmem>> -> memref<128xi32, #tpu.memory_space<vmem>>
      %dma_wait3A_713 = arith.constant 0 : i32
      %dma_wait3A_714 = tpu.memref_slice %arg14[%dma_wait3A_713] : memref<1000000xi32, #tpu.memory_space<hbm>> -> memref<1000000xi32, #tpu.memory_space<hbm>>
      tpu.wait_indirect_dma semaphore(%arg27 : memref<!tpu.dma_semaphore, #tpu.memory_space<semaphore_mem>>) src(%dma_wait3A_714 : memref<1000000xi32, #tpu.memory_space<hbm>>) dst(%dma_wait3A_710 : memref<128xi32, #tpu.memory_space<vmem>>)
      %dma_wait3A_715 = arith.constant 7 : i32
      %dma_wait3A_716 = arith.constant 128 : i32
      %dma_wait3A_717 = tpu.memref_slice %arg22[%dma_wait3A_715, %dma_wait3A_716] : memref<8x512xi32, #tpu.memory_space<vmem>> -> memref<1x128xi32, #tpu.memory_space<vmem>>
      %dma_wait3A_718 = tpu.memref_squeeze %dma_wait3A_717 : memref<1x128xi32, #tpu.memory_space<vmem>> -> memref<128xi32, #tpu.memory_space<vmem>>
      %dma_wait3A_719 = arith.constant 128 : i32
      %dma_wait3A_720 = tpu.memref_slice %arg19[%dma_wait3A_719] : memref<512xi32, #tpu.memory_space<vmem>> -> memref<128xi32, #tpu.memory_space<vmem>>
      %dma_wait3A_721 = arith.constant 0 : i32
      %dma_wait3A_722 = tpu.memref_slice %arg15[%dma_wait3A_721] : memref<1000000xi32, #tpu.memory_space<hbm>> -> memref<1000000xi32, #tpu.memory_space<hbm>>
      tpu.wait_indirect_dma semaphore(%arg27 : memref<!tpu.dma_semaphore, #tpu.memory_space<semaphore_mem>>) src(%dma_wait3A_722 : memref<1000000xi32, #tpu.memory_space<hbm>>) dst(%dma_wait3A_718 : memref<128xi32, #tpu.memory_space<vmem>>)
      %dma_wait3A_723 = arith.constant 0 : i32
      %dma_wait3A_724 = arith.constant 384 : i32
      %dma_wait3A_725 = tpu.memref_slice %arg21[%dma_wait3A_723, %dma_wait3A_724] : memref<4x512xf32, #tpu.memory_space<vmem>> -> memref<1x128xf32, #tpu.memory_space<vmem>>
      %dma_wait3A_726 = tpu.memref_squeeze %dma_wait3A_725 : memref<1x128xf32, #tpu.memory_space<vmem>> -> memref<128xf32, #tpu.memory_space<vmem>>
      %dma_wait3A_727 = arith.constant 384 : i32
      %dma_wait3A_728 = tpu.memref_slice %arg19[%dma_wait3A_727] : memref<512xi32, #tpu.memory_space<vmem>> -> memref<128xi32, #tpu.memory_space<vmem>>
      %dma_wait3A_729 = arith.constant 0 : i32
      %dma_wait3A_730 = tpu.memref_slice %arg4[%dma_wait3A_729] : memref<1000000xf32, #tpu.memory_space<hbm>> -> memref<1000000xf32, #tpu.memory_space<hbm>>
      tpu.wait_indirect_dma semaphore(%arg27 : memref<!tpu.dma_semaphore, #tpu.memory_space<semaphore_mem>>) src(%dma_wait3A_730 : memref<1000000xf32, #tpu.memory_space<hbm>>) dst(%dma_wait3A_726 : memref<128xf32, #tpu.memory_space<vmem>>)
      %dma_wait3A_731 = arith.constant 1 : i32
      %dma_wait3A_732 = arith.constant 384 : i32
      %dma_wait3A_733 = tpu.memref_slice %arg21[%dma_wait3A_731, %dma_wait3A_732] : memref<4x512xf32, #tpu.memory_space<vmem>> -> memref<1x128xf32, #tpu.memory_space<vmem>>
      %dma_wait3A_734 = tpu.memref_squeeze %dma_wait3A_733 : memref<1x128xf32, #tpu.memory_space<vmem>> -> memref<128xf32, #tpu.memory_space<vmem>>
      %dma_wait3A_735 = arith.constant 384 : i32
      %dma_wait3A_736 = tpu.memref_slice %arg19[%dma_wait3A_735] : memref<512xi32, #tpu.memory_space<vmem>> -> memref<128xi32, #tpu.memory_space<vmem>>
      %dma_wait3A_737 = arith.constant 0 : i32
      %dma_wait3A_738 = tpu.memref_slice %arg5[%dma_wait3A_737] : memref<1000000xf32, #tpu.memory_space<hbm>> -> memref<1000000xf32, #tpu.memory_space<hbm>>
      tpu.wait_indirect_dma semaphore(%arg27 : memref<!tpu.dma_semaphore, #tpu.memory_space<semaphore_mem>>) src(%dma_wait3A_738 : memref<1000000xf32, #tpu.memory_space<hbm>>) dst(%dma_wait3A_734 : memref<128xf32, #tpu.memory_space<vmem>>)
      %dma_wait3A_739 = arith.constant 2 : i32
      %dma_wait3A_740 = arith.constant 384 : i32
      %dma_wait3A_741 = tpu.memref_slice %arg21[%dma_wait3A_739, %dma_wait3A_740] : memref<4x512xf32, #tpu.memory_space<vmem>> -> memref<1x128xf32, #tpu.memory_space<vmem>>
      %dma_wait3A_742 = tpu.memref_squeeze %dma_wait3A_741 : memref<1x128xf32, #tpu.memory_space<vmem>> -> memref<128xf32, #tpu.memory_space<vmem>>
      %dma_wait3A_743 = arith.constant 384 : i32
      %dma_wait3A_744 = tpu.memref_slice %arg19[%dma_wait3A_743] : memref<512xi32, #tpu.memory_space<vmem>> -> memref<128xi32, #tpu.memory_space<vmem>>
      %dma_wait3A_745 = arith.constant 0 : i32
      %dma_wait3A_746 = tpu.memref_slice %arg6[%dma_wait3A_745] : memref<1000000xf32, #tpu.memory_space<hbm>> -> memref<1000000xf32, #tpu.memory_space<hbm>>
      tpu.wait_indirect_dma semaphore(%arg27 : memref<!tpu.dma_semaphore, #tpu.memory_space<semaphore_mem>>) src(%dma_wait3A_746 : memref<1000000xf32, #tpu.memory_space<hbm>>) dst(%dma_wait3A_742 : memref<128xf32, #tpu.memory_space<vmem>>)
      %dma_wait3A_747 = arith.constant 3 : i32
      %dma_wait3A_748 = arith.constant 384 : i32
      %dma_wait3A_749 = tpu.memref_slice %arg21[%dma_wait3A_747, %dma_wait3A_748] : memref<4x512xf32, #tpu.memory_space<vmem>> -> memref<1x128xf32, #tpu.memory_space<vmem>>
      %dma_wait3A_750 = tpu.memref_squeeze %dma_wait3A_749 : memref<1x128xf32, #tpu.memory_space<vmem>> -> memref<128xf32, #tpu.memory_space<vmem>>
      %dma_wait3A_751 = arith.constant 384 : i32
      %dma_wait3A_752 = tpu.memref_slice %arg19[%dma_wait3A_751] : memref<512xi32, #tpu.memory_space<vmem>> -> memref<128xi32, #tpu.memory_space<vmem>>
      %dma_wait3A_753 = arith.constant 0 : i32
      %dma_wait3A_754 = tpu.memref_slice %arg7[%dma_wait3A_753] : memref<1000000xf32, #tpu.memory_space<hbm>> -> memref<1000000xf32, #tpu.memory_space<hbm>>
      tpu.wait_indirect_dma semaphore(%arg27 : memref<!tpu.dma_semaphore, #tpu.memory_space<semaphore_mem>>) src(%dma_wait3A_754 : memref<1000000xf32, #tpu.memory_space<hbm>>) dst(%dma_wait3A_750 : memref<128xf32, #tpu.memory_space<vmem>>)
      %dma_wait3A_755 = arith.constant 0 : i32
      %dma_wait3A_756 = arith.constant 384 : i32
      %dma_wait3A_757 = tpu.memref_slice %arg22[%dma_wait3A_755, %dma_wait3A_756] : memref<8x512xi32, #tpu.memory_space<vmem>> -> memref<1x128xi32, #tpu.memory_space<vmem>>
      %dma_wait3A_758 = tpu.memref_squeeze %dma_wait3A_757 : memref<1x128xi32, #tpu.memory_space<vmem>> -> memref<128xi32, #tpu.memory_space<vmem>>
      %dma_wait3A_759 = arith.constant 384 : i32
      %dma_wait3A_760 = tpu.memref_slice %arg19[%dma_wait3A_759] : memref<512xi32, #tpu.memory_space<vmem>> -> memref<128xi32, #tpu.memory_space<vmem>>
      %dma_wait3A_761 = arith.constant 0 : i32
      %dma_wait3A_762 = tpu.memref_slice %arg8[%dma_wait3A_761] : memref<1000000xi32, #tpu.memory_space<hbm>> -> memref<1000000xi32, #tpu.memory_space<hbm>>
      tpu.wait_indirect_dma semaphore(%arg27 : memref<!tpu.dma_semaphore, #tpu.memory_space<semaphore_mem>>) src(%dma_wait3A_762 : memref<1000000xi32, #tpu.memory_space<hbm>>) dst(%dma_wait3A_758 : memref<128xi32, #tpu.memory_space<vmem>>)
      %dma_wait3A_763 = arith.constant 1 : i32
      %dma_wait3A_764 = arith.constant 384 : i32
      %dma_wait3A_765 = tpu.memref_slice %arg22[%dma_wait3A_763, %dma_wait3A_764] : memref<8x512xi32, #tpu.memory_space<vmem>> -> memref<1x128xi32, #tpu.memory_space<vmem>>
      %dma_wait3A_766 = tpu.memref_squeeze %dma_wait3A_765 : memref<1x128xi32, #tpu.memory_space<vmem>> -> memref<128xi32, #tpu.memory_space<vmem>>
      %dma_wait3A_767 = arith.constant 384 : i32
      %dma_wait3A_768 = tpu.memref_slice %arg19[%dma_wait3A_767] : memref<512xi32, #tpu.memory_space<vmem>> -> memref<128xi32, #tpu.memory_space<vmem>>
      %dma_wait3A_769 = arith.constant 0 : i32
      %dma_wait3A_770 = tpu.memref_slice %arg9[%dma_wait3A_769] : memref<1000000xi32, #tpu.memory_space<hbm>> -> memref<1000000xi32, #tpu.memory_space<hbm>>
      tpu.wait_indirect_dma semaphore(%arg27 : memref<!tpu.dma_semaphore, #tpu.memory_space<semaphore_mem>>) src(%dma_wait3A_770 : memref<1000000xi32, #tpu.memory_space<hbm>>) dst(%dma_wait3A_766 : memref<128xi32, #tpu.memory_space<vmem>>)
      %dma_wait3A_771 = arith.constant 2 : i32
      %dma_wait3A_772 = arith.constant 384 : i32
      %dma_wait3A_773 = tpu.memref_slice %arg22[%dma_wait3A_771, %dma_wait3A_772] : memref<8x512xi32, #tpu.memory_space<vmem>> -> memref<1x128xi32, #tpu.memory_space<vmem>>
      %dma_wait3A_774 = tpu.memref_squeeze %dma_wait3A_773 : memref<1x128xi32, #tpu.memory_space<vmem>> -> memref<128xi32, #tpu.memory_space<vmem>>
      %dma_wait3A_775 = arith.constant 384 : i32
      %dma_wait3A_776 = tpu.memref_slice %arg19[%dma_wait3A_775] : memref<512xi32, #tpu.memory_space<vmem>> -> memref<128xi32, #tpu.memory_space<vmem>>
      %dma_wait3A_777 = arith.constant 0 : i32
      %dma_wait3A_778 = tpu.memref_slice %arg10[%dma_wait3A_777] : memref<1000000xi32, #tpu.memory_space<hbm>> -> memref<1000000xi32, #tpu.memory_space<hbm>>
      tpu.wait_indirect_dma semaphore(%arg27 : memref<!tpu.dma_semaphore, #tpu.memory_space<semaphore_mem>>) src(%dma_wait3A_778 : memref<1000000xi32, #tpu.memory_space<hbm>>) dst(%dma_wait3A_774 : memref<128xi32, #tpu.memory_space<vmem>>)
      %dma_wait3A_779 = arith.constant 3 : i32
      %dma_wait3A_780 = arith.constant 384 : i32
      %dma_wait3A_781 = tpu.memref_slice %arg22[%dma_wait3A_779, %dma_wait3A_780] : memref<8x512xi32, #tpu.memory_space<vmem>> -> memref<1x128xi32, #tpu.memory_space<vmem>>
      %dma_wait3A_782 = tpu.memref_squeeze %dma_wait3A_781 : memref<1x128xi32, #tpu.memory_space<vmem>> -> memref<128xi32, #tpu.memory_space<vmem>>
      %dma_wait3A_783 = arith.constant 384 : i32
      %dma_wait3A_784 = tpu.memref_slice %arg19[%dma_wait3A_783] : memref<512xi32, #tpu.memory_space<vmem>> -> memref<128xi32, #tpu.memory_space<vmem>>
      %dma_wait3A_785 = arith.constant 0 : i32
      %dma_wait3A_786 = tpu.memref_slice %arg11[%dma_wait3A_785] : memref<1000000xi32, #tpu.memory_space<hbm>> -> memref<1000000xi32, #tpu.memory_space<hbm>>
      tpu.wait_indirect_dma semaphore(%arg27 : memref<!tpu.dma_semaphore, #tpu.memory_space<semaphore_mem>>) src(%dma_wait3A_786 : memref<1000000xi32, #tpu.memory_space<hbm>>) dst(%dma_wait3A_782 : memref<128xi32, #tpu.memory_space<vmem>>)
      %dma_wait3A_787 = arith.constant 4 : i32
      %dma_wait3A_788 = arith.constant 384 : i32
      %dma_wait3A_789 = tpu.memref_slice %arg22[%dma_wait3A_787, %dma_wait3A_788] : memref<8x512xi32, #tpu.memory_space<vmem>> -> memref<1x128xi32, #tpu.memory_space<vmem>>
      %dma_wait3A_790 = tpu.memref_squeeze %dma_wait3A_789 : memref<1x128xi32, #tpu.memory_space<vmem>> -> memref<128xi32, #tpu.memory_space<vmem>>
      %dma_wait3A_791 = arith.constant 384 : i32
      %dma_wait3A_792 = tpu.memref_slice %arg19[%dma_wait3A_791] : memref<512xi32, #tpu.memory_space<vmem>> -> memref<128xi32, #tpu.memory_space<vmem>>
      %dma_wait3A_793 = arith.constant 0 : i32
      %dma_wait3A_794 = tpu.memref_slice %arg12[%dma_wait3A_793] : memref<1000000xi32, #tpu.memory_space<hbm>> -> memref<1000000xi32, #tpu.memory_space<hbm>>
      tpu.wait_indirect_dma semaphore(%arg27 : memref<!tpu.dma_semaphore, #tpu.memory_space<semaphore_mem>>) src(%dma_wait3A_794 : memref<1000000xi32, #tpu.memory_space<hbm>>) dst(%dma_wait3A_790 : memref<128xi32, #tpu.memory_space<vmem>>)
      %dma_wait3A_795 = arith.constant 5 : i32
      %dma_wait3A_796 = arith.constant 384 : i32
      %dma_wait3A_797 = tpu.memref_slice %arg22[%dma_wait3A_795, %dma_wait3A_796] : memref<8x512xi32, #tpu.memory_space<vmem>> -> memref<1x128xi32, #tpu.memory_space<vmem>>
      %dma_wait3A_798 = tpu.memref_squeeze %dma_wait3A_797 : memref<1x128xi32, #tpu.memory_space<vmem>> -> memref<128xi32, #tpu.memory_space<vmem>>
      %dma_wait3A_799 = arith.constant 384 : i32
      %dma_wait3A_800 = tpu.memref_slice %arg19[%dma_wait3A_799] : memref<512xi32, #tpu.memory_space<vmem>> -> memref<128xi32, #tpu.memory_space<vmem>>
      %dma_wait3A_801 = arith.constant 0 : i32
      %dma_wait3A_802 = tpu.memref_slice %arg13[%dma_wait3A_801] : memref<1000000xi32, #tpu.memory_space<hbm>> -> memref<1000000xi32, #tpu.memory_space<hbm>>
      tpu.wait_indirect_dma semaphore(%arg27 : memref<!tpu.dma_semaphore, #tpu.memory_space<semaphore_mem>>) src(%dma_wait3A_802 : memref<1000000xi32, #tpu.memory_space<hbm>>) dst(%dma_wait3A_798 : memref<128xi32, #tpu.memory_space<vmem>>)
      %dma_wait3A_803 = arith.constant 6 : i32
      %dma_wait3A_804 = arith.constant 384 : i32
      %dma_wait3A_805 = tpu.memref_slice %arg22[%dma_wait3A_803, %dma_wait3A_804] : memref<8x512xi32, #tpu.memory_space<vmem>> -> memref<1x128xi32, #tpu.memory_space<vmem>>
      %dma_wait3A_806 = tpu.memref_squeeze %dma_wait3A_805 : memref<1x128xi32, #tpu.memory_space<vmem>> -> memref<128xi32, #tpu.memory_space<vmem>>
      %dma_wait3A_807 = arith.constant 384 : i32
      %dma_wait3A_808 = tpu.memref_slice %arg19[%dma_wait3A_807] : memref<512xi32, #tpu.memory_space<vmem>> -> memref<128xi32, #tpu.memory_space<vmem>>
      %dma_wait3A_809 = arith.constant 0 : i32
      %dma_wait3A_810 = tpu.memref_slice %arg14[%dma_wait3A_809] : memref<1000000xi32, #tpu.memory_space<hbm>> -> memref<1000000xi32, #tpu.memory_space<hbm>>
      tpu.wait_indirect_dma semaphore(%arg27 : memref<!tpu.dma_semaphore, #tpu.memory_space<semaphore_mem>>) src(%dma_wait3A_810 : memref<1000000xi32, #tpu.memory_space<hbm>>) dst(%dma_wait3A_806 : memref<128xi32, #tpu.memory_space<vmem>>)
      %dma_wait3A_811 = arith.constant 7 : i32
      %dma_wait3A_812 = arith.constant 384 : i32
      %dma_wait3A_813 = tpu.memref_slice %arg22[%dma_wait3A_811, %dma_wait3A_812] : memref<8x512xi32, #tpu.memory_space<vmem>> -> memref<1x128xi32, #tpu.memory_space<vmem>>
      %dma_wait3A_814 = tpu.memref_squeeze %dma_wait3A_813 : memref<1x128xi32, #tpu.memory_space<vmem>> -> memref<128xi32, #tpu.memory_space<vmem>>
      %dma_wait3A_815 = arith.constant 384 : i32
      %dma_wait3A_816 = tpu.memref_slice %arg19[%dma_wait3A_815] : memref<512xi32, #tpu.memory_space<vmem>> -> memref<128xi32, #tpu.memory_space<vmem>>
      %dma_wait3A_817 = arith.constant 0 : i32
      %dma_wait3A_818 = tpu.memref_slice %arg15[%dma_wait3A_817] : memref<1000000xi32, #tpu.memory_space<hbm>> -> memref<1000000xi32, #tpu.memory_space<hbm>>
      tpu.wait_indirect_dma semaphore(%arg27 : memref<!tpu.dma_semaphore, #tpu.memory_space<semaphore_mem>>) src(%dma_wait3A_818 : memref<1000000xi32, #tpu.memory_space<hbm>>) dst(%dma_wait3A_814 : memref<128xi32, #tpu.memory_space<vmem>>)
      %dma_start3A_819 = arith.constant 0 : i32
      %dma_start3A_820 = arith.constant 0 : i32
      %dma_start3A_821 = arith.constant 0 : i32
      %dma_start3A_822 = tpu.memref_slice %arg23[%dma_start3A_820, %dma_start3A_821] : memref<8x512xi32, #tpu.memory_space<vmem>> -> memref<1x128xi32, #tpu.memory_space<vmem>>
      %dma_start3A_823 = tpu.memref_squeeze %dma_start3A_822 : memref<1x128xi32, #tpu.memory_space<vmem>> -> memref<128xi32, #tpu.memory_space<vmem>>
      %dma_start3A_824 = arith.constant 0 : i32
      %dma_start3A_825 = tpu.memref_slice %arg22[%dma_start3A_819, %dma_start3A_824] : memref<8x512xi32, #tpu.memory_space<vmem>> -> memref<1x128xi32, #tpu.memory_space<vmem>>
      %dma_start3A_826 = tpu.memref_squeeze %dma_start3A_825 : memref<1x128xi32, #tpu.memory_space<vmem>> -> memref<128xi32, #tpu.memory_space<vmem>>
      %dma_start3A_827 = arith.constant 0 : i32
      %dma_start3A_828 = tpu.memref_slice %arg16[%dma_start3A_827] : memref<1000000xi32, #tpu.memory_space<hbm>> -> memref<1000000xi32, #tpu.memory_space<hbm>>
      tpu.enqueue_indirect_dma source(%dma_start3A_828 : memref<1000000xi32, #tpu.memory_space<hbm>>) target(%dma_start3A_823 : memref<128xi32, #tpu.memory_space<vmem>>) offsets(%dma_start3A_826 : memref<128xi32, #tpu.memory_space<vmem>>) semaphore(%arg26 : memref<!tpu.dma_semaphore, #tpu.memory_space<semaphore_mem>>)
      %dma_start3A_829 = arith.constant 0 : i32
      %dma_start3A_830 = arith.constant 0 : i32
      %dma_start3A_831 = arith.constant 0 : i32
      %dma_start3A_832 = tpu.memref_slice %arg24[%dma_start3A_830, %dma_start3A_831] : memref<8x512xi32, #tpu.memory_space<vmem>> -> memref<1x128xi32, #tpu.memory_space<vmem>>
      %dma_start3A_833 = tpu.memref_squeeze %dma_start3A_832 : memref<1x128xi32, #tpu.memory_space<vmem>> -> memref<128xi32, #tpu.memory_space<vmem>>
      %dma_start3A_834 = arith.constant 0 : i32
      %dma_start3A_835 = tpu.memref_slice %arg22[%dma_start3A_829, %dma_start3A_834] : memref<8x512xi32, #tpu.memory_space<vmem>> -> memref<1x128xi32, #tpu.memory_space<vmem>>
      %dma_start3A_836 = tpu.memref_squeeze %dma_start3A_835 : memref<1x128xi32, #tpu.memory_space<vmem>> -> memref<128xi32, #tpu.memory_space<vmem>>
      %dma_start3A_837 = arith.constant 0 : i32
      %dma_start3A_838 = tpu.memref_slice %arg17[%dma_start3A_837] : memref<1000000xi32, #tpu.memory_space<hbm>> -> memref<1000000xi32, #tpu.memory_space<hbm>>
      tpu.enqueue_indirect_dma source(%dma_start3A_838 : memref<1000000xi32, #tpu.memory_space<hbm>>) target(%dma_start3A_833 : memref<128xi32, #tpu.memory_space<vmem>>) offsets(%dma_start3A_836 : memref<128xi32, #tpu.memory_space<vmem>>) semaphore(%arg26 : memref<!tpu.dma_semaphore, #tpu.memory_space<semaphore_mem>>)
      %dma_start3A_839 = arith.constant 0 : i32
      %dma_start3A_840 = arith.constant 0 : i32
      %dma_start3A_841 = arith.constant 128 : i32
      %dma_start3A_842 = tpu.memref_slice %arg23[%dma_start3A_840, %dma_start3A_841] : memref<8x512xi32, #tpu.memory_space<vmem>> -> memref<1x128xi32, #tpu.memory_space<vmem>>
      %dma_start3A_843 = tpu.memref_squeeze %dma_start3A_842 : memref<1x128xi32, #tpu.memory_space<vmem>> -> memref<128xi32, #tpu.memory_space<vmem>>
      %dma_start3A_844 = arith.constant 128 : i32
      %dma_start3A_845 = tpu.memref_slice %arg22[%dma_start3A_839, %dma_start3A_844] : memref<8x512xi32, #tpu.memory_space<vmem>> -> memref<1x128xi32, #tpu.memory_space<vmem>>
      %dma_start3A_846 = tpu.memref_squeeze %dma_start3A_845 : memref<1x128xi32, #tpu.memory_space<vmem>> -> memref<128xi32, #tpu.memory_space<vmem>>
      %dma_start3A_847 = arith.constant 0 : i32
      %dma_start3A_848 = tpu.memref_slice %arg16[%dma_start3A_847] : memref<1000000xi32, #tpu.memory_space<hbm>> -> memref<1000000xi32, #tpu.memory_space<hbm>>
      tpu.enqueue_indirect_dma source(%dma_start3A_848 : memref<1000000xi32, #tpu.memory_space<hbm>>) target(%dma_start3A_843 : memref<128xi32, #tpu.memory_space<vmem>>) offsets(%dma_start3A_846 : memref<128xi32, #tpu.memory_space<vmem>>) semaphore(%arg26 : memref<!tpu.dma_semaphore, #tpu.memory_space<semaphore_mem>>)
      %dma_start3A_849 = arith.constant 0 : i32
      %dma_start3A_850 = arith.constant 0 : i32
      %dma_start3A_851 = arith.constant 128 : i32
      %dma_start3A_852 = tpu.memref_slice %arg24[%dma_start3A_850, %dma_start3A_851] : memref<8x512xi32, #tpu.memory_space<vmem>> -> memref<1x128xi32, #tpu.memory_space<vmem>>
      %dma_start3A_853 = tpu.memref_squeeze %dma_start3A_852 : memref<1x128xi32, #tpu.memory_space<vmem>> -> memref<128xi32, #tpu.memory_space<vmem>>
      %dma_start3A_854 = arith.constant 128 : i32
      %dma_start3A_855 = tpu.memref_slice %arg22[%dma_start3A_849, %dma_start3A_854] : memref<8x512xi32, #tpu.memory_space<vmem>> -> memref<1x128xi32, #tpu.memory_space<vmem>>
      %dma_start3A_856 = tpu.memref_squeeze %dma_start3A_855 : memref<1x128xi32, #tpu.memory_space<vmem>> -> memref<128xi32, #tpu.memory_space<vmem>>
      %dma_start3A_857 = arith.constant 0 : i32
      %dma_start3A_858 = tpu.memref_slice %arg17[%dma_start3A_857] : memref<1000000xi32, #tpu.memory_space<hbm>> -> memref<1000000xi32, #tpu.memory_space<hbm>>
      tpu.enqueue_indirect_dma source(%dma_start3A_858 : memref<1000000xi32, #tpu.memory_space<hbm>>) target(%dma_start3A_853 : memref<128xi32, #tpu.memory_space<vmem>>) offsets(%dma_start3A_856 : memref<128xi32, #tpu.memory_space<vmem>>) semaphore(%arg26 : memref<!tpu.dma_semaphore, #tpu.memory_space<semaphore_mem>>)
      %dma_start3A_859 = arith.constant 0 : i32
      %dma_start3A_860 = arith.constant 0 : i32
      %dma_start3A_861 = arith.constant 256 : i32
      %dma_start3A_862 = tpu.memref_slice %arg23[%dma_start3A_860, %dma_start3A_861] : memref<8x512xi32, #tpu.memory_space<vmem>> -> memref<1x128xi32, #tpu.memory_space<vmem>>
      %dma_start3A_863 = tpu.memref_squeeze %dma_start3A_862 : memref<1x128xi32, #tpu.memory_space<vmem>> -> memref<128xi32, #tpu.memory_space<vmem>>
      %dma_start3A_864 = arith.constant 256 : i32
      %dma_start3A_865 = tpu.memref_slice %arg22[%dma_start3A_859, %dma_start3A_864] : memref<8x512xi32, #tpu.memory_space<vmem>> -> memref<1x128xi32, #tpu.memory_space<vmem>>
      %dma_start3A_866 = tpu.memref_squeeze %dma_start3A_865 : memref<1x128xi32, #tpu.memory_space<vmem>> -> memref<128xi32, #tpu.memory_space<vmem>>
      %dma_start3A_867 = arith.constant 0 : i32
      %dma_start3A_868 = tpu.memref_slice %arg16[%dma_start3A_867] : memref<1000000xi32, #tpu.memory_space<hbm>> -> memref<1000000xi32, #tpu.memory_space<hbm>>
      tpu.enqueue_indirect_dma source(%dma_start3A_868 : memref<1000000xi32, #tpu.memory_space<hbm>>) target(%dma_start3A_863 : memref<128xi32, #tpu.memory_space<vmem>>) offsets(%dma_start3A_866 : memref<128xi32, #tpu.memory_space<vmem>>) semaphore(%arg26 : memref<!tpu.dma_semaphore, #tpu.memory_space<semaphore_mem>>)
      %dma_start3A_869 = arith.constant 0 : i32
      %dma_start3A_870 = arith.constant 0 : i32
      %dma_start3A_871 = arith.constant 256 : i32
      %dma_start3A_872 = tpu.memref_slice %arg24[%dma_start3A_870, %dma_start3A_871] : memref<8x512xi32, #tpu.memory_space<vmem>> -> memref<1x128xi32, #tpu.memory_space<vmem>>
      %dma_start3A_873 = tpu.memref_squeeze %dma_start3A_872 : memref<1x128xi32, #tpu.memory_space<vmem>> -> memref<128xi32, #tpu.memory_space<vmem>>
      %dma_start3A_874 = arith.constant 256 : i32
      %dma_start3A_875 = tpu.memref_slice %arg22[%dma_start3A_869, %dma_start3A_874] : memref<8x512xi32, #tpu.memory_space<vmem>> -> memref<1x128xi32, #tpu.memory_space<vmem>>
      %dma_start3A_876 = tpu.memref_squeeze %dma_start3A_875 : memref<1x128xi32, #tpu.memory_space<vmem>> -> memref<128xi32, #tpu.memory_space<vmem>>
      %dma_start3A_877 = arith.constant 0 : i32
      %dma_start3A_878 = tpu.memref_slice %arg17[%dma_start3A_877] : memref<1000000xi32, #tpu.memory_space<hbm>> -> memref<1000000xi32, #tpu.memory_space<hbm>>
      tpu.enqueue_indirect_dma source(%dma_start3A_878 : memref<1000000xi32, #tpu.memory_space<hbm>>) target(%dma_start3A_873 : memref<128xi32, #tpu.memory_space<vmem>>) offsets(%dma_start3A_876 : memref<128xi32, #tpu.memory_space<vmem>>) semaphore(%arg26 : memref<!tpu.dma_semaphore, #tpu.memory_space<semaphore_mem>>)
      %dma_start3A_879 = arith.constant 0 : i32
      %dma_start3A_880 = arith.constant 0 : i32
      %dma_start3A_881 = arith.constant 384 : i32
      %dma_start3A_882 = tpu.memref_slice %arg23[%dma_start3A_880, %dma_start3A_881] : memref<8x512xi32, #tpu.memory_space<vmem>> -> memref<1x128xi32, #tpu.memory_space<vmem>>
      %dma_start3A_883 = tpu.memref_squeeze %dma_start3A_882 : memref<1x128xi32, #tpu.memory_space<vmem>> -> memref<128xi32, #tpu.memory_space<vmem>>
      %dma_start3A_884 = arith.constant 384 : i32
      %dma_start3A_885 = tpu.memref_slice %arg22[%dma_start3A_879, %dma_start3A_884] : memref<8x512xi32, #tpu.memory_space<vmem>> -> memref<1x128xi32, #tpu.memory_space<vmem>>
      %dma_start3A_886 = tpu.memref_squeeze %dma_start3A_885 : memref<1x128xi32, #tpu.memory_space<vmem>> -> memref<128xi32, #tpu.memory_space<vmem>>
      %dma_start3A_887 = arith.constant 0 : i32
      %dma_start3A_888 = tpu.memref_slice %arg16[%dma_start3A_887] : memref<1000000xi32, #tpu.memory_space<hbm>> -> memref<1000000xi32, #tpu.memory_space<hbm>>
      tpu.enqueue_indirect_dma source(%dma_start3A_888 : memref<1000000xi32, #tpu.memory_space<hbm>>) target(%dma_start3A_883 : memref<128xi32, #tpu.memory_space<vmem>>) offsets(%dma_start3A_886 : memref<128xi32, #tpu.memory_space<vmem>>) semaphore(%arg26 : memref<!tpu.dma_semaphore, #tpu.memory_space<semaphore_mem>>)
      %dma_start3A_889 = arith.constant 0 : i32
      %dma_start3A_890 = arith.constant 0 : i32
      %dma_start3A_891 = arith.constant 384 : i32
      %dma_start3A_892 = tpu.memref_slice %arg24[%dma_start3A_890, %dma_start3A_891] : memref<8x512xi32, #tpu.memory_space<vmem>> -> memref<1x128xi32, #tpu.memory_space<vmem>>
      %dma_start3A_893 = tpu.memref_squeeze %dma_start3A_892 : memref<1x128xi32, #tpu.memory_space<vmem>> -> memref<128xi32, #tpu.memory_space<vmem>>
      %dma_start3A_894 = arith.constant 384 : i32
      %dma_start3A_895 = tpu.memref_slice %arg22[%dma_start3A_889, %dma_start3A_894] : memref<8x512xi32, #tpu.memory_space<vmem>> -> memref<1x128xi32, #tpu.memory_space<vmem>>
      %dma_start3A_896 = tpu.memref_squeeze %dma_start3A_895 : memref<1x128xi32, #tpu.memory_space<vmem>> -> memref<128xi32, #tpu.memory_space<vmem>>
      %dma_start3A_897 = arith.constant 0 : i32
      %dma_start3A_898 = tpu.memref_slice %arg17[%dma_start3A_897] : memref<1000000xi32, #tpu.memory_space<hbm>> -> memref<1000000xi32, #tpu.memory_space<hbm>>
      tpu.enqueue_indirect_dma source(%dma_start3A_898 : memref<1000000xi32, #tpu.memory_space<hbm>>) target(%dma_start3A_893 : memref<128xi32, #tpu.memory_space<vmem>>) offsets(%dma_start3A_896 : memref<128xi32, #tpu.memory_space<vmem>>) semaphore(%arg26 : memref<!tpu.dma_semaphore, #tpu.memory_space<semaphore_mem>>)
      %dma_start3A_899 = arith.constant 1 : i32
      %dma_start3A_900 = arith.constant 1 : i32
      %dma_start3A_901 = arith.constant 0 : i32
      %dma_start3A_902 = tpu.memref_slice %arg23[%dma_start3A_900, %dma_start3A_901] : memref<8x512xi32, #tpu.memory_space<vmem>> -> memref<1x128xi32, #tpu.memory_space<vmem>>
      %dma_start3A_903 = tpu.memref_squeeze %dma_start3A_902 : memref<1x128xi32, #tpu.memory_space<vmem>> -> memref<128xi32, #tpu.memory_space<vmem>>
      %dma_start3A_904 = arith.constant 0 : i32
      %dma_start3A_905 = tpu.memref_slice %arg22[%dma_start3A_899, %dma_start3A_904] : memref<8x512xi32, #tpu.memory_space<vmem>> -> memref<1x128xi32, #tpu.memory_space<vmem>>
      %dma_start3A_906 = tpu.memref_squeeze %dma_start3A_905 : memref<1x128xi32, #tpu.memory_space<vmem>> -> memref<128xi32, #tpu.memory_space<vmem>>
      %dma_start3A_907 = arith.constant 0 : i32
      %dma_start3A_908 = tpu.memref_slice %arg16[%dma_start3A_907] : memref<1000000xi32, #tpu.memory_space<hbm>> -> memref<1000000xi32, #tpu.memory_space<hbm>>
      tpu.enqueue_indirect_dma source(%dma_start3A_908 : memref<1000000xi32, #tpu.memory_space<hbm>>) target(%dma_start3A_903 : memref<128xi32, #tpu.memory_space<vmem>>) offsets(%dma_start3A_906 : memref<128xi32, #tpu.memory_space<vmem>>) semaphore(%arg27 : memref<!tpu.dma_semaphore, #tpu.memory_space<semaphore_mem>>)
      %dma_start3A_909 = arith.constant 1 : i32
      %dma_start3A_910 = arith.constant 1 : i32
      %dma_start3A_911 = arith.constant 0 : i32
      %dma_start3A_912 = tpu.memref_slice %arg24[%dma_start3A_910, %dma_start3A_911] : memref<8x512xi32, #tpu.memory_space<vmem>> -> memref<1x128xi32, #tpu.memory_space<vmem>>
      %dma_start3A_913 = tpu.memref_squeeze %dma_start3A_912 : memref<1x128xi32, #tpu.memory_space<vmem>> -> memref<128xi32, #tpu.memory_space<vmem>>
      %dma_start3A_914 = arith.constant 0 : i32
      %dma_start3A_915 = tpu.memref_slice %arg22[%dma_start3A_909, %dma_start3A_914] : memref<8x512xi32, #tpu.memory_space<vmem>> -> memref<1x128xi32, #tpu.memory_space<vmem>>
      %dma_start3A_916 = tpu.memref_squeeze %dma_start3A_915 : memref<1x128xi32, #tpu.memory_space<vmem>> -> memref<128xi32, #tpu.memory_space<vmem>>
      %dma_start3A_917 = arith.constant 0 : i32
      %dma_start3A_918 = tpu.memref_slice %arg17[%dma_start3A_917] : memref<1000000xi32, #tpu.memory_space<hbm>> -> memref<1000000xi32, #tpu.memory_space<hbm>>
      tpu.enqueue_indirect_dma source(%dma_start3A_918 : memref<1000000xi32, #tpu.memory_space<hbm>>) target(%dma_start3A_913 : memref<128xi32, #tpu.memory_space<vmem>>) offsets(%dma_start3A_916 : memref<128xi32, #tpu.memory_space<vmem>>) semaphore(%arg27 : memref<!tpu.dma_semaphore, #tpu.memory_space<semaphore_mem>>)
      %dma_start3A_919 = arith.constant 1 : i32
      %dma_start3A_920 = arith.constant 1 : i32
      %dma_start3A_921 = arith.constant 128 : i32
      %dma_start3A_922 = tpu.memref_slice %arg23[%dma_start3A_920, %dma_start3A_921] : memref<8x512xi32, #tpu.memory_space<vmem>> -> memref<1x128xi32, #tpu.memory_space<vmem>>
      %dma_start3A_923 = tpu.memref_squeeze %dma_start3A_922 : memref<1x128xi32, #tpu.memory_space<vmem>> -> memref<128xi32, #tpu.memory_space<vmem>>
      %dma_start3A_924 = arith.constant 128 : i32
      %dma_start3A_925 = tpu.memref_slice %arg22[%dma_start3A_919, %dma_start3A_924] : memref<8x512xi32, #tpu.memory_space<vmem>> -> memref<1x128xi32, #tpu.memory_space<vmem>>
      %dma_start3A_926 = tpu.memref_squeeze %dma_start3A_925 : memref<1x128xi32, #tpu.memory_space<vmem>> -> memref<128xi32, #tpu.memory_space<vmem>>
      %dma_start3A_927 = arith.constant 0 : i32
      %dma_start3A_928 = tpu.memref_slice %arg16[%dma_start3A_927] : memref<1000000xi32, #tpu.memory_space<hbm>> -> memref<1000000xi32, #tpu.memory_space<hbm>>
      tpu.enqueue_indirect_dma source(%dma_start3A_928 : memref<1000000xi32, #tpu.memory_space<hbm>>) target(%dma_start3A_923 : memref<128xi32, #tpu.memory_space<vmem>>) offsets(%dma_start3A_926 : memref<128xi32, #tpu.memory_space<vmem>>) semaphore(%arg27 : memref<!tpu.dma_semaphore, #tpu.memory_space<semaphore_mem>>)
      %dma_start3A_929 = arith.constant 1 : i32
      %dma_start3A_930 = arith.constant 1 : i32
      %dma_start3A_931 = arith.constant 128 : i32
      %dma_start3A_932 = tpu.memref_slice %arg24[%dma_start3A_930, %dma_start3A_931] : memref<8x512xi32, #tpu.memory_space<vmem>> -> memref<1x128xi32, #tpu.memory_space<vmem>>
      %dma_start3A_933 = tpu.memref_squeeze %dma_start3A_932 : memref<1x128xi32, #tpu.memory_space<vmem>> -> memref<128xi32, #tpu.memory_space<vmem>>
      %dma_start3A_934 = arith.constant 128 : i32
      %dma_start3A_935 = tpu.memref_slice %arg22[%dma_start3A_929, %dma_start3A_934] : memref<8x512xi32, #tpu.memory_space<vmem>> -> memref<1x128xi32, #tpu.memory_space<vmem>>
      %dma_start3A_936 = tpu.memref_squeeze %dma_start3A_935 : memref<1x128xi32, #tpu.memory_space<vmem>> -> memref<128xi32, #tpu.memory_space<vmem>>
      %dma_start3A_937 = arith.constant 0 : i32
      %dma_start3A_938 = tpu.memref_slice %arg17[%dma_start3A_937] : memref<1000000xi32, #tpu.memory_space<hbm>> -> memref<1000000xi32, #tpu.memory_space<hbm>>
      tpu.enqueue_indirect_dma source(%dma_start3A_938 : memref<1000000xi32, #tpu.memory_space<hbm>>) target(%dma_start3A_933 : memref<128xi32, #tpu.memory_space<vmem>>) offsets(%dma_start3A_936 : memref<128xi32, #tpu.memory_space<vmem>>) semaphore(%arg27 : memref<!tpu.dma_semaphore, #tpu.memory_space<semaphore_mem>>)
      %dma_start3A_939 = arith.constant 1 : i32
      %dma_start3A_940 = arith.constant 1 : i32
      %dma_start3A_941 = arith.constant 256 : i32
      %dma_start3A_942 = tpu.memref_slice %arg23[%dma_start3A_940, %dma_start3A_941] : memref<8x512xi32, #tpu.memory_space<vmem>> -> memref<1x128xi32, #tpu.memory_space<vmem>>
      %dma_start3A_943 = tpu.memref_squeeze %dma_start3A_942 : memref<1x128xi32, #tpu.memory_space<vmem>> -> memref<128xi32, #tpu.memory_space<vmem>>
      %dma_start3A_944 = arith.constant 256 : i32
      %dma_start3A_945 = tpu.memref_slice %arg22[%dma_start3A_939, %dma_start3A_944] : memref<8x512xi32, #tpu.memory_space<vmem>> -> memref<1x128xi32, #tpu.memory_space<vmem>>
      %dma_start3A_946 = tpu.memref_squeeze %dma_start3A_945 : memref<1x128xi32, #tpu.memory_space<vmem>> -> memref<128xi32, #tpu.memory_space<vmem>>
      %dma_start3A_947 = arith.constant 0 : i32
      %dma_start3A_948 = tpu.memref_slice %arg16[%dma_start3A_947] : memref<1000000xi32, #tpu.memory_space<hbm>> -> memref<1000000xi32, #tpu.memory_space<hbm>>
      tpu.enqueue_indirect_dma source(%dma_start3A_948 : memref<1000000xi32, #tpu.memory_space<hbm>>) target(%dma_start3A_943 : memref<128xi32, #tpu.memory_space<vmem>>) offsets(%dma_start3A_946 : memref<128xi32, #tpu.memory_space<vmem>>) semaphore(%arg27 : memref<!tpu.dma_semaphore, #tpu.memory_space<semaphore_mem>>)
      %dma_start3A_949 = arith.constant 1 : i32
      %dma_start3A_950 = arith.constant 1 : i32
      %dma_start3A_951 = arith.constant 256 : i32
      %dma_start3A_952 = tpu.memref_slice %arg24[%dma_start3A_950, %dma_start3A_951] : memref<8x512xi32, #tpu.memory_space<vmem>> -> memref<1x128xi32, #tpu.memory_space<vmem>>
      %dma_start3A_953 = tpu.memref_squeeze %dma_start3A_952 : memref<1x128xi32, #tpu.memory_space<vmem>> -> memref<128xi32, #tpu.memory_space<vmem>>
      %dma_start3A_954 = arith.constant 256 : i32
      %dma_start3A_955 = tpu.memref_slice %arg22[%dma_start3A_949, %dma_start3A_954] : memref<8x512xi32, #tpu.memory_space<vmem>> -> memref<1x128xi32, #tpu.memory_space<vmem>>
      %dma_start3A_956 = tpu.memref_squeeze %dma_start3A_955 : memref<1x128xi32, #tpu.memory_space<vmem>> -> memref<128xi32, #tpu.memory_space<vmem>>
      %dma_start3A_957 = arith.constant 0 : i32
      %dma_start3A_958 = tpu.memref_slice %arg17[%dma_start3A_957] : memref<1000000xi32, #tpu.memory_space<hbm>> -> memref<1000000xi32, #tpu.memory_space<hbm>>
      tpu.enqueue_indirect_dma source(%dma_start3A_958 : memref<1000000xi32, #tpu.memory_space<hbm>>) target(%dma_start3A_953 : memref<128xi32, #tpu.memory_space<vmem>>) offsets(%dma_start3A_956 : memref<128xi32, #tpu.memory_space<vmem>>) semaphore(%arg27 : memref<!tpu.dma_semaphore, #tpu.memory_space<semaphore_mem>>)
      %dma_start3A_959 = arith.constant 1 : i32
      %dma_start3A_960 = arith.constant 1 : i32
      %dma_start3A_961 = arith.constant 384 : i32
      %dma_start3A_962 = tpu.memref_slice %arg23[%dma_start3A_960, %dma_start3A_961] : memref<8x512xi32, #tpu.memory_space<vmem>> -> memref<1x128xi32, #tpu.memory_space<vmem>>
      %dma_start3A_963 = tpu.memref_squeeze %dma_start3A_962 : memref<1x128xi32, #tpu.memory_space<vmem>> -> memref<128xi32, #tpu.memory_space<vmem>>
      %dma_start3A_964 = arith.constant 384 : i32
      %dma_start3A_965 = tpu.memref_slice %arg22[%dma_start3A_959, %dma_start3A_964] : memref<8x512xi32, #tpu.memory_space<vmem>> -> memref<1x128xi32, #tpu.memory_space<vmem>>
      %dma_start3A_966 = tpu.memref_squeeze %dma_start3A_965 : memref<1x128xi32, #tpu.memory_space<vmem>> -> memref<128xi32, #tpu.memory_space<vmem>>
      %dma_start3A_967 = arith.constant 0 : i32
      %dma_start3A_968 = tpu.memref_slice %arg16[%dma_start3A_967] : memref<1000000xi32, #tpu.memory_space<hbm>> -> memref<1000000xi32, #tpu.memory_space<hbm>>
      tpu.enqueue_indirect_dma source(%dma_start3A_968 : memref<1000000xi32, #tpu.memory_space<hbm>>) target(%dma_start3A_963 : memref<128xi32, #tpu.memory_space<vmem>>) offsets(%dma_start3A_966 : memref<128xi32, #tpu.memory_space<vmem>>) semaphore(%arg27 : memref<!tpu.dma_semaphore, #tpu.memory_space<semaphore_mem>>)
      %dma_start3A_969 = arith.constant 1 : i32
      %dma_start3A_970 = arith.constant 1 : i32
      %dma_start3A_971 = arith.constant 384 : i32
      %dma_start3A_972 = tpu.memref_slice %arg24[%dma_start3A_970, %dma_start3A_971] : memref<8x512xi32, #tpu.memory_space<vmem>> -> memref<1x128xi32, #tpu.memory_space<vmem>>
      %dma_start3A_973 = tpu.memref_squeeze %dma_start3A_972 : memref<1x128xi32, #tpu.memory_space<vmem>> -> memref<128xi32, #tpu.memory_space<vmem>>
      %dma_start3A_974 = arith.constant 384 : i32
      %dma_start3A_975 = tpu.memref_slice %arg22[%dma_start3A_969, %dma_start3A_974] : memref<8x512xi32, #tpu.memory_space<vmem>> -> memref<1x128xi32, #tpu.memory_space<vmem>>
      %dma_start3A_976 = tpu.memref_squeeze %dma_start3A_975 : memref<1x128xi32, #tpu.memory_space<vmem>> -> memref<128xi32, #tpu.memory_space<vmem>>
      %dma_start3A_977 = arith.constant 0 : i32
      %dma_start3A_978 = tpu.memref_slice %arg17[%dma_start3A_977] : memref<1000000xi32, #tpu.memory_space<hbm>> -> memref<1000000xi32, #tpu.memory_space<hbm>>
      tpu.enqueue_indirect_dma source(%dma_start3A_978 : memref<1000000xi32, #tpu.memory_space<hbm>>) target(%dma_start3A_973 : memref<128xi32, #tpu.memory_space<vmem>>) offsets(%dma_start3A_976 : memref<128xi32, #tpu.memory_space<vmem>>) semaphore(%arg27 : memref<!tpu.dma_semaphore, #tpu.memory_space<semaphore_mem>>)
      %dma_wait3A_979 = arith.constant 0 : i32
      %dma_wait3A_980 = arith.constant 0 : i32
      %dma_wait3A_981 = arith.constant 0 : i32
      %dma_wait3A_982 = tpu.memref_slice %arg23[%dma_wait3A_980, %dma_wait3A_981] : memref<8x512xi32, #tpu.memory_space<vmem>> -> memref<1x128xi32, #tpu.memory_space<vmem>>
      %dma_wait3A_983 = tpu.memref_squeeze %dma_wait3A_982 : memref<1x128xi32, #tpu.memory_space<vmem>> -> memref<128xi32, #tpu.memory_space<vmem>>
      %dma_wait3A_984 = arith.constant 0 : i32
      %dma_wait3A_985 = tpu.memref_slice %arg22[%dma_wait3A_979, %dma_wait3A_984] : memref<8x512xi32, #tpu.memory_space<vmem>> -> memref<1x128xi32, #tpu.memory_space<vmem>>
      %dma_wait3A_986 = tpu.memref_squeeze %dma_wait3A_985 : memref<1x128xi32, #tpu.memory_space<vmem>> -> memref<128xi32, #tpu.memory_space<vmem>>
      %dma_wait3A_987 = arith.constant 0 : i32
      %dma_wait3A_988 = tpu.memref_slice %arg16[%dma_wait3A_987] : memref<1000000xi32, #tpu.memory_space<hbm>> -> memref<1000000xi32, #tpu.memory_space<hbm>>
      tpu.wait_indirect_dma semaphore(%arg26 : memref<!tpu.dma_semaphore, #tpu.memory_space<semaphore_mem>>) src(%dma_wait3A_988 : memref<1000000xi32, #tpu.memory_space<hbm>>) dst(%dma_wait3A_983 : memref<128xi32, #tpu.memory_space<vmem>>)
      %dma_wait3A_989 = arith.constant 0 : i32
      %dma_wait3A_990 = arith.constant 0 : i32
      %dma_wait3A_991 = arith.constant 0 : i32
      %dma_wait3A_992 = tpu.memref_slice %arg24[%dma_wait3A_990, %dma_wait3A_991] : memref<8x512xi32, #tpu.memory_space<vmem>> -> memref<1x128xi32, #tpu.memory_space<vmem>>
      %dma_wait3A_993 = tpu.memref_squeeze %dma_wait3A_992 : memref<1x128xi32, #tpu.memory_space<vmem>> -> memref<128xi32, #tpu.memory_space<vmem>>
      %dma_wait3A_994 = arith.constant 0 : i32
      %dma_wait3A_995 = tpu.memref_slice %arg22[%dma_wait3A_989, %dma_wait3A_994] : memref<8x512xi32, #tpu.memory_space<vmem>> -> memref<1x128xi32, #tpu.memory_space<vmem>>
      %dma_wait3A_996 = tpu.memref_squeeze %dma_wait3A_995 : memref<1x128xi32, #tpu.memory_space<vmem>> -> memref<128xi32, #tpu.memory_space<vmem>>
      %dma_wait3A_997 = arith.constant 0 : i32
      %dma_wait3A_998 = tpu.memref_slice %arg17[%dma_wait3A_997] : memref<1000000xi32, #tpu.memory_space<hbm>> -> memref<1000000xi32, #tpu.memory_space<hbm>>
      tpu.wait_indirect_dma semaphore(%arg26 : memref<!tpu.dma_semaphore, #tpu.memory_space<semaphore_mem>>) src(%dma_wait3A_998 : memref<1000000xi32, #tpu.memory_space<hbm>>) dst(%dma_wait3A_993 : memref<128xi32, #tpu.memory_space<vmem>>)
      %dma_wait3A_999 = arith.constant 0 : i32
      %dma_wait3A_1000 = arith.constant 0 : i32
      %dma_wait3A_1001 = arith.constant 128 : i32
      %dma_wait3A_1002 = tpu.memref_slice %arg23[%dma_wait3A_1000, %dma_wait3A_1001] : memref<8x512xi32, #tpu.memory_space<vmem>> -> memref<1x128xi32, #tpu.memory_space<vmem>>
      %dma_wait3A_1003 = tpu.memref_squeeze %dma_wait3A_1002 : memref<1x128xi32, #tpu.memory_space<vmem>> -> memref<128xi32, #tpu.memory_space<vmem>>
      %dma_wait3A_1004 = arith.constant 128 : i32
      %dma_wait3A_1005 = tpu.memref_slice %arg22[%dma_wait3A_999, %dma_wait3A_1004] : memref<8x512xi32, #tpu.memory_space<vmem>> -> memref<1x128xi32, #tpu.memory_space<vmem>>
      %dma_wait3A_1006 = tpu.memref_squeeze %dma_wait3A_1005 : memref<1x128xi32, #tpu.memory_space<vmem>> -> memref<128xi32, #tpu.memory_space<vmem>>
      %dma_wait3A_1007 = arith.constant 0 : i32
      %dma_wait3A_1008 = tpu.memref_slice %arg16[%dma_wait3A_1007] : memref<1000000xi32, #tpu.memory_space<hbm>> -> memref<1000000xi32, #tpu.memory_space<hbm>>
      tpu.wait_indirect_dma semaphore(%arg26 : memref<!tpu.dma_semaphore, #tpu.memory_space<semaphore_mem>>) src(%dma_wait3A_1008 : memref<1000000xi32, #tpu.memory_space<hbm>>) dst(%dma_wait3A_1003 : memref<128xi32, #tpu.memory_space<vmem>>)
      %dma_wait3A_1009 = arith.constant 0 : i32
      %dma_wait3A_1010 = arith.constant 0 : i32
      %dma_wait3A_1011 = arith.constant 128 : i32
      %dma_wait3A_1012 = tpu.memref_slice %arg24[%dma_wait3A_1010, %dma_wait3A_1011] : memref<8x512xi32, #tpu.memory_space<vmem>> -> memref<1x128xi32, #tpu.memory_space<vmem>>
      %dma_wait3A_1013 = tpu.memref_squeeze %dma_wait3A_1012 : memref<1x128xi32, #tpu.memory_space<vmem>> -> memref<128xi32, #tpu.memory_space<vmem>>
      %dma_wait3A_1014 = arith.constant 128 : i32
      %dma_wait3A_1015 = tpu.memref_slice %arg22[%dma_wait3A_1009, %dma_wait3A_1014] : memref<8x512xi32, #tpu.memory_space<vmem>> -> memref<1x128xi32, #tpu.memory_space<vmem>>
      %dma_wait3A_1016 = tpu.memref_squeeze %dma_wait3A_1015 : memref<1x128xi32, #tpu.memory_space<vmem>> -> memref<128xi32, #tpu.memory_space<vmem>>
      %dma_wait3A_1017 = arith.constant 0 : i32
      %dma_wait3A_1018 = tpu.memref_slice %arg17[%dma_wait3A_1017] : memref<1000000xi32, #tpu.memory_space<hbm>> -> memref<1000000xi32, #tpu.memory_space<hbm>>
      tpu.wait_indirect_dma semaphore(%arg26 : memref<!tpu.dma_semaphore, #tpu.memory_space<semaphore_mem>>) src(%dma_wait3A_1018 : memref<1000000xi32, #tpu.memory_space<hbm>>) dst(%dma_wait3A_1013 : memref<128xi32, #tpu.memory_space<vmem>>)
      %dma_wait3A_1019 = arith.constant 0 : i32
      %dma_wait3A_1020 = arith.constant 0 : i32
      %dma_wait3A_1021 = arith.constant 256 : i32
      %dma_wait3A_1022 = tpu.memref_slice %arg23[%dma_wait3A_1020, %dma_wait3A_1021] : memref<8x512xi32, #tpu.memory_space<vmem>> -> memref<1x128xi32, #tpu.memory_space<vmem>>
      %dma_wait3A_1023 = tpu.memref_squeeze %dma_wait3A_1022 : memref<1x128xi32, #tpu.memory_space<vmem>> -> memref<128xi32, #tpu.memory_space<vmem>>
      %dma_wait3A_1024 = arith.constant 256 : i32
      %dma_wait3A_1025 = tpu.memref_slice %arg22[%dma_wait3A_1019, %dma_wait3A_1024] : memref<8x512xi32, #tpu.memory_space<vmem>> -> memref<1x128xi32, #tpu.memory_space<vmem>>
      %dma_wait3A_1026 = tpu.memref_squeeze %dma_wait3A_1025 : memref<1x128xi32, #tpu.memory_space<vmem>> -> memref<128xi32, #tpu.memory_space<vmem>>
      %dma_wait3A_1027 = arith.constant 0 : i32
      %dma_wait3A_1028 = tpu.memref_slice %arg16[%dma_wait3A_1027] : memref<1000000xi32, #tpu.memory_space<hbm>> -> memref<1000000xi32, #tpu.memory_space<hbm>>
      tpu.wait_indirect_dma semaphore(%arg26 : memref<!tpu.dma_semaphore, #tpu.memory_space<semaphore_mem>>) src(%dma_wait3A_1028 : memref<1000000xi32, #tpu.memory_space<hbm>>) dst(%dma_wait3A_1023 : memref<128xi32, #tpu.memory_space<vmem>>)
      %dma_wait3A_1029 = arith.constant 0 : i32
      %dma_wait3A_1030 = arith.constant 0 : i32
      %dma_wait3A_1031 = arith.constant 256 : i32
      %dma_wait3A_1032 = tpu.memref_slice %arg24[%dma_wait3A_1030, %dma_wait3A_1031] : memref<8x512xi32, #tpu.memory_space<vmem>> -> memref<1x128xi32, #tpu.memory_space<vmem>>
      %dma_wait3A_1033 = tpu.memref_squeeze %dma_wait3A_1032 : memref<1x128xi32, #tpu.memory_space<vmem>> -> memref<128xi32, #tpu.memory_space<vmem>>
      %dma_wait3A_1034 = arith.constant 256 : i32
      %dma_wait3A_1035 = tpu.memref_slice %arg22[%dma_wait3A_1029, %dma_wait3A_1034] : memref<8x512xi32, #tpu.memory_space<vmem>> -> memref<1x128xi32, #tpu.memory_space<vmem>>
      %dma_wait3A_1036 = tpu.memref_squeeze %dma_wait3A_1035 : memref<1x128xi32, #tpu.memory_space<vmem>> -> memref<128xi32, #tpu.memory_space<vmem>>
      %dma_wait3A_1037 = arith.constant 0 : i32
      %dma_wait3A_1038 = tpu.memref_slice %arg17[%dma_wait3A_1037] : memref<1000000xi32, #tpu.memory_space<hbm>> -> memref<1000000xi32, #tpu.memory_space<hbm>>
      tpu.wait_indirect_dma semaphore(%arg26 : memref<!tpu.dma_semaphore, #tpu.memory_space<semaphore_mem>>) src(%dma_wait3A_1038 : memref<1000000xi32, #tpu.memory_space<hbm>>) dst(%dma_wait3A_1033 : memref<128xi32, #tpu.memory_space<vmem>>)
      %dma_wait3A_1039 = arith.constant 0 : i32
      %dma_wait3A_1040 = arith.constant 0 : i32
      %dma_wait3A_1041 = arith.constant 384 : i32
      %dma_wait3A_1042 = tpu.memref_slice %arg23[%dma_wait3A_1040, %dma_wait3A_1041] : memref<8x512xi32, #tpu.memory_space<vmem>> -> memref<1x128xi32, #tpu.memory_space<vmem>>
      %dma_wait3A_1043 = tpu.memref_squeeze %dma_wait3A_1042 : memref<1x128xi32, #tpu.memory_space<vmem>> -> memref<128xi32, #tpu.memory_space<vmem>>
      %dma_wait3A_1044 = arith.constant 384 : i32
      %dma_wait3A_1045 = tpu.memref_slice %arg22[%dma_wait3A_1039, %dma_wait3A_1044] : memref<8x512xi32, #tpu.memory_space<vmem>> -> memref<1x128xi32, #tpu.memory_space<vmem>>
      %dma_wait3A_1046 = tpu.memref_squeeze %dma_wait3A_1045 : memref<1x128xi32, #tpu.memory_space<vmem>> -> memref<128xi32, #tpu.memory_space<vmem>>
      %dma_wait3A_1047 = arith.constant 0 : i32
      %dma_wait3A_1048 = tpu.memref_slice %arg16[%dma_wait3A_1047] : memref<1000000xi32, #tpu.memory_space<hbm>> -> memref<1000000xi32, #tpu.memory_space<hbm>>
      tpu.wait_indirect_dma semaphore(%arg26 : memref<!tpu.dma_semaphore, #tpu.memory_space<semaphore_mem>>) src(%dma_wait3A_1048 : memref<1000000xi32, #tpu.memory_space<hbm>>) dst(%dma_wait3A_1043 : memref<128xi32, #tpu.memory_space<vmem>>)
      %dma_wait3A_1049 = arith.constant 0 : i32
      %dma_wait3A_1050 = arith.constant 0 : i32
      %dma_wait3A_1051 = arith.constant 384 : i32
      %dma_wait3A_1052 = tpu.memref_slice %arg24[%dma_wait3A_1050, %dma_wait3A_1051] : memref<8x512xi32, #tpu.memory_space<vmem>> -> memref<1x128xi32, #tpu.memory_space<vmem>>
      %dma_wait3A_1053 = tpu.memref_squeeze %dma_wait3A_1052 : memref<1x128xi32, #tpu.memory_space<vmem>> -> memref<128xi32, #tpu.memory_space<vmem>>
      %dma_wait3A_1054 = arith.constant 384 : i32
      %dma_wait3A_1055 = tpu.memref_slice %arg22[%dma_wait3A_1049, %dma_wait3A_1054] : memref<8x512xi32, #tpu.memory_space<vmem>> -> memref<1x128xi32, #tpu.memory_space<vmem>>
      %dma_wait3A_1056 = tpu.memref_squeeze %dma_wait3A_1055 : memref<1x128xi32, #tpu.memory_space<vmem>> -> memref<128xi32, #tpu.memory_space<vmem>>
      %dma_wait3A_1057 = arith.constant 0 : i32
      %dma_wait3A_1058 = tpu.memref_slice %arg17[%dma_wait3A_1057] : memref<1000000xi32, #tpu.memory_space<hbm>> -> memref<1000000xi32, #tpu.memory_space<hbm>>
      tpu.wait_indirect_dma semaphore(%arg26 : memref<!tpu.dma_semaphore, #tpu.memory_space<semaphore_mem>>) src(%dma_wait3A_1058 : memref<1000000xi32, #tpu.memory_space<hbm>>) dst(%dma_wait3A_1053 : memref<128xi32, #tpu.memory_space<vmem>>)
      %dma_start3A_1059 = arith.constant 2 : i32
      %dma_start3A_1060 = arith.constant 2 : i32
      %dma_start3A_1061 = arith.constant 0 : i32
      %dma_start3A_1062 = tpu.memref_slice %arg23[%dma_start3A_1060, %dma_start3A_1061] : memref<8x512xi32, #tpu.memory_space<vmem>> -> memref<1x128xi32, #tpu.memory_space<vmem>>
      %dma_start3A_1063 = tpu.memref_squeeze %dma_start3A_1062 : memref<1x128xi32, #tpu.memory_space<vmem>> -> memref<128xi32, #tpu.memory_space<vmem>>
      %dma_start3A_1064 = arith.constant 0 : i32
      %dma_start3A_1065 = tpu.memref_slice %arg22[%dma_start3A_1059, %dma_start3A_1064] : memref<8x512xi32, #tpu.memory_space<vmem>> -> memref<1x128xi32, #tpu.memory_space<vmem>>
      %dma_start3A_1066 = tpu.memref_squeeze %dma_start3A_1065 : memref<1x128xi32, #tpu.memory_space<vmem>> -> memref<128xi32, #tpu.memory_space<vmem>>
      %dma_start3A_1067 = arith.constant 0 : i32
      %dma_start3A_1068 = tpu.memref_slice %arg16[%dma_start3A_1067] : memref<1000000xi32, #tpu.memory_space<hbm>> -> memref<1000000xi32, #tpu.memory_space<hbm>>
      tpu.enqueue_indirect_dma source(%dma_start3A_1068 : memref<1000000xi32, #tpu.memory_space<hbm>>) target(%dma_start3A_1063 : memref<128xi32, #tpu.memory_space<vmem>>) offsets(%dma_start3A_1066 : memref<128xi32, #tpu.memory_space<vmem>>) semaphore(%arg26 : memref<!tpu.dma_semaphore, #tpu.memory_space<semaphore_mem>>)
      %dma_start3A_1069 = arith.constant 2 : i32
      %dma_start3A_1070 = arith.constant 2 : i32
      %dma_start3A_1071 = arith.constant 0 : i32
      %dma_start3A_1072 = tpu.memref_slice %arg24[%dma_start3A_1070, %dma_start3A_1071] : memref<8x512xi32, #tpu.memory_space<vmem>> -> memref<1x128xi32, #tpu.memory_space<vmem>>
      %dma_start3A_1073 = tpu.memref_squeeze %dma_start3A_1072 : memref<1x128xi32, #tpu.memory_space<vmem>> -> memref<128xi32, #tpu.memory_space<vmem>>
      %dma_start3A_1074 = arith.constant 0 : i32
      %dma_start3A_1075 = tpu.memref_slice %arg22[%dma_start3A_1069, %dma_start3A_1074] : memref<8x512xi32, #tpu.memory_space<vmem>> -> memref<1x128xi32, #tpu.memory_space<vmem>>
      %dma_start3A_1076 = tpu.memref_squeeze %dma_start3A_1075 : memref<1x128xi32, #tpu.memory_space<vmem>> -> memref<128xi32, #tpu.memory_space<vmem>>
      %dma_start3A_1077 = arith.constant 0 : i32
      %dma_start3A_1078 = tpu.memref_slice %arg17[%dma_start3A_1077] : memref<1000000xi32, #tpu.memory_space<hbm>> -> memref<1000000xi32, #tpu.memory_space<hbm>>
      tpu.enqueue_indirect_dma source(%dma_start3A_1078 : memref<1000000xi32, #tpu.memory_space<hbm>>) target(%dma_start3A_1073 : memref<128xi32, #tpu.memory_space<vmem>>) offsets(%dma_start3A_1076 : memref<128xi32, #tpu.memory_space<vmem>>) semaphore(%arg26 : memref<!tpu.dma_semaphore, #tpu.memory_space<semaphore_mem>>)
      %dma_start3A_1079 = arith.constant 2 : i32
      %dma_start3A_1080 = arith.constant 2 : i32
      %dma_start3A_1081 = arith.constant 128 : i32
      %dma_start3A_1082 = tpu.memref_slice %arg23[%dma_start3A_1080, %dma_start3A_1081] : memref<8x512xi32, #tpu.memory_space<vmem>> -> memref<1x128xi32, #tpu.memory_space<vmem>>
      %dma_start3A_1083 = tpu.memref_squeeze %dma_start3A_1082 : memref<1x128xi32, #tpu.memory_space<vmem>> -> memref<128xi32, #tpu.memory_space<vmem>>
      %dma_start3A_1084 = arith.constant 128 : i32
      %dma_start3A_1085 = tpu.memref_slice %arg22[%dma_start3A_1079, %dma_start3A_1084] : memref<8x512xi32, #tpu.memory_space<vmem>> -> memref<1x128xi32, #tpu.memory_space<vmem>>
      %dma_start3A_1086 = tpu.memref_squeeze %dma_start3A_1085 : memref<1x128xi32, #tpu.memory_space<vmem>> -> memref<128xi32, #tpu.memory_space<vmem>>
      %dma_start3A_1087 = arith.constant 0 : i32
      %dma_start3A_1088 = tpu.memref_slice %arg16[%dma_start3A_1087] : memref<1000000xi32, #tpu.memory_space<hbm>> -> memref<1000000xi32, #tpu.memory_space<hbm>>
      tpu.enqueue_indirect_dma source(%dma_start3A_1088 : memref<1000000xi32, #tpu.memory_space<hbm>>) target(%dma_start3A_1083 : memref<128xi32, #tpu.memory_space<vmem>>) offsets(%dma_start3A_1086 : memref<128xi32, #tpu.memory_space<vmem>>) semaphore(%arg26 : memref<!tpu.dma_semaphore, #tpu.memory_space<semaphore_mem>>)
      %dma_start3A_1089 = arith.constant 2 : i32
      %dma_start3A_1090 = arith.constant 2 : i32
      %dma_start3A_1091 = arith.constant 128 : i32
      %dma_start3A_1092 = tpu.memref_slice %arg24[%dma_start3A_1090, %dma_start3A_1091] : memref<8x512xi32, #tpu.memory_space<vmem>> -> memref<1x128xi32, #tpu.memory_space<vmem>>
      %dma_start3A_1093 = tpu.memref_squeeze %dma_start3A_1092 : memref<1x128xi32, #tpu.memory_space<vmem>> -> memref<128xi32, #tpu.memory_space<vmem>>
      %dma_start3A_1094 = arith.constant 128 : i32
      %dma_start3A_1095 = tpu.memref_slice %arg22[%dma_start3A_1089, %dma_start3A_1094] : memref<8x512xi32, #tpu.memory_space<vmem>> -> memref<1x128xi32, #tpu.memory_space<vmem>>
      %dma_start3A_1096 = tpu.memref_squeeze %dma_start3A_1095 : memref<1x128xi32, #tpu.memory_space<vmem>> -> memref<128xi32, #tpu.memory_space<vmem>>
      %dma_start3A_1097 = arith.constant 0 : i32
      %dma_start3A_1098 = tpu.memref_slice %arg17[%dma_start3A_1097] : memref<1000000xi32, #tpu.memory_space<hbm>> -> memref<1000000xi32, #tpu.memory_space<hbm>>
      tpu.enqueue_indirect_dma source(%dma_start3A_1098 : memref<1000000xi32, #tpu.memory_space<hbm>>) target(%dma_start3A_1093 : memref<128xi32, #tpu.memory_space<vmem>>) offsets(%dma_start3A_1096 : memref<128xi32, #tpu.memory_space<vmem>>) semaphore(%arg26 : memref<!tpu.dma_semaphore, #tpu.memory_space<semaphore_mem>>)
      %dma_start3A_1099 = arith.constant 2 : i32
      %dma_start3A_1100 = arith.constant 2 : i32
      %dma_start3A_1101 = arith.constant 256 : i32
      %dma_start3A_1102 = tpu.memref_slice %arg23[%dma_start3A_1100, %dma_start3A_1101] : memref<8x512xi32, #tpu.memory_space<vmem>> -> memref<1x128xi32, #tpu.memory_space<vmem>>
      %dma_start3A_1103 = tpu.memref_squeeze %dma_start3A_1102 : memref<1x128xi32, #tpu.memory_space<vmem>> -> memref<128xi32, #tpu.memory_space<vmem>>
      %dma_start3A_1104 = arith.constant 256 : i32
      %dma_start3A_1105 = tpu.memref_slice %arg22[%dma_start3A_1099, %dma_start3A_1104] : memref<8x512xi32, #tpu.memory_space<vmem>> -> memref<1x128xi32, #tpu.memory_space<vmem>>
      %dma_start3A_1106 = tpu.memref_squeeze %dma_start3A_1105 : memref<1x128xi32, #tpu.memory_space<vmem>> -> memref<128xi32, #tpu.memory_space<vmem>>
      %dma_start3A_1107 = arith.constant 0 : i32
      %dma_start3A_1108 = tpu.memref_slice %arg16[%dma_start3A_1107] : memref<1000000xi32, #tpu.memory_space<hbm>> -> memref<1000000xi32, #tpu.memory_space<hbm>>
      tpu.enqueue_indirect_dma source(%dma_start3A_1108 : memref<1000000xi32, #tpu.memory_space<hbm>>) target(%dma_start3A_1103 : memref<128xi32, #tpu.memory_space<vmem>>) offsets(%dma_start3A_1106 : memref<128xi32, #tpu.memory_space<vmem>>) semaphore(%arg26 : memref<!tpu.dma_semaphore, #tpu.memory_space<semaphore_mem>>)
      %dma_start3A_1109 = arith.constant 2 : i32
      %dma_start3A_1110 = arith.constant 2 : i32
      %dma_start3A_1111 = arith.constant 256 : i32
      %dma_start3A_1112 = tpu.memref_slice %arg24[%dma_start3A_1110, %dma_start3A_1111] : memref<8x512xi32, #tpu.memory_space<vmem>> -> memref<1x128xi32, #tpu.memory_space<vmem>>
      %dma_start3A_1113 = tpu.memref_squeeze %dma_start3A_1112 : memref<1x128xi32, #tpu.memory_space<vmem>> -> memref<128xi32, #tpu.memory_space<vmem>>
      %dma_start3A_1114 = arith.constant 256 : i32
      %dma_start3A_1115 = tpu.memref_slice %arg22[%dma_start3A_1109, %dma_start3A_1114] : memref<8x512xi32, #tpu.memory_space<vmem>> -> memref<1x128xi32, #tpu.memory_space<vmem>>
      %dma_start3A_1116 = tpu.memref_squeeze %dma_start3A_1115 : memref<1x128xi32, #tpu.memory_space<vmem>> -> memref<128xi32, #tpu.memory_space<vmem>>
      %dma_start3A_1117 = arith.constant 0 : i32
      %dma_start3A_1118 = tpu.memref_slice %arg17[%dma_start3A_1117] : memref<1000000xi32, #tpu.memory_space<hbm>> -> memref<1000000xi32, #tpu.memory_space<hbm>>
      tpu.enqueue_indirect_dma source(%dma_start3A_1118 : memref<1000000xi32, #tpu.memory_space<hbm>>) target(%dma_start3A_1113 : memref<128xi32, #tpu.memory_space<vmem>>) offsets(%dma_start3A_1116 : memref<128xi32, #tpu.memory_space<vmem>>) semaphore(%arg26 : memref<!tpu.dma_semaphore, #tpu.memory_space<semaphore_mem>>)
      %dma_start3A_1119 = arith.constant 2 : i32
      %dma_start3A_1120 = arith.constant 2 : i32
      %dma_start3A_1121 = arith.constant 384 : i32
      %dma_start3A_1122 = tpu.memref_slice %arg23[%dma_start3A_1120, %dma_start3A_1121] : memref<8x512xi32, #tpu.memory_space<vmem>> -> memref<1x128xi32, #tpu.memory_space<vmem>>
      %dma_start3A_1123 = tpu.memref_squeeze %dma_start3A_1122 : memref<1x128xi32, #tpu.memory_space<vmem>> -> memref<128xi32, #tpu.memory_space<vmem>>
      %dma_start3A_1124 = arith.constant 384 : i32
      %dma_start3A_1125 = tpu.memref_slice %arg22[%dma_start3A_1119, %dma_start3A_1124] : memref<8x512xi32, #tpu.memory_space<vmem>> -> memref<1x128xi32, #tpu.memory_space<vmem>>
      %dma_start3A_1126 = tpu.memref_squeeze %dma_start3A_1125 : memref<1x128xi32, #tpu.memory_space<vmem>> -> memref<128xi32, #tpu.memory_space<vmem>>
      %dma_start3A_1127 = arith.constant 0 : i32
      %dma_start3A_1128 = tpu.memref_slice %arg16[%dma_start3A_1127] : memref<1000000xi32, #tpu.memory_space<hbm>> -> memref<1000000xi32, #tpu.memory_space<hbm>>
      tpu.enqueue_indirect_dma source(%dma_start3A_1128 : memref<1000000xi32, #tpu.memory_space<hbm>>) target(%dma_start3A_1123 : memref<128xi32, #tpu.memory_space<vmem>>) offsets(%dma_start3A_1126 : memref<128xi32, #tpu.memory_space<vmem>>) semaphore(%arg26 : memref<!tpu.dma_semaphore, #tpu.memory_space<semaphore_mem>>)
      %dma_start3A_1129 = arith.constant 2 : i32
      %dma_start3A_1130 = arith.constant 2 : i32
      %dma_start3A_1131 = arith.constant 384 : i32
      %dma_start3A_1132 = tpu.memref_slice %arg24[%dma_start3A_1130, %dma_start3A_1131] : memref<8x512xi32, #tpu.memory_space<vmem>> -> memref<1x128xi32, #tpu.memory_space<vmem>>
      %dma_start3A_1133 = tpu.memref_squeeze %dma_start3A_1132 : memref<1x128xi32, #tpu.memory_space<vmem>> -> memref<128xi32, #tpu.memory_space<vmem>>
      %dma_start3A_1134 = arith.constant 384 : i32
      %dma_start3A_1135 = tpu.memref_slice %arg22[%dma_start3A_1129, %dma_start3A_1134] : memref<8x512xi32, #tpu.memory_space<vmem>> -> memref<1x128xi32, #tpu.memory_space<vmem>>
      %dma_start3A_1136 = tpu.memref_squeeze %dma_start3A_1135 : memref<1x128xi32, #tpu.memory_space<vmem>> -> memref<128xi32, #tpu.memory_space<vmem>>
      %dma_start3A_1137 = arith.constant 0 : i32
      %dma_start3A_1138 = tpu.memref_slice %arg17[%dma_start3A_1137] : memref<1000000xi32, #tpu.memory_space<hbm>> -> memref<1000000xi32, #tpu.memory_space<hbm>>
      tpu.enqueue_indirect_dma source(%dma_start3A_1138 : memref<1000000xi32, #tpu.memory_space<hbm>>) target(%dma_start3A_1133 : memref<128xi32, #tpu.memory_space<vmem>>) offsets(%dma_start3A_1136 : memref<128xi32, #tpu.memory_space<vmem>>) semaphore(%arg26 : memref<!tpu.dma_semaphore, #tpu.memory_space<semaphore_mem>>)
      %dma_start3A_1139 = arith.constant 3 : i32
      %dma_start3A_1140 = arith.constant 3 : i32
      %dma_start3A_1141 = arith.constant 0 : i32
      %dma_start3A_1142 = tpu.memref_slice %arg23[%dma_start3A_1140, %dma_start3A_1141] : memref<8x512xi32, #tpu.memory_space<vmem>> -> memref<1x128xi32, #tpu.memory_space<vmem>>
      %dma_start3A_1143 = tpu.memref_squeeze %dma_start3A_1142 : memref<1x128xi32, #tpu.memory_space<vmem>> -> memref<128xi32, #tpu.memory_space<vmem>>
      %dma_start3A_1144 = arith.constant 0 : i32
      %dma_start3A_1145 = tpu.memref_slice %arg22[%dma_start3A_1139, %dma_start3A_1144] : memref<8x512xi32, #tpu.memory_space<vmem>> -> memref<1x128xi32, #tpu.memory_space<vmem>>
      %dma_start3A_1146 = tpu.memref_squeeze %dma_start3A_1145 : memref<1x128xi32, #tpu.memory_space<vmem>> -> memref<128xi32, #tpu.memory_space<vmem>>
      %dma_start3A_1147 = arith.constant 0 : i32
      %dma_start3A_1148 = tpu.memref_slice %arg16[%dma_start3A_1147] : memref<1000000xi32, #tpu.memory_space<hbm>> -> memref<1000000xi32, #tpu.memory_space<hbm>>
      tpu.enqueue_indirect_dma source(%dma_start3A_1148 : memref<1000000xi32, #tpu.memory_space<hbm>>) target(%dma_start3A_1143 : memref<128xi32, #tpu.memory_space<vmem>>) offsets(%dma_start3A_1146 : memref<128xi32, #tpu.memory_space<vmem>>) semaphore(%arg27 : memref<!tpu.dma_semaphore, #tpu.memory_space<semaphore_mem>>)
      %dma_start3A_1149 = arith.constant 3 : i32
      %dma_start3A_1150 = arith.constant 3 : i32
      %dma_start3A_1151 = arith.constant 0 : i32
      %dma_start3A_1152 = tpu.memref_slice %arg24[%dma_start3A_1150, %dma_start3A_1151] : memref<8x512xi32, #tpu.memory_space<vmem>> -> memref<1x128xi32, #tpu.memory_space<vmem>>
      %dma_start3A_1153 = tpu.memref_squeeze %dma_start3A_1152 : memref<1x128xi32, #tpu.memory_space<vmem>> -> memref<128xi32, #tpu.memory_space<vmem>>
      %dma_start3A_1154 = arith.constant 0 : i32
      %dma_start3A_1155 = tpu.memref_slice %arg22[%dma_start3A_1149, %dma_start3A_1154] : memref<8x512xi32, #tpu.memory_space<vmem>> -> memref<1x128xi32, #tpu.memory_space<vmem>>
      %dma_start3A_1156 = tpu.memref_squeeze %dma_start3A_1155 : memref<1x128xi32, #tpu.memory_space<vmem>> -> memref<128xi32, #tpu.memory_space<vmem>>
      %dma_start3A_1157 = arith.constant 0 : i32
      %dma_start3A_1158 = tpu.memref_slice %arg17[%dma_start3A_1157] : memref<1000000xi32, #tpu.memory_space<hbm>> -> memref<1000000xi32, #tpu.memory_space<hbm>>
      tpu.enqueue_indirect_dma source(%dma_start3A_1158 : memref<1000000xi32, #tpu.memory_space<hbm>>) target(%dma_start3A_1153 : memref<128xi32, #tpu.memory_space<vmem>>) offsets(%dma_start3A_1156 : memref<128xi32, #tpu.memory_space<vmem>>) semaphore(%arg27 : memref<!tpu.dma_semaphore, #tpu.memory_space<semaphore_mem>>)
      %dma_start3A_1159 = arith.constant 3 : i32
      %dma_start3A_1160 = arith.constant 3 : i32
      %dma_start3A_1161 = arith.constant 128 : i32
      %dma_start3A_1162 = tpu.memref_slice %arg23[%dma_start3A_1160, %dma_start3A_1161] : memref<8x512xi32, #tpu.memory_space<vmem>> -> memref<1x128xi32, #tpu.memory_space<vmem>>
      %dma_start3A_1163 = tpu.memref_squeeze %dma_start3A_1162 : memref<1x128xi32, #tpu.memory_space<vmem>> -> memref<128xi32, #tpu.memory_space<vmem>>
      %dma_start3A_1164 = arith.constant 128 : i32
      %dma_start3A_1165 = tpu.memref_slice %arg22[%dma_start3A_1159, %dma_start3A_1164] : memref<8x512xi32, #tpu.memory_space<vmem>> -> memref<1x128xi32, #tpu.memory_space<vmem>>
      %dma_start3A_1166 = tpu.memref_squeeze %dma_start3A_1165 : memref<1x128xi32, #tpu.memory_space<vmem>> -> memref<128xi32, #tpu.memory_space<vmem>>
      %dma_start3A_1167 = arith.constant 0 : i32
      %dma_start3A_1168 = tpu.memref_slice %arg16[%dma_start3A_1167] : memref<1000000xi32, #tpu.memory_space<hbm>> -> memref<1000000xi32, #tpu.memory_space<hbm>>
      tpu.enqueue_indirect_dma source(%dma_start3A_1168 : memref<1000000xi32, #tpu.memory_space<hbm>>) target(%dma_start3A_1163 : memref<128xi32, #tpu.memory_space<vmem>>) offsets(%dma_start3A_1166 : memref<128xi32, #tpu.memory_space<vmem>>) semaphore(%arg27 : memref<!tpu.dma_semaphore, #tpu.memory_space<semaphore_mem>>)
      %dma_start3A_1169 = arith.constant 3 : i32
      %dma_start3A_1170 = arith.constant 3 : i32
      %dma_start3A_1171 = arith.constant 128 : i32
      %dma_start3A_1172 = tpu.memref_slice %arg24[%dma_start3A_1170, %dma_start3A_1171] : memref<8x512xi32, #tpu.memory_space<vmem>> -> memref<1x128xi32, #tpu.memory_space<vmem>>
      %dma_start3A_1173 = tpu.memref_squeeze %dma_start3A_1172 : memref<1x128xi32, #tpu.memory_space<vmem>> -> memref<128xi32, #tpu.memory_space<vmem>>
      %dma_start3A_1174 = arith.constant 128 : i32
      %dma_start3A_1175 = tpu.memref_slice %arg22[%dma_start3A_1169, %dma_start3A_1174] : memref<8x512xi32, #tpu.memory_space<vmem>> -> memref<1x128xi32, #tpu.memory_space<vmem>>
      %dma_start3A_1176 = tpu.memref_squeeze %dma_start3A_1175 : memref<1x128xi32, #tpu.memory_space<vmem>> -> memref<128xi32, #tpu.memory_space<vmem>>
      %dma_start3A_1177 = arith.constant 0 : i32
      %dma_start3A_1178 = tpu.memref_slice %arg17[%dma_start3A_1177] : memref<1000000xi32, #tpu.memory_space<hbm>> -> memref<1000000xi32, #tpu.memory_space<hbm>>
      tpu.enqueue_indirect_dma source(%dma_start3A_1178 : memref<1000000xi32, #tpu.memory_space<hbm>>) target(%dma_start3A_1173 : memref<128xi32, #tpu.memory_space<vmem>>) offsets(%dma_start3A_1176 : memref<128xi32, #tpu.memory_space<vmem>>) semaphore(%arg27 : memref<!tpu.dma_semaphore, #tpu.memory_space<semaphore_mem>>)
      %dma_start3A_1179 = arith.constant 3 : i32
      %dma_start3A_1180 = arith.constant 3 : i32
      %dma_start3A_1181 = arith.constant 256 : i32
      %dma_start3A_1182 = tpu.memref_slice %arg23[%dma_start3A_1180, %dma_start3A_1181] : memref<8x512xi32, #tpu.memory_space<vmem>> -> memref<1x128xi32, #tpu.memory_space<vmem>>
      %dma_start3A_1183 = tpu.memref_squeeze %dma_start3A_1182 : memref<1x128xi32, #tpu.memory_space<vmem>> -> memref<128xi32, #tpu.memory_space<vmem>>
      %dma_start3A_1184 = arith.constant 256 : i32
      %dma_start3A_1185 = tpu.memref_slice %arg22[%dma_start3A_1179, %dma_start3A_1184] : memref<8x512xi32, #tpu.memory_space<vmem>> -> memref<1x128xi32, #tpu.memory_space<vmem>>
      %dma_start3A_1186 = tpu.memref_squeeze %dma_start3A_1185 : memref<1x128xi32, #tpu.memory_space<vmem>> -> memref<128xi32, #tpu.memory_space<vmem>>
      %dma_start3A_1187 = arith.constant 0 : i32
      %dma_start3A_1188 = tpu.memref_slice %arg16[%dma_start3A_1187] : memref<1000000xi32, #tpu.memory_space<hbm>> -> memref<1000000xi32, #tpu.memory_space<hbm>>
      tpu.enqueue_indirect_dma source(%dma_start3A_1188 : memref<1000000xi32, #tpu.memory_space<hbm>>) target(%dma_start3A_1183 : memref<128xi32, #tpu.memory_space<vmem>>) offsets(%dma_start3A_1186 : memref<128xi32, #tpu.memory_space<vmem>>) semaphore(%arg27 : memref<!tpu.dma_semaphore, #tpu.memory_space<semaphore_mem>>)
      %dma_start3A_1189 = arith.constant 3 : i32
      %dma_start3A_1190 = arith.constant 3 : i32
      %dma_start3A_1191 = arith.constant 256 : i32
      %dma_start3A_1192 = tpu.memref_slice %arg24[%dma_start3A_1190, %dma_start3A_1191] : memref<8x512xi32, #tpu.memory_space<vmem>> -> memref<1x128xi32, #tpu.memory_space<vmem>>
      %dma_start3A_1193 = tpu.memref_squeeze %dma_start3A_1192 : memref<1x128xi32, #tpu.memory_space<vmem>> -> memref<128xi32, #tpu.memory_space<vmem>>
      %dma_start3A_1194 = arith.constant 256 : i32
      %dma_start3A_1195 = tpu.memref_slice %arg22[%dma_start3A_1189, %dma_start3A_1194] : memref<8x512xi32, #tpu.memory_space<vmem>> -> memref<1x128xi32, #tpu.memory_space<vmem>>
      %dma_start3A_1196 = tpu.memref_squeeze %dma_start3A_1195 : memref<1x128xi32, #tpu.memory_space<vmem>> -> memref<128xi32, #tpu.memory_space<vmem>>
      %dma_start3A_1197 = arith.constant 0 : i32
      %dma_start3A_1198 = tpu.memref_slice %arg17[%dma_start3A_1197] : memref<1000000xi32, #tpu.memory_space<hbm>> -> memref<1000000xi32, #tpu.memory_space<hbm>>
      tpu.enqueue_indirect_dma source(%dma_start3A_1198 : memref<1000000xi32, #tpu.memory_space<hbm>>) target(%dma_start3A_1193 : memref<128xi32, #tpu.memory_space<vmem>>) offsets(%dma_start3A_1196 : memref<128xi32, #tpu.memory_space<vmem>>) semaphore(%arg27 : memref<!tpu.dma_semaphore, #tpu.memory_space<semaphore_mem>>)
      %dma_start3A_1199 = arith.constant 3 : i32
      %dma_start3A_1200 = arith.constant 3 : i32
      %dma_start3A_1201 = arith.constant 384 : i32
      %dma_start3A_1202 = tpu.memref_slice %arg23[%dma_start3A_1200, %dma_start3A_1201] : memref<8x512xi32, #tpu.memory_space<vmem>> -> memref<1x128xi32, #tpu.memory_space<vmem>>
      %dma_start3A_1203 = tpu.memref_squeeze %dma_start3A_1202 : memref<1x128xi32, #tpu.memory_space<vmem>> -> memref<128xi32, #tpu.memory_space<vmem>>
      %dma_start3A_1204 = arith.constant 384 : i32
      %dma_start3A_1205 = tpu.memref_slice %arg22[%dma_start3A_1199, %dma_start3A_1204] : memref<8x512xi32, #tpu.memory_space<vmem>> -> memref<1x128xi32, #tpu.memory_space<vmem>>
      %dma_start3A_1206 = tpu.memref_squeeze %dma_start3A_1205 : memref<1x128xi32, #tpu.memory_space<vmem>> -> memref<128xi32, #tpu.memory_space<vmem>>
      %dma_start3A_1207 = arith.constant 0 : i32
      %dma_start3A_1208 = tpu.memref_slice %arg16[%dma_start3A_1207] : memref<1000000xi32, #tpu.memory_space<hbm>> -> memref<1000000xi32, #tpu.memory_space<hbm>>
      tpu.enqueue_indirect_dma source(%dma_start3A_1208 : memref<1000000xi32, #tpu.memory_space<hbm>>) target(%dma_start3A_1203 : memref<128xi32, #tpu.memory_space<vmem>>) offsets(%dma_start3A_1206 : memref<128xi32, #tpu.memory_space<vmem>>) semaphore(%arg27 : memref<!tpu.dma_semaphore, #tpu.memory_space<semaphore_mem>>)
      %dma_start3A_1209 = arith.constant 3 : i32
      %dma_start3A_1210 = arith.constant 3 : i32
      %dma_start3A_1211 = arith.constant 384 : i32
      %dma_start3A_1212 = tpu.memref_slice %arg24[%dma_start3A_1210, %dma_start3A_1211] : memref<8x512xi32, #tpu.memory_space<vmem>> -> memref<1x128xi32, #tpu.memory_space<vmem>>
      %dma_start3A_1213 = tpu.memref_squeeze %dma_start3A_1212 : memref<1x128xi32, #tpu.memory_space<vmem>> -> memref<128xi32, #tpu.memory_space<vmem>>
      %dma_start3A_1214 = arith.constant 384 : i32
      %dma_start3A_1215 = tpu.memref_slice %arg22[%dma_start3A_1209, %dma_start3A_1214] : memref<8x512xi32, #tpu.memory_space<vmem>> -> memref<1x128xi32, #tpu.memory_space<vmem>>
      %dma_start3A_1216 = tpu.memref_squeeze %dma_start3A_1215 : memref<1x128xi32, #tpu.memory_space<vmem>> -> memref<128xi32, #tpu.memory_space<vmem>>
      %dma_start3A_1217 = arith.constant 0 : i32
      %dma_start3A_1218 = tpu.memref_slice %arg17[%dma_start3A_1217] : memref<1000000xi32, #tpu.memory_space<hbm>> -> memref<1000000xi32, #tpu.memory_space<hbm>>
      tpu.enqueue_indirect_dma source(%dma_start3A_1218 : memref<1000000xi32, #tpu.memory_space<hbm>>) target(%dma_start3A_1213 : memref<128xi32, #tpu.memory_space<vmem>>) offsets(%dma_start3A_1216 : memref<128xi32, #tpu.memory_space<vmem>>) semaphore(%arg27 : memref<!tpu.dma_semaphore, #tpu.memory_space<semaphore_mem>>)
      %dma_wait3A_1219 = arith.constant 2 : i32
      %dma_wait3A_1220 = arith.constant 2 : i32
      %dma_wait3A_1221 = arith.constant 0 : i32
      %dma_wait3A_1222 = tpu.memref_slice %arg23[%dma_wait3A_1220, %dma_wait3A_1221] : memref<8x512xi32, #tpu.memory_space<vmem>> -> memref<1x128xi32, #tpu.memory_space<vmem>>
      %dma_wait3A_1223 = tpu.memref_squeeze %dma_wait3A_1222 : memref<1x128xi32, #tpu.memory_space<vmem>> -> memref<128xi32, #tpu.memory_space<vmem>>
      %dma_wait3A_1224 = arith.constant 0 : i32
      %dma_wait3A_1225 = tpu.memref_slice %arg22[%dma_wait3A_1219, %dma_wait3A_1224] : memref<8x512xi32, #tpu.memory_space<vmem>> -> memref<1x128xi32, #tpu.memory_space<vmem>>
      %dma_wait3A_1226 = tpu.memref_squeeze %dma_wait3A_1225 : memref<1x128xi32, #tpu.memory_space<vmem>> -> memref<128xi32, #tpu.memory_space<vmem>>
      %dma_wait3A_1227 = arith.constant 0 : i32
      %dma_wait3A_1228 = tpu.memref_slice %arg16[%dma_wait3A_1227] : memref<1000000xi32, #tpu.memory_space<hbm>> -> memref<1000000xi32, #tpu.memory_space<hbm>>
      tpu.wait_indirect_dma semaphore(%arg26 : memref<!tpu.dma_semaphore, #tpu.memory_space<semaphore_mem>>) src(%dma_wait3A_1228 : memref<1000000xi32, #tpu.memory_space<hbm>>) dst(%dma_wait3A_1223 : memref<128xi32, #tpu.memory_space<vmem>>)
      %dma_wait3A_1229 = arith.constant 2 : i32
      %dma_wait3A_1230 = arith.constant 2 : i32
      %dma_wait3A_1231 = arith.constant 0 : i32
      %dma_wait3A_1232 = tpu.memref_slice %arg24[%dma_wait3A_1230, %dma_wait3A_1231] : memref<8x512xi32, #tpu.memory_space<vmem>> -> memref<1x128xi32, #tpu.memory_space<vmem>>
      %dma_wait3A_1233 = tpu.memref_squeeze %dma_wait3A_1232 : memref<1x128xi32, #tpu.memory_space<vmem>> -> memref<128xi32, #tpu.memory_space<vmem>>
      %dma_wait3A_1234 = arith.constant 0 : i32
      %dma_wait3A_1235 = tpu.memref_slice %arg22[%dma_wait3A_1229, %dma_wait3A_1234] : memref<8x512xi32, #tpu.memory_space<vmem>> -> memref<1x128xi32, #tpu.memory_space<vmem>>
      %dma_wait3A_1236 = tpu.memref_squeeze %dma_wait3A_1235 : memref<1x128xi32, #tpu.memory_space<vmem>> -> memref<128xi32, #tpu.memory_space<vmem>>
      %dma_wait3A_1237 = arith.constant 0 : i32
      %dma_wait3A_1238 = tpu.memref_slice %arg17[%dma_wait3A_1237] : memref<1000000xi32, #tpu.memory_space<hbm>> -> memref<1000000xi32, #tpu.memory_space<hbm>>
      tpu.wait_indirect_dma semaphore(%arg26 : memref<!tpu.dma_semaphore, #tpu.memory_space<semaphore_mem>>) src(%dma_wait3A_1238 : memref<1000000xi32, #tpu.memory_space<hbm>>) dst(%dma_wait3A_1233 : memref<128xi32, #tpu.memory_space<vmem>>)
      %dma_wait3A_1239 = arith.constant 2 : i32
      %dma_wait3A_1240 = arith.constant 2 : i32
      %dma_wait3A_1241 = arith.constant 128 : i32
      %dma_wait3A_1242 = tpu.memref_slice %arg23[%dma_wait3A_1240, %dma_wait3A_1241] : memref<8x512xi32, #tpu.memory_space<vmem>> -> memref<1x128xi32, #tpu.memory_space<vmem>>
      %dma_wait3A_1243 = tpu.memref_squeeze %dma_wait3A_1242 : memref<1x128xi32, #tpu.memory_space<vmem>> -> memref<128xi32, #tpu.memory_space<vmem>>
      %dma_wait3A_1244 = arith.constant 128 : i32
      %dma_wait3A_1245 = tpu.memref_slice %arg22[%dma_wait3A_1239, %dma_wait3A_1244] : memref<8x512xi32, #tpu.memory_space<vmem>> -> memref<1x128xi32, #tpu.memory_space<vmem>>
      %dma_wait3A_1246 = tpu.memref_squeeze %dma_wait3A_1245 : memref<1x128xi32, #tpu.memory_space<vmem>> -> memref<128xi32, #tpu.memory_space<vmem>>
      %dma_wait3A_1247 = arith.constant 0 : i32
      %dma_wait3A_1248 = tpu.memref_slice %arg16[%dma_wait3A_1247] : memref<1000000xi32, #tpu.memory_space<hbm>> -> memref<1000000xi32, #tpu.memory_space<hbm>>
      tpu.wait_indirect_dma semaphore(%arg26 : memref<!tpu.dma_semaphore, #tpu.memory_space<semaphore_mem>>) src(%dma_wait3A_1248 : memref<1000000xi32, #tpu.memory_space<hbm>>) dst(%dma_wait3A_1243 : memref<128xi32, #tpu.memory_space<vmem>>)
      %dma_wait3A_1249 = arith.constant 2 : i32
      %dma_wait3A_1250 = arith.constant 2 : i32
      %dma_wait3A_1251 = arith.constant 128 : i32
      %dma_wait3A_1252 = tpu.memref_slice %arg24[%dma_wait3A_1250, %dma_wait3A_1251] : memref<8x512xi32, #tpu.memory_space<vmem>> -> memref<1x128xi32, #tpu.memory_space<vmem>>
      %dma_wait3A_1253 = tpu.memref_squeeze %dma_wait3A_1252 : memref<1x128xi32, #tpu.memory_space<vmem>> -> memref<128xi32, #tpu.memory_space<vmem>>
      %dma_wait3A_1254 = arith.constant 128 : i32
      %dma_wait3A_1255 = tpu.memref_slice %arg22[%dma_wait3A_1249, %dma_wait3A_1254] : memref<8x512xi32, #tpu.memory_space<vmem>> -> memref<1x128xi32, #tpu.memory_space<vmem>>
      %dma_wait3A_1256 = tpu.memref_squeeze %dma_wait3A_1255 : memref<1x128xi32, #tpu.memory_space<vmem>> -> memref<128xi32, #tpu.memory_space<vmem>>
      %dma_wait3A_1257 = arith.constant 0 : i32
      %dma_wait3A_1258 = tpu.memref_slice %arg17[%dma_wait3A_1257] : memref<1000000xi32, #tpu.memory_space<hbm>> -> memref<1000000xi32, #tpu.memory_space<hbm>>
      tpu.wait_indirect_dma semaphore(%arg26 : memref<!tpu.dma_semaphore, #tpu.memory_space<semaphore_mem>>) src(%dma_wait3A_1258 : memref<1000000xi32, #tpu.memory_space<hbm>>) dst(%dma_wait3A_1253 : memref<128xi32, #tpu.memory_space<vmem>>)
      %dma_wait3A_1259 = arith.constant 2 : i32
      %dma_wait3A_1260 = arith.constant 2 : i32
      %dma_wait3A_1261 = arith.constant 256 : i32
      %dma_wait3A_1262 = tpu.memref_slice %arg23[%dma_wait3A_1260, %dma_wait3A_1261] : memref<8x512xi32, #tpu.memory_space<vmem>> -> memref<1x128xi32, #tpu.memory_space<vmem>>
      %dma_wait3A_1263 = tpu.memref_squeeze %dma_wait3A_1262 : memref<1x128xi32, #tpu.memory_space<vmem>> -> memref<128xi32, #tpu.memory_space<vmem>>
      %dma_wait3A_1264 = arith.constant 256 : i32
      %dma_wait3A_1265 = tpu.memref_slice %arg22[%dma_wait3A_1259, %dma_wait3A_1264] : memref<8x512xi32, #tpu.memory_space<vmem>> -> memref<1x128xi32, #tpu.memory_space<vmem>>
      %dma_wait3A_1266 = tpu.memref_squeeze %dma_wait3A_1265 : memref<1x128xi32, #tpu.memory_space<vmem>> -> memref<128xi32, #tpu.memory_space<vmem>>
      %dma_wait3A_1267 = arith.constant 0 : i32
      %dma_wait3A_1268 = tpu.memref_slice %arg16[%dma_wait3A_1267] : memref<1000000xi32, #tpu.memory_space<hbm>> -> memref<1000000xi32, #tpu.memory_space<hbm>>
      tpu.wait_indirect_dma semaphore(%arg26 : memref<!tpu.dma_semaphore, #tpu.memory_space<semaphore_mem>>) src(%dma_wait3A_1268 : memref<1000000xi32, #tpu.memory_space<hbm>>) dst(%dma_wait3A_1263 : memref<128xi32, #tpu.memory_space<vmem>>)
      %dma_wait3A_1269 = arith.constant 2 : i32
      %dma_wait3A_1270 = arith.constant 2 : i32
      %dma_wait3A_1271 = arith.constant 256 : i32
      %dma_wait3A_1272 = tpu.memref_slice %arg24[%dma_wait3A_1270, %dma_wait3A_1271] : memref<8x512xi32, #tpu.memory_space<vmem>> -> memref<1x128xi32, #tpu.memory_space<vmem>>
      %dma_wait3A_1273 = tpu.memref_squeeze %dma_wait3A_1272 : memref<1x128xi32, #tpu.memory_space<vmem>> -> memref<128xi32, #tpu.memory_space<vmem>>
      %dma_wait3A_1274 = arith.constant 256 : i32
      %dma_wait3A_1275 = tpu.memref_slice %arg22[%dma_wait3A_1269, %dma_wait3A_1274] : memref<8x512xi32, #tpu.memory_space<vmem>> -> memref<1x128xi32, #tpu.memory_space<vmem>>
      %dma_wait3A_1276 = tpu.memref_squeeze %dma_wait3A_1275 : memref<1x128xi32, #tpu.memory_space<vmem>> -> memref<128xi32, #tpu.memory_space<vmem>>
      %dma_wait3A_1277 = arith.constant 0 : i32
      %dma_wait3A_1278 = tpu.memref_slice %arg17[%dma_wait3A_1277] : memref<1000000xi32, #tpu.memory_space<hbm>> -> memref<1000000xi32, #tpu.memory_space<hbm>>
      tpu.wait_indirect_dma semaphore(%arg26 : memref<!tpu.dma_semaphore, #tpu.memory_space<semaphore_mem>>) src(%dma_wait3A_1278 : memref<1000000xi32, #tpu.memory_space<hbm>>) dst(%dma_wait3A_1273 : memref<128xi32, #tpu.memory_space<vmem>>)
      %dma_wait3A_1279 = arith.constant 2 : i32
      %dma_wait3A_1280 = arith.constant 2 : i32
      %dma_wait3A_1281 = arith.constant 384 : i32
      %dma_wait3A_1282 = tpu.memref_slice %arg23[%dma_wait3A_1280, %dma_wait3A_1281] : memref<8x512xi32, #tpu.memory_space<vmem>> -> memref<1x128xi32, #tpu.memory_space<vmem>>
      %dma_wait3A_1283 = tpu.memref_squeeze %dma_wait3A_1282 : memref<1x128xi32, #tpu.memory_space<vmem>> -> memref<128xi32, #tpu.memory_space<vmem>>
      %dma_wait3A_1284 = arith.constant 384 : i32
      %dma_wait3A_1285 = tpu.memref_slice %arg22[%dma_wait3A_1279, %dma_wait3A_1284] : memref<8x512xi32, #tpu.memory_space<vmem>> -> memref<1x128xi32, #tpu.memory_space<vmem>>
      %dma_wait3A_1286 = tpu.memref_squeeze %dma_wait3A_1285 : memref<1x128xi32, #tpu.memory_space<vmem>> -> memref<128xi32, #tpu.memory_space<vmem>>
      %dma_wait3A_1287 = arith.constant 0 : i32
      %dma_wait3A_1288 = tpu.memref_slice %arg16[%dma_wait3A_1287] : memref<1000000xi32, #tpu.memory_space<hbm>> -> memref<1000000xi32, #tpu.memory_space<hbm>>
      tpu.wait_indirect_dma semaphore(%arg26 : memref<!tpu.dma_semaphore, #tpu.memory_space<semaphore_mem>>) src(%dma_wait3A_1288 : memref<1000000xi32, #tpu.memory_space<hbm>>) dst(%dma_wait3A_1283 : memref<128xi32, #tpu.memory_space<vmem>>)
      %dma_wait3A_1289 = arith.constant 2 : i32
      %dma_wait3A_1290 = arith.constant 2 : i32
      %dma_wait3A_1291 = arith.constant 384 : i32
      %dma_wait3A_1292 = tpu.memref_slice %arg24[%dma_wait3A_1290, %dma_wait3A_1291] : memref<8x512xi32, #tpu.memory_space<vmem>> -> memref<1x128xi32, #tpu.memory_space<vmem>>
      %dma_wait3A_1293 = tpu.memref_squeeze %dma_wait3A_1292 : memref<1x128xi32, #tpu.memory_space<vmem>> -> memref<128xi32, #tpu.memory_space<vmem>>
      %dma_wait3A_1294 = arith.constant 384 : i32
      %dma_wait3A_1295 = tpu.memref_slice %arg22[%dma_wait3A_1289, %dma_wait3A_1294] : memref<8x512xi32, #tpu.memory_space<vmem>> -> memref<1x128xi32, #tpu.memory_space<vmem>>
      %dma_wait3A_1296 = tpu.memref_squeeze %dma_wait3A_1295 : memref<1x128xi32, #tpu.memory_space<vmem>> -> memref<128xi32, #tpu.memory_space<vmem>>
      %dma_wait3A_1297 = arith.constant 0 : i32
      %dma_wait3A_1298 = tpu.memref_slice %arg17[%dma_wait3A_1297] : memref<1000000xi32, #tpu.memory_space<hbm>> -> memref<1000000xi32, #tpu.memory_space<hbm>>
      tpu.wait_indirect_dma semaphore(%arg26 : memref<!tpu.dma_semaphore, #tpu.memory_space<semaphore_mem>>) src(%dma_wait3A_1298 : memref<1000000xi32, #tpu.memory_space<hbm>>) dst(%dma_wait3A_1293 : memref<128xi32, #tpu.memory_space<vmem>>)
      %dma_start3A_1299 = arith.constant 4 : i32
      %dma_start3A_1300 = arith.constant 4 : i32
      %dma_start3A_1301 = arith.constant 0 : i32
      %dma_start3A_1302 = tpu.memref_slice %arg23[%dma_start3A_1300, %dma_start3A_1301] : memref<8x512xi32, #tpu.memory_space<vmem>> -> memref<1x128xi32, #tpu.memory_space<vmem>>
      %dma_start3A_1303 = tpu.memref_squeeze %dma_start3A_1302 : memref<1x128xi32, #tpu.memory_space<vmem>> -> memref<128xi32, #tpu.memory_space<vmem>>
      %dma_start3A_1304 = arith.constant 0 : i32
      %dma_start3A_1305 = tpu.memref_slice %arg22[%dma_start3A_1299, %dma_start3A_1304] : memref<8x512xi32, #tpu.memory_space<vmem>> -> memref<1x128xi32, #tpu.memory_space<vmem>>
      %dma_start3A_1306 = tpu.memref_squeeze %dma_start3A_1305 : memref<1x128xi32, #tpu.memory_space<vmem>> -> memref<128xi32, #tpu.memory_space<vmem>>
      %dma_start3A_1307 = arith.constant 0 : i32
      %dma_start3A_1308 = tpu.memref_slice %arg16[%dma_start3A_1307] : memref<1000000xi32, #tpu.memory_space<hbm>> -> memref<1000000xi32, #tpu.memory_space<hbm>>
      tpu.enqueue_indirect_dma source(%dma_start3A_1308 : memref<1000000xi32, #tpu.memory_space<hbm>>) target(%dma_start3A_1303 : memref<128xi32, #tpu.memory_space<vmem>>) offsets(%dma_start3A_1306 : memref<128xi32, #tpu.memory_space<vmem>>) semaphore(%arg26 : memref<!tpu.dma_semaphore, #tpu.memory_space<semaphore_mem>>)
      %dma_start3A_1309 = arith.constant 4 : i32
      %dma_start3A_1310 = arith.constant 4 : i32
      %dma_start3A_1311 = arith.constant 0 : i32
      %dma_start3A_1312 = tpu.memref_slice %arg24[%dma_start3A_1310, %dma_start3A_1311] : memref<8x512xi32, #tpu.memory_space<vmem>> -> memref<1x128xi32, #tpu.memory_space<vmem>>
      %dma_start3A_1313 = tpu.memref_squeeze %dma_start3A_1312 : memref<1x128xi32, #tpu.memory_space<vmem>> -> memref<128xi32, #tpu.memory_space<vmem>>
      %dma_start3A_1314 = arith.constant 0 : i32
      %dma_start3A_1315 = tpu.memref_slice %arg22[%dma_start3A_1309, %dma_start3A_1314] : memref<8x512xi32, #tpu.memory_space<vmem>> -> memref<1x128xi32, #tpu.memory_space<vmem>>
      %dma_start3A_1316 = tpu.memref_squeeze %dma_start3A_1315 : memref<1x128xi32, #tpu.memory_space<vmem>> -> memref<128xi32, #tpu.memory_space<vmem>>
      %dma_start3A_1317 = arith.constant 0 : i32
      %dma_start3A_1318 = tpu.memref_slice %arg17[%dma_start3A_1317] : memref<1000000xi32, #tpu.memory_space<hbm>> -> memref<1000000xi32, #tpu.memory_space<hbm>>
      tpu.enqueue_indirect_dma source(%dma_start3A_1318 : memref<1000000xi32, #tpu.memory_space<hbm>>) target(%dma_start3A_1313 : memref<128xi32, #tpu.memory_space<vmem>>) offsets(%dma_start3A_1316 : memref<128xi32, #tpu.memory_space<vmem>>) semaphore(%arg26 : memref<!tpu.dma_semaphore, #tpu.memory_space<semaphore_mem>>)
      %dma_start3A_1319 = arith.constant 4 : i32
      %dma_start3A_1320 = arith.constant 4 : i32
      %dma_start3A_1321 = arith.constant 128 : i32
      %dma_start3A_1322 = tpu.memref_slice %arg23[%dma_start3A_1320, %dma_start3A_1321] : memref<8x512xi32, #tpu.memory_space<vmem>> -> memref<1x128xi32, #tpu.memory_space<vmem>>
      %dma_start3A_1323 = tpu.memref_squeeze %dma_start3A_1322 : memref<1x128xi32, #tpu.memory_space<vmem>> -> memref<128xi32, #tpu.memory_space<vmem>>
      %dma_start3A_1324 = arith.constant 128 : i32
      %dma_start3A_1325 = tpu.memref_slice %arg22[%dma_start3A_1319, %dma_start3A_1324] : memref<8x512xi32, #tpu.memory_space<vmem>> -> memref<1x128xi32, #tpu.memory_space<vmem>>
      %dma_start3A_1326 = tpu.memref_squeeze %dma_start3A_1325 : memref<1x128xi32, #tpu.memory_space<vmem>> -> memref<128xi32, #tpu.memory_space<vmem>>
      %dma_start3A_1327 = arith.constant 0 : i32
      %dma_start3A_1328 = tpu.memref_slice %arg16[%dma_start3A_1327] : memref<1000000xi32, #tpu.memory_space<hbm>> -> memref<1000000xi32, #tpu.memory_space<hbm>>
      tpu.enqueue_indirect_dma source(%dma_start3A_1328 : memref<1000000xi32, #tpu.memory_space<hbm>>) target(%dma_start3A_1323 : memref<128xi32, #tpu.memory_space<vmem>>) offsets(%dma_start3A_1326 : memref<128xi32, #tpu.memory_space<vmem>>) semaphore(%arg26 : memref<!tpu.dma_semaphore, #tpu.memory_space<semaphore_mem>>)
      %dma_start3A_1329 = arith.constant 4 : i32
      %dma_start3A_1330 = arith.constant 4 : i32
      %dma_start3A_1331 = arith.constant 128 : i32
      %dma_start3A_1332 = tpu.memref_slice %arg24[%dma_start3A_1330, %dma_start3A_1331] : memref<8x512xi32, #tpu.memory_space<vmem>> -> memref<1x128xi32, #tpu.memory_space<vmem>>
      %dma_start3A_1333 = tpu.memref_squeeze %dma_start3A_1332 : memref<1x128xi32, #tpu.memory_space<vmem>> -> memref<128xi32, #tpu.memory_space<vmem>>
      %dma_start3A_1334 = arith.constant 128 : i32
      %dma_start3A_1335 = tpu.memref_slice %arg22[%dma_start3A_1329, %dma_start3A_1334] : memref<8x512xi32, #tpu.memory_space<vmem>> -> memref<1x128xi32, #tpu.memory_space<vmem>>
      %dma_start3A_1336 = tpu.memref_squeeze %dma_start3A_1335 : memref<1x128xi32, #tpu.memory_space<vmem>> -> memref<128xi32, #tpu.memory_space<vmem>>
      %dma_start3A_1337 = arith.constant 0 : i32
      %dma_start3A_1338 = tpu.memref_slice %arg17[%dma_start3A_1337] : memref<1000000xi32, #tpu.memory_space<hbm>> -> memref<1000000xi32, #tpu.memory_space<hbm>>
      tpu.enqueue_indirect_dma source(%dma_start3A_1338 : memref<1000000xi32, #tpu.memory_space<hbm>>) target(%dma_start3A_1333 : memref<128xi32, #tpu.memory_space<vmem>>) offsets(%dma_start3A_1336 : memref<128xi32, #tpu.memory_space<vmem>>) semaphore(%arg26 : memref<!tpu.dma_semaphore, #tpu.memory_space<semaphore_mem>>)
      %dma_start3A_1339 = arith.constant 4 : i32
      %dma_start3A_1340 = arith.constant 4 : i32
      %dma_start3A_1341 = arith.constant 256 : i32
      %dma_start3A_1342 = tpu.memref_slice %arg23[%dma_start3A_1340, %dma_start3A_1341] : memref<8x512xi32, #tpu.memory_space<vmem>> -> memref<1x128xi32, #tpu.memory_space<vmem>>
      %dma_start3A_1343 = tpu.memref_squeeze %dma_start3A_1342 : memref<1x128xi32, #tpu.memory_space<vmem>> -> memref<128xi32, #tpu.memory_space<vmem>>
      %dma_start3A_1344 = arith.constant 256 : i32
      %dma_start3A_1345 = tpu.memref_slice %arg22[%dma_start3A_1339, %dma_start3A_1344] : memref<8x512xi32, #tpu.memory_space<vmem>> -> memref<1x128xi32, #tpu.memory_space<vmem>>
      %dma_start3A_1346 = tpu.memref_squeeze %dma_start3A_1345 : memref<1x128xi32, #tpu.memory_space<vmem>> -> memref<128xi32, #tpu.memory_space<vmem>>
      %dma_start3A_1347 = arith.constant 0 : i32
      %dma_start3A_1348 = tpu.memref_slice %arg16[%dma_start3A_1347] : memref<1000000xi32, #tpu.memory_space<hbm>> -> memref<1000000xi32, #tpu.memory_space<hbm>>
      tpu.enqueue_indirect_dma source(%dma_start3A_1348 : memref<1000000xi32, #tpu.memory_space<hbm>>) target(%dma_start3A_1343 : memref<128xi32, #tpu.memory_space<vmem>>) offsets(%dma_start3A_1346 : memref<128xi32, #tpu.memory_space<vmem>>) semaphore(%arg26 : memref<!tpu.dma_semaphore, #tpu.memory_space<semaphore_mem>>)
      %dma_start3A_1349 = arith.constant 4 : i32
      %dma_start3A_1350 = arith.constant 4 : i32
      %dma_start3A_1351 = arith.constant 256 : i32
      %dma_start3A_1352 = tpu.memref_slice %arg24[%dma_start3A_1350, %dma_start3A_1351] : memref<8x512xi32, #tpu.memory_space<vmem>> -> memref<1x128xi32, #tpu.memory_space<vmem>>
      %dma_start3A_1353 = tpu.memref_squeeze %dma_start3A_1352 : memref<1x128xi32, #tpu.memory_space<vmem>> -> memref<128xi32, #tpu.memory_space<vmem>>
      %dma_start3A_1354 = arith.constant 256 : i32
      %dma_start3A_1355 = tpu.memref_slice %arg22[%dma_start3A_1349, %dma_start3A_1354] : memref<8x512xi32, #tpu.memory_space<vmem>> -> memref<1x128xi32, #tpu.memory_space<vmem>>
      %dma_start3A_1356 = tpu.memref_squeeze %dma_start3A_1355 : memref<1x128xi32, #tpu.memory_space<vmem>> -> memref<128xi32, #tpu.memory_space<vmem>>
      %dma_start3A_1357 = arith.constant 0 : i32
      %dma_start3A_1358 = tpu.memref_slice %arg17[%dma_start3A_1357] : memref<1000000xi32, #tpu.memory_space<hbm>> -> memref<1000000xi32, #tpu.memory_space<hbm>>
      tpu.enqueue_indirect_dma source(%dma_start3A_1358 : memref<1000000xi32, #tpu.memory_space<hbm>>) target(%dma_start3A_1353 : memref<128xi32, #tpu.memory_space<vmem>>) offsets(%dma_start3A_1356 : memref<128xi32, #tpu.memory_space<vmem>>) semaphore(%arg26 : memref<!tpu.dma_semaphore, #tpu.memory_space<semaphore_mem>>)
      %dma_start3A_1359 = arith.constant 4 : i32
      %dma_start3A_1360 = arith.constant 4 : i32
      %dma_start3A_1361 = arith.constant 384 : i32
      %dma_start3A_1362 = tpu.memref_slice %arg23[%dma_start3A_1360, %dma_start3A_1361] : memref<8x512xi32, #tpu.memory_space<vmem>> -> memref<1x128xi32, #tpu.memory_space<vmem>>
      %dma_start3A_1363 = tpu.memref_squeeze %dma_start3A_1362 : memref<1x128xi32, #tpu.memory_space<vmem>> -> memref<128xi32, #tpu.memory_space<vmem>>
      %dma_start3A_1364 = arith.constant 384 : i32
      %dma_start3A_1365 = tpu.memref_slice %arg22[%dma_start3A_1359, %dma_start3A_1364] : memref<8x512xi32, #tpu.memory_space<vmem>> -> memref<1x128xi32, #tpu.memory_space<vmem>>
      %dma_start3A_1366 = tpu.memref_squeeze %dma_start3A_1365 : memref<1x128xi32, #tpu.memory_space<vmem>> -> memref<128xi32, #tpu.memory_space<vmem>>
      %dma_start3A_1367 = arith.constant 0 : i32
      %dma_start3A_1368 = tpu.memref_slice %arg16[%dma_start3A_1367] : memref<1000000xi32, #tpu.memory_space<hbm>> -> memref<1000000xi32, #tpu.memory_space<hbm>>
      tpu.enqueue_indirect_dma source(%dma_start3A_1368 : memref<1000000xi32, #tpu.memory_space<hbm>>) target(%dma_start3A_1363 : memref<128xi32, #tpu.memory_space<vmem>>) offsets(%dma_start3A_1366 : memref<128xi32, #tpu.memory_space<vmem>>) semaphore(%arg26 : memref<!tpu.dma_semaphore, #tpu.memory_space<semaphore_mem>>)
      %dma_start3A_1369 = arith.constant 4 : i32
      %dma_start3A_1370 = arith.constant 4 : i32
      %dma_start3A_1371 = arith.constant 384 : i32
      %dma_start3A_1372 = tpu.memref_slice %arg24[%dma_start3A_1370, %dma_start3A_1371] : memref<8x512xi32, #tpu.memory_space<vmem>> -> memref<1x128xi32, #tpu.memory_space<vmem>>
      %dma_start3A_1373 = tpu.memref_squeeze %dma_start3A_1372 : memref<1x128xi32, #tpu.memory_space<vmem>> -> memref<128xi32, #tpu.memory_space<vmem>>
      %dma_start3A_1374 = arith.constant 384 : i32
      %dma_start3A_1375 = tpu.memref_slice %arg22[%dma_start3A_1369, %dma_start3A_1374] : memref<8x512xi32, #tpu.memory_space<vmem>> -> memref<1x128xi32, #tpu.memory_space<vmem>>
      %dma_start3A_1376 = tpu.memref_squeeze %dma_start3A_1375 : memref<1x128xi32, #tpu.memory_space<vmem>> -> memref<128xi32, #tpu.memory_space<vmem>>
      %dma_start3A_1377 = arith.constant 0 : i32
      %dma_start3A_1378 = tpu.memref_slice %arg17[%dma_start3A_1377] : memref<1000000xi32, #tpu.memory_space<hbm>> -> memref<1000000xi32, #tpu.memory_space<hbm>>
      tpu.enqueue_indirect_dma source(%dma_start3A_1378 : memref<1000000xi32, #tpu.memory_space<hbm>>) target(%dma_start3A_1373 : memref<128xi32, #tpu.memory_space<vmem>>) offsets(%dma_start3A_1376 : memref<128xi32, #tpu.memory_space<vmem>>) semaphore(%arg26 : memref<!tpu.dma_semaphore, #tpu.memory_space<semaphore_mem>>)
      %dma_start3A_1379 = arith.constant 5 : i32
      %dma_start3A_1380 = arith.constant 5 : i32
      %dma_start3A_1381 = arith.constant 0 : i32
      %dma_start3A_1382 = tpu.memref_slice %arg23[%dma_start3A_1380, %dma_start3A_1381] : memref<8x512xi32, #tpu.memory_space<vmem>> -> memref<1x128xi32, #tpu.memory_space<vmem>>
      %dma_start3A_1383 = tpu.memref_squeeze %dma_start3A_1382 : memref<1x128xi32, #tpu.memory_space<vmem>> -> memref<128xi32, #tpu.memory_space<vmem>>
      %dma_start3A_1384 = arith.constant 0 : i32
      %dma_start3A_1385 = tpu.memref_slice %arg22[%dma_start3A_1379, %dma_start3A_1384] : memref<8x512xi32, #tpu.memory_space<vmem>> -> memref<1x128xi32, #tpu.memory_space<vmem>>
      %dma_start3A_1386 = tpu.memref_squeeze %dma_start3A_1385 : memref<1x128xi32, #tpu.memory_space<vmem>> -> memref<128xi32, #tpu.memory_space<vmem>>
      %dma_start3A_1387 = arith.constant 0 : i32
      %dma_start3A_1388 = tpu.memref_slice %arg16[%dma_start3A_1387] : memref<1000000xi32, #tpu.memory_space<hbm>> -> memref<1000000xi32, #tpu.memory_space<hbm>>
      tpu.enqueue_indirect_dma source(%dma_start3A_1388 : memref<1000000xi32, #tpu.memory_space<hbm>>) target(%dma_start3A_1383 : memref<128xi32, #tpu.memory_space<vmem>>) offsets(%dma_start3A_1386 : memref<128xi32, #tpu.memory_space<vmem>>) semaphore(%arg27 : memref<!tpu.dma_semaphore, #tpu.memory_space<semaphore_mem>>)
      %dma_start3A_1389 = arith.constant 5 : i32
      %dma_start3A_1390 = arith.constant 5 : i32
      %dma_start3A_1391 = arith.constant 0 : i32
      %dma_start3A_1392 = tpu.memref_slice %arg24[%dma_start3A_1390, %dma_start3A_1391] : memref<8x512xi32, #tpu.memory_space<vmem>> -> memref<1x128xi32, #tpu.memory_space<vmem>>
      %dma_start3A_1393 = tpu.memref_squeeze %dma_start3A_1392 : memref<1x128xi32, #tpu.memory_space<vmem>> -> memref<128xi32, #tpu.memory_space<vmem>>
      %dma_start3A_1394 = arith.constant 0 : i32
      %dma_start3A_1395 = tpu.memref_slice %arg22[%dma_start3A_1389, %dma_start3A_1394] : memref<8x512xi32, #tpu.memory_space<vmem>> -> memref<1x128xi32, #tpu.memory_space<vmem>>
      %dma_start3A_1396 = tpu.memref_squeeze %dma_start3A_1395 : memref<1x128xi32, #tpu.memory_space<vmem>> -> memref<128xi32, #tpu.memory_space<vmem>>
      %dma_start3A_1397 = arith.constant 0 : i32
      %dma_start3A_1398 = tpu.memref_slice %arg17[%dma_start3A_1397] : memref<1000000xi32, #tpu.memory_space<hbm>> -> memref<1000000xi32, #tpu.memory_space<hbm>>
      tpu.enqueue_indirect_dma source(%dma_start3A_1398 : memref<1000000xi32, #tpu.memory_space<hbm>>) target(%dma_start3A_1393 : memref<128xi32, #tpu.memory_space<vmem>>) offsets(%dma_start3A_1396 : memref<128xi32, #tpu.memory_space<vmem>>) semaphore(%arg27 : memref<!tpu.dma_semaphore, #tpu.memory_space<semaphore_mem>>)
      %dma_start3A_1399 = arith.constant 5 : i32
      %dma_start3A_1400 = arith.constant 5 : i32
      %dma_start3A_1401 = arith.constant 128 : i32
      %dma_start3A_1402 = tpu.memref_slice %arg23[%dma_start3A_1400, %dma_start3A_1401] : memref<8x512xi32, #tpu.memory_space<vmem>> -> memref<1x128xi32, #tpu.memory_space<vmem>>
      %dma_start3A_1403 = tpu.memref_squeeze %dma_start3A_1402 : memref<1x128xi32, #tpu.memory_space<vmem>> -> memref<128xi32, #tpu.memory_space<vmem>>
      %dma_start3A_1404 = arith.constant 128 : i32
      %dma_start3A_1405 = tpu.memref_slice %arg22[%dma_start3A_1399, %dma_start3A_1404] : memref<8x512xi32, #tpu.memory_space<vmem>> -> memref<1x128xi32, #tpu.memory_space<vmem>>
      %dma_start3A_1406 = tpu.memref_squeeze %dma_start3A_1405 : memref<1x128xi32, #tpu.memory_space<vmem>> -> memref<128xi32, #tpu.memory_space<vmem>>
      %dma_start3A_1407 = arith.constant 0 : i32
      %dma_start3A_1408 = tpu.memref_slice %arg16[%dma_start3A_1407] : memref<1000000xi32, #tpu.memory_space<hbm>> -> memref<1000000xi32, #tpu.memory_space<hbm>>
      tpu.enqueue_indirect_dma source(%dma_start3A_1408 : memref<1000000xi32, #tpu.memory_space<hbm>>) target(%dma_start3A_1403 : memref<128xi32, #tpu.memory_space<vmem>>) offsets(%dma_start3A_1406 : memref<128xi32, #tpu.memory_space<vmem>>) semaphore(%arg27 : memref<!tpu.dma_semaphore, #tpu.memory_space<semaphore_mem>>)
      %dma_start3A_1409 = arith.constant 5 : i32
      %dma_start3A_1410 = arith.constant 5 : i32
      %dma_start3A_1411 = arith.constant 128 : i32
      %dma_start3A_1412 = tpu.memref_slice %arg24[%dma_start3A_1410, %dma_start3A_1411] : memref<8x512xi32, #tpu.memory_space<vmem>> -> memref<1x128xi32, #tpu.memory_space<vmem>>
      %dma_start3A_1413 = tpu.memref_squeeze %dma_start3A_1412 : memref<1x128xi32, #tpu.memory_space<vmem>> -> memref<128xi32, #tpu.memory_space<vmem>>
      %dma_start3A_1414 = arith.constant 128 : i32
      %dma_start3A_1415 = tpu.memref_slice %arg22[%dma_start3A_1409, %dma_start3A_1414] : memref<8x512xi32, #tpu.memory_space<vmem>> -> memref<1x128xi32, #tpu.memory_space<vmem>>
      %dma_start3A_1416 = tpu.memref_squeeze %dma_start3A_1415 : memref<1x128xi32, #tpu.memory_space<vmem>> -> memref<128xi32, #tpu.memory_space<vmem>>
      %dma_start3A_1417 = arith.constant 0 : i32
      %dma_start3A_1418 = tpu.memref_slice %arg17[%dma_start3A_1417] : memref<1000000xi32, #tpu.memory_space<hbm>> -> memref<1000000xi32, #tpu.memory_space<hbm>>
      tpu.enqueue_indirect_dma source(%dma_start3A_1418 : memref<1000000xi32, #tpu.memory_space<hbm>>) target(%dma_start3A_1413 : memref<128xi32, #tpu.memory_space<vmem>>) offsets(%dma_start3A_1416 : memref<128xi32, #tpu.memory_space<vmem>>) semaphore(%arg27 : memref<!tpu.dma_semaphore, #tpu.memory_space<semaphore_mem>>)
      %dma_start3A_1419 = arith.constant 5 : i32
      %dma_start3A_1420 = arith.constant 5 : i32
      %dma_start3A_1421 = arith.constant 256 : i32
      %dma_start3A_1422 = tpu.memref_slice %arg23[%dma_start3A_1420, %dma_start3A_1421] : memref<8x512xi32, #tpu.memory_space<vmem>> -> memref<1x128xi32, #tpu.memory_space<vmem>>
      %dma_start3A_1423 = tpu.memref_squeeze %dma_start3A_1422 : memref<1x128xi32, #tpu.memory_space<vmem>> -> memref<128xi32, #tpu.memory_space<vmem>>
      %dma_start3A_1424 = arith.constant 256 : i32
      %dma_start3A_1425 = tpu.memref_slice %arg22[%dma_start3A_1419, %dma_start3A_1424] : memref<8x512xi32, #tpu.memory_space<vmem>> -> memref<1x128xi32, #tpu.memory_space<vmem>>
      %dma_start3A_1426 = tpu.memref_squeeze %dma_start3A_1425 : memref<1x128xi32, #tpu.memory_space<vmem>> -> memref<128xi32, #tpu.memory_space<vmem>>
      %dma_start3A_1427 = arith.constant 0 : i32
      %dma_start3A_1428 = tpu.memref_slice %arg16[%dma_start3A_1427] : memref<1000000xi32, #tpu.memory_space<hbm>> -> memref<1000000xi32, #tpu.memory_space<hbm>>
      tpu.enqueue_indirect_dma source(%dma_start3A_1428 : memref<1000000xi32, #tpu.memory_space<hbm>>) target(%dma_start3A_1423 : memref<128xi32, #tpu.memory_space<vmem>>) offsets(%dma_start3A_1426 : memref<128xi32, #tpu.memory_space<vmem>>) semaphore(%arg27 : memref<!tpu.dma_semaphore, #tpu.memory_space<semaphore_mem>>)
      %dma_start3A_1429 = arith.constant 5 : i32
      %dma_start3A_1430 = arith.constant 5 : i32
      %dma_start3A_1431 = arith.constant 256 : i32
      %dma_start3A_1432 = tpu.memref_slice %arg24[%dma_start3A_1430, %dma_start3A_1431] : memref<8x512xi32, #tpu.memory_space<vmem>> -> memref<1x128xi32, #tpu.memory_space<vmem>>
      %dma_start3A_1433 = tpu.memref_squeeze %dma_start3A_1432 : memref<1x128xi32, #tpu.memory_space<vmem>> -> memref<128xi32, #tpu.memory_space<vmem>>
      %dma_start3A_1434 = arith.constant 256 : i32
      %dma_start3A_1435 = tpu.memref_slice %arg22[%dma_start3A_1429, %dma_start3A_1434] : memref<8x512xi32, #tpu.memory_space<vmem>> -> memref<1x128xi32, #tpu.memory_space<vmem>>
      %dma_start3A_1436 = tpu.memref_squeeze %dma_start3A_1435 : memref<1x128xi32, #tpu.memory_space<vmem>> -> memref<128xi32, #tpu.memory_space<vmem>>
      %dma_start3A_1437 = arith.constant 0 : i32
      %dma_start3A_1438 = tpu.memref_slice %arg17[%dma_start3A_1437] : memref<1000000xi32, #tpu.memory_space<hbm>> -> memref<1000000xi32, #tpu.memory_space<hbm>>
      tpu.enqueue_indirect_dma source(%dma_start3A_1438 : memref<1000000xi32, #tpu.memory_space<hbm>>) target(%dma_start3A_1433 : memref<128xi32, #tpu.memory_space<vmem>>) offsets(%dma_start3A_1436 : memref<128xi32, #tpu.memory_space<vmem>>) semaphore(%arg27 : memref<!tpu.dma_semaphore, #tpu.memory_space<semaphore_mem>>)
      %dma_start3A_1439 = arith.constant 5 : i32
      %dma_start3A_1440 = arith.constant 5 : i32
      %dma_start3A_1441 = arith.constant 384 : i32
      %dma_start3A_1442 = tpu.memref_slice %arg23[%dma_start3A_1440, %dma_start3A_1441] : memref<8x512xi32, #tpu.memory_space<vmem>> -> memref<1x128xi32, #tpu.memory_space<vmem>>
      %dma_start3A_1443 = tpu.memref_squeeze %dma_start3A_1442 : memref<1x128xi32, #tpu.memory_space<vmem>> -> memref<128xi32, #tpu.memory_space<vmem>>
      %dma_start3A_1444 = arith.constant 384 : i32
      %dma_start3A_1445 = tpu.memref_slice %arg22[%dma_start3A_1439, %dma_start3A_1444] : memref<8x512xi32, #tpu.memory_space<vmem>> -> memref<1x128xi32, #tpu.memory_space<vmem>>
      %dma_start3A_1446 = tpu.memref_squeeze %dma_start3A_1445 : memref<1x128xi32, #tpu.memory_space<vmem>> -> memref<128xi32, #tpu.memory_space<vmem>>
      %dma_start3A_1447 = arith.constant 0 : i32
      %dma_start3A_1448 = tpu.memref_slice %arg16[%dma_start3A_1447] : memref<1000000xi32, #tpu.memory_space<hbm>> -> memref<1000000xi32, #tpu.memory_space<hbm>>
      tpu.enqueue_indirect_dma source(%dma_start3A_1448 : memref<1000000xi32, #tpu.memory_space<hbm>>) target(%dma_start3A_1443 : memref<128xi32, #tpu.memory_space<vmem>>) offsets(%dma_start3A_1446 : memref<128xi32, #tpu.memory_space<vmem>>) semaphore(%arg27 : memref<!tpu.dma_semaphore, #tpu.memory_space<semaphore_mem>>)
      %dma_start3A_1449 = arith.constant 5 : i32
      %dma_start3A_1450 = arith.constant 5 : i32
      %dma_start3A_1451 = arith.constant 384 : i32
      %dma_start3A_1452 = tpu.memref_slice %arg24[%dma_start3A_1450, %dma_start3A_1451] : memref<8x512xi32, #tpu.memory_space<vmem>> -> memref<1x128xi32, #tpu.memory_space<vmem>>
      %dma_start3A_1453 = tpu.memref_squeeze %dma_start3A_1452 : memref<1x128xi32, #tpu.memory_space<vmem>> -> memref<128xi32, #tpu.memory_space<vmem>>
      %dma_start3A_1454 = arith.constant 384 : i32
      %dma_start3A_1455 = tpu.memref_slice %arg22[%dma_start3A_1449, %dma_start3A_1454] : memref<8x512xi32, #tpu.memory_space<vmem>> -> memref<1x128xi32, #tpu.memory_space<vmem>>
      %dma_start3A_1456 = tpu.memref_squeeze %dma_start3A_1455 : memref<1x128xi32, #tpu.memory_space<vmem>> -> memref<128xi32, #tpu.memory_space<vmem>>
      %dma_start3A_1457 = arith.constant 0 : i32
      %dma_start3A_1458 = tpu.memref_slice %arg17[%dma_start3A_1457] : memref<1000000xi32, #tpu.memory_space<hbm>> -> memref<1000000xi32, #tpu.memory_space<hbm>>
      tpu.enqueue_indirect_dma source(%dma_start3A_1458 : memref<1000000xi32, #tpu.memory_space<hbm>>) target(%dma_start3A_1453 : memref<128xi32, #tpu.memory_space<vmem>>) offsets(%dma_start3A_1456 : memref<128xi32, #tpu.memory_space<vmem>>) semaphore(%arg27 : memref<!tpu.dma_semaphore, #tpu.memory_space<semaphore_mem>>)
      %dma_wait3A_1459 = arith.constant 4 : i32
      %dma_wait3A_1460 = arith.constant 4 : i32
      %dma_wait3A_1461 = arith.constant 0 : i32
      %dma_wait3A_1462 = tpu.memref_slice %arg23[%dma_wait3A_1460, %dma_wait3A_1461] : memref<8x512xi32, #tpu.memory_space<vmem>> -> memref<1x128xi32, #tpu.memory_space<vmem>>
      %dma_wait3A_1463 = tpu.memref_squeeze %dma_wait3A_1462 : memref<1x128xi32, #tpu.memory_space<vmem>> -> memref<128xi32, #tpu.memory_space<vmem>>
      %dma_wait3A_1464 = arith.constant 0 : i32
      %dma_wait3A_1465 = tpu.memref_slice %arg22[%dma_wait3A_1459, %dma_wait3A_1464] : memref<8x512xi32, #tpu.memory_space<vmem>> -> memref<1x128xi32, #tpu.memory_space<vmem>>
      %dma_wait3A_1466 = tpu.memref_squeeze %dma_wait3A_1465 : memref<1x128xi32, #tpu.memory_space<vmem>> -> memref<128xi32, #tpu.memory_space<vmem>>
      %dma_wait3A_1467 = arith.constant 0 : i32
      %dma_wait3A_1468 = tpu.memref_slice %arg16[%dma_wait3A_1467] : memref<1000000xi32, #tpu.memory_space<hbm>> -> memref<1000000xi32, #tpu.memory_space<hbm>>
      tpu.wait_indirect_dma semaphore(%arg26 : memref<!tpu.dma_semaphore, #tpu.memory_space<semaphore_mem>>) src(%dma_wait3A_1468 : memref<1000000xi32, #tpu.memory_space<hbm>>) dst(%dma_wait3A_1463 : memref<128xi32, #tpu.memory_space<vmem>>)
      %dma_wait3A_1469 = arith.constant 4 : i32
      %dma_wait3A_1470 = arith.constant 4 : i32
      %dma_wait3A_1471 = arith.constant 0 : i32
      %dma_wait3A_1472 = tpu.memref_slice %arg24[%dma_wait3A_1470, %dma_wait3A_1471] : memref<8x512xi32, #tpu.memory_space<vmem>> -> memref<1x128xi32, #tpu.memory_space<vmem>>
      %dma_wait3A_1473 = tpu.memref_squeeze %dma_wait3A_1472 : memref<1x128xi32, #tpu.memory_space<vmem>> -> memref<128xi32, #tpu.memory_space<vmem>>
      %dma_wait3A_1474 = arith.constant 0 : i32
      %dma_wait3A_1475 = tpu.memref_slice %arg22[%dma_wait3A_1469, %dma_wait3A_1474] : memref<8x512xi32, #tpu.memory_space<vmem>> -> memref<1x128xi32, #tpu.memory_space<vmem>>
      %dma_wait3A_1476 = tpu.memref_squeeze %dma_wait3A_1475 : memref<1x128xi32, #tpu.memory_space<vmem>> -> memref<128xi32, #tpu.memory_space<vmem>>
      %dma_wait3A_1477 = arith.constant 0 : i32
      %dma_wait3A_1478 = tpu.memref_slice %arg17[%dma_wait3A_1477] : memref<1000000xi32, #tpu.memory_space<hbm>> -> memref<1000000xi32, #tpu.memory_space<hbm>>
      tpu.wait_indirect_dma semaphore(%arg26 : memref<!tpu.dma_semaphore, #tpu.memory_space<semaphore_mem>>) src(%dma_wait3A_1478 : memref<1000000xi32, #tpu.memory_space<hbm>>) dst(%dma_wait3A_1473 : memref<128xi32, #tpu.memory_space<vmem>>)
      %dma_wait3A_1479 = arith.constant 4 : i32
      %dma_wait3A_1480 = arith.constant 4 : i32
      %dma_wait3A_1481 = arith.constant 128 : i32
      %dma_wait3A_1482 = tpu.memref_slice %arg23[%dma_wait3A_1480, %dma_wait3A_1481] : memref<8x512xi32, #tpu.memory_space<vmem>> -> memref<1x128xi32, #tpu.memory_space<vmem>>
      %dma_wait3A_1483 = tpu.memref_squeeze %dma_wait3A_1482 : memref<1x128xi32, #tpu.memory_space<vmem>> -> memref<128xi32, #tpu.memory_space<vmem>>
      %dma_wait3A_1484 = arith.constant 128 : i32
      %dma_wait3A_1485 = tpu.memref_slice %arg22[%dma_wait3A_1479, %dma_wait3A_1484] : memref<8x512xi32, #tpu.memory_space<vmem>> -> memref<1x128xi32, #tpu.memory_space<vmem>>
      %dma_wait3A_1486 = tpu.memref_squeeze %dma_wait3A_1485 : memref<1x128xi32, #tpu.memory_space<vmem>> -> memref<128xi32, #tpu.memory_space<vmem>>
      %dma_wait3A_1487 = arith.constant 0 : i32
      %dma_wait3A_1488 = tpu.memref_slice %arg16[%dma_wait3A_1487] : memref<1000000xi32, #tpu.memory_space<hbm>> -> memref<1000000xi32, #tpu.memory_space<hbm>>
      tpu.wait_indirect_dma semaphore(%arg26 : memref<!tpu.dma_semaphore, #tpu.memory_space<semaphore_mem>>) src(%dma_wait3A_1488 : memref<1000000xi32, #tpu.memory_space<hbm>>) dst(%dma_wait3A_1483 : memref<128xi32, #tpu.memory_space<vmem>>)
      %dma_wait3A_1489 = arith.constant 4 : i32
      %dma_wait3A_1490 = arith.constant 4 : i32
      %dma_wait3A_1491 = arith.constant 128 : i32
      %dma_wait3A_1492 = tpu.memref_slice %arg24[%dma_wait3A_1490, %dma_wait3A_1491] : memref<8x512xi32, #tpu.memory_space<vmem>> -> memref<1x128xi32, #tpu.memory_space<vmem>>
      %dma_wait3A_1493 = tpu.memref_squeeze %dma_wait3A_1492 : memref<1x128xi32, #tpu.memory_space<vmem>> -> memref<128xi32, #tpu.memory_space<vmem>>
      %dma_wait3A_1494 = arith.constant 128 : i32
      %dma_wait3A_1495 = tpu.memref_slice %arg22[%dma_wait3A_1489, %dma_wait3A_1494] : memref<8x512xi32, #tpu.memory_space<vmem>> -> memref<1x128xi32, #tpu.memory_space<vmem>>
      %dma_wait3A_1496 = tpu.memref_squeeze %dma_wait3A_1495 : memref<1x128xi32, #tpu.memory_space<vmem>> -> memref<128xi32, #tpu.memory_space<vmem>>
      %dma_wait3A_1497 = arith.constant 0 : i32
      %dma_wait3A_1498 = tpu.memref_slice %arg17[%dma_wait3A_1497] : memref<1000000xi32, #tpu.memory_space<hbm>> -> memref<1000000xi32, #tpu.memory_space<hbm>>
      tpu.wait_indirect_dma semaphore(%arg26 : memref<!tpu.dma_semaphore, #tpu.memory_space<semaphore_mem>>) src(%dma_wait3A_1498 : memref<1000000xi32, #tpu.memory_space<hbm>>) dst(%dma_wait3A_1493 : memref<128xi32, #tpu.memory_space<vmem>>)
      %dma_wait3A_1499 = arith.constant 4 : i32
      %dma_wait3A_1500 = arith.constant 4 : i32
      %dma_wait3A_1501 = arith.constant 256 : i32
      %dma_wait3A_1502 = tpu.memref_slice %arg23[%dma_wait3A_1500, %dma_wait3A_1501] : memref<8x512xi32, #tpu.memory_space<vmem>> -> memref<1x128xi32, #tpu.memory_space<vmem>>
      %dma_wait3A_1503 = tpu.memref_squeeze %dma_wait3A_1502 : memref<1x128xi32, #tpu.memory_space<vmem>> -> memref<128xi32, #tpu.memory_space<vmem>>
      %dma_wait3A_1504 = arith.constant 256 : i32
      %dma_wait3A_1505 = tpu.memref_slice %arg22[%dma_wait3A_1499, %dma_wait3A_1504] : memref<8x512xi32, #tpu.memory_space<vmem>> -> memref<1x128xi32, #tpu.memory_space<vmem>>
      %dma_wait3A_1506 = tpu.memref_squeeze %dma_wait3A_1505 : memref<1x128xi32, #tpu.memory_space<vmem>> -> memref<128xi32, #tpu.memory_space<vmem>>
      %dma_wait3A_1507 = arith.constant 0 : i32
      %dma_wait3A_1508 = tpu.memref_slice %arg16[%dma_wait3A_1507] : memref<1000000xi32, #tpu.memory_space<hbm>> -> memref<1000000xi32, #tpu.memory_space<hbm>>
      tpu.wait_indirect_dma semaphore(%arg26 : memref<!tpu.dma_semaphore, #tpu.memory_space<semaphore_mem>>) src(%dma_wait3A_1508 : memref<1000000xi32, #tpu.memory_space<hbm>>) dst(%dma_wait3A_1503 : memref<128xi32, #tpu.memory_space<vmem>>)
      %dma_wait3A_1509 = arith.constant 4 : i32
      %dma_wait3A_1510 = arith.constant 4 : i32
      %dma_wait3A_1511 = arith.constant 256 : i32
      %dma_wait3A_1512 = tpu.memref_slice %arg24[%dma_wait3A_1510, %dma_wait3A_1511] : memref<8x512xi32, #tpu.memory_space<vmem>> -> memref<1x128xi32, #tpu.memory_space<vmem>>
      %dma_wait3A_1513 = tpu.memref_squeeze %dma_wait3A_1512 : memref<1x128xi32, #tpu.memory_space<vmem>> -> memref<128xi32, #tpu.memory_space<vmem>>
      %dma_wait3A_1514 = arith.constant 256 : i32
      %dma_wait3A_1515 = tpu.memref_slice %arg22[%dma_wait3A_1509, %dma_wait3A_1514] : memref<8x512xi32, #tpu.memory_space<vmem>> -> memref<1x128xi32, #tpu.memory_space<vmem>>
      %dma_wait3A_1516 = tpu.memref_squeeze %dma_wait3A_1515 : memref<1x128xi32, #tpu.memory_space<vmem>> -> memref<128xi32, #tpu.memory_space<vmem>>
      %dma_wait3A_1517 = arith.constant 0 : i32
      %dma_wait3A_1518 = tpu.memref_slice %arg17[%dma_wait3A_1517] : memref<1000000xi32, #tpu.memory_space<hbm>> -> memref<1000000xi32, #tpu.memory_space<hbm>>
      tpu.wait_indirect_dma semaphore(%arg26 : memref<!tpu.dma_semaphore, #tpu.memory_space<semaphore_mem>>) src(%dma_wait3A_1518 : memref<1000000xi32, #tpu.memory_space<hbm>>) dst(%dma_wait3A_1513 : memref<128xi32, #tpu.memory_space<vmem>>)
      %dma_wait3A_1519 = arith.constant 4 : i32
      %dma_wait3A_1520 = arith.constant 4 : i32
      %dma_wait3A_1521 = arith.constant 384 : i32
      %dma_wait3A_1522 = tpu.memref_slice %arg23[%dma_wait3A_1520, %dma_wait3A_1521] : memref<8x512xi32, #tpu.memory_space<vmem>> -> memref<1x128xi32, #tpu.memory_space<vmem>>
      %dma_wait3A_1523 = tpu.memref_squeeze %dma_wait3A_1522 : memref<1x128xi32, #tpu.memory_space<vmem>> -> memref<128xi32, #tpu.memory_space<vmem>>
      %dma_wait3A_1524 = arith.constant 384 : i32
      %dma_wait3A_1525 = tpu.memref_slice %arg22[%dma_wait3A_1519, %dma_wait3A_1524] : memref<8x512xi32, #tpu.memory_space<vmem>> -> memref<1x128xi32, #tpu.memory_space<vmem>>
      %dma_wait3A_1526 = tpu.memref_squeeze %dma_wait3A_1525 : memref<1x128xi32, #tpu.memory_space<vmem>> -> memref<128xi32, #tpu.memory_space<vmem>>
      %dma_wait3A_1527 = arith.constant 0 : i32
      %dma_wait3A_1528 = tpu.memref_slice %arg16[%dma_wait3A_1527] : memref<1000000xi32, #tpu.memory_space<hbm>> -> memref<1000000xi32, #tpu.memory_space<hbm>>
      tpu.wait_indirect_dma semaphore(%arg26 : memref<!tpu.dma_semaphore, #tpu.memory_space<semaphore_mem>>) src(%dma_wait3A_1528 : memref<1000000xi32, #tpu.memory_space<hbm>>) dst(%dma_wait3A_1523 : memref<128xi32, #tpu.memory_space<vmem>>)
      %dma_wait3A_1529 = arith.constant 4 : i32
      %dma_wait3A_1530 = arith.constant 4 : i32
      %dma_wait3A_1531 = arith.constant 384 : i32
      %dma_wait3A_1532 = tpu.memref_slice %arg24[%dma_wait3A_1530, %dma_wait3A_1531] : memref<8x512xi32, #tpu.memory_space<vmem>> -> memref<1x128xi32, #tpu.memory_space<vmem>>
      %dma_wait3A_1533 = tpu.memref_squeeze %dma_wait3A_1532 : memref<1x128xi32, #tpu.memory_space<vmem>> -> memref<128xi32, #tpu.memory_space<vmem>>
      %dma_wait3A_1534 = arith.constant 384 : i32
      %dma_wait3A_1535 = tpu.memref_slice %arg22[%dma_wait3A_1529, %dma_wait3A_1534] : memref<8x512xi32, #tpu.memory_space<vmem>> -> memref<1x128xi32, #tpu.memory_space<vmem>>
      %dma_wait3A_1536 = tpu.memref_squeeze %dma_wait3A_1535 : memref<1x128xi32, #tpu.memory_space<vmem>> -> memref<128xi32, #tpu.memory_space<vmem>>
      %dma_wait3A_1537 = arith.constant 0 : i32
      %dma_wait3A_1538 = tpu.memref_slice %arg17[%dma_wait3A_1537] : memref<1000000xi32, #tpu.memory_space<hbm>> -> memref<1000000xi32, #tpu.memory_space<hbm>>
      tpu.wait_indirect_dma semaphore(%arg26 : memref<!tpu.dma_semaphore, #tpu.memory_space<semaphore_mem>>) src(%dma_wait3A_1538 : memref<1000000xi32, #tpu.memory_space<hbm>>) dst(%dma_wait3A_1533 : memref<128xi32, #tpu.memory_space<vmem>>)
      %dma_start3A_1539 = arith.constant 6 : i32
      %dma_start3A_1540 = arith.constant 6 : i32
      %dma_start3A_1541 = arith.constant 0 : i32
      %dma_start3A_1542 = tpu.memref_slice %arg23[%dma_start3A_1540, %dma_start3A_1541] : memref<8x512xi32, #tpu.memory_space<vmem>> -> memref<1x128xi32, #tpu.memory_space<vmem>>
      %dma_start3A_1543 = tpu.memref_squeeze %dma_start3A_1542 : memref<1x128xi32, #tpu.memory_space<vmem>> -> memref<128xi32, #tpu.memory_space<vmem>>
      %dma_start3A_1544 = arith.constant 0 : i32
      %dma_start3A_1545 = tpu.memref_slice %arg22[%dma_start3A_1539, %dma_start3A_1544] : memref<8x512xi32, #tpu.memory_space<vmem>> -> memref<1x128xi32, #tpu.memory_space<vmem>>
      %dma_start3A_1546 = tpu.memref_squeeze %dma_start3A_1545 : memref<1x128xi32, #tpu.memory_space<vmem>> -> memref<128xi32, #tpu.memory_space<vmem>>
      %dma_start3A_1547 = arith.constant 0 : i32
      %dma_start3A_1548 = tpu.memref_slice %arg16[%dma_start3A_1547] : memref<1000000xi32, #tpu.memory_space<hbm>> -> memref<1000000xi32, #tpu.memory_space<hbm>>
      tpu.enqueue_indirect_dma source(%dma_start3A_1548 : memref<1000000xi32, #tpu.memory_space<hbm>>) target(%dma_start3A_1543 : memref<128xi32, #tpu.memory_space<vmem>>) offsets(%dma_start3A_1546 : memref<128xi32, #tpu.memory_space<vmem>>) semaphore(%arg26 : memref<!tpu.dma_semaphore, #tpu.memory_space<semaphore_mem>>)
      %dma_start3A_1549 = arith.constant 6 : i32
      %dma_start3A_1550 = arith.constant 6 : i32
      %dma_start3A_1551 = arith.constant 0 : i32
      %dma_start3A_1552 = tpu.memref_slice %arg24[%dma_start3A_1550, %dma_start3A_1551] : memref<8x512xi32, #tpu.memory_space<vmem>> -> memref<1x128xi32, #tpu.memory_space<vmem>>
      %dma_start3A_1553 = tpu.memref_squeeze %dma_start3A_1552 : memref<1x128xi32, #tpu.memory_space<vmem>> -> memref<128xi32, #tpu.memory_space<vmem>>
      %dma_start3A_1554 = arith.constant 0 : i32
      %dma_start3A_1555 = tpu.memref_slice %arg22[%dma_start3A_1549, %dma_start3A_1554] : memref<8x512xi32, #tpu.memory_space<vmem>> -> memref<1x128xi32, #tpu.memory_space<vmem>>
      %dma_start3A_1556 = tpu.memref_squeeze %dma_start3A_1555 : memref<1x128xi32, #tpu.memory_space<vmem>> -> memref<128xi32, #tpu.memory_space<vmem>>
      %dma_start3A_1557 = arith.constant 0 : i32
      %dma_start3A_1558 = tpu.memref_slice %arg17[%dma_start3A_1557] : memref<1000000xi32, #tpu.memory_space<hbm>> -> memref<1000000xi32, #tpu.memory_space<hbm>>
      tpu.enqueue_indirect_dma source(%dma_start3A_1558 : memref<1000000xi32, #tpu.memory_space<hbm>>) target(%dma_start3A_1553 : memref<128xi32, #tpu.memory_space<vmem>>) offsets(%dma_start3A_1556 : memref<128xi32, #tpu.memory_space<vmem>>) semaphore(%arg26 : memref<!tpu.dma_semaphore, #tpu.memory_space<semaphore_mem>>)
      %dma_start3A_1559 = arith.constant 6 : i32
      %dma_start3A_1560 = arith.constant 6 : i32
      %dma_start3A_1561 = arith.constant 128 : i32
      %dma_start3A_1562 = tpu.memref_slice %arg23[%dma_start3A_1560, %dma_start3A_1561] : memref<8x512xi32, #tpu.memory_space<vmem>> -> memref<1x128xi32, #tpu.memory_space<vmem>>
      %dma_start3A_1563 = tpu.memref_squeeze %dma_start3A_1562 : memref<1x128xi32, #tpu.memory_space<vmem>> -> memref<128xi32, #tpu.memory_space<vmem>>
      %dma_start3A_1564 = arith.constant 128 : i32
      %dma_start3A_1565 = tpu.memref_slice %arg22[%dma_start3A_1559, %dma_start3A_1564] : memref<8x512xi32, #tpu.memory_space<vmem>> -> memref<1x128xi32, #tpu.memory_space<vmem>>
      %dma_start3A_1566 = tpu.memref_squeeze %dma_start3A_1565 : memref<1x128xi32, #tpu.memory_space<vmem>> -> memref<128xi32, #tpu.memory_space<vmem>>
      %dma_start3A_1567 = arith.constant 0 : i32
      %dma_start3A_1568 = tpu.memref_slice %arg16[%dma_start3A_1567] : memref<1000000xi32, #tpu.memory_space<hbm>> -> memref<1000000xi32, #tpu.memory_space<hbm>>
      tpu.enqueue_indirect_dma source(%dma_start3A_1568 : memref<1000000xi32, #tpu.memory_space<hbm>>) target(%dma_start3A_1563 : memref<128xi32, #tpu.memory_space<vmem>>) offsets(%dma_start3A_1566 : memref<128xi32, #tpu.memory_space<vmem>>) semaphore(%arg26 : memref<!tpu.dma_semaphore, #tpu.memory_space<semaphore_mem>>)
      %dma_start3A_1569 = arith.constant 6 : i32
      %dma_start3A_1570 = arith.constant 6 : i32
      %dma_start3A_1571 = arith.constant 128 : i32
      %dma_start3A_1572 = tpu.memref_slice %arg24[%dma_start3A_1570, %dma_start3A_1571] : memref<8x512xi32, #tpu.memory_space<vmem>> -> memref<1x128xi32, #tpu.memory_space<vmem>>
      %dma_start3A_1573 = tpu.memref_squeeze %dma_start3A_1572 : memref<1x128xi32, #tpu.memory_space<vmem>> -> memref<128xi32, #tpu.memory_space<vmem>>
      %dma_start3A_1574 = arith.constant 128 : i32
      %dma_start3A_1575 = tpu.memref_slice %arg22[%dma_start3A_1569, %dma_start3A_1574] : memref<8x512xi32, #tpu.memory_space<vmem>> -> memref<1x128xi32, #tpu.memory_space<vmem>>
      %dma_start3A_1576 = tpu.memref_squeeze %dma_start3A_1575 : memref<1x128xi32, #tpu.memory_space<vmem>> -> memref<128xi32, #tpu.memory_space<vmem>>
      %dma_start3A_1577 = arith.constant 0 : i32
      %dma_start3A_1578 = tpu.memref_slice %arg17[%dma_start3A_1577] : memref<1000000xi32, #tpu.memory_space<hbm>> -> memref<1000000xi32, #tpu.memory_space<hbm>>
      tpu.enqueue_indirect_dma source(%dma_start3A_1578 : memref<1000000xi32, #tpu.memory_space<hbm>>) target(%dma_start3A_1573 : memref<128xi32, #tpu.memory_space<vmem>>) offsets(%dma_start3A_1576 : memref<128xi32, #tpu.memory_space<vmem>>) semaphore(%arg26 : memref<!tpu.dma_semaphore, #tpu.memory_space<semaphore_mem>>)
      %dma_start3A_1579 = arith.constant 6 : i32
      %dma_start3A_1580 = arith.constant 6 : i32
      %dma_start3A_1581 = arith.constant 256 : i32
      %dma_start3A_1582 = tpu.memref_slice %arg23[%dma_start3A_1580, %dma_start3A_1581] : memref<8x512xi32, #tpu.memory_space<vmem>> -> memref<1x128xi32, #tpu.memory_space<vmem>>
      %dma_start3A_1583 = tpu.memref_squeeze %dma_start3A_1582 : memref<1x128xi32, #tpu.memory_space<vmem>> -> memref<128xi32, #tpu.memory_space<vmem>>
      %dma_start3A_1584 = arith.constant 256 : i32
      %dma_start3A_1585 = tpu.memref_slice %arg22[%dma_start3A_1579, %dma_start3A_1584] : memref<8x512xi32, #tpu.memory_space<vmem>> -> memref<1x128xi32, #tpu.memory_space<vmem>>
      %dma_start3A_1586 = tpu.memref_squeeze %dma_start3A_1585 : memref<1x128xi32, #tpu.memory_space<vmem>> -> memref<128xi32, #tpu.memory_space<vmem>>
      %dma_start3A_1587 = arith.constant 0 : i32
      %dma_start3A_1588 = tpu.memref_slice %arg16[%dma_start3A_1587] : memref<1000000xi32, #tpu.memory_space<hbm>> -> memref<1000000xi32, #tpu.memory_space<hbm>>
      tpu.enqueue_indirect_dma source(%dma_start3A_1588 : memref<1000000xi32, #tpu.memory_space<hbm>>) target(%dma_start3A_1583 : memref<128xi32, #tpu.memory_space<vmem>>) offsets(%dma_start3A_1586 : memref<128xi32, #tpu.memory_space<vmem>>) semaphore(%arg26 : memref<!tpu.dma_semaphore, #tpu.memory_space<semaphore_mem>>)
      %dma_start3A_1589 = arith.constant 6 : i32
      %dma_start3A_1590 = arith.constant 6 : i32
      %dma_start3A_1591 = arith.constant 256 : i32
      %dma_start3A_1592 = tpu.memref_slice %arg24[%dma_start3A_1590, %dma_start3A_1591] : memref<8x512xi32, #tpu.memory_space<vmem>> -> memref<1x128xi32, #tpu.memory_space<vmem>>
      %dma_start3A_1593 = tpu.memref_squeeze %dma_start3A_1592 : memref<1x128xi32, #tpu.memory_space<vmem>> -> memref<128xi32, #tpu.memory_space<vmem>>
      %dma_start3A_1594 = arith.constant 256 : i32
      %dma_start3A_1595 = tpu.memref_slice %arg22[%dma_start3A_1589, %dma_start3A_1594] : memref<8x512xi32, #tpu.memory_space<vmem>> -> memref<1x128xi32, #tpu.memory_space<vmem>>
      %dma_start3A_1596 = tpu.memref_squeeze %dma_start3A_1595 : memref<1x128xi32, #tpu.memory_space<vmem>> -> memref<128xi32, #tpu.memory_space<vmem>>
      %dma_start3A_1597 = arith.constant 0 : i32
      %dma_start3A_1598 = tpu.memref_slice %arg17[%dma_start3A_1597] : memref<1000000xi32, #tpu.memory_space<hbm>> -> memref<1000000xi32, #tpu.memory_space<hbm>>
      tpu.enqueue_indirect_dma source(%dma_start3A_1598 : memref<1000000xi32, #tpu.memory_space<hbm>>) target(%dma_start3A_1593 : memref<128xi32, #tpu.memory_space<vmem>>) offsets(%dma_start3A_1596 : memref<128xi32, #tpu.memory_space<vmem>>) semaphore(%arg26 : memref<!tpu.dma_semaphore, #tpu.memory_space<semaphore_mem>>)
      %dma_start3A_1599 = arith.constant 6 : i32
      %dma_start3A_1600 = arith.constant 6 : i32
      %dma_start3A_1601 = arith.constant 384 : i32
      %dma_start3A_1602 = tpu.memref_slice %arg23[%dma_start3A_1600, %dma_start3A_1601] : memref<8x512xi32, #tpu.memory_space<vmem>> -> memref<1x128xi32, #tpu.memory_space<vmem>>
      %dma_start3A_1603 = tpu.memref_squeeze %dma_start3A_1602 : memref<1x128xi32, #tpu.memory_space<vmem>> -> memref<128xi32, #tpu.memory_space<vmem>>
      %dma_start3A_1604 = arith.constant 384 : i32
      %dma_start3A_1605 = tpu.memref_slice %arg22[%dma_start3A_1599, %dma_start3A_1604] : memref<8x512xi32, #tpu.memory_space<vmem>> -> memref<1x128xi32, #tpu.memory_space<vmem>>
      %dma_start3A_1606 = tpu.memref_squeeze %dma_start3A_1605 : memref<1x128xi32, #tpu.memory_space<vmem>> -> memref<128xi32, #tpu.memory_space<vmem>>
      %dma_start3A_1607 = arith.constant 0 : i32
      %dma_start3A_1608 = tpu.memref_slice %arg16[%dma_start3A_1607] : memref<1000000xi32, #tpu.memory_space<hbm>> -> memref<1000000xi32, #tpu.memory_space<hbm>>
      tpu.enqueue_indirect_dma source(%dma_start3A_1608 : memref<1000000xi32, #tpu.memory_space<hbm>>) target(%dma_start3A_1603 : memref<128xi32, #tpu.memory_space<vmem>>) offsets(%dma_start3A_1606 : memref<128xi32, #tpu.memory_space<vmem>>) semaphore(%arg26 : memref<!tpu.dma_semaphore, #tpu.memory_space<semaphore_mem>>)
      %dma_start3A_1609 = arith.constant 6 : i32
      %dma_start3A_1610 = arith.constant 6 : i32
      %dma_start3A_1611 = arith.constant 384 : i32
      %dma_start3A_1612 = tpu.memref_slice %arg24[%dma_start3A_1610, %dma_start3A_1611] : memref<8x512xi32, #tpu.memory_space<vmem>> -> memref<1x128xi32, #tpu.memory_space<vmem>>
      %dma_start3A_1613 = tpu.memref_squeeze %dma_start3A_1612 : memref<1x128xi32, #tpu.memory_space<vmem>> -> memref<128xi32, #tpu.memory_space<vmem>>
      %dma_start3A_1614 = arith.constant 384 : i32
      %dma_start3A_1615 = tpu.memref_slice %arg22[%dma_start3A_1609, %dma_start3A_1614] : memref<8x512xi32, #tpu.memory_space<vmem>> -> memref<1x128xi32, #tpu.memory_space<vmem>>
      %dma_start3A_1616 = tpu.memref_squeeze %dma_start3A_1615 : memref<1x128xi32, #tpu.memory_space<vmem>> -> memref<128xi32, #tpu.memory_space<vmem>>
      %dma_start3A_1617 = arith.constant 0 : i32
      %dma_start3A_1618 = tpu.memref_slice %arg17[%dma_start3A_1617] : memref<1000000xi32, #tpu.memory_space<hbm>> -> memref<1000000xi32, #tpu.memory_space<hbm>>
      tpu.enqueue_indirect_dma source(%dma_start3A_1618 : memref<1000000xi32, #tpu.memory_space<hbm>>) target(%dma_start3A_1613 : memref<128xi32, #tpu.memory_space<vmem>>) offsets(%dma_start3A_1616 : memref<128xi32, #tpu.memory_space<vmem>>) semaphore(%arg26 : memref<!tpu.dma_semaphore, #tpu.memory_space<semaphore_mem>>)
      %dma_start3A_1619 = arith.constant 7 : i32
      %dma_start3A_1620 = arith.constant 7 : i32
      %dma_start3A_1621 = arith.constant 0 : i32
      %dma_start3A_1622 = tpu.memref_slice %arg23[%dma_start3A_1620, %dma_start3A_1621] : memref<8x512xi32, #tpu.memory_space<vmem>> -> memref<1x128xi32, #tpu.memory_space<vmem>>
      %dma_start3A_1623 = tpu.memref_squeeze %dma_start3A_1622 : memref<1x128xi32, #tpu.memory_space<vmem>> -> memref<128xi32, #tpu.memory_space<vmem>>
      %dma_start3A_1624 = arith.constant 0 : i32
      %dma_start3A_1625 = tpu.memref_slice %arg22[%dma_start3A_1619, %dma_start3A_1624] : memref<8x512xi32, #tpu.memory_space<vmem>> -> memref<1x128xi32, #tpu.memory_space<vmem>>
      %dma_start3A_1626 = tpu.memref_squeeze %dma_start3A_1625 : memref<1x128xi32, #tpu.memory_space<vmem>> -> memref<128xi32, #tpu.memory_space<vmem>>
      %dma_start3A_1627 = arith.constant 0 : i32
      %dma_start3A_1628 = tpu.memref_slice %arg16[%dma_start3A_1627] : memref<1000000xi32, #tpu.memory_space<hbm>> -> memref<1000000xi32, #tpu.memory_space<hbm>>
      tpu.enqueue_indirect_dma source(%dma_start3A_1628 : memref<1000000xi32, #tpu.memory_space<hbm>>) target(%dma_start3A_1623 : memref<128xi32, #tpu.memory_space<vmem>>) offsets(%dma_start3A_1626 : memref<128xi32, #tpu.memory_space<vmem>>) semaphore(%arg27 : memref<!tpu.dma_semaphore, #tpu.memory_space<semaphore_mem>>)
      %dma_start3A_1629 = arith.constant 7 : i32
      %dma_start3A_1630 = arith.constant 7 : i32
      %dma_start3A_1631 = arith.constant 0 : i32
      %dma_start3A_1632 = tpu.memref_slice %arg24[%dma_start3A_1630, %dma_start3A_1631] : memref<8x512xi32, #tpu.memory_space<vmem>> -> memref<1x128xi32, #tpu.memory_space<vmem>>
      %dma_start3A_1633 = tpu.memref_squeeze %dma_start3A_1632 : memref<1x128xi32, #tpu.memory_space<vmem>> -> memref<128xi32, #tpu.memory_space<vmem>>
      %dma_start3A_1634 = arith.constant 0 : i32
      %dma_start3A_1635 = tpu.memref_slice %arg22[%dma_start3A_1629, %dma_start3A_1634] : memref<8x512xi32, #tpu.memory_space<vmem>> -> memref<1x128xi32, #tpu.memory_space<vmem>>
      %dma_start3A_1636 = tpu.memref_squeeze %dma_start3A_1635 : memref<1x128xi32, #tpu.memory_space<vmem>> -> memref<128xi32, #tpu.memory_space<vmem>>
      %dma_start3A_1637 = arith.constant 0 : i32
      %dma_start3A_1638 = tpu.memref_slice %arg17[%dma_start3A_1637] : memref<1000000xi32, #tpu.memory_space<hbm>> -> memref<1000000xi32, #tpu.memory_space<hbm>>
      tpu.enqueue_indirect_dma source(%dma_start3A_1638 : memref<1000000xi32, #tpu.memory_space<hbm>>) target(%dma_start3A_1633 : memref<128xi32, #tpu.memory_space<vmem>>) offsets(%dma_start3A_1636 : memref<128xi32, #tpu.memory_space<vmem>>) semaphore(%arg27 : memref<!tpu.dma_semaphore, #tpu.memory_space<semaphore_mem>>)
      %dma_start3A_1639 = arith.constant 7 : i32
      %dma_start3A_1640 = arith.constant 7 : i32
      %dma_start3A_1641 = arith.constant 128 : i32
      %dma_start3A_1642 = tpu.memref_slice %arg23[%dma_start3A_1640, %dma_start3A_1641] : memref<8x512xi32, #tpu.memory_space<vmem>> -> memref<1x128xi32, #tpu.memory_space<vmem>>
      %dma_start3A_1643 = tpu.memref_squeeze %dma_start3A_1642 : memref<1x128xi32, #tpu.memory_space<vmem>> -> memref<128xi32, #tpu.memory_space<vmem>>
      %dma_start3A_1644 = arith.constant 128 : i32
      %dma_start3A_1645 = tpu.memref_slice %arg22[%dma_start3A_1639, %dma_start3A_1644] : memref<8x512xi32, #tpu.memory_space<vmem>> -> memref<1x128xi32, #tpu.memory_space<vmem>>
      %dma_start3A_1646 = tpu.memref_squeeze %dma_start3A_1645 : memref<1x128xi32, #tpu.memory_space<vmem>> -> memref<128xi32, #tpu.memory_space<vmem>>
      %dma_start3A_1647 = arith.constant 0 : i32
      %dma_start3A_1648 = tpu.memref_slice %arg16[%dma_start3A_1647] : memref<1000000xi32, #tpu.memory_space<hbm>> -> memref<1000000xi32, #tpu.memory_space<hbm>>
      tpu.enqueue_indirect_dma source(%dma_start3A_1648 : memref<1000000xi32, #tpu.memory_space<hbm>>) target(%dma_start3A_1643 : memref<128xi32, #tpu.memory_space<vmem>>) offsets(%dma_start3A_1646 : memref<128xi32, #tpu.memory_space<vmem>>) semaphore(%arg27 : memref<!tpu.dma_semaphore, #tpu.memory_space<semaphore_mem>>)
      %dma_start3A_1649 = arith.constant 7 : i32
      %dma_start3A_1650 = arith.constant 7 : i32
      %dma_start3A_1651 = arith.constant 128 : i32
      %dma_start3A_1652 = tpu.memref_slice %arg24[%dma_start3A_1650, %dma_start3A_1651] : memref<8x512xi32, #tpu.memory_space<vmem>> -> memref<1x128xi32, #tpu.memory_space<vmem>>
      %dma_start3A_1653 = tpu.memref_squeeze %dma_start3A_1652 : memref<1x128xi32, #tpu.memory_space<vmem>> -> memref<128xi32, #tpu.memory_space<vmem>>
      %dma_start3A_1654 = arith.constant 128 : i32
      %dma_start3A_1655 = tpu.memref_slice %arg22[%dma_start3A_1649, %dma_start3A_1654] : memref<8x512xi32, #tpu.memory_space<vmem>> -> memref<1x128xi32, #tpu.memory_space<vmem>>
      %dma_start3A_1656 = tpu.memref_squeeze %dma_start3A_1655 : memref<1x128xi32, #tpu.memory_space<vmem>> -> memref<128xi32, #tpu.memory_space<vmem>>
      %dma_start3A_1657 = arith.constant 0 : i32
      %dma_start3A_1658 = tpu.memref_slice %arg17[%dma_start3A_1657] : memref<1000000xi32, #tpu.memory_space<hbm>> -> memref<1000000xi32, #tpu.memory_space<hbm>>
      tpu.enqueue_indirect_dma source(%dma_start3A_1658 : memref<1000000xi32, #tpu.memory_space<hbm>>) target(%dma_start3A_1653 : memref<128xi32, #tpu.memory_space<vmem>>) offsets(%dma_start3A_1656 : memref<128xi32, #tpu.memory_space<vmem>>) semaphore(%arg27 : memref<!tpu.dma_semaphore, #tpu.memory_space<semaphore_mem>>)
      %dma_start3A_1659 = arith.constant 7 : i32
      %dma_start3A_1660 = arith.constant 7 : i32
      %dma_start3A_1661 = arith.constant 256 : i32
      %dma_start3A_1662 = tpu.memref_slice %arg23[%dma_start3A_1660, %dma_start3A_1661] : memref<8x512xi32, #tpu.memory_space<vmem>> -> memref<1x128xi32, #tpu.memory_space<vmem>>
      %dma_start3A_1663 = tpu.memref_squeeze %dma_start3A_1662 : memref<1x128xi32, #tpu.memory_space<vmem>> -> memref<128xi32, #tpu.memory_space<vmem>>
      %dma_start3A_1664 = arith.constant 256 : i32
      %dma_start3A_1665 = tpu.memref_slice %arg22[%dma_start3A_1659, %dma_start3A_1664] : memref<8x512xi32, #tpu.memory_space<vmem>> -> memref<1x128xi32, #tpu.memory_space<vmem>>
      %dma_start3A_1666 = tpu.memref_squeeze %dma_start3A_1665 : memref<1x128xi32, #tpu.memory_space<vmem>> -> memref<128xi32, #tpu.memory_space<vmem>>
      %dma_start3A_1667 = arith.constant 0 : i32
      %dma_start3A_1668 = tpu.memref_slice %arg16[%dma_start3A_1667] : memref<1000000xi32, #tpu.memory_space<hbm>> -> memref<1000000xi32, #tpu.memory_space<hbm>>
      tpu.enqueue_indirect_dma source(%dma_start3A_1668 : memref<1000000xi32, #tpu.memory_space<hbm>>) target(%dma_start3A_1663 : memref<128xi32, #tpu.memory_space<vmem>>) offsets(%dma_start3A_1666 : memref<128xi32, #tpu.memory_space<vmem>>) semaphore(%arg27 : memref<!tpu.dma_semaphore, #tpu.memory_space<semaphore_mem>>)
      %dma_start3A_1669 = arith.constant 7 : i32
      %dma_start3A_1670 = arith.constant 7 : i32
      %dma_start3A_1671 = arith.constant 256 : i32
      %dma_start3A_1672 = tpu.memref_slice %arg24[%dma_start3A_1670, %dma_start3A_1671] : memref<8x512xi32, #tpu.memory_space<vmem>> -> memref<1x128xi32, #tpu.memory_space<vmem>>
      %dma_start3A_1673 = tpu.memref_squeeze %dma_start3A_1672 : memref<1x128xi32, #tpu.memory_space<vmem>> -> memref<128xi32, #tpu.memory_space<vmem>>
      %dma_start3A_1674 = arith.constant 256 : i32
      %dma_start3A_1675 = tpu.memref_slice %arg22[%dma_start3A_1669, %dma_start3A_1674] : memref<8x512xi32, #tpu.memory_space<vmem>> -> memref<1x128xi32, #tpu.memory_space<vmem>>
      %dma_start3A_1676 = tpu.memref_squeeze %dma_start3A_1675 : memref<1x128xi32, #tpu.memory_space<vmem>> -> memref<128xi32, #tpu.memory_space<vmem>>
      %dma_start3A_1677 = arith.constant 0 : i32
      %dma_start3A_1678 = tpu.memref_slice %arg17[%dma_start3A_1677] : memref<1000000xi32, #tpu.memory_space<hbm>> -> memref<1000000xi32, #tpu.memory_space<hbm>>
      tpu.enqueue_indirect_dma source(%dma_start3A_1678 : memref<1000000xi32, #tpu.memory_space<hbm>>) target(%dma_start3A_1673 : memref<128xi32, #tpu.memory_space<vmem>>) offsets(%dma_start3A_1676 : memref<128xi32, #tpu.memory_space<vmem>>) semaphore(%arg27 : memref<!tpu.dma_semaphore, #tpu.memory_space<semaphore_mem>>)
      %dma_start3A_1679 = arith.constant 7 : i32
      %dma_start3A_1680 = arith.constant 7 : i32
      %dma_start3A_1681 = arith.constant 384 : i32
      %dma_start3A_1682 = tpu.memref_slice %arg23[%dma_start3A_1680, %dma_start3A_1681] : memref<8x512xi32, #tpu.memory_space<vmem>> -> memref<1x128xi32, #tpu.memory_space<vmem>>
      %dma_start3A_1683 = tpu.memref_squeeze %dma_start3A_1682 : memref<1x128xi32, #tpu.memory_space<vmem>> -> memref<128xi32, #tpu.memory_space<vmem>>
      %dma_start3A_1684 = arith.constant 384 : i32
      %dma_start3A_1685 = tpu.memref_slice %arg22[%dma_start3A_1679, %dma_start3A_1684] : memref<8x512xi32, #tpu.memory_space<vmem>> -> memref<1x128xi32, #tpu.memory_space<vmem>>
      %dma_start3A_1686 = tpu.memref_squeeze %dma_start3A_1685 : memref<1x128xi32, #tpu.memory_space<vmem>> -> memref<128xi32, #tpu.memory_space<vmem>>
      %dma_start3A_1687 = arith.constant 0 : i32
      %dma_start3A_1688 = tpu.memref_slice %arg16[%dma_start3A_1687] : memref<1000000xi32, #tpu.memory_space<hbm>> -> memref<1000000xi32, #tpu.memory_space<hbm>>
      tpu.enqueue_indirect_dma source(%dma_start3A_1688 : memref<1000000xi32, #tpu.memory_space<hbm>>) target(%dma_start3A_1683 : memref<128xi32, #tpu.memory_space<vmem>>) offsets(%dma_start3A_1686 : memref<128xi32, #tpu.memory_space<vmem>>) semaphore(%arg27 : memref<!tpu.dma_semaphore, #tpu.memory_space<semaphore_mem>>)
      %dma_start3A_1689 = arith.constant 7 : i32
      %dma_start3A_1690 = arith.constant 7 : i32
      %dma_start3A_1691 = arith.constant 384 : i32
      %dma_start3A_1692 = tpu.memref_slice %arg24[%dma_start3A_1690, %dma_start3A_1691] : memref<8x512xi32, #tpu.memory_space<vmem>> -> memref<1x128xi32, #tpu.memory_space<vmem>>
      %dma_start3A_1693 = tpu.memref_squeeze %dma_start3A_1692 : memref<1x128xi32, #tpu.memory_space<vmem>> -> memref<128xi32, #tpu.memory_space<vmem>>
      %dma_start3A_1694 = arith.constant 384 : i32
      %dma_start3A_1695 = tpu.memref_slice %arg22[%dma_start3A_1689, %dma_start3A_1694] : memref<8x512xi32, #tpu.memory_space<vmem>> -> memref<1x128xi32, #tpu.memory_space<vmem>>
      %dma_start3A_1696 = tpu.memref_squeeze %dma_start3A_1695 : memref<1x128xi32, #tpu.memory_space<vmem>> -> memref<128xi32, #tpu.memory_space<vmem>>
      %dma_start3A_1697 = arith.constant 0 : i32
      %dma_start3A_1698 = tpu.memref_slice %arg17[%dma_start3A_1697] : memref<1000000xi32, #tpu.memory_space<hbm>> -> memref<1000000xi32, #tpu.memory_space<hbm>>
      tpu.enqueue_indirect_dma source(%dma_start3A_1698 : memref<1000000xi32, #tpu.memory_space<hbm>>) target(%dma_start3A_1693 : memref<128xi32, #tpu.memory_space<vmem>>) offsets(%dma_start3A_1696 : memref<128xi32, #tpu.memory_space<vmem>>) semaphore(%arg27 : memref<!tpu.dma_semaphore, #tpu.memory_space<semaphore_mem>>)
      %dma_wait3A_1699 = arith.constant 6 : i32
      %dma_wait3A_1700 = arith.constant 6 : i32
      %dma_wait3A_1701 = arith.constant 0 : i32
      %dma_wait3A_1702 = tpu.memref_slice %arg23[%dma_wait3A_1700, %dma_wait3A_1701] : memref<8x512xi32, #tpu.memory_space<vmem>> -> memref<1x128xi32, #tpu.memory_space<vmem>>
      %dma_wait3A_1703 = tpu.memref_squeeze %dma_wait3A_1702 : memref<1x128xi32, #tpu.memory_space<vmem>> -> memref<128xi32, #tpu.memory_space<vmem>>
      %dma_wait3A_1704 = arith.constant 0 : i32
      %dma_wait3A_1705 = tpu.memref_slice %arg22[%dma_wait3A_1699, %dma_wait3A_1704] : memref<8x512xi32, #tpu.memory_space<vmem>> -> memref<1x128xi32, #tpu.memory_space<vmem>>
      %dma_wait3A_1706 = tpu.memref_squeeze %dma_wait3A_1705 : memref<1x128xi32, #tpu.memory_space<vmem>> -> memref<128xi32, #tpu.memory_space<vmem>>
      %dma_wait3A_1707 = arith.constant 0 : i32
      %dma_wait3A_1708 = tpu.memref_slice %arg16[%dma_wait3A_1707] : memref<1000000xi32, #tpu.memory_space<hbm>> -> memref<1000000xi32, #tpu.memory_space<hbm>>
      tpu.wait_indirect_dma semaphore(%arg26 : memref<!tpu.dma_semaphore, #tpu.memory_space<semaphore_mem>>) src(%dma_wait3A_1708 : memref<1000000xi32, #tpu.memory_space<hbm>>) dst(%dma_wait3A_1703 : memref<128xi32, #tpu.memory_space<vmem>>)
      %dma_wait3A_1709 = arith.constant 6 : i32
      %dma_wait3A_1710 = arith.constant 6 : i32
      %dma_wait3A_1711 = arith.constant 0 : i32
      %dma_wait3A_1712 = tpu.memref_slice %arg24[%dma_wait3A_1710, %dma_wait3A_1711] : memref<8x512xi32, #tpu.memory_space<vmem>> -> memref<1x128xi32, #tpu.memory_space<vmem>>
      %dma_wait3A_1713 = tpu.memref_squeeze %dma_wait3A_1712 : memref<1x128xi32, #tpu.memory_space<vmem>> -> memref<128xi32, #tpu.memory_space<vmem>>
      %dma_wait3A_1714 = arith.constant 0 : i32
      %dma_wait3A_1715 = tpu.memref_slice %arg22[%dma_wait3A_1709, %dma_wait3A_1714] : memref<8x512xi32, #tpu.memory_space<vmem>> -> memref<1x128xi32, #tpu.memory_space<vmem>>
      %dma_wait3A_1716 = tpu.memref_squeeze %dma_wait3A_1715 : memref<1x128xi32, #tpu.memory_space<vmem>> -> memref<128xi32, #tpu.memory_space<vmem>>
      %dma_wait3A_1717 = arith.constant 0 : i32
      %dma_wait3A_1718 = tpu.memref_slice %arg17[%dma_wait3A_1717] : memref<1000000xi32, #tpu.memory_space<hbm>> -> memref<1000000xi32, #tpu.memory_space<hbm>>
      tpu.wait_indirect_dma semaphore(%arg26 : memref<!tpu.dma_semaphore, #tpu.memory_space<semaphore_mem>>) src(%dma_wait3A_1718 : memref<1000000xi32, #tpu.memory_space<hbm>>) dst(%dma_wait3A_1713 : memref<128xi32, #tpu.memory_space<vmem>>)
      %dma_wait3A_1719 = arith.constant 6 : i32
      %dma_wait3A_1720 = arith.constant 6 : i32
      %dma_wait3A_1721 = arith.constant 128 : i32
      %dma_wait3A_1722 = tpu.memref_slice %arg23[%dma_wait3A_1720, %dma_wait3A_1721] : memref<8x512xi32, #tpu.memory_space<vmem>> -> memref<1x128xi32, #tpu.memory_space<vmem>>
      %dma_wait3A_1723 = tpu.memref_squeeze %dma_wait3A_1722 : memref<1x128xi32, #tpu.memory_space<vmem>> -> memref<128xi32, #tpu.memory_space<vmem>>
      %dma_wait3A_1724 = arith.constant 128 : i32
      %dma_wait3A_1725 = tpu.memref_slice %arg22[%dma_wait3A_1719, %dma_wait3A_1724] : memref<8x512xi32, #tpu.memory_space<vmem>> -> memref<1x128xi32, #tpu.memory_space<vmem>>
      %dma_wait3A_1726 = tpu.memref_squeeze %dma_wait3A_1725 : memref<1x128xi32, #tpu.memory_space<vmem>> -> memref<128xi32, #tpu.memory_space<vmem>>
      %dma_wait3A_1727 = arith.constant 0 : i32
      %dma_wait3A_1728 = tpu.memref_slice %arg16[%dma_wait3A_1727] : memref<1000000xi32, #tpu.memory_space<hbm>> -> memref<1000000xi32, #tpu.memory_space<hbm>>
      tpu.wait_indirect_dma semaphore(%arg26 : memref<!tpu.dma_semaphore, #tpu.memory_space<semaphore_mem>>) src(%dma_wait3A_1728 : memref<1000000xi32, #tpu.memory_space<hbm>>) dst(%dma_wait3A_1723 : memref<128xi32, #tpu.memory_space<vmem>>)
      %dma_wait3A_1729 = arith.constant 6 : i32
      %dma_wait3A_1730 = arith.constant 6 : i32
      %dma_wait3A_1731 = arith.constant 128 : i32
      %dma_wait3A_1732 = tpu.memref_slice %arg24[%dma_wait3A_1730, %dma_wait3A_1731] : memref<8x512xi32, #tpu.memory_space<vmem>> -> memref<1x128xi32, #tpu.memory_space<vmem>>
      %dma_wait3A_1733 = tpu.memref_squeeze %dma_wait3A_1732 : memref<1x128xi32, #tpu.memory_space<vmem>> -> memref<128xi32, #tpu.memory_space<vmem>>
      %dma_wait3A_1734 = arith.constant 128 : i32
      %dma_wait3A_1735 = tpu.memref_slice %arg22[%dma_wait3A_1729, %dma_wait3A_1734] : memref<8x512xi32, #tpu.memory_space<vmem>> -> memref<1x128xi32, #tpu.memory_space<vmem>>
      %dma_wait3A_1736 = tpu.memref_squeeze %dma_wait3A_1735 : memref<1x128xi32, #tpu.memory_space<vmem>> -> memref<128xi32, #tpu.memory_space<vmem>>
      %dma_wait3A_1737 = arith.constant 0 : i32
      %dma_wait3A_1738 = tpu.memref_slice %arg17[%dma_wait3A_1737] : memref<1000000xi32, #tpu.memory_space<hbm>> -> memref<1000000xi32, #tpu.memory_space<hbm>>
      tpu.wait_indirect_dma semaphore(%arg26 : memref<!tpu.dma_semaphore, #tpu.memory_space<semaphore_mem>>) src(%dma_wait3A_1738 : memref<1000000xi32, #tpu.memory_space<hbm>>) dst(%dma_wait3A_1733 : memref<128xi32, #tpu.memory_space<vmem>>)
      %dma_wait3A_1739 = arith.constant 6 : i32
      %dma_wait3A_1740 = arith.constant 6 : i32
      %dma_wait3A_1741 = arith.constant 256 : i32
      %dma_wait3A_1742 = tpu.memref_slice %arg23[%dma_wait3A_1740, %dma_wait3A_1741] : memref<8x512xi32, #tpu.memory_space<vmem>> -> memref<1x128xi32, #tpu.memory_space<vmem>>
      %dma_wait3A_1743 = tpu.memref_squeeze %dma_wait3A_1742 : memref<1x128xi32, #tpu.memory_space<vmem>> -> memref<128xi32, #tpu.memory_space<vmem>>
      %dma_wait3A_1744 = arith.constant 256 : i32
      %dma_wait3A_1745 = tpu.memref_slice %arg22[%dma_wait3A_1739, %dma_wait3A_1744] : memref<8x512xi32, #tpu.memory_space<vmem>> -> memref<1x128xi32, #tpu.memory_space<vmem>>
      %dma_wait3A_1746 = tpu.memref_squeeze %dma_wait3A_1745 : memref<1x128xi32, #tpu.memory_space<vmem>> -> memref<128xi32, #tpu.memory_space<vmem>>
      %dma_wait3A_1747 = arith.constant 0 : i32
      %dma_wait3A_1748 = tpu.memref_slice %arg16[%dma_wait3A_1747] : memref<1000000xi32, #tpu.memory_space<hbm>> -> memref<1000000xi32, #tpu.memory_space<hbm>>
      tpu.wait_indirect_dma semaphore(%arg26 : memref<!tpu.dma_semaphore, #tpu.memory_space<semaphore_mem>>) src(%dma_wait3A_1748 : memref<1000000xi32, #tpu.memory_space<hbm>>) dst(%dma_wait3A_1743 : memref<128xi32, #tpu.memory_space<vmem>>)
      %dma_wait3A_1749 = arith.constant 6 : i32
      %dma_wait3A_1750 = arith.constant 6 : i32
      %dma_wait3A_1751 = arith.constant 256 : i32
      %dma_wait3A_1752 = tpu.memref_slice %arg24[%dma_wait3A_1750, %dma_wait3A_1751] : memref<8x512xi32, #tpu.memory_space<vmem>> -> memref<1x128xi32, #tpu.memory_space<vmem>>
      %dma_wait3A_1753 = tpu.memref_squeeze %dma_wait3A_1752 : memref<1x128xi32, #tpu.memory_space<vmem>> -> memref<128xi32, #tpu.memory_space<vmem>>
      %dma_wait3A_1754 = arith.constant 256 : i32
      %dma_wait3A_1755 = tpu.memref_slice %arg22[%dma_wait3A_1749, %dma_wait3A_1754] : memref<8x512xi32, #tpu.memory_space<vmem>> -> memref<1x128xi32, #tpu.memory_space<vmem>>
      %dma_wait3A_1756 = tpu.memref_squeeze %dma_wait3A_1755 : memref<1x128xi32, #tpu.memory_space<vmem>> -> memref<128xi32, #tpu.memory_space<vmem>>
      %dma_wait3A_1757 = arith.constant 0 : i32
      %dma_wait3A_1758 = tpu.memref_slice %arg17[%dma_wait3A_1757] : memref<1000000xi32, #tpu.memory_space<hbm>> -> memref<1000000xi32, #tpu.memory_space<hbm>>
      tpu.wait_indirect_dma semaphore(%arg26 : memref<!tpu.dma_semaphore, #tpu.memory_space<semaphore_mem>>) src(%dma_wait3A_1758 : memref<1000000xi32, #tpu.memory_space<hbm>>) dst(%dma_wait3A_1753 : memref<128xi32, #tpu.memory_space<vmem>>)
      %dma_wait3A_1759 = arith.constant 6 : i32
      %dma_wait3A_1760 = arith.constant 6 : i32
      %dma_wait3A_1761 = arith.constant 384 : i32
      %dma_wait3A_1762 = tpu.memref_slice %arg23[%dma_wait3A_1760, %dma_wait3A_1761] : memref<8x512xi32, #tpu.memory_space<vmem>> -> memref<1x128xi32, #tpu.memory_space<vmem>>
      %dma_wait3A_1763 = tpu.memref_squeeze %dma_wait3A_1762 : memref<1x128xi32, #tpu.memory_space<vmem>> -> memref<128xi32, #tpu.memory_space<vmem>>
      %dma_wait3A_1764 = arith.constant 384 : i32
      %dma_wait3A_1765 = tpu.memref_slice %arg22[%dma_wait3A_1759, %dma_wait3A_1764] : memref<8x512xi32, #tpu.memory_space<vmem>> -> memref<1x128xi32, #tpu.memory_space<vmem>>
      %dma_wait3A_1766 = tpu.memref_squeeze %dma_wait3A_1765 : memref<1x128xi32, #tpu.memory_space<vmem>> -> memref<128xi32, #tpu.memory_space<vmem>>
      %dma_wait3A_1767 = arith.constant 0 : i32
      %dma_wait3A_1768 = tpu.memref_slice %arg16[%dma_wait3A_1767] : memref<1000000xi32, #tpu.memory_space<hbm>> -> memref<1000000xi32, #tpu.memory_space<hbm>>
      tpu.wait_indirect_dma semaphore(%arg26 : memref<!tpu.dma_semaphore, #tpu.memory_space<semaphore_mem>>) src(%dma_wait3A_1768 : memref<1000000xi32, #tpu.memory_space<hbm>>) dst(%dma_wait3A_1763 : memref<128xi32, #tpu.memory_space<vmem>>)
      %dma_wait3A_1769 = arith.constant 6 : i32
      %dma_wait3A_1770 = arith.constant 6 : i32
      %dma_wait3A_1771 = arith.constant 384 : i32
      %dma_wait3A_1772 = tpu.memref_slice %arg24[%dma_wait3A_1770, %dma_wait3A_1771] : memref<8x512xi32, #tpu.memory_space<vmem>> -> memref<1x128xi32, #tpu.memory_space<vmem>>
      %dma_wait3A_1773 = tpu.memref_squeeze %dma_wait3A_1772 : memref<1x128xi32, #tpu.memory_space<vmem>> -> memref<128xi32, #tpu.memory_space<vmem>>
      %dma_wait3A_1774 = arith.constant 384 : i32
      %dma_wait3A_1775 = tpu.memref_slice %arg22[%dma_wait3A_1769, %dma_wait3A_1774] : memref<8x512xi32, #tpu.memory_space<vmem>> -> memref<1x128xi32, #tpu.memory_space<vmem>>
      %dma_wait3A_1776 = tpu.memref_squeeze %dma_wait3A_1775 : memref<1x128xi32, #tpu.memory_space<vmem>> -> memref<128xi32, #tpu.memory_space<vmem>>
      %dma_wait3A_1777 = arith.constant 0 : i32
      %dma_wait3A_1778 = tpu.memref_slice %arg17[%dma_wait3A_1777] : memref<1000000xi32, #tpu.memory_space<hbm>> -> memref<1000000xi32, #tpu.memory_space<hbm>>
      tpu.wait_indirect_dma semaphore(%arg26 : memref<!tpu.dma_semaphore, #tpu.memory_space<semaphore_mem>>) src(%dma_wait3A_1778 : memref<1000000xi32, #tpu.memory_space<hbm>>) dst(%dma_wait3A_1773 : memref<128xi32, #tpu.memory_space<vmem>>)
      %dma_wait3A_1779 = arith.constant 1 : i32
      %dma_wait3A_1780 = arith.constant 1 : i32
      %dma_wait3A_1781 = arith.constant 0 : i32
      %dma_wait3A_1782 = tpu.memref_slice %arg23[%dma_wait3A_1780, %dma_wait3A_1781] : memref<8x512xi32, #tpu.memory_space<vmem>> -> memref<1x128xi32, #tpu.memory_space<vmem>>
      %dma_wait3A_1783 = tpu.memref_squeeze %dma_wait3A_1782 : memref<1x128xi32, #tpu.memory_space<vmem>> -> memref<128xi32, #tpu.memory_space<vmem>>
      %dma_wait3A_1784 = arith.constant 0 : i32
      %dma_wait3A_1785 = tpu.memref_slice %arg22[%dma_wait3A_1779, %dma_wait3A_1784] : memref<8x512xi32, #tpu.memory_space<vmem>> -> memref<1x128xi32, #tpu.memory_space<vmem>>
      %dma_wait3A_1786 = tpu.memref_squeeze %dma_wait3A_1785 : memref<1x128xi32, #tpu.memory_space<vmem>> -> memref<128xi32, #tpu.memory_space<vmem>>
      %dma_wait3A_1787 = arith.constant 0 : i32
      %dma_wait3A_1788 = tpu.memref_slice %arg16[%dma_wait3A_1787] : memref<1000000xi32, #tpu.memory_space<hbm>> -> memref<1000000xi32, #tpu.memory_space<hbm>>
      tpu.wait_indirect_dma semaphore(%arg27 : memref<!tpu.dma_semaphore, #tpu.memory_space<semaphore_mem>>) src(%dma_wait3A_1788 : memref<1000000xi32, #tpu.memory_space<hbm>>) dst(%dma_wait3A_1783 : memref<128xi32, #tpu.memory_space<vmem>>)
      %dma_wait3A_1789 = arith.constant 1 : i32
      %dma_wait3A_1790 = arith.constant 1 : i32
      %dma_wait3A_1791 = arith.constant 0 : i32
      %dma_wait3A_1792 = tpu.memref_slice %arg24[%dma_wait3A_1790, %dma_wait3A_1791] : memref<8x512xi32, #tpu.memory_space<vmem>> -> memref<1x128xi32, #tpu.memory_space<vmem>>
      %dma_wait3A_1793 = tpu.memref_squeeze %dma_wait3A_1792 : memref<1x128xi32, #tpu.memory_space<vmem>> -> memref<128xi32, #tpu.memory_space<vmem>>
      %dma_wait3A_1794 = arith.constant 0 : i32
      %dma_wait3A_1795 = tpu.memref_slice %arg22[%dma_wait3A_1789, %dma_wait3A_1794] : memref<8x512xi32, #tpu.memory_space<vmem>> -> memref<1x128xi32, #tpu.memory_space<vmem>>
      %dma_wait3A_1796 = tpu.memref_squeeze %dma_wait3A_1795 : memref<1x128xi32, #tpu.memory_space<vmem>> -> memref<128xi32, #tpu.memory_space<vmem>>
      %dma_wait3A_1797 = arith.constant 0 : i32
      %dma_wait3A_1798 = tpu.memref_slice %arg17[%dma_wait3A_1797] : memref<1000000xi32, #tpu.memory_space<hbm>> -> memref<1000000xi32, #tpu.memory_space<hbm>>
      tpu.wait_indirect_dma semaphore(%arg27 : memref<!tpu.dma_semaphore, #tpu.memory_space<semaphore_mem>>) src(%dma_wait3A_1798 : memref<1000000xi32, #tpu.memory_space<hbm>>) dst(%dma_wait3A_1793 : memref<128xi32, #tpu.memory_space<vmem>>)
      %dma_wait3A_1799 = arith.constant 1 : i32
      %dma_wait3A_1800 = arith.constant 1 : i32
      %dma_wait3A_1801 = arith.constant 128 : i32
      %dma_wait3A_1802 = tpu.memref_slice %arg23[%dma_wait3A_1800, %dma_wait3A_1801] : memref<8x512xi32, #tpu.memory_space<vmem>> -> memref<1x128xi32, #tpu.memory_space<vmem>>
      %dma_wait3A_1803 = tpu.memref_squeeze %dma_wait3A_1802 : memref<1x128xi32, #tpu.memory_space<vmem>> -> memref<128xi32, #tpu.memory_space<vmem>>
      %dma_wait3A_1804 = arith.constant 128 : i32
      %dma_wait3A_1805 = tpu.memref_slice %arg22[%dma_wait3A_1799, %dma_wait3A_1804] : memref<8x512xi32, #tpu.memory_space<vmem>> -> memref<1x128xi32, #tpu.memory_space<vmem>>
      %dma_wait3A_1806 = tpu.memref_squeeze %dma_wait3A_1805 : memref<1x128xi32, #tpu.memory_space<vmem>> -> memref<128xi32, #tpu.memory_space<vmem>>
      %dma_wait3A_1807 = arith.constant 0 : i32
      %dma_wait3A_1808 = tpu.memref_slice %arg16[%dma_wait3A_1807] : memref<1000000xi32, #tpu.memory_space<hbm>> -> memref<1000000xi32, #tpu.memory_space<hbm>>
      tpu.wait_indirect_dma semaphore(%arg27 : memref<!tpu.dma_semaphore, #tpu.memory_space<semaphore_mem>>) src(%dma_wait3A_1808 : memref<1000000xi32, #tpu.memory_space<hbm>>) dst(%dma_wait3A_1803 : memref<128xi32, #tpu.memory_space<vmem>>)
      %dma_wait3A_1809 = arith.constant 1 : i32
      %dma_wait3A_1810 = arith.constant 1 : i32
      %dma_wait3A_1811 = arith.constant 128 : i32
      %dma_wait3A_1812 = tpu.memref_slice %arg24[%dma_wait3A_1810, %dma_wait3A_1811] : memref<8x512xi32, #tpu.memory_space<vmem>> -> memref<1x128xi32, #tpu.memory_space<vmem>>
      %dma_wait3A_1813 = tpu.memref_squeeze %dma_wait3A_1812 : memref<1x128xi32, #tpu.memory_space<vmem>> -> memref<128xi32, #tpu.memory_space<vmem>>
      %dma_wait3A_1814 = arith.constant 128 : i32
      %dma_wait3A_1815 = tpu.memref_slice %arg22[%dma_wait3A_1809, %dma_wait3A_1814] : memref<8x512xi32, #tpu.memory_space<vmem>> -> memref<1x128xi32, #tpu.memory_space<vmem>>
      %dma_wait3A_1816 = tpu.memref_squeeze %dma_wait3A_1815 : memref<1x128xi32, #tpu.memory_space<vmem>> -> memref<128xi32, #tpu.memory_space<vmem>>
      %dma_wait3A_1817 = arith.constant 0 : i32
      %dma_wait3A_1818 = tpu.memref_slice %arg17[%dma_wait3A_1817] : memref<1000000xi32, #tpu.memory_space<hbm>> -> memref<1000000xi32, #tpu.memory_space<hbm>>
      tpu.wait_indirect_dma semaphore(%arg27 : memref<!tpu.dma_semaphore, #tpu.memory_space<semaphore_mem>>) src(%dma_wait3A_1818 : memref<1000000xi32, #tpu.memory_space<hbm>>) dst(%dma_wait3A_1813 : memref<128xi32, #tpu.memory_space<vmem>>)
      %dma_wait3A_1819 = arith.constant 1 : i32
      %dma_wait3A_1820 = arith.constant 1 : i32
      %dma_wait3A_1821 = arith.constant 256 : i32
      %dma_wait3A_1822 = tpu.memref_slice %arg23[%dma_wait3A_1820, %dma_wait3A_1821] : memref<8x512xi32, #tpu.memory_space<vmem>> -> memref<1x128xi32, #tpu.memory_space<vmem>>
      %dma_wait3A_1823 = tpu.memref_squeeze %dma_wait3A_1822 : memref<1x128xi32, #tpu.memory_space<vmem>> -> memref<128xi32, #tpu.memory_space<vmem>>
      %dma_wait3A_1824 = arith.constant 256 : i32
      %dma_wait3A_1825 = tpu.memref_slice %arg22[%dma_wait3A_1819, %dma_wait3A_1824] : memref<8x512xi32, #tpu.memory_space<vmem>> -> memref<1x128xi32, #tpu.memory_space<vmem>>
      %dma_wait3A_1826 = tpu.memref_squeeze %dma_wait3A_1825 : memref<1x128xi32, #tpu.memory_space<vmem>> -> memref<128xi32, #tpu.memory_space<vmem>>
      %dma_wait3A_1827 = arith.constant 0 : i32
      %dma_wait3A_1828 = tpu.memref_slice %arg16[%dma_wait3A_1827] : memref<1000000xi32, #tpu.memory_space<hbm>> -> memref<1000000xi32, #tpu.memory_space<hbm>>
      tpu.wait_indirect_dma semaphore(%arg27 : memref<!tpu.dma_semaphore, #tpu.memory_space<semaphore_mem>>) src(%dma_wait3A_1828 : memref<1000000xi32, #tpu.memory_space<hbm>>) dst(%dma_wait3A_1823 : memref<128xi32, #tpu.memory_space<vmem>>)
      %dma_wait3A_1829 = arith.constant 1 : i32
      %dma_wait3A_1830 = arith.constant 1 : i32
      %dma_wait3A_1831 = arith.constant 256 : i32
      %dma_wait3A_1832 = tpu.memref_slice %arg24[%dma_wait3A_1830, %dma_wait3A_1831] : memref<8x512xi32, #tpu.memory_space<vmem>> -> memref<1x128xi32, #tpu.memory_space<vmem>>
      %dma_wait3A_1833 = tpu.memref_squeeze %dma_wait3A_1832 : memref<1x128xi32, #tpu.memory_space<vmem>> -> memref<128xi32, #tpu.memory_space<vmem>>
      %dma_wait3A_1834 = arith.constant 256 : i32
      %dma_wait3A_1835 = tpu.memref_slice %arg22[%dma_wait3A_1829, %dma_wait3A_1834] : memref<8x512xi32, #tpu.memory_space<vmem>> -> memref<1x128xi32, #tpu.memory_space<vmem>>
      %dma_wait3A_1836 = tpu.memref_squeeze %dma_wait3A_1835 : memref<1x128xi32, #tpu.memory_space<vmem>> -> memref<128xi32, #tpu.memory_space<vmem>>
      %dma_wait3A_1837 = arith.constant 0 : i32
      %dma_wait3A_1838 = tpu.memref_slice %arg17[%dma_wait3A_1837] : memref<1000000xi32, #tpu.memory_space<hbm>> -> memref<1000000xi32, #tpu.memory_space<hbm>>
      tpu.wait_indirect_dma semaphore(%arg27 : memref<!tpu.dma_semaphore, #tpu.memory_space<semaphore_mem>>) src(%dma_wait3A_1838 : memref<1000000xi32, #tpu.memory_space<hbm>>) dst(%dma_wait3A_1833 : memref<128xi32, #tpu.memory_space<vmem>>)
      %dma_wait3A_1839 = arith.constant 1 : i32
      %dma_wait3A_1840 = arith.constant 1 : i32
      %dma_wait3A_1841 = arith.constant 384 : i32
      %dma_wait3A_1842 = tpu.memref_slice %arg23[%dma_wait3A_1840, %dma_wait3A_1841] : memref<8x512xi32, #tpu.memory_space<vmem>> -> memref<1x128xi32, #tpu.memory_space<vmem>>
      %dma_wait3A_1843 = tpu.memref_squeeze %dma_wait3A_1842 : memref<1x128xi32, #tpu.memory_space<vmem>> -> memref<128xi32, #tpu.memory_space<vmem>>
      %dma_wait3A_1844 = arith.constant 384 : i32
      %dma_wait3A_1845 = tpu.memref_slice %arg22[%dma_wait3A_1839, %dma_wait3A_1844] : memref<8x512xi32, #tpu.memory_space<vmem>> -> memref<1x128xi32, #tpu.memory_space<vmem>>
      %dma_wait3A_1846 = tpu.memref_squeeze %dma_wait3A_1845 : memref<1x128xi32, #tpu.memory_space<vmem>> -> memref<128xi32, #tpu.memory_space<vmem>>
      %dma_wait3A_1847 = arith.constant 0 : i32
      %dma_wait3A_1848 = tpu.memref_slice %arg16[%dma_wait3A_1847] : memref<1000000xi32, #tpu.memory_space<hbm>> -> memref<1000000xi32, #tpu.memory_space<hbm>>
      tpu.wait_indirect_dma semaphore(%arg27 : memref<!tpu.dma_semaphore, #tpu.memory_space<semaphore_mem>>) src(%dma_wait3A_1848 : memref<1000000xi32, #tpu.memory_space<hbm>>) dst(%dma_wait3A_1843 : memref<128xi32, #tpu.memory_space<vmem>>)
      %dma_wait3A_1849 = arith.constant 1 : i32
      %dma_wait3A_1850 = arith.constant 1 : i32
      %dma_wait3A_1851 = arith.constant 384 : i32
      %dma_wait3A_1852 = tpu.memref_slice %arg24[%dma_wait3A_1850, %dma_wait3A_1851] : memref<8x512xi32, #tpu.memory_space<vmem>> -> memref<1x128xi32, #tpu.memory_space<vmem>>
      %dma_wait3A_1853 = tpu.memref_squeeze %dma_wait3A_1852 : memref<1x128xi32, #tpu.memory_space<vmem>> -> memref<128xi32, #tpu.memory_space<vmem>>
      %dma_wait3A_1854 = arith.constant 384 : i32
      %dma_wait3A_1855 = tpu.memref_slice %arg22[%dma_wait3A_1849, %dma_wait3A_1854] : memref<8x512xi32, #tpu.memory_space<vmem>> -> memref<1x128xi32, #tpu.memory_space<vmem>>
      %dma_wait3A_1856 = tpu.memref_squeeze %dma_wait3A_1855 : memref<1x128xi32, #tpu.memory_space<vmem>> -> memref<128xi32, #tpu.memory_space<vmem>>
      %dma_wait3A_1857 = arith.constant 0 : i32
      %dma_wait3A_1858 = tpu.memref_slice %arg17[%dma_wait3A_1857] : memref<1000000xi32, #tpu.memory_space<hbm>> -> memref<1000000xi32, #tpu.memory_space<hbm>>
      tpu.wait_indirect_dma semaphore(%arg27 : memref<!tpu.dma_semaphore, #tpu.memory_space<semaphore_mem>>) src(%dma_wait3A_1858 : memref<1000000xi32, #tpu.memory_space<hbm>>) dst(%dma_wait3A_1853 : memref<128xi32, #tpu.memory_space<vmem>>)
      %dma_wait3A_1859 = arith.constant 3 : i32
      %dma_wait3A_1860 = arith.constant 3 : i32
      %dma_wait3A_1861 = arith.constant 0 : i32
      %dma_wait3A_1862 = tpu.memref_slice %arg23[%dma_wait3A_1860, %dma_wait3A_1861] : memref<8x512xi32, #tpu.memory_space<vmem>> -> memref<1x128xi32, #tpu.memory_space<vmem>>
      %dma_wait3A_1863 = tpu.memref_squeeze %dma_wait3A_1862 : memref<1x128xi32, #tpu.memory_space<vmem>> -> memref<128xi32, #tpu.memory_space<vmem>>
      %dma_wait3A_1864 = arith.constant 0 : i32
      %dma_wait3A_1865 = tpu.memref_slice %arg22[%dma_wait3A_1859, %dma_wait3A_1864] : memref<8x512xi32, #tpu.memory_space<vmem>> -> memref<1x128xi32, #tpu.memory_space<vmem>>
      %dma_wait3A_1866 = tpu.memref_squeeze %dma_wait3A_1865 : memref<1x128xi32, #tpu.memory_space<vmem>> -> memref<128xi32, #tpu.memory_space<vmem>>
      %dma_wait3A_1867 = arith.constant 0 : i32
      %dma_wait3A_1868 = tpu.memref_slice %arg16[%dma_wait3A_1867] : memref<1000000xi32, #tpu.memory_space<hbm>> -> memref<1000000xi32, #tpu.memory_space<hbm>>
      tpu.wait_indirect_dma semaphore(%arg27 : memref<!tpu.dma_semaphore, #tpu.memory_space<semaphore_mem>>) src(%dma_wait3A_1868 : memref<1000000xi32, #tpu.memory_space<hbm>>) dst(%dma_wait3A_1863 : memref<128xi32, #tpu.memory_space<vmem>>)
      %dma_wait3A_1869 = arith.constant 3 : i32
      %dma_wait3A_1870 = arith.constant 3 : i32
      %dma_wait3A_1871 = arith.constant 0 : i32
      %dma_wait3A_1872 = tpu.memref_slice %arg24[%dma_wait3A_1870, %dma_wait3A_1871] : memref<8x512xi32, #tpu.memory_space<vmem>> -> memref<1x128xi32, #tpu.memory_space<vmem>>
      %dma_wait3A_1873 = tpu.memref_squeeze %dma_wait3A_1872 : memref<1x128xi32, #tpu.memory_space<vmem>> -> memref<128xi32, #tpu.memory_space<vmem>>
      %dma_wait3A_1874 = arith.constant 0 : i32
      %dma_wait3A_1875 = tpu.memref_slice %arg22[%dma_wait3A_1869, %dma_wait3A_1874] : memref<8x512xi32, #tpu.memory_space<vmem>> -> memref<1x128xi32, #tpu.memory_space<vmem>>
      %dma_wait3A_1876 = tpu.memref_squeeze %dma_wait3A_1875 : memref<1x128xi32, #tpu.memory_space<vmem>> -> memref<128xi32, #tpu.memory_space<vmem>>
      %dma_wait3A_1877 = arith.constant 0 : i32
      %dma_wait3A_1878 = tpu.memref_slice %arg17[%dma_wait3A_1877] : memref<1000000xi32, #tpu.memory_space<hbm>> -> memref<1000000xi32, #tpu.memory_space<hbm>>
      tpu.wait_indirect_dma semaphore(%arg27 : memref<!tpu.dma_semaphore, #tpu.memory_space<semaphore_mem>>) src(%dma_wait3A_1878 : memref<1000000xi32, #tpu.memory_space<hbm>>) dst(%dma_wait3A_1873 : memref<128xi32, #tpu.memory_space<vmem>>)
      %dma_wait3A_1879 = arith.constant 3 : i32
      %dma_wait3A_1880 = arith.constant 3 : i32
      %dma_wait3A_1881 = arith.constant 128 : i32
      %dma_wait3A_1882 = tpu.memref_slice %arg23[%dma_wait3A_1880, %dma_wait3A_1881] : memref<8x512xi32, #tpu.memory_space<vmem>> -> memref<1x128xi32, #tpu.memory_space<vmem>>
      %dma_wait3A_1883 = tpu.memref_squeeze %dma_wait3A_1882 : memref<1x128xi32, #tpu.memory_space<vmem>> -> memref<128xi32, #tpu.memory_space<vmem>>
      %dma_wait3A_1884 = arith.constant 128 : i32
      %dma_wait3A_1885 = tpu.memref_slice %arg22[%dma_wait3A_1879, %dma_wait3A_1884] : memref<8x512xi32, #tpu.memory_space<vmem>> -> memref<1x128xi32, #tpu.memory_space<vmem>>
      %dma_wait3A_1886 = tpu.memref_squeeze %dma_wait3A_1885 : memref<1x128xi32, #tpu.memory_space<vmem>> -> memref<128xi32, #tpu.memory_space<vmem>>
      %dma_wait3A_1887 = arith.constant 0 : i32
      %dma_wait3A_1888 = tpu.memref_slice %arg16[%dma_wait3A_1887] : memref<1000000xi32, #tpu.memory_space<hbm>> -> memref<1000000xi32, #tpu.memory_space<hbm>>
      tpu.wait_indirect_dma semaphore(%arg27 : memref<!tpu.dma_semaphore, #tpu.memory_space<semaphore_mem>>) src(%dma_wait3A_1888 : memref<1000000xi32, #tpu.memory_space<hbm>>) dst(%dma_wait3A_1883 : memref<128xi32, #tpu.memory_space<vmem>>)
      %dma_wait3A_1889 = arith.constant 3 : i32
      %dma_wait3A_1890 = arith.constant 3 : i32
      %dma_wait3A_1891 = arith.constant 128 : i32
      %dma_wait3A_1892 = tpu.memref_slice %arg24[%dma_wait3A_1890, %dma_wait3A_1891] : memref<8x512xi32, #tpu.memory_space<vmem>> -> memref<1x128xi32, #tpu.memory_space<vmem>>
      %dma_wait3A_1893 = tpu.memref_squeeze %dma_wait3A_1892 : memref<1x128xi32, #tpu.memory_space<vmem>> -> memref<128xi32, #tpu.memory_space<vmem>>
      %dma_wait3A_1894 = arith.constant 128 : i32
      %dma_wait3A_1895 = tpu.memref_slice %arg22[%dma_wait3A_1889, %dma_wait3A_1894] : memref<8x512xi32, #tpu.memory_space<vmem>> -> memref<1x128xi32, #tpu.memory_space<vmem>>
      %dma_wait3A_1896 = tpu.memref_squeeze %dma_wait3A_1895 : memref<1x128xi32, #tpu.memory_space<vmem>> -> memref<128xi32, #tpu.memory_space<vmem>>
      %dma_wait3A_1897 = arith.constant 0 : i32
      %dma_wait3A_1898 = tpu.memref_slice %arg17[%dma_wait3A_1897] : memref<1000000xi32, #tpu.memory_space<hbm>> -> memref<1000000xi32, #tpu.memory_space<hbm>>
      tpu.wait_indirect_dma semaphore(%arg27 : memref<!tpu.dma_semaphore, #tpu.memory_space<semaphore_mem>>) src(%dma_wait3A_1898 : memref<1000000xi32, #tpu.memory_space<hbm>>) dst(%dma_wait3A_1893 : memref<128xi32, #tpu.memory_space<vmem>>)
      %dma_wait3A_1899 = arith.constant 3 : i32
      %dma_wait3A_1900 = arith.constant 3 : i32
      %dma_wait3A_1901 = arith.constant 256 : i32
      %dma_wait3A_1902 = tpu.memref_slice %arg23[%dma_wait3A_1900, %dma_wait3A_1901] : memref<8x512xi32, #tpu.memory_space<vmem>> -> memref<1x128xi32, #tpu.memory_space<vmem>>
      %dma_wait3A_1903 = tpu.memref_squeeze %dma_wait3A_1902 : memref<1x128xi32, #tpu.memory_space<vmem>> -> memref<128xi32, #tpu.memory_space<vmem>>
      %dma_wait3A_1904 = arith.constant 256 : i32
      %dma_wait3A_1905 = tpu.memref_slice %arg22[%dma_wait3A_1899, %dma_wait3A_1904] : memref<8x512xi32, #tpu.memory_space<vmem>> -> memref<1x128xi32, #tpu.memory_space<vmem>>
      %dma_wait3A_1906 = tpu.memref_squeeze %dma_wait3A_1905 : memref<1x128xi32, #tpu.memory_space<vmem>> -> memref<128xi32, #tpu.memory_space<vmem>>
      %dma_wait3A_1907 = arith.constant 0 : i32
      %dma_wait3A_1908 = tpu.memref_slice %arg16[%dma_wait3A_1907] : memref<1000000xi32, #tpu.memory_space<hbm>> -> memref<1000000xi32, #tpu.memory_space<hbm>>
      tpu.wait_indirect_dma semaphore(%arg27 : memref<!tpu.dma_semaphore, #tpu.memory_space<semaphore_mem>>) src(%dma_wait3A_1908 : memref<1000000xi32, #tpu.memory_space<hbm>>) dst(%dma_wait3A_1903 : memref<128xi32, #tpu.memory_space<vmem>>)
      %dma_wait3A_1909 = arith.constant 3 : i32
      %dma_wait3A_1910 = arith.constant 3 : i32
      %dma_wait3A_1911 = arith.constant 256 : i32
      %dma_wait3A_1912 = tpu.memref_slice %arg24[%dma_wait3A_1910, %dma_wait3A_1911] : memref<8x512xi32, #tpu.memory_space<vmem>> -> memref<1x128xi32, #tpu.memory_space<vmem>>
      %dma_wait3A_1913 = tpu.memref_squeeze %dma_wait3A_1912 : memref<1x128xi32, #tpu.memory_space<vmem>> -> memref<128xi32, #tpu.memory_space<vmem>>
      %dma_wait3A_1914 = arith.constant 256 : i32
      %dma_wait3A_1915 = tpu.memref_slice %arg22[%dma_wait3A_1909, %dma_wait3A_1914] : memref<8x512xi32, #tpu.memory_space<vmem>> -> memref<1x128xi32, #tpu.memory_space<vmem>>
      %dma_wait3A_1916 = tpu.memref_squeeze %dma_wait3A_1915 : memref<1x128xi32, #tpu.memory_space<vmem>> -> memref<128xi32, #tpu.memory_space<vmem>>
      %dma_wait3A_1917 = arith.constant 0 : i32
      %dma_wait3A_1918 = tpu.memref_slice %arg17[%dma_wait3A_1917] : memref<1000000xi32, #tpu.memory_space<hbm>> -> memref<1000000xi32, #tpu.memory_space<hbm>>
      tpu.wait_indirect_dma semaphore(%arg27 : memref<!tpu.dma_semaphore, #tpu.memory_space<semaphore_mem>>) src(%dma_wait3A_1918 : memref<1000000xi32, #tpu.memory_space<hbm>>) dst(%dma_wait3A_1913 : memref<128xi32, #tpu.memory_space<vmem>>)
      %dma_wait3A_1919 = arith.constant 3 : i32
      %dma_wait3A_1920 = arith.constant 3 : i32
      %dma_wait3A_1921 = arith.constant 384 : i32
      %dma_wait3A_1922 = tpu.memref_slice %arg23[%dma_wait3A_1920, %dma_wait3A_1921] : memref<8x512xi32, #tpu.memory_space<vmem>> -> memref<1x128xi32, #tpu.memory_space<vmem>>
      %dma_wait3A_1923 = tpu.memref_squeeze %dma_wait3A_1922 : memref<1x128xi32, #tpu.memory_space<vmem>> -> memref<128xi32, #tpu.memory_space<vmem>>
      %dma_wait3A_1924 = arith.constant 384 : i32
      %dma_wait3A_1925 = tpu.memref_slice %arg22[%dma_wait3A_1919, %dma_wait3A_1924] : memref<8x512xi32, #tpu.memory_space<vmem>> -> memref<1x128xi32, #tpu.memory_space<vmem>>
      %dma_wait3A_1926 = tpu.memref_squeeze %dma_wait3A_1925 : memref<1x128xi32, #tpu.memory_space<vmem>> -> memref<128xi32, #tpu.memory_space<vmem>>
      %dma_wait3A_1927 = arith.constant 0 : i32
      %dma_wait3A_1928 = tpu.memref_slice %arg16[%dma_wait3A_1927] : memref<1000000xi32, #tpu.memory_space<hbm>> -> memref<1000000xi32, #tpu.memory_space<hbm>>
      tpu.wait_indirect_dma semaphore(%arg27 : memref<!tpu.dma_semaphore, #tpu.memory_space<semaphore_mem>>) src(%dma_wait3A_1928 : memref<1000000xi32, #tpu.memory_space<hbm>>) dst(%dma_wait3A_1923 : memref<128xi32, #tpu.memory_space<vmem>>)
      %dma_wait3A_1929 = arith.constant 3 : i32
      %dma_wait3A_1930 = arith.constant 3 : i32
      %dma_wait3A_1931 = arith.constant 384 : i32
      %dma_wait3A_1932 = tpu.memref_slice %arg24[%dma_wait3A_1930, %dma_wait3A_1931] : memref<8x512xi32, #tpu.memory_space<vmem>> -> memref<1x128xi32, #tpu.memory_space<vmem>>
      %dma_wait3A_1933 = tpu.memref_squeeze %dma_wait3A_1932 : memref<1x128xi32, #tpu.memory_space<vmem>> -> memref<128xi32, #tpu.memory_space<vmem>>
      %dma_wait3A_1934 = arith.constant 384 : i32
      %dma_wait3A_1935 = tpu.memref_slice %arg22[%dma_wait3A_1929, %dma_wait3A_1934] : memref<8x512xi32, #tpu.memory_space<vmem>> -> memref<1x128xi32, #tpu.memory_space<vmem>>
      %dma_wait3A_1936 = tpu.memref_squeeze %dma_wait3A_1935 : memref<1x128xi32, #tpu.memory_space<vmem>> -> memref<128xi32, #tpu.memory_space<vmem>>
      %dma_wait3A_1937 = arith.constant 0 : i32
      %dma_wait3A_1938 = tpu.memref_slice %arg17[%dma_wait3A_1937] : memref<1000000xi32, #tpu.memory_space<hbm>> -> memref<1000000xi32, #tpu.memory_space<hbm>>
      tpu.wait_indirect_dma semaphore(%arg27 : memref<!tpu.dma_semaphore, #tpu.memory_space<semaphore_mem>>) src(%dma_wait3A_1938 : memref<1000000xi32, #tpu.memory_space<hbm>>) dst(%dma_wait3A_1933 : memref<128xi32, #tpu.memory_space<vmem>>)
      %dma_wait3A_1939 = arith.constant 5 : i32
      %dma_wait3A_1940 = arith.constant 5 : i32
      %dma_wait3A_1941 = arith.constant 0 : i32
      %dma_wait3A_1942 = tpu.memref_slice %arg23[%dma_wait3A_1940, %dma_wait3A_1941] : memref<8x512xi32, #tpu.memory_space<vmem>> -> memref<1x128xi32, #tpu.memory_space<vmem>>
      %dma_wait3A_1943 = tpu.memref_squeeze %dma_wait3A_1942 : memref<1x128xi32, #tpu.memory_space<vmem>> -> memref<128xi32, #tpu.memory_space<vmem>>
      %dma_wait3A_1944 = arith.constant 0 : i32
      %dma_wait3A_1945 = tpu.memref_slice %arg22[%dma_wait3A_1939, %dma_wait3A_1944] : memref<8x512xi32, #tpu.memory_space<vmem>> -> memref<1x128xi32, #tpu.memory_space<vmem>>
      %dma_wait3A_1946 = tpu.memref_squeeze %dma_wait3A_1945 : memref<1x128xi32, #tpu.memory_space<vmem>> -> memref<128xi32, #tpu.memory_space<vmem>>
      %dma_wait3A_1947 = arith.constant 0 : i32
      %dma_wait3A_1948 = tpu.memref_slice %arg16[%dma_wait3A_1947] : memref<1000000xi32, #tpu.memory_space<hbm>> -> memref<1000000xi32, #tpu.memory_space<hbm>>
      tpu.wait_indirect_dma semaphore(%arg27 : memref<!tpu.dma_semaphore, #tpu.memory_space<semaphore_mem>>) src(%dma_wait3A_1948 : memref<1000000xi32, #tpu.memory_space<hbm>>) dst(%dma_wait3A_1943 : memref<128xi32, #tpu.memory_space<vmem>>)
      %dma_wait3A_1949 = arith.constant 5 : i32
      %dma_wait3A_1950 = arith.constant 5 : i32
      %dma_wait3A_1951 = arith.constant 0 : i32
      %dma_wait3A_1952 = tpu.memref_slice %arg24[%dma_wait3A_1950, %dma_wait3A_1951] : memref<8x512xi32, #tpu.memory_space<vmem>> -> memref<1x128xi32, #tpu.memory_space<vmem>>
      %dma_wait3A_1953 = tpu.memref_squeeze %dma_wait3A_1952 : memref<1x128xi32, #tpu.memory_space<vmem>> -> memref<128xi32, #tpu.memory_space<vmem>>
      %dma_wait3A_1954 = arith.constant 0 : i32
      %dma_wait3A_1955 = tpu.memref_slice %arg22[%dma_wait3A_1949, %dma_wait3A_1954] : memref<8x512xi32, #tpu.memory_space<vmem>> -> memref<1x128xi32, #tpu.memory_space<vmem>>
      %dma_wait3A_1956 = tpu.memref_squeeze %dma_wait3A_1955 : memref<1x128xi32, #tpu.memory_space<vmem>> -> memref<128xi32, #tpu.memory_space<vmem>>
      %dma_wait3A_1957 = arith.constant 0 : i32
      %dma_wait3A_1958 = tpu.memref_slice %arg17[%dma_wait3A_1957] : memref<1000000xi32, #tpu.memory_space<hbm>> -> memref<1000000xi32, #tpu.memory_space<hbm>>
      tpu.wait_indirect_dma semaphore(%arg27 : memref<!tpu.dma_semaphore, #tpu.memory_space<semaphore_mem>>) src(%dma_wait3A_1958 : memref<1000000xi32, #tpu.memory_space<hbm>>) dst(%dma_wait3A_1953 : memref<128xi32, #tpu.memory_space<vmem>>)
      %dma_wait3A_1959 = arith.constant 5 : i32
      %dma_wait3A_1960 = arith.constant 5 : i32
      %dma_wait3A_1961 = arith.constant 128 : i32
      %dma_wait3A_1962 = tpu.memref_slice %arg23[%dma_wait3A_1960, %dma_wait3A_1961] : memref<8x512xi32, #tpu.memory_space<vmem>> -> memref<1x128xi32, #tpu.memory_space<vmem>>
      %dma_wait3A_1963 = tpu.memref_squeeze %dma_wait3A_1962 : memref<1x128xi32, #tpu.memory_space<vmem>> -> memref<128xi32, #tpu.memory_space<vmem>>
      %dma_wait3A_1964 = arith.constant 128 : i32
      %dma_wait3A_1965 = tpu.memref_slice %arg22[%dma_wait3A_1959, %dma_wait3A_1964] : memref<8x512xi32, #tpu.memory_space<vmem>> -> memref<1x128xi32, #tpu.memory_space<vmem>>
      %dma_wait3A_1966 = tpu.memref_squeeze %dma_wait3A_1965 : memref<1x128xi32, #tpu.memory_space<vmem>> -> memref<128xi32, #tpu.memory_space<vmem>>
      %dma_wait3A_1967 = arith.constant 0 : i32
      %dma_wait3A_1968 = tpu.memref_slice %arg16[%dma_wait3A_1967] : memref<1000000xi32, #tpu.memory_space<hbm>> -> memref<1000000xi32, #tpu.memory_space<hbm>>
      tpu.wait_indirect_dma semaphore(%arg27 : memref<!tpu.dma_semaphore, #tpu.memory_space<semaphore_mem>>) src(%dma_wait3A_1968 : memref<1000000xi32, #tpu.memory_space<hbm>>) dst(%dma_wait3A_1963 : memref<128xi32, #tpu.memory_space<vmem>>)
      %dma_wait3A_1969 = arith.constant 5 : i32
      %dma_wait3A_1970 = arith.constant 5 : i32
      %dma_wait3A_1971 = arith.constant 128 : i32
      %dma_wait3A_1972 = tpu.memref_slice %arg24[%dma_wait3A_1970, %dma_wait3A_1971] : memref<8x512xi32, #tpu.memory_space<vmem>> -> memref<1x128xi32, #tpu.memory_space<vmem>>
      %dma_wait3A_1973 = tpu.memref_squeeze %dma_wait3A_1972 : memref<1x128xi32, #tpu.memory_space<vmem>> -> memref<128xi32, #tpu.memory_space<vmem>>
      %dma_wait3A_1974 = arith.constant 128 : i32
      %dma_wait3A_1975 = tpu.memref_slice %arg22[%dma_wait3A_1969, %dma_wait3A_1974] : memref<8x512xi32, #tpu.memory_space<vmem>> -> memref<1x128xi32, #tpu.memory_space<vmem>>
      %dma_wait3A_1976 = tpu.memref_squeeze %dma_wait3A_1975 : memref<1x128xi32, #tpu.memory_space<vmem>> -> memref<128xi32, #tpu.memory_space<vmem>>
      %dma_wait3A_1977 = arith.constant 0 : i32
      %dma_wait3A_1978 = tpu.memref_slice %arg17[%dma_wait3A_1977] : memref<1000000xi32, #tpu.memory_space<hbm>> -> memref<1000000xi32, #tpu.memory_space<hbm>>
      tpu.wait_indirect_dma semaphore(%arg27 : memref<!tpu.dma_semaphore, #tpu.memory_space<semaphore_mem>>) src(%dma_wait3A_1978 : memref<1000000xi32, #tpu.memory_space<hbm>>) dst(%dma_wait3A_1973 : memref<128xi32, #tpu.memory_space<vmem>>)
      %dma_wait3A_1979 = arith.constant 5 : i32
      %dma_wait3A_1980 = arith.constant 5 : i32
      %dma_wait3A_1981 = arith.constant 256 : i32
      %dma_wait3A_1982 = tpu.memref_slice %arg23[%dma_wait3A_1980, %dma_wait3A_1981] : memref<8x512xi32, #tpu.memory_space<vmem>> -> memref<1x128xi32, #tpu.memory_space<vmem>>
      %dma_wait3A_1983 = tpu.memref_squeeze %dma_wait3A_1982 : memref<1x128xi32, #tpu.memory_space<vmem>> -> memref<128xi32, #tpu.memory_space<vmem>>
      %dma_wait3A_1984 = arith.constant 256 : i32
      %dma_wait3A_1985 = tpu.memref_slice %arg22[%dma_wait3A_1979, %dma_wait3A_1984] : memref<8x512xi32, #tpu.memory_space<vmem>> -> memref<1x128xi32, #tpu.memory_space<vmem>>
      %dma_wait3A_1986 = tpu.memref_squeeze %dma_wait3A_1985 : memref<1x128xi32, #tpu.memory_space<vmem>> -> memref<128xi32, #tpu.memory_space<vmem>>
      %dma_wait3A_1987 = arith.constant 0 : i32
      %dma_wait3A_1988 = tpu.memref_slice %arg16[%dma_wait3A_1987] : memref<1000000xi32, #tpu.memory_space<hbm>> -> memref<1000000xi32, #tpu.memory_space<hbm>>
      tpu.wait_indirect_dma semaphore(%arg27 : memref<!tpu.dma_semaphore, #tpu.memory_space<semaphore_mem>>) src(%dma_wait3A_1988 : memref<1000000xi32, #tpu.memory_space<hbm>>) dst(%dma_wait3A_1983 : memref<128xi32, #tpu.memory_space<vmem>>)
      %dma_wait3A_1989 = arith.constant 5 : i32
      %dma_wait3A_1990 = arith.constant 5 : i32
      %dma_wait3A_1991 = arith.constant 256 : i32
      %dma_wait3A_1992 = tpu.memref_slice %arg24[%dma_wait3A_1990, %dma_wait3A_1991] : memref<8x512xi32, #tpu.memory_space<vmem>> -> memref<1x128xi32, #tpu.memory_space<vmem>>
      %dma_wait3A_1993 = tpu.memref_squeeze %dma_wait3A_1992 : memref<1x128xi32, #tpu.memory_space<vmem>> -> memref<128xi32, #tpu.memory_space<vmem>>
      %dma_wait3A_1994 = arith.constant 256 : i32
      %dma_wait3A_1995 = tpu.memref_slice %arg22[%dma_wait3A_1989, %dma_wait3A_1994] : memref<8x512xi32, #tpu.memory_space<vmem>> -> memref<1x128xi32, #tpu.memory_space<vmem>>
      %dma_wait3A_1996 = tpu.memref_squeeze %dma_wait3A_1995 : memref<1x128xi32, #tpu.memory_space<vmem>> -> memref<128xi32, #tpu.memory_space<vmem>>
      %dma_wait3A_1997 = arith.constant 0 : i32
      %dma_wait3A_1998 = tpu.memref_slice %arg17[%dma_wait3A_1997] : memref<1000000xi32, #tpu.memory_space<hbm>> -> memref<1000000xi32, #tpu.memory_space<hbm>>
      tpu.wait_indirect_dma semaphore(%arg27 : memref<!tpu.dma_semaphore, #tpu.memory_space<semaphore_mem>>) src(%dma_wait3A_1998 : memref<1000000xi32, #tpu.memory_space<hbm>>) dst(%dma_wait3A_1993 : memref<128xi32, #tpu.memory_space<vmem>>)
      %dma_wait3A_1999 = arith.constant 5 : i32
      %dma_wait3A_2000 = arith.constant 5 : i32
      %dma_wait3A_2001 = arith.constant 384 : i32
      %dma_wait3A_2002 = tpu.memref_slice %arg23[%dma_wait3A_2000, %dma_wait3A_2001] : memref<8x512xi32, #tpu.memory_space<vmem>> -> memref<1x128xi32, #tpu.memory_space<vmem>>
      %dma_wait3A_2003 = tpu.memref_squeeze %dma_wait3A_2002 : memref<1x128xi32, #tpu.memory_space<vmem>> -> memref<128xi32, #tpu.memory_space<vmem>>
      %dma_wait3A_2004 = arith.constant 384 : i32
      %dma_wait3A_2005 = tpu.memref_slice %arg22[%dma_wait3A_1999, %dma_wait3A_2004] : memref<8x512xi32, #tpu.memory_space<vmem>> -> memref<1x128xi32, #tpu.memory_space<vmem>>
      %dma_wait3A_2006 = tpu.memref_squeeze %dma_wait3A_2005 : memref<1x128xi32, #tpu.memory_space<vmem>> -> memref<128xi32, #tpu.memory_space<vmem>>
      %dma_wait3A_2007 = arith.constant 0 : i32
      %dma_wait3A_2008 = tpu.memref_slice %arg16[%dma_wait3A_2007] : memref<1000000xi32, #tpu.memory_space<hbm>> -> memref<1000000xi32, #tpu.memory_space<hbm>>
      tpu.wait_indirect_dma semaphore(%arg27 : memref<!tpu.dma_semaphore, #tpu.memory_space<semaphore_mem>>) src(%dma_wait3A_2008 : memref<1000000xi32, #tpu.memory_space<hbm>>) dst(%dma_wait3A_2003 : memref<128xi32, #tpu.memory_space<vmem>>)
      %dma_wait3A_2009 = arith.constant 5 : i32
      %dma_wait3A_2010 = arith.constant 5 : i32
      %dma_wait3A_2011 = arith.constant 384 : i32
      %dma_wait3A_2012 = tpu.memref_slice %arg24[%dma_wait3A_2010, %dma_wait3A_2011] : memref<8x512xi32, #tpu.memory_space<vmem>> -> memref<1x128xi32, #tpu.memory_space<vmem>>
      %dma_wait3A_2013 = tpu.memref_squeeze %dma_wait3A_2012 : memref<1x128xi32, #tpu.memory_space<vmem>> -> memref<128xi32, #tpu.memory_space<vmem>>
      %dma_wait3A_2014 = arith.constant 384 : i32
      %dma_wait3A_2015 = tpu.memref_slice %arg22[%dma_wait3A_2009, %dma_wait3A_2014] : memref<8x512xi32, #tpu.memory_space<vmem>> -> memref<1x128xi32, #tpu.memory_space<vmem>>
      %dma_wait3A_2016 = tpu.memref_squeeze %dma_wait3A_2015 : memref<1x128xi32, #tpu.memory_space<vmem>> -> memref<128xi32, #tpu.memory_space<vmem>>
      %dma_wait3A_2017 = arith.constant 0 : i32
      %dma_wait3A_2018 = tpu.memref_slice %arg17[%dma_wait3A_2017] : memref<1000000xi32, #tpu.memory_space<hbm>> -> memref<1000000xi32, #tpu.memory_space<hbm>>
      tpu.wait_indirect_dma semaphore(%arg27 : memref<!tpu.dma_semaphore, #tpu.memory_space<semaphore_mem>>) src(%dma_wait3A_2018 : memref<1000000xi32, #tpu.memory_space<hbm>>) dst(%dma_wait3A_2013 : memref<128xi32, #tpu.memory_space<vmem>>)
      %dma_wait3A_2019 = arith.constant 7 : i32
      %dma_wait3A_2020 = arith.constant 7 : i32
      %dma_wait3A_2021 = arith.constant 0 : i32
      %dma_wait3A_2022 = tpu.memref_slice %arg23[%dma_wait3A_2020, %dma_wait3A_2021] : memref<8x512xi32, #tpu.memory_space<vmem>> -> memref<1x128xi32, #tpu.memory_space<vmem>>
      %dma_wait3A_2023 = tpu.memref_squeeze %dma_wait3A_2022 : memref<1x128xi32, #tpu.memory_space<vmem>> -> memref<128xi32, #tpu.memory_space<vmem>>
      %dma_wait3A_2024 = arith.constant 0 : i32
      %dma_wait3A_2025 = tpu.memref_slice %arg22[%dma_wait3A_2019, %dma_wait3A_2024] : memref<8x512xi32, #tpu.memory_space<vmem>> -> memref<1x128xi32, #tpu.memory_space<vmem>>
      %dma_wait3A_2026 = tpu.memref_squeeze %dma_wait3A_2025 : memref<1x128xi32, #tpu.memory_space<vmem>> -> memref<128xi32, #tpu.memory_space<vmem>>
      %dma_wait3A_2027 = arith.constant 0 : i32
      %dma_wait3A_2028 = tpu.memref_slice %arg16[%dma_wait3A_2027] : memref<1000000xi32, #tpu.memory_space<hbm>> -> memref<1000000xi32, #tpu.memory_space<hbm>>
      tpu.wait_indirect_dma semaphore(%arg27 : memref<!tpu.dma_semaphore, #tpu.memory_space<semaphore_mem>>) src(%dma_wait3A_2028 : memref<1000000xi32, #tpu.memory_space<hbm>>) dst(%dma_wait3A_2023 : memref<128xi32, #tpu.memory_space<vmem>>)
      %dma_wait3A_2029 = arith.constant 7 : i32
      %dma_wait3A_2030 = arith.constant 7 : i32
      %dma_wait3A_2031 = arith.constant 0 : i32
      %dma_wait3A_2032 = tpu.memref_slice %arg24[%dma_wait3A_2030, %dma_wait3A_2031] : memref<8x512xi32, #tpu.memory_space<vmem>> -> memref<1x128xi32, #tpu.memory_space<vmem>>
      %dma_wait3A_2033 = tpu.memref_squeeze %dma_wait3A_2032 : memref<1x128xi32, #tpu.memory_space<vmem>> -> memref<128xi32, #tpu.memory_space<vmem>>
      %dma_wait3A_2034 = arith.constant 0 : i32
      %dma_wait3A_2035 = tpu.memref_slice %arg22[%dma_wait3A_2029, %dma_wait3A_2034] : memref<8x512xi32, #tpu.memory_space<vmem>> -> memref<1x128xi32, #tpu.memory_space<vmem>>
      %dma_wait3A_2036 = tpu.memref_squeeze %dma_wait3A_2035 : memref<1x128xi32, #tpu.memory_space<vmem>> -> memref<128xi32, #tpu.memory_space<vmem>>
      %dma_wait3A_2037 = arith.constant 0 : i32
      %dma_wait3A_2038 = tpu.memref_slice %arg17[%dma_wait3A_2037] : memref<1000000xi32, #tpu.memory_space<hbm>> -> memref<1000000xi32, #tpu.memory_space<hbm>>
      tpu.wait_indirect_dma semaphore(%arg27 : memref<!tpu.dma_semaphore, #tpu.memory_space<semaphore_mem>>) src(%dma_wait3A_2038 : memref<1000000xi32, #tpu.memory_space<hbm>>) dst(%dma_wait3A_2033 : memref<128xi32, #tpu.memory_space<vmem>>)
      %dma_wait3A_2039 = arith.constant 7 : i32
      %dma_wait3A_2040 = arith.constant 7 : i32
      %dma_wait3A_2041 = arith.constant 128 : i32
      %dma_wait3A_2042 = tpu.memref_slice %arg23[%dma_wait3A_2040, %dma_wait3A_2041] : memref<8x512xi32, #tpu.memory_space<vmem>> -> memref<1x128xi32, #tpu.memory_space<vmem>>
      %dma_wait3A_2043 = tpu.memref_squeeze %dma_wait3A_2042 : memref<1x128xi32, #tpu.memory_space<vmem>> -> memref<128xi32, #tpu.memory_space<vmem>>
      %dma_wait3A_2044 = arith.constant 128 : i32
      %dma_wait3A_2045 = tpu.memref_slice %arg22[%dma_wait3A_2039, %dma_wait3A_2044] : memref<8x512xi32, #tpu.memory_space<vmem>> -> memref<1x128xi32, #tpu.memory_space<vmem>>
      %dma_wait3A_2046 = tpu.memref_squeeze %dma_wait3A_2045 : memref<1x128xi32, #tpu.memory_space<vmem>> -> memref<128xi32, #tpu.memory_space<vmem>>
      %dma_wait3A_2047 = arith.constant 0 : i32
      %dma_wait3A_2048 = tpu.memref_slice %arg16[%dma_wait3A_2047] : memref<1000000xi32, #tpu.memory_space<hbm>> -> memref<1000000xi32, #tpu.memory_space<hbm>>
      tpu.wait_indirect_dma semaphore(%arg27 : memref<!tpu.dma_semaphore, #tpu.memory_space<semaphore_mem>>) src(%dma_wait3A_2048 : memref<1000000xi32, #tpu.memory_space<hbm>>) dst(%dma_wait3A_2043 : memref<128xi32, #tpu.memory_space<vmem>>)
      %dma_wait3A_2049 = arith.constant 7 : i32
      %dma_wait3A_2050 = arith.constant 7 : i32
      %dma_wait3A_2051 = arith.constant 128 : i32
      %dma_wait3A_2052 = tpu.memref_slice %arg24[%dma_wait3A_2050, %dma_wait3A_2051] : memref<8x512xi32, #tpu.memory_space<vmem>> -> memref<1x128xi32, #tpu.memory_space<vmem>>
      %dma_wait3A_2053 = tpu.memref_squeeze %dma_wait3A_2052 : memref<1x128xi32, #tpu.memory_space<vmem>> -> memref<128xi32, #tpu.memory_space<vmem>>
      %dma_wait3A_2054 = arith.constant 128 : i32
      %dma_wait3A_2055 = tpu.memref_slice %arg22[%dma_wait3A_2049, %dma_wait3A_2054] : memref<8x512xi32, #tpu.memory_space<vmem>> -> memref<1x128xi32, #tpu.memory_space<vmem>>
      %dma_wait3A_2056 = tpu.memref_squeeze %dma_wait3A_2055 : memref<1x128xi32, #tpu.memory_space<vmem>> -> memref<128xi32, #tpu.memory_space<vmem>>
      %dma_wait3A_2057 = arith.constant 0 : i32
      %dma_wait3A_2058 = tpu.memref_slice %arg17[%dma_wait3A_2057] : memref<1000000xi32, #tpu.memory_space<hbm>> -> memref<1000000xi32, #tpu.memory_space<hbm>>
      tpu.wait_indirect_dma semaphore(%arg27 : memref<!tpu.dma_semaphore, #tpu.memory_space<semaphore_mem>>) src(%dma_wait3A_2058 : memref<1000000xi32, #tpu.memory_space<hbm>>) dst(%dma_wait3A_2053 : memref<128xi32, #tpu.memory_space<vmem>>)
      %dma_wait3A_2059 = arith.constant 7 : i32
      %dma_wait3A_2060 = arith.constant 7 : i32
      %dma_wait3A_2061 = arith.constant 256 : i32
      %dma_wait3A_2062 = tpu.memref_slice %arg23[%dma_wait3A_2060, %dma_wait3A_2061] : memref<8x512xi32, #tpu.memory_space<vmem>> -> memref<1x128xi32, #tpu.memory_space<vmem>>
      %dma_wait3A_2063 = tpu.memref_squeeze %dma_wait3A_2062 : memref<1x128xi32, #tpu.memory_space<vmem>> -> memref<128xi32, #tpu.memory_space<vmem>>
      %dma_wait3A_2064 = arith.constant 256 : i32
      %dma_wait3A_2065 = tpu.memref_slice %arg22[%dma_wait3A_2059, %dma_wait3A_2064] : memref<8x512xi32, #tpu.memory_space<vmem>> -> memref<1x128xi32, #tpu.memory_space<vmem>>
      %dma_wait3A_2066 = tpu.memref_squeeze %dma_wait3A_2065 : memref<1x128xi32, #tpu.memory_space<vmem>> -> memref<128xi32, #tpu.memory_space<vmem>>
      %dma_wait3A_2067 = arith.constant 0 : i32
      %dma_wait3A_2068 = tpu.memref_slice %arg16[%dma_wait3A_2067] : memref<1000000xi32, #tpu.memory_space<hbm>> -> memref<1000000xi32, #tpu.memory_space<hbm>>
      tpu.wait_indirect_dma semaphore(%arg27 : memref<!tpu.dma_semaphore, #tpu.memory_space<semaphore_mem>>) src(%dma_wait3A_2068 : memref<1000000xi32, #tpu.memory_space<hbm>>) dst(%dma_wait3A_2063 : memref<128xi32, #tpu.memory_space<vmem>>)
      %dma_wait3A_2069 = arith.constant 7 : i32
      %dma_wait3A_2070 = arith.constant 7 : i32
      %dma_wait3A_2071 = arith.constant 256 : i32
      %dma_wait3A_2072 = tpu.memref_slice %arg24[%dma_wait3A_2070, %dma_wait3A_2071] : memref<8x512xi32, #tpu.memory_space<vmem>> -> memref<1x128xi32, #tpu.memory_space<vmem>>
      %dma_wait3A_2073 = tpu.memref_squeeze %dma_wait3A_2072 : memref<1x128xi32, #tpu.memory_space<vmem>> -> memref<128xi32, #tpu.memory_space<vmem>>
      %dma_wait3A_2074 = arith.constant 256 : i32
      %dma_wait3A_2075 = tpu.memref_slice %arg22[%dma_wait3A_2069, %dma_wait3A_2074] : memref<8x512xi32, #tpu.memory_space<vmem>> -> memref<1x128xi32, #tpu.memory_space<vmem>>
      %dma_wait3A_2076 = tpu.memref_squeeze %dma_wait3A_2075 : memref<1x128xi32, #tpu.memory_space<vmem>> -> memref<128xi32, #tpu.memory_space<vmem>>
      %dma_wait3A_2077 = arith.constant 0 : i32
      %dma_wait3A_2078 = tpu.memref_slice %arg17[%dma_wait3A_2077] : memref<1000000xi32, #tpu.memory_space<hbm>> -> memref<1000000xi32, #tpu.memory_space<hbm>>
      tpu.wait_indirect_dma semaphore(%arg27 : memref<!tpu.dma_semaphore, #tpu.memory_space<semaphore_mem>>) src(%dma_wait3A_2078 : memref<1000000xi32, #tpu.memory_space<hbm>>) dst(%dma_wait3A_2073 : memref<128xi32, #tpu.memory_space<vmem>>)
      %dma_wait3A_2079 = arith.constant 7 : i32
      %dma_wait3A_2080 = arith.constant 7 : i32
      %dma_wait3A_2081 = arith.constant 384 : i32
      %dma_wait3A_2082 = tpu.memref_slice %arg23[%dma_wait3A_2080, %dma_wait3A_2081] : memref<8x512xi32, #tpu.memory_space<vmem>> -> memref<1x128xi32, #tpu.memory_space<vmem>>
      %dma_wait3A_2083 = tpu.memref_squeeze %dma_wait3A_2082 : memref<1x128xi32, #tpu.memory_space<vmem>> -> memref<128xi32, #tpu.memory_space<vmem>>
      %dma_wait3A_2084 = arith.constant 384 : i32
      %dma_wait3A_2085 = tpu.memref_slice %arg22[%dma_wait3A_2079, %dma_wait3A_2084] : memref<8x512xi32, #tpu.memory_space<vmem>> -> memref<1x128xi32, #tpu.memory_space<vmem>>
      %dma_wait3A_2086 = tpu.memref_squeeze %dma_wait3A_2085 : memref<1x128xi32, #tpu.memory_space<vmem>> -> memref<128xi32, #tpu.memory_space<vmem>>
      %dma_wait3A_2087 = arith.constant 0 : i32
      %dma_wait3A_2088 = tpu.memref_slice %arg16[%dma_wait3A_2087] : memref<1000000xi32, #tpu.memory_space<hbm>> -> memref<1000000xi32, #tpu.memory_space<hbm>>
      tpu.wait_indirect_dma semaphore(%arg27 : memref<!tpu.dma_semaphore, #tpu.memory_space<semaphore_mem>>) src(%dma_wait3A_2088 : memref<1000000xi32, #tpu.memory_space<hbm>>) dst(%dma_wait3A_2083 : memref<128xi32, #tpu.memory_space<vmem>>)
      %dma_wait3A_2089 = arith.constant 7 : i32
      %dma_wait3A_2090 = arith.constant 7 : i32
      %dma_wait3A_2091 = arith.constant 384 : i32
      %dma_wait3A_2092 = tpu.memref_slice %arg24[%dma_wait3A_2090, %dma_wait3A_2091] : memref<8x512xi32, #tpu.memory_space<vmem>> -> memref<1x128xi32, #tpu.memory_space<vmem>>
      %dma_wait3A_2093 = tpu.memref_squeeze %dma_wait3A_2092 : memref<1x128xi32, #tpu.memory_space<vmem>> -> memref<128xi32, #tpu.memory_space<vmem>>
      %dma_wait3A_2094 = arith.constant 384 : i32
      %dma_wait3A_2095 = tpu.memref_slice %arg22[%dma_wait3A_2089, %dma_wait3A_2094] : memref<8x512xi32, #tpu.memory_space<vmem>> -> memref<1x128xi32, #tpu.memory_space<vmem>>
      %dma_wait3A_2096 = tpu.memref_squeeze %dma_wait3A_2095 : memref<1x128xi32, #tpu.memory_space<vmem>> -> memref<128xi32, #tpu.memory_space<vmem>>
      %dma_wait3A_2097 = arith.constant 0 : i32
      %dma_wait3A_2098 = tpu.memref_slice %arg17[%dma_wait3A_2097] : memref<1000000xi32, #tpu.memory_space<hbm>> -> memref<1000000xi32, #tpu.memory_space<hbm>>
      tpu.wait_indirect_dma semaphore(%arg27 : memref<!tpu.dma_semaphore, #tpu.memory_space<semaphore_mem>>) src(%dma_wait3A_2098 : memref<1000000xi32, #tpu.memory_space<hbm>>) dst(%dma_wait3A_2093 : memref<128xi32, #tpu.memory_space<vmem>>)
      %dma_wait3A_2099 = arith.constant 0 : i32
      %dma_wait3A_2100 = arith.constant 0 : i32
      %dma_wait3A_2101 = tpu.memref_slice %arg20[%dma_wait3A_2099, %dma_wait3A_2100] : memref<3x512xf32, #tpu.memory_space<vmem>> -> memref<1x512xf32, #tpu.memory_space<vmem>>
      %dma_wait3A_2102 = tpu.memref_squeeze %dma_wait3A_2101 : memref<1x512xf32, #tpu.memory_space<vmem>> -> memref<512xf32, #tpu.memory_space<vmem>>
      %dma_wait3A_2103 = tpu.memref_slice %arg2[%add3A_19] : memref<1500000xf32, #tpu.memory_space<hbm>> -> memref<512xf32, #tpu.memory_space<hbm>>
      %dma_wait3A_2104 = arith.constant 0 : i32
      %dma_wait3A_2105 = tpu.memref_slice %arg20[%dma_wait3A_2099, %dma_wait3A_2104] : memref<3x512xf32, #tpu.memory_space<vmem>> -> memref<1x512xf32, #tpu.memory_space<vmem>>
      %dma_wait3A_2106 = tpu.memref_squeeze %dma_wait3A_2105 : memref<1x512xf32, #tpu.memory_space<vmem>> -> memref<512xf32, #tpu.memory_space<vmem>>
      %dma_wait3A_2107 = tpu.memref_slice %arg2[%add3A_19] : memref<1500000xf32, #tpu.memory_space<hbm>> -> memref<512xf32, #tpu.memory_space<hbm>>
      tpu.wait_dma2 semaphore(%arg28 : memref<!tpu.dma_semaphore, #tpu.memory_space<semaphore_mem>>) src(%dma_wait3A_2107 : memref<512xf32, #tpu.memory_space<hbm>>) dst(%dma_wait3A_2106 : memref<512xf32, #tpu.memory_space<vmem>>)
      %dma_wait3A_2108 = arith.constant 1 : i32
      %dma_wait3A_2109 = arith.constant 0 : i32
      %dma_wait3A_2110 = tpu.memref_slice %arg20[%dma_wait3A_2108, %dma_wait3A_2109] : memref<3x512xf32, #tpu.memory_space<vmem>> -> memref<1x512xf32, #tpu.memory_space<vmem>>
      %dma_wait3A_2111 = tpu.memref_squeeze %dma_wait3A_2110 : memref<1x512xf32, #tpu.memory_space<vmem>> -> memref<512xf32, #tpu.memory_space<vmem>>
      %dma_wait3A_2112 = tpu.memref_slice %arg2[%add3A_30] : memref<1500000xf32, #tpu.memory_space<hbm>> -> memref<512xf32, #tpu.memory_space<hbm>>
      %dma_wait3A_2113 = arith.constant 0 : i32
      %dma_wait3A_2114 = tpu.memref_slice %arg20[%dma_wait3A_2108, %dma_wait3A_2113] : memref<3x512xf32, #tpu.memory_space<vmem>> -> memref<1x512xf32, #tpu.memory_space<vmem>>
      %dma_wait3A_2115 = tpu.memref_squeeze %dma_wait3A_2114 : memref<1x512xf32, #tpu.memory_space<vmem>> -> memref<512xf32, #tpu.memory_space<vmem>>
      %dma_wait3A_2116 = tpu.memref_slice %arg2[%add3A_30] : memref<1500000xf32, #tpu.memory_space<hbm>> -> memref<512xf32, #tpu.memory_space<hbm>>
      tpu.wait_dma2 semaphore(%arg28 : memref<!tpu.dma_semaphore, #tpu.memory_space<semaphore_mem>>) src(%dma_wait3A_2116 : memref<512xf32, #tpu.memory_space<hbm>>) dst(%dma_wait3A_2115 : memref<512xf32, #tpu.memory_space<vmem>>)
      %dma_wait3A_2117 = arith.constant 2 : i32
      %dma_wait3A_2118 = arith.constant 0 : i32
      %dma_wait3A_2119 = tpu.memref_slice %arg20[%dma_wait3A_2117, %dma_wait3A_2118] : memref<3x512xf32, #tpu.memory_space<vmem>> -> memref<1x512xf32, #tpu.memory_space<vmem>>
      %dma_wait3A_2120 = tpu.memref_squeeze %dma_wait3A_2119 : memref<1x512xf32, #tpu.memory_space<vmem>> -> memref<512xf32, #tpu.memory_space<vmem>>
      %dma_wait3A_2121 = tpu.memref_slice %arg2[%add3A_41] : memref<1500000xf32, #tpu.memory_space<hbm>> -> memref<512xf32, #tpu.memory_space<hbm>>
      %dma_wait3A_2122 = arith.constant 0 : i32
      %dma_wait3A_2123 = tpu.memref_slice %arg20[%dma_wait3A_2117, %dma_wait3A_2122] : memref<3x512xf32, #tpu.memory_space<vmem>> -> memref<1x512xf32, #tpu.memory_space<vmem>>
      %dma_wait3A_2124 = tpu.memref_squeeze %dma_wait3A_2123 : memref<1x512xf32, #tpu.memory_space<vmem>> -> memref<512xf32, #tpu.memory_space<vmem>>
      %dma_wait3A_2125 = tpu.memref_slice %arg2[%add3A_41] : memref<1500000xf32, #tpu.memory_space<hbm>> -> memref<512xf32, #tpu.memory_space<hbm>>
      tpu.wait_dma2 semaphore(%arg28 : memref<!tpu.dma_semaphore, #tpu.memory_space<semaphore_mem>>) src(%dma_wait3A_2125 : memref<512xf32, #tpu.memory_space<hbm>>) dst(%dma_wait3A_2124 : memref<512xf32, #tpu.memory_space<vmem>>)
      %scan3A_2126 = arith.constant 0 : i32
      %scan3A_2127 = arith.constant 32 : i32
      %scan3A_2128 = arith.addi %scan3A_2126, %scan3A_2127 : i32
      %scan3A_2129 = arith.constant 1 : i32
      scf.for %scan3A_2131 = %scan3A_2126 to %scan3A_2128 step %scan3A_2129  : i32 {
        %mul3A_2132 = arith.constant 1 : i32
        %mul3A_2133 = arith.muli %scan3A_2131, %mul3A_2132 : i32
        %add3A_2134 = arith.constant 0 : i32
        %add3A_2135 = arith.addi %add3A_2134, %mul3A_2133 : i32
        %mul3A_2136 = arith.constant 16 : i32
        %mul3A_2137 = arith.muli %add3A_2135, %mul3A_2136 : i32
        %get3A = arith.constant 0 : i32
        %get3A_2138 = arith.index_cast %get3A : i32 to index
        %get3A_2139 = arith.index_cast %mul3A_2137 : i32 to index
        %get3A_2140 = tpu.vector_load %arg20[%get3A_2138, %get3A_2139] {strides = array<i32>} : memref<3x512xf32, #tpu.memory_space<vmem>>, vector<16xf32>,
        %get3A_2141 = arith.constant 1 : i32
        %get3A_2142 = arith.index_cast %get3A_2141 : i32 to index
        %get3A_2143 = arith.index_cast %mul3A_2137 : i32 to index
        %get3A_2144 = tpu.vector_load %arg20[%get3A_2142, %get3A_2143] {strides = array<i32>} : memref<3x512xf32, #tpu.memory_space<vmem>>, vector<16xf32>,
        %get3A_2145 = arith.constant 2 : i32
        %get3A_2146 = arith.index_cast %get3A_2145 : i32 to index
        %get3A_2147 = arith.index_cast %mul3A_2137 : i32 to index
        %get3A_2148 = tpu.vector_load %arg20[%get3A_2146, %get3A_2147] {strides = array<i32>} : memref<3x512xf32, #tpu.memory_space<vmem>>, vector<16xf32>,
        %get3A_2149 = arith.constant 0 : i32
        %get3A_2150 = arith.index_cast %get3A_2149 : i32 to index
        %get3A_2151 = arith.index_cast %mul3A_2137 : i32 to index
        %get3A_2152 = tpu.vector_load %arg21[%get3A_2150, %get3A_2151] {strides = array<i32>} : memref<4x512xf32, #tpu.memory_space<vmem>>, vector<16xf32>,
        %get3A_2153 = arith.constant 1 : i32
        %get3A_2154 = arith.index_cast %get3A_2153 : i32 to index
        %get3A_2155 = arith.index_cast %mul3A_2137 : i32 to index
        %get3A_2156 = tpu.vector_load %arg21[%get3A_2154, %get3A_2155] {strides = array<i32>} : memref<4x512xf32, #tpu.memory_space<vmem>>, vector<16xf32>,
        %get3A_2157 = arith.constant 2 : i32
        %get3A_2158 = arith.index_cast %get3A_2157 : i32 to index
        %get3A_2159 = arith.index_cast %mul3A_2137 : i32 to index
        %get3A_2160 = tpu.vector_load %arg21[%get3A_2158, %get3A_2159] {strides = array<i32>} : memref<4x512xf32, #tpu.memory_space<vmem>>, vector<16xf32>,
        %get3A_2161 = arith.constant 3 : i32
        %get3A_2162 = arith.index_cast %get3A_2161 : i32 to index
        %get3A_2163 = arith.index_cast %mul3A_2137 : i32 to index
        %get3A_2164 = tpu.vector_load %arg21[%get3A_2162, %get3A_2163] {strides = array<i32>} : memref<4x512xf32, #tpu.memory_space<vmem>>, vector<16xf32>,
        %mul3A_2165 = arith.constant 5.000000e-02 : f32
        %mul3A_2166 = vector.broadcast %mul3A_2165 : f32 to vector<16xf32>
        %mul3A_2167 = arith.mulf %get3A_2164, %mul3A_2166 : vector<16xf32>
        %mul3A_2168 = arith.constant 5.000000e-01 : f32
        %mul3A_2169 = vector.broadcast %mul3A_2168 : f32 to vector<16xf32>
        %mul3A_2170 = arith.mulf %mul3A_2169, %mul3A_2167 : vector<16xf32>
        %sub3A = arith.subf %get3A_2152, %mul3A_2170 : vector<16xf32>
        %sub3A_2171 = arith.subf %get3A_2140, %sub3A : vector<16xf32>
        %mul3A_2172 = arith.constant 5.000000e-01 : f32
        %mul3A_2173 = vector.broadcast %mul3A_2172 : f32 to vector<16xf32>
        %mul3A_2174 = arith.mulf %mul3A_2173, %mul3A_2167 : vector<16xf32>
        %sub3A_2175 = arith.subf %get3A_2156, %mul3A_2174 : vector<16xf32>
        %sub3A_2176 = arith.subf %get3A_2144, %sub3A_2175 : vector<16xf32>
        %mul3A_2177 = arith.constant 5.000000e-01 : f32
        %mul3A_2178 = vector.broadcast %mul3A_2177 : f32 to vector<16xf32>
        %mul3A_2179 = arith.mulf %mul3A_2178, %mul3A_2167 : vector<16xf32>
        %sub3A_2180 = arith.subf %get3A_2160, %mul3A_2179 : vector<16xf32>
        %sub3A_2181 = arith.subf %get3A_2148, %sub3A_2180 : vector<16xf32>
        %div3A = arith.divf %sub3A_2171, %mul3A_2167 : vector<16xf32>
        %div3A_2182 = arith.divf %sub3A_2176, %mul3A_2167 : vector<16xf32>
        %div3A_2183 = arith.divf %sub3A_2181, %mul3A_2167 : vector<16xf32>
        %sub3A_2184 = arith.constant 1.000000e+00 : f32
        %sub3A_2185 = vector.broadcast %sub3A_2184 : f32 to vector<16xf32>
        %sub3A_2186 = arith.subf %sub3A_2185, %div3A : vector<16xf32>
        %sub3A_2187 = arith.constant 1.000000e+00 : f32
        %sub3A_2188 = vector.broadcast %sub3A_2187 : f32 to vector<16xf32>
        %sub3A_2189 = arith.subf %sub3A_2188, %div3A_2182 : vector<16xf32>
        %sub3A_2190 = arith.constant 1.000000e+00 : f32
        %sub3A_2191 = vector.broadcast %sub3A_2190 : f32 to vector<16xf32>
        %sub3A_2192 = arith.subf %sub3A_2191, %div3A_2183 : vector<16xf32>
        %sub3A_2193 = arith.subf %sub3A_2171, %mul3A_2167 : vector<16xf32>
        %sub3A_2194 = arith.subf %sub3A_2176, %mul3A_2167 : vector<16xf32>
        %sub3A_2195 = arith.subf %sub3A_2181, %mul3A_2167 : vector<16xf32>
        %broadcast_in_dim3A = arith.constant -65536 : i32
        %broadcast_in_dim3A_2196 = vector.broadcast %broadcast_in_dim3A : i32 to vector<16xi32>
        %broadcast_in_dim3A_2197 = arith.constant 0.000000e+00 : f32
        %broadcast_in_dim3A_2198 = vector.broadcast %broadcast_in_dim3A_2197 : f32 to vector<16xf32>
        %get3A_2199 = arith.constant 0 : i32
        %get3A_2200 = arith.index_cast %get3A_2199 : i32 to index
        %get3A_2201 = arith.index_cast %mul3A_2137 : i32 to index
        %get3A_2202 = tpu.vector_load %arg23[%get3A_2200, %get3A_2201] {strides = array<i32>} : memref<8x512xi32, #tpu.memory_space<vmem>>, vector<16xi32>,
        %get3A_2203 = arith.constant 0 : i32
        %get3A_2204 = arith.index_cast %get3A_2203 : i32 to index
        %get3A_2205 = arith.index_cast %mul3A_2137 : i32 to index
        %get3A_2206 = tpu.vector_load %arg24[%get3A_2204, %get3A_2205] {strides = array<i32>} : memref<8x512xi32, #tpu.memory_space<vmem>>, vector<16xi32>,
        %shift_left3A = arith.constant 16 : i32
        %shift_left3A_2207 = vector.broadcast %shift_left3A : i32 to vector<16xi32>
        %shift_left3A_2208 = arith.shli %get3A_2202, %shift_left3A_2207 : vector<16xi32>
        %bitcast3A = vector.bitcast %shift_left3A_2208 : vector<16xi32> to vector<16xf32>
        %and3A = arith.andi %get3A_2202, %broadcast_in_dim3A_2196 : vector<16xi32>
        %bitcast3A_2209 = vector.bitcast %and3A : vector<16xi32> to vector<16xf32>
        %shift_left3A_2210 = arith.constant 16 : i32
        %shift_left3A_2211 = vector.broadcast %shift_left3A_2210 : i32 to vector<16xi32>
        %shift_left3A_2212 = arith.shli %get3A_2206, %shift_left3A_2211 : vector<16xi32>
        %bitcast3A_2213 = vector.bitcast %shift_left3A_2212 : vector<16xi32> to vector<16xf32>
        %and3A_2214 = arith.andi %get3A_2206, %broadcast_in_dim3A_2196 : vector<16xi32>
        %bitcast3A_2215 = vector.bitcast %and3A_2214 : vector<16xi32> to vector<16xf32>
        %mul3A_2216 = arith.mulf %bitcast3A_2209, %sub3A_2171 : vector<16xf32>
        %add3A_2217 = arith.addf %bitcast3A, %mul3A_2216 : vector<16xf32>
        %mul3A_2218 = arith.mulf %bitcast3A_2213, %sub3A_2176 : vector<16xf32>
        %add3A_2219 = arith.addf %add3A_2217, %mul3A_2218 : vector<16xf32>
        %mul3A_2220 = arith.mulf %bitcast3A_2215, %sub3A_2181 : vector<16xf32>
        %add3A_2221 = arith.addf %add3A_2219, %mul3A_2220 : vector<16xf32>
        %mul3A_2222 = arith.mulf %sub3A_2186, %sub3A_2189 : vector<16xf32>
        %mul3A_2223 = arith.mulf %mul3A_2222, %sub3A_2192 : vector<16xf32>
        %mul3A_2224 = arith.mulf %mul3A_2223, %add3A_2221 : vector<16xf32>
        %add3A_2225 = arith.addf %broadcast_in_dim3A_2198, %mul3A_2224 : vector<16xf32>
        %get3A_2226 = arith.constant 1 : i32
        %get3A_2227 = arith.index_cast %get3A_2226 : i32 to index
        %get3A_2228 = arith.index_cast %mul3A_2137 : i32 to index
        %get3A_2229 = tpu.vector_load %arg23[%get3A_2227, %get3A_2228] {strides = array<i32>} : memref<8x512xi32, #tpu.memory_space<vmem>>, vector<16xi32>,
        %get3A_2230 = arith.constant 1 : i32
        %get3A_2231 = arith.index_cast %get3A_2230 : i32 to index
        %get3A_2232 = arith.index_cast %mul3A_2137 : i32 to index
        %get3A_2233 = tpu.vector_load %arg24[%get3A_2231, %get3A_2232] {strides = array<i32>} : memref<8x512xi32, #tpu.memory_space<vmem>>, vector<16xi32>,
        %shift_left3A_2234 = arith.constant 16 : i32
        %shift_left3A_2235 = vector.broadcast %shift_left3A_2234 : i32 to vector<16xi32>
        %shift_left3A_2236 = arith.shli %get3A_2229, %shift_left3A_2235 : vector<16xi32>
        %bitcast3A_2237 = vector.bitcast %shift_left3A_2236 : vector<16xi32> to vector<16xf32>
        %and3A_2238 = arith.andi %get3A_2229, %broadcast_in_dim3A_2196 : vector<16xi32>
        %bitcast3A_2239 = vector.bitcast %and3A_2238 : vector<16xi32> to vector<16xf32>
        %shift_left3A_2240 = arith.constant 16 : i32
        %shift_left3A_2241 = vector.broadcast %shift_left3A_2240 : i32 to vector<16xi32>
        %shift_left3A_2242 = arith.shli %get3A_2233, %shift_left3A_2241 : vector<16xi32>
        %bitcast3A_2243 = vector.bitcast %shift_left3A_2242 : vector<16xi32> to vector<16xf32>
        %and3A_2244 = arith.andi %get3A_2233, %broadcast_in_dim3A_2196 : vector<16xi32>
        %bitcast3A_2245 = vector.bitcast %and3A_2244 : vector<16xi32> to vector<16xf32>
        %mul3A_2246 = arith.mulf %bitcast3A_2239, %sub3A_2193 : vector<16xf32>
        %add3A_2247 = arith.addf %bitcast3A_2237, %mul3A_2246 : vector<16xf32>
        %mul3A_2248 = arith.mulf %bitcast3A_2243, %sub3A_2176 : vector<16xf32>
        %add3A_2249 = arith.addf %add3A_2247, %mul3A_2248 : vector<16xf32>
        %mul3A_2250 = arith.mulf %bitcast3A_2245, %sub3A_2181 : vector<16xf32>
        %add3A_2251 = arith.addf %add3A_2249, %mul3A_2250 : vector<16xf32>
        %mul3A_2252 = arith.mulf %div3A, %sub3A_2189 : vector<16xf32>
        %mul3A_2253 = arith.mulf %mul3A_2252, %sub3A_2192 : vector<16xf32>
        %mul3A_2254 = arith.mulf %mul3A_2253, %add3A_2251 : vector<16xf32>
        %add3A_2255 = arith.addf %add3A_2225, %mul3A_2254 : vector<16xf32>
        %get3A_2256 = arith.constant 2 : i32
        %get3A_2257 = arith.index_cast %get3A_2256 : i32 to index
        %get3A_2258 = arith.index_cast %mul3A_2137 : i32 to index
        %get3A_2259 = tpu.vector_load %arg23[%get3A_2257, %get3A_2258] {strides = array<i32>} : memref<8x512xi32, #tpu.memory_space<vmem>>, vector<16xi32>,
        %get3A_2260 = arith.constant 2 : i32
        %get3A_2261 = arith.index_cast %get3A_2260 : i32 to index
        %get3A_2262 = arith.index_cast %mul3A_2137 : i32 to index
        %get3A_2263 = tpu.vector_load %arg24[%get3A_2261, %get3A_2262] {strides = array<i32>} : memref<8x512xi32, #tpu.memory_space<vmem>>, vector<16xi32>,
        %shift_left3A_2264 = arith.constant 16 : i32
        %shift_left3A_2265 = vector.broadcast %shift_left3A_2264 : i32 to vector<16xi32>
        %shift_left3A_2266 = arith.shli %get3A_2259, %shift_left3A_2265 : vector<16xi32>
        %bitcast3A_2267 = vector.bitcast %shift_left3A_2266 : vector<16xi32> to vector<16xf32>
        %and3A_2268 = arith.andi %get3A_2259, %broadcast_in_dim3A_2196 : vector<16xi32>
        %bitcast3A_2269 = vector.bitcast %and3A_2268 : vector<16xi32> to vector<16xf32>
        %shift_left3A_2270 = arith.constant 16 : i32
        %shift_left3A_2271 = vector.broadcast %shift_left3A_2270 : i32 to vector<16xi32>
        %shift_left3A_2272 = arith.shli %get3A_2263, %shift_left3A_2271 : vector<16xi32>
        %bitcast3A_2273 = vector.bitcast %shift_left3A_2272 : vector<16xi32> to vector<16xf32>
        %and3A_2274 = arith.andi %get3A_2263, %broadcast_in_dim3A_2196 : vector<16xi32>
        %bitcast3A_2275 = vector.bitcast %and3A_2274 : vector<16xi32> to vector<16xf32>
        %mul3A_2276 = arith.mulf %bitcast3A_2269, %sub3A_2171 : vector<16xf32>
        %add3A_2277 = arith.addf %bitcast3A_2267, %mul3A_2276 : vector<16xf32>
        %mul3A_2278 = arith.mulf %bitcast3A_2273, %sub3A_2194 : vector<16xf32>
        %add3A_2279 = arith.addf %add3A_2277, %mul3A_2278 : vector<16xf32>
        %mul3A_2280 = arith.mulf %bitcast3A_2275, %sub3A_2181 : vector<16xf32>
        %add3A_2281 = arith.addf %add3A_2279, %mul3A_2280 : vector<16xf32>
        %mul3A_2282 = arith.mulf %sub3A_2186, %div3A_2182 : vector<16xf32>
        %mul3A_2283 = arith.mulf %mul3A_2282, %sub3A_2192 : vector<16xf32>
        %mul3A_2284 = arith.mulf %mul3A_2283, %add3A_2281 : vector<16xf32>
        %add3A_2285 = arith.addf %add3A_2255, %mul3A_2284 : vector<16xf32>
        %get3A_2286 = arith.constant 3 : i32
        %get3A_2287 = arith.index_cast %get3A_2286 : i32 to index
        %get3A_2288 = arith.index_cast %mul3A_2137 : i32 to index
        %get3A_2289 = tpu.vector_load %arg23[%get3A_2287, %get3A_2288] {strides = array<i32>} : memref<8x512xi32, #tpu.memory_space<vmem>>, vector<16xi32>,
        %get3A_2290 = arith.constant 3 : i32
        %get3A_2291 = arith.index_cast %get3A_2290 : i32 to index
        %get3A_2292 = arith.index_cast %mul3A_2137 : i32 to index
        %get3A_2293 = tpu.vector_load %arg24[%get3A_2291, %get3A_2292] {strides = array<i32>} : memref<8x512xi32, #tpu.memory_space<vmem>>, vector<16xi32>,
        %shift_left3A_2294 = arith.constant 16 : i32
        %shift_left3A_2295 = vector.broadcast %shift_left3A_2294 : i32 to vector<16xi32>
        %shift_left3A_2296 = arith.shli %get3A_2289, %shift_left3A_2295 : vector<16xi32>
        %bitcast3A_2297 = vector.bitcast %shift_left3A_2296 : vector<16xi32> to vector<16xf32>
        %and3A_2298 = arith.andi %get3A_2289, %broadcast_in_dim3A_2196 : vector<16xi32>
        %bitcast3A_2299 = vector.bitcast %and3A_2298 : vector<16xi32> to vector<16xf32>
        %shift_left3A_2300 = arith.constant 16 : i32
        %shift_left3A_2301 = vector.broadcast %shift_left3A_2300 : i32 to vector<16xi32>
        %shift_left3A_2302 = arith.shli %get3A_2293, %shift_left3A_2301 : vector<16xi32>
        %bitcast3A_2303 = vector.bitcast %shift_left3A_2302 : vector<16xi32> to vector<16xf32>
        %and3A_2304 = arith.andi %get3A_2293, %broadcast_in_dim3A_2196 : vector<16xi32>
        %bitcast3A_2305 = vector.bitcast %and3A_2304 : vector<16xi32> to vector<16xf32>
        %mul3A_2306 = arith.mulf %bitcast3A_2299, %sub3A_2193 : vector<16xf32>
        %add3A_2307 = arith.addf %bitcast3A_2297, %mul3A_2306 : vector<16xf32>
        %mul3A_2308 = arith.mulf %bitcast3A_2303, %sub3A_2194 : vector<16xf32>
        %add3A_2309 = arith.addf %add3A_2307, %mul3A_2308 : vector<16xf32>
        %mul3A_2310 = arith.mulf %bitcast3A_2305, %sub3A_2181 : vector<16xf32>
        %add3A_2311 = arith.addf %add3A_2309, %mul3A_2310 : vector<16xf32>
        %mul3A_2312 = arith.mulf %div3A, %div3A_2182 : vector<16xf32>
        %mul3A_2313 = arith.mulf %mul3A_2312, %sub3A_2192 : vector<16xf32>
        %mul3A_2314 = arith.mulf %mul3A_2313, %add3A_2311 : vector<16xf32>
        %add3A_2315 = arith.addf %add3A_2285, %mul3A_2314 : vector<16xf32>
        %get3A_2316 = arith.constant 4 : i32
        %get3A_2317 = arith.index_cast %get3A_2316 : i32 to index
        %get3A_2318 = arith.index_cast %mul3A_2137 : i32 to index
        %get3A_2319 = tpu.vector_load %arg23[%get3A_2317, %get3A_2318] {strides = array<i32>} : memref<8x512xi32, #tpu.memory_space<vmem>>, vector<16xi32>,
        %get3A_2320 = arith.constant 4 : i32
        %get3A_2321 = arith.index_cast %get3A_2320 : i32 to index
        %get3A_2322 = arith.index_cast %mul3A_2137 : i32 to index
        %get3A_2323 = tpu.vector_load %arg24[%get3A_2321, %get3A_2322] {strides = array<i32>} : memref<8x512xi32, #tpu.memory_space<vmem>>, vector<16xi32>,
        %shift_left3A_2324 = arith.constant 16 : i32
        %shift_left3A_2325 = vector.broadcast %shift_left3A_2324 : i32 to vector<16xi32>
        %shift_left3A_2326 = arith.shli %get3A_2319, %shift_left3A_2325 : vector<16xi32>
        %bitcast3A_2327 = vector.bitcast %shift_left3A_2326 : vector<16xi32> to vector<16xf32>
        %and3A_2328 = arith.andi %get3A_2319, %broadcast_in_dim3A_2196 : vector<16xi32>
        %bitcast3A_2329 = vector.bitcast %and3A_2328 : vector<16xi32> to vector<16xf32>
        %shift_left3A_2330 = arith.constant 16 : i32
        %shift_left3A_2331 = vector.broadcast %shift_left3A_2330 : i32 to vector<16xi32>
        %shift_left3A_2332 = arith.shli %get3A_2323, %shift_left3A_2331 : vector<16xi32>
        %bitcast3A_2333 = vector.bitcast %shift_left3A_2332 : vector<16xi32> to vector<16xf32>
        %and3A_2334 = arith.andi %get3A_2323, %broadcast_in_dim3A_2196 : vector<16xi32>
        %bitcast3A_2335 = vector.bitcast %and3A_2334 : vector<16xi32> to vector<16xf32>
        %mul3A_2336 = arith.mulf %bitcast3A_2329, %sub3A_2171 : vector<16xf32>
        %add3A_2337 = arith.addf %bitcast3A_2327, %mul3A_2336 : vector<16xf32>
        %mul3A_2338 = arith.mulf %bitcast3A_2333, %sub3A_2176 : vector<16xf32>
        %add3A_2339 = arith.addf %add3A_2337, %mul3A_2338 : vector<16xf32>
        %mul3A_2340 = arith.mulf %bitcast3A_2335, %sub3A_2195 : vector<16xf32>
        %add3A_2341 = arith.addf %add3A_2339, %mul3A_2340 : vector<16xf32>
        %mul3A_2342 = arith.mulf %sub3A_2186, %sub3A_2189 : vector<16xf32>
        %mul3A_2343 = arith.mulf %mul3A_2342, %div3A_2183 : vector<16xf32>
        %mul3A_2344 = arith.mulf %mul3A_2343, %add3A_2341 : vector<16xf32>
        %add3A_2345 = arith.addf %add3A_2315, %mul3A_2344 : vector<16xf32>
        %get3A_2346 = arith.constant 5 : i32
        %get3A_2347 = arith.index_cast %get3A_2346 : i32 to index
        %get3A_2348 = arith.index_cast %mul3A_2137 : i32 to index
        %get3A_2349 = tpu.vector_load %arg23[%get3A_2347, %get3A_2348] {strides = array<i32>} : memref<8x512xi32, #tpu.memory_space<vmem>>, vector<16xi32>,
        %get3A_2350 = arith.constant 5 : i32
        %get3A_2351 = arith.index_cast %get3A_2350 : i32 to index
        %get3A_2352 = arith.index_cast %mul3A_2137 : i32 to index
        %get3A_2353 = tpu.vector_load %arg24[%get3A_2351, %get3A_2352] {strides = array<i32>} : memref<8x512xi32, #tpu.memory_space<vmem>>, vector<16xi32>,
        %shift_left3A_2354 = arith.constant 16 : i32
        %shift_left3A_2355 = vector.broadcast %shift_left3A_2354 : i32 to vector<16xi32>
        %shift_left3A_2356 = arith.shli %get3A_2349, %shift_left3A_2355 : vector<16xi32>
        %bitcast3A_2357 = vector.bitcast %shift_left3A_2356 : vector<16xi32> to vector<16xf32>
        %and3A_2358 = arith.andi %get3A_2349, %broadcast_in_dim3A_2196 : vector<16xi32>
        %bitcast3A_2359 = vector.bitcast %and3A_2358 : vector<16xi32> to vector<16xf32>
        %shift_left3A_2360 = arith.constant 16 : i32
        %shift_left3A_2361 = vector.broadcast %shift_left3A_2360 : i32 to vector<16xi32>
        %shift_left3A_2362 = arith.shli %get3A_2353, %shift_left3A_2361 : vector<16xi32>
        %bitcast3A_2363 = vector.bitcast %shift_left3A_2362 : vector<16xi32> to vector<16xf32>
        %and3A_2364 = arith.andi %get3A_2353, %broadcast_in_dim3A_2196 : vector<16xi32>
        %bitcast3A_2365 = vector.bitcast %and3A_2364 : vector<16xi32> to vector<16xf32>
        %mul3A_2366 = arith.mulf %bitcast3A_2359, %sub3A_2193 : vector<16xf32>
        %add3A_2367 = arith.addf %bitcast3A_2357, %mul3A_2366 : vector<16xf32>
        %mul3A_2368 = arith.mulf %bitcast3A_2363, %sub3A_2176 : vector<16xf32>
        %add3A_2369 = arith.addf %add3A_2367, %mul3A_2368 : vector<16xf32>
        %mul3A_2370 = arith.mulf %bitcast3A_2365, %sub3A_2195 : vector<16xf32>
        %add3A_2371 = arith.addf %add3A_2369, %mul3A_2370 : vector<16xf32>
        %mul3A_2372 = arith.mulf %div3A, %sub3A_2189 : vector<16xf32>
        %mul3A_2373 = arith.mulf %mul3A_2372, %div3A_2183 : vector<16xf32>
        %mul3A_2374 = arith.mulf %mul3A_2373, %add3A_2371 : vector<16xf32>
        %add3A_2375 = arith.addf %add3A_2345, %mul3A_2374 : vector<16xf32>
        %get3A_2376 = arith.constant 6 : i32
        %get3A_2377 = arith.index_cast %get3A_2376 : i32 to index
        %get3A_2378 = arith.index_cast %mul3A_2137 : i32 to index
        %get3A_2379 = tpu.vector_load %arg23[%get3A_2377, %get3A_2378] {strides = array<i32>} : memref<8x512xi32, #tpu.memory_space<vmem>>, vector<16xi32>,
        %get3A_2380 = arith.constant 6 : i32
        %get3A_2381 = arith.index_cast %get3A_2380 : i32 to index
        %get3A_2382 = arith.index_cast %mul3A_2137 : i32 to index
        %get3A_2383 = tpu.vector_load %arg24[%get3A_2381, %get3A_2382] {strides = array<i32>} : memref<8x512xi32, #tpu.memory_space<vmem>>, vector<16xi32>,
        %shift_left3A_2384 = arith.constant 16 : i32
        %shift_left3A_2385 = vector.broadcast %shift_left3A_2384 : i32 to vector<16xi32>
        %shift_left3A_2386 = arith.shli %get3A_2379, %shift_left3A_2385 : vector<16xi32>
        %bitcast3A_2387 = vector.bitcast %shift_left3A_2386 : vector<16xi32> to vector<16xf32>
        %and3A_2388 = arith.andi %get3A_2379, %broadcast_in_dim3A_2196 : vector<16xi32>
        %bitcast3A_2389 = vector.bitcast %and3A_2388 : vector<16xi32> to vector<16xf32>
        %shift_left3A_2390 = arith.constant 16 : i32
        %shift_left3A_2391 = vector.broadcast %shift_left3A_2390 : i32 to vector<16xi32>
        %shift_left3A_2392 = arith.shli %get3A_2383, %shift_left3A_2391 : vector<16xi32>
        %bitcast3A_2393 = vector.bitcast %shift_left3A_2392 : vector<16xi32> to vector<16xf32>
        %and3A_2394 = arith.andi %get3A_2383, %broadcast_in_dim3A_2196 : vector<16xi32>
        %bitcast3A_2395 = vector.bitcast %and3A_2394 : vector<16xi32> to vector<16xf32>
        %mul3A_2396 = arith.mulf %bitcast3A_2389, %sub3A_2171 : vector<16xf32>
        %add3A_2397 = arith.addf %bitcast3A_2387, %mul3A_2396 : vector<16xf32>
        %mul3A_2398 = arith.mulf %bitcast3A_2393, %sub3A_2194 : vector<16xf32>
        %add3A_2399 = arith.addf %add3A_2397, %mul3A_2398 : vector<16xf32>
        %mul3A_2400 = arith.mulf %bitcast3A_2395, %sub3A_2195 : vector<16xf32>
        %add3A_2401 = arith.addf %add3A_2399, %mul3A_2400 : vector<16xf32>
        %mul3A_2402 = arith.mulf %sub3A_2186, %div3A_2182 : vector<16xf32>
        %mul3A_2403 = arith.mulf %mul3A_2402, %div3A_2183 : vector<16xf32>
        %mul3A_2404 = arith.mulf %mul3A_2403, %add3A_2401 : vector<16xf32>
        %add3A_2405 = arith.addf %add3A_2375, %mul3A_2404 : vector<16xf32>
        %get3A_2406 = arith.constant 7 : i32
        %get3A_2407 = arith.index_cast %get3A_2406 : i32 to index
        %get3A_2408 = arith.index_cast %mul3A_2137 : i32 to index
        %get3A_2409 = tpu.vector_load %arg23[%get3A_2407, %get3A_2408] {strides = array<i32>} : memref<8x512xi32, #tpu.memory_space<vmem>>, vector<16xi32>,
        %get3A_2410 = arith.constant 7 : i32
        %get3A_2411 = arith.index_cast %get3A_2410 : i32 to index
        %get3A_2412 = arith.index_cast %mul3A_2137 : i32 to index
        %get3A_2413 = tpu.vector_load %arg24[%get3A_2411, %get3A_2412] {strides = array<i32>} : memref<8x512xi32, #tpu.memory_space<vmem>>, vector<16xi32>,
        %shift_left3A_2414 = arith.constant 16 : i32
        %shift_left3A_2415 = vector.broadcast %shift_left3A_2414 : i32 to vector<16xi32>
        %shift_left3A_2416 = arith.shli %get3A_2409, %shift_left3A_2415 : vector<16xi32>
        %bitcast3A_2417 = vector.bitcast %shift_left3A_2416 : vector<16xi32> to vector<16xf32>
        %and3A_2418 = arith.andi %get3A_2409, %broadcast_in_dim3A_2196 : vector<16xi32>
        %bitcast3A_2419 = vector.bitcast %and3A_2418 : vector<16xi32> to vector<16xf32>
        %shift_left3A_2420 = arith.constant 16 : i32
        %shift_left3A_2421 = vector.broadcast %shift_left3A_2420 : i32 to vector<16xi32>
        %shift_left3A_2422 = arith.shli %get3A_2413, %shift_left3A_2421 : vector<16xi32>
        %bitcast3A_2423 = vector.bitcast %shift_left3A_2422 : vector<16xi32> to vector<16xf32>
        %and3A_2424 = arith.andi %get3A_2413, %broadcast_in_dim3A_2196 : vector<16xi32>
        %bitcast3A_2425 = vector.bitcast %and3A_2424 : vector<16xi32> to vector<16xf32>
        %mul3A_2426 = arith.mulf %bitcast3A_2419, %sub3A_2193 : vector<16xf32>
        %add3A_2427 = arith.addf %bitcast3A_2417, %mul3A_2426 : vector<16xf32>
        %mul3A_2428 = arith.mulf %bitcast3A_2423, %sub3A_2194 : vector<16xf32>
        %add3A_2429 = arith.addf %add3A_2427, %mul3A_2428 : vector<16xf32>
        %mul3A_2430 = arith.mulf %bitcast3A_2425, %sub3A_2195 : vector<16xf32>
        %add3A_2431 = arith.addf %add3A_2429, %mul3A_2430 : vector<16xf32>
        %mul3A_2432 = arith.mulf %div3A, %div3A_2182 : vector<16xf32>
        %mul3A_2433 = arith.mulf %mul3A_2432, %div3A_2183 : vector<16xf32>
        %mul3A_2434 = arith.mulf %mul3A_2433, %add3A_2431 : vector<16xf32>
        %add3A_2435 = arith.addf %add3A_2405, %mul3A_2434 : vector<16xf32>
        %swap3A = arith.index_cast %mul3A_2137 : i32 to index
        %swap3A_2436 = tpu.vector_load %arg25[%swap3A] {strides = array<i32>} : memref<512xf32, #tpu.memory_space<vmem>>, vector<16xf32>,
        tpu.vector_store %arg25[%swap3A], %add3A_2435 {strides = array<i32>} : memref<512xf32, #tpu.memory_space<vmem>>, vector<16xf32>,
      }
      %scan3A_2130 = arith.constant 32 : i32
      "tpu.region"() ({
        %run_scoped3A = tpu.sem_alloc : memref<!tpu.dma_semaphore, #tpu.memory_space<semaphore_mem>>
        %dma_start3A_2131 = tpu.memref_slice %arg18[%min3A_15] : memref<500000xf32, #tpu.memory_space<hbm>> -> memref<512xf32, #tpu.memory_space<hbm>>
        %dma_start3A_2132 = tpu.memref_slice %arg18[%min3A_15] : memref<500000xf32, #tpu.memory_space<hbm>> -> memref<512xf32, #tpu.memory_space<hbm>>
        tpu.enqueue_dma source(%arg25 : memref<512xf32, #tpu.memory_space<vmem>>) target(%dma_start3A_2132 : memref<512xf32, #tpu.memory_space<hbm>>) target_semaphore(%run_scoped3A : memref<!tpu.dma_semaphore, #tpu.memory_space<semaphore_mem>>)
        %dma_wait3A_2133 = tpu.memref_slice %arg18[%min3A_15] : memref<500000xf32, #tpu.memory_space<hbm>> -> memref<512xf32, #tpu.memory_space<hbm>>
        %dma_wait3A_2134 = tpu.memref_slice %arg18[%min3A_15] : memref<500000xf32, #tpu.memory_space<hbm>> -> memref<512xf32, #tpu.memory_space<hbm>>
        tpu.wait_dma2 semaphore(%run_scoped3A : memref<!tpu.dma_semaphore, #tpu.memory_space<semaphore_mem>>) src(%arg25 : memref<512xf32, #tpu.memory_space<vmem>>) dst(%dma_wait3A_2134 : memref<512xf32, #tpu.memory_space<hbm>>)
        tpu.yield
      }) : () -> ()
    }
    %scan3A_4 = arith.constant 31 : i32
    return
  }
}

</mosaic_0001>

<sc_bundles>
// kernel: kernel.3.cloned.1.call-start
scs
__scs_entry_jumppad:
0x0: {  	(pc) =	sbr.rel $0x88, $3  }
0x1: {  	(tag) =	ssettag $0x0;
	lr =	simm.s32 $0x1  }
0x2: {  	[smem:$0x3F9A] =	sst lr;
	_ =	strace $0xD0000000  }
0x3: {  	_ = 	snop  }
0x4: {  	_ = 	snop  }
0x5: {  	_ = 	snop  }
0x6: {  	_ = 	snop  }
0x7: {  	_ = 	snop  }
__scs_overlays_trampoline_lowered:
0x8: {  	[smem:$0x3FA9] =	sst s0  }
0x9: {  	[smem:$0x3FAA] =	sst s1  }
0xa: {  	[smem:$0x3FAB] =	sst s2  }
0xb: {  	[smem:$0x3FAC] =	sst s3  }
0xc: {  	[smem:$0x3FAD] =	sst s4  }
0xd: {  	[smem:$0x3FAE] =	sst s5  }
0xe: {  	[smem:$0x3FAF] =	sst s6  }
0xf: {  	[smem:$0x3FB0] =	sst s7  }
0x10: {  	[smem:$0x3FB1] =	sst s8  }
0x11: {  	[smem:$0x3FB2] =	sst s9;
	s0 =	simm.s32 @!p0 $0x0  }
0x12: {  	s1 =	sld [smem:$0x3F98];
	s0 =	simm.s32 @p0 $0x1  }
0x13: {  	[smem:$0x3FB3] =	sst s0;
	s0 =	simm.s32 @!p1 $0x0  }
0x14: {  	s2 =	sld [smem:$0x3F97];
	s0 =	simm.s32 @p1 $0x1  }
0x15: {  	[smem:$0x3FB4] =	sst s0;
	s0 =	simm.s32 @!p2 $0x0  }
0x16: {  	s3 =	sld [smem:$0x3FDB];
	s0 =	simm.s32 @p2 $0x1  }
0x17: {  	s4 =	simm.s32 $0x1BF5;
	[smem:$0x3FB6] =	sst s0  }
0x18: {  	s0 =	sld [smem:$0x3F99];
	_ =	swait.ge [sflag:s4], $0x0  }
0x19: {  	s7 =	sld [smem:$0x3F9A]  }
0x1a: {  	s8 =	sadd.s32 $0xFFFFE003, lr  }
0x1b: {  	s9 =	sadd.s32 $0xFFFFFEF7, lr;
	s5 =	simm.s32 $0xFFFFFFFF;
	p2 =	slt.u32 s8, $0xFFFFF086  }
0x1c: {  	p1 =	slt.u32 s9, $0xF7A;
	s5 =	simm.s32 @!p2 $0x0  }
0x1d: {  	s5 =	simm.s32 @p1 $0x1;
	p0 =	seq.s32 s7, s2  }
0x1e: {  	s7 =	smul.u32 @!p0 $0xF7A, s2;
	p2 =	seq.s32 @!p0 s5, $0x0  }
0x1f: {  	s9 =	smul.u32 $0xF7A, s1;
	s8 =	simm.s32 @!p0 $0x1BF5;
	p2 =	por !p2, p0  }
0x20: {  	[sflag:s8] =	ssyncset.s32 @!p0 $0xFFFFF086;
	s6 =	sadd.s32 @!p0 s3, s7;
	s7 =	simm.s32 @!p0 $0x108  }
0x21: {  	s3 =	sadd.s32 s3, s9;
	s6 =	sadd.s32 @!p0 $0x88, s6;
	s7 =	simm.s32 @p2 $0x1082  }
0x22: {  	[simem:s7], [sflag:s8] =	dma.local @!p0 [hbm:s6], $0xF7A  }
0x23: {  	s9 =	sor.u32 $0xD0000000, s2;
	s6 =	simm.s32 $0x108;
	_ =	swait.ge @!p0 [sflag:s8], $0x0  }
0x24: {  	s3 =	sadd.s32 $0x88, s3;
	s6 =	simm.s32 @!p1 $0x1082;
	[sflag:s4] =	ssyncset.s32 $0xFFFFF086  }
0x25: {  	[simem:s6], [sflag:s4] =	dma.local [hbm:s3], $0xF7A  }
0x26: {  	[smem:$0x3F9A] =	sst s1;
	(tag) =	ssettag s2;
	_ =	strace s9  }
0x27: {  	s1 =	sld [smem:$0x3FAA]  }
0x28: {  	s2 =	sld [smem:$0x3FAB]  }
0x29: {  	s4 =	sld [smem:$0x3FAD]  }
0x2a: {  	p0 =	seq.s32 s5, $0x0;
	s5 =	sld [smem:$0x3FAE]  }
0x2b: {  	s6 =	sld [smem:$0x3FAF]  }
0x2c: {  	s7 =	sld [smem:$0x3FB0]  }
0x2d: {  	s3 =	simm.s32 $0x108;
	s8 =	sld [smem:$0x3FB1]  }
0x2e: {  	s3 =	simm.s32 @!p0 $0x1082;
	s9 =	sld [smem:$0x3FB2]  }
0x2f: {  	lr =	sadd.s32 s0, s3;
	s0 =	sld [smem:$0x3FA9]  }
0x30: {  	s3 =	sld [smem:$0x3FAC]  }
0x31: {  	[smem:$0x3FB5] =	sst s10  }
0x32: {  	s10 =	sld [smem:$0x3FB3];
	_ =	sdelay $0x3  }
0x33: {  	p0 =	seq.s32 s10, $0x1;
	s10 =	sld [smem:$0x3FB5];
	_ =	sdelay $0x3  }
0x34: {  	[smem:$0x3FB5] =	sst s10  }
0x35: {  	s10 =	sld [smem:$0x3FB4];
	_ =	sdelay $0x3  }
0x36: {  	p1 =	seq.s32 s10, $0x1;
	s10 =	sld [smem:$0x3FB5];
	_ =	sdelay $0x3  }
0x37: {  	[smem:$0x3FB5] =	sst s10  }
0x38: {  	s10 =	sld [smem:$0x3FB6]  }
0x39: {  	_ = 	snop;
	(pc) =	sbr.ind lr, $3  }
0x3a: {  	_ = 	snop  }
0x3b: {  	_ = 	snop  }
0x3c: {  	p2 =	seq.s32 s10, $0x1;
	s10 =	sld [smem:$0x3FB5]  }
0x3d: {  	_ =	shalt  }
0x3e: {  	_ =	shalt  }
0x3f: {  	_ =	shalt  }
0x40: {  	_ =	shalt  }
0x41: {  	_ =	shalt  }
0x42: {  	_ =	shalt  }
0x43: {  	_ =	shalt  }
0x44: {  	_ =	shalt  }
0x45: {  	_ =	shalt  }
0x46: {  	_ =	shalt  }
0x47: {  	_ =	shalt  }
0x48: {  	_ =	shalt  }
0x49: {  	_ =	shalt  }
0x4a: {  	_ =	shalt  }
0x4b: {  	_ =	shalt  }
0x4c: {  	_ =	shalt  }
0x4d: {  	_ =	shalt  }
0x4e: {  	_ =	shalt  }
0x4f: {  	_ =	shalt  }
0x50: {  	_ =	shalt  }
0x51: {  	_ =	shalt  }
0x52: {  	_ =	shalt  }
0x53: {  	_ =	shalt  }
0x54: {  	_ =	shalt  }
0x55: {  	_ =	shalt  }
0x56: {  	_ =	shalt  }
0x57: {  	_ =	shalt  }
0x58: {  	_ =	shalt  }
0x59: {  	_ =	shalt  }
0x5a: {  	_ =	shalt  }
0x5b: {  	_ =	shalt  }
0x5c: {  	_ =	shalt  }
0x5d: {  	_ =	shalt  }
0x5e: {  	_ =	shalt  }
0x5f: {  	_ =	shalt  }
0x60: {  	_ =	shalt  }
0x61: {  	_ =	shalt  }
0x62: {  	_ =	shalt  }
0x63: {  	_ =	shalt  }
0x64: {  	_ =	shalt  }
0x65: {  	_ =	shalt  }
0x66: {  	_ =	shalt  }
0x67: {  	_ =	shalt  }
0x68: {  	_ =	shalt  }
0x69: {  	_ =	shalt  }
0x6a: {  	_ =	shalt  }
0x6b: {  	_ =	shalt  }
0x6c: {  	_ =	shalt  }
0x6d: {  	_ =	shalt  }
0x6e: {  	_ =	shalt  }
0x6f: {  	_ =	shalt  }
0x70: {  	_ =	shalt  }
0x71: {  	_ =	shalt  }
0x72: {  	_ =	shalt  }
0x73: {  	_ =	shalt  }
0x74: {  	_ =	shalt  }
0x75: {  	_ =	shalt  }
0x76: {  	_ =	shalt  }
0x77: {  	_ =	shalt  }
0x78: {  	_ =	shalt  }
0x79: {  	_ =	shalt  }
0x7a: {  	_ =	shalt  }
0x7b: {  	_ =	shalt  }
0x7c: {  	_ =	shalt  }
0x7d: {  	_ =	shalt  }
0x7e: {  	_ =	shalt  }
0x7f: {  	_ =	shalt  }
0x80: {  	_ =	shalt  }
0x81: {  	_ =	shalt  }
0x82: {  	_ =	shalt  }
0x83: {  	_ =	shalt  }
0x84: {  	_ =	shalt  }
0x85: {  	_ =	shalt  }
0x86: {  	_ =	shalt  }
0x87: {  	_ =	shalt  }
.Lfunc_end0:
.L_simem_size_0:
called_computation_lowered:
.L_overlay_start_0:
0x88: {  	s2 =	sld [smem:$0x3FD9]  }
0x89: {  	s3 =	sld [smem:$0x3FFE];
	_ =	sdelay $0x1  }
0x8a: {  	s1 =	srdreg.scid  }
0x8b: {  	s0 =	sand.u32 $0x1, s1  }
0x8c: {  	s14 =	sshll.u32 s0, $0xA;
	s2 =	sadd.s32 s3, s2  }
0x8d: {  	s2 =	sadd.s32 s2, s14  }
0x8e: {  	[smem:$0x3FC1] =	sst s2  }
0x8f: {  	_ = 	snop  }
0x90: {  	s2 =	sld [smem:$0x3FD0];
	_ =	sdelay $0x2  }
0x91: {  	s4 =	simm.s32 $0xA;
	s5 =	simm.s32 $0x10;
	s15 =	sld [smem:$0x3FC8]  }
0x92: {  	[smem:s5], [sflag:s4] =	dma.local [hbm:s2], $0x1  }
0x93: {  	_ =	swait.eq [sflag:s4], $0x1  }
0x94: {  	[sflag:s4] =	ssyncset.done $0x0  }
0x95: {  	[sflag:s4] =	ssyncadd.s32 $0xFFFFFFFF  }
0x96: {  	s16 =	sld [smem:$0x10];
	(tm) =	ssettm $0x1  }
0x97: {  	s17 =	sld [smem:$0x3FFB];
	_ =	sdelay $0x3  }
0x98: {  	_ =	strace s17  }
0x99: {  	s4 =	sld [smem:$0x3FFC];
	_ =	sdelay $0x3  }
0x9a: {  	_ =	strace s4  }
0x9b: {  	s4 =	sld [smem:$0x3FFD];
	_ =	sdelay $0x3  }
0x9c: {  	_ =	strace s4  }
0x9d: {  	_ =	strace $0x8FFFFFFF  }
0x9e: {  	s18 =	sld [smem:$0x3FDB];
	_ =	sdelay $0x1  }
0x9f: {  	s19 =	simm.s32 $_scs_section_size  }
0xa0: {  	s6 =	simm.s32 $_size__tile_overlayer_lowered;
	s7 =	simm.s32 $_tile_overlayer_lowered  }
0xa1: {  	s22 =	simm.s32 $0x1BFF;
	s21 =	sshll.u32 s7, $0x1;
	s4 =	sadd.s32 s19, s18  }
0xa2: {  	s8 =	simm.s32 $0x0;
	s20 =	sshll.u32 s6, $0x1;
	s6 =	sadd.s32 s21, s4  }
0xa3: {  	[timem:s8], [sflag:s22] =	dma.local [hbm:s6], s20  }
0xa4: {  	_ =	swait.ge [sflag:s22], s20  }
0xa5: {  	s5 =	ssub.s32 $0x0, s20;
	[sflag:s22] =	ssyncset.done $0x0  }
0xa6: {  	[sflag:s22] =	ssyncadd.s32 s5;
	_ =	sdelay $0x1  }
0xa7: {  	s23 =	simm.s32 $0x1B8B  }
0xa8: {  	_ =	swait.ge [sflag:s23], $0x1  }
0xa9: {  	[sflag:s23] =	ssyncset.done $0x0  }
0xaa: {  	s25 =	simm.s32 $0x1B8E;
	s24 =	sld [smem:$0x3FFE];
	[sflag:s23] =	ssyncadd.s32 $0xFFFFFFFF  }
0xab: {  	s26 =	simm.s32 $execute0_lowered;
	[smem:$0x3FD2] =	sst s25  }
0xac: {  	s6 =	sshll.u32 s26, $0x1;
	_ =	strace $0x80000046;
	[dreg:$0x1] =	wrdreg $0xFFFFFFFF  }
0xad: {  	s28 =	simm.s32 $_size_execute0_lowered;
	s4 =	sadd.s32 s4, s6;
	[dreg:$0x0] =	wrdreg $0x0  }
0xae: {  	s6 =	sshll.u32 s28, $0x1;
	[dreg:$0x2] =	wrdreg s4  }
0xaf: {  	[dreg:$0x3] =	wrdreg s6  }
0xb0: {  	[dreg:$0x4] =	wrdreg $0xC0  }
0xb1: {  	_ =	task [dreg:s8], $0x5FFFF  }
0xb2: {  	[dreg:$0x1] =	wrdreg $0xFFFFFFFF  }
0xb3: {  	[dreg:$0x0] =	wrdreg $0x60  }
0xb4: {  	[dreg:$0x2] =	wrdreg s24  }
0xb5: {  	[dreg:$0x3] =	wrdreg s15  }
0xb6: {  	[dreg:$0x4] =	wrdreg s16  }
0xb7: {  	[dreg:$0x5] =	wrdreg $0x9  }
0xb8: {  	_ =	task.clear_ibuf [dreg:s8], $0x6FFFF;
	_ =	strace $0x90000046  }
0xb9: {  	s29 =	simm.s32 $0x9;
	_ =	strace $0x80000048  }
0xba: {  	_ =	swait.ge [sflag:s29], $0x1  }
0xbb: {  	[sflag:s29] =	ssyncadd.s32 $0xFFFFFFFF  }
0xbc: {  	_ =	strace $0x90000048  }
0xbd: {  	_ =	sfence  }
0xbe: {  	s30 =	sld [smem:$0x0];
	_ =	sdelay $0x2  }
0xbf: {  	s31 =	sshll.u32 s1, $0xD;
	s1 =	sshrl.u32 s1, $0x2  }
0xc0: {  	s3 =	sand.u32 $0x4000, s31;
	s1 =	sadd.s32 s1, s30  }
0xc1: {  	s0 =	sor.u32 s3, s0;
	s1 =	sshll.u32 s1, $0x11  }
0xc2: {  	s0 =	sor.u32 s1, s0  }
0xc3: {  	s0 =	sadd.s32 $0x8F2B, s0  }
0xc4: {  	[sflag:s0] =	ssyncadd.remote.s32 $0x1  }
0xc5: {  	_ =	sfence.sel $0xFFFF  }
0xc6: {  	[dreg:$0x0] =	wrdreg $0xFFFFFFFF;
	(pc) =	sbr.abs _section_cstart, $3  }
0xc7: {  	[dreg:$0x1] =	wrdreg $0xFFFFFFFF  }
0xc8: {  	_ =	task.clear_ibuf [dreg:s8], $0x2FFFF;
	_ =	strace $0x9FFFFFFF  }
0xc9: {  	(tm) =	ssettm $0x7FFFFFFF  }
tec
execute0_lowered:
.L_overlay_start_1:
0x0: {  	(tag) =	ssettag $0x1  }
0x1: {  	s1 =	rddreg [dreg:$0x0];
	s0 =	simm.s32 $0x0  }
0x2: {  	[smem:$0x7FF] =	sst s0;
	s14 =	sadd.s32 $0x16F800, s1  }
0x3: {  	s15 =	sadd.s32 $0x150E00, s1;
	_ =	strace $0x80000047;
	[dreg:$0x4] =	wrdreg s14  }
0x4: {  	s16 =	sadd.s32 $0x132400, s1;
	[dreg:$0x7] =	wrdreg s15  }
0x5: {  	s17 =	sadd.s32 $0x113A00, s1;
	[dreg:$0x8] =	wrdreg s16  }
0x6: {  	s18 =	sadd.s32 $0x19D600, s1;
	[dreg:$0x9] =	wrdreg s17  }
0x7: {  	s19 =	sadd.s32 $0xF5000, s1;
	[dreg:$0xa] =	wrdreg s18  }
0x8: {  	s23 =	srdreg.scid;
	s20 =	sadd.s32 $0xD6600, s1;
	[dreg:$0xb] =	wrdreg s19  }
0x9: {  	s4 =	stileid.u32;
	s21 =	sadd.s32 $0xB7C00, s1;
	[dreg:$0xc] =	wrdreg s20  }
0xa: {  	s6 =	simm.s32 $0x1280;
	s22 =	sadd.s32 $0x99200, s1;
	[dreg:$0xd] =	wrdreg s21  }
0xb: {  	s31 =	simm.s32 $0x1700;
	s2 =	sadd.s32 $0x7A800, s1;
	[dreg:$0xe] =	wrdreg s22  }
0xc: {  	s28 =	simm.s32 $0x1900;
	s24 =	sadd.s32 $0x5BE00, s1;
	[dreg:$0xf] =	wrdreg s2  }
0xd: {  	s0 =	sand.u32 $0x1, s23;
	s25 =	sadd.s32 $0x3D400, s1;
	[dreg:$0x10] =	wrdreg s24  }
0xe: {  	s3 =	sadd.s32 $0x1EA00, s1;
	s4 =	sshll.u32 s4, $0x1;
	[dreg:$0x11] =	wrdreg s25  }
0xf: {  	s23 =	simm.s32 $0x1480;
	s26 =	ssub.s32 $0x2, s0;
	[dreg:$0x12] =	wrdreg s3  }
0x10: {  	s19 =	sadd.s32 $0x1BC000, s1;
	s0 =	sor.u32 s0, s4;
	s22 =	simm.s32 $0x1  }
0x11: {  	s4 =	simm.s32 $0x2;
	s29 =	sshrl.u32 s26, $0x1;
	s0 =	smul.u32 $0x3E00, s0  }
0x12: {  	s14 =	simm.s32 $0x1680;
	s3 =	simm.s32 $0x1500;
	s2 =	ssub.s32 s26, s29  }
0x13: {  	s21 =	simm.s32 $0x1B00;
	[dreg:$0x5] =	wrdreg s0;
	s30 =	smax.u32 s2, $0x1  }
0x14: {  	s26 =	simm.s32 $0x80;
	s0 =	simm.s32 $0x0;
	[dreg:$0x6] =	wrdreg s30  }
.LBB2_1:
0x15: {  	[dreg:$0x13] =	wrdreg s0;
	s2 =	simm.s32 $0x0  }
.LBB2_2:
0x16: {  	s5 =	sshll.u32 s2, $0x9;
	s25 =	rddreg [dreg:$0x5]  }
0x17: {  	s5 =	sadd.s32 s25, s5  }
0x18: {  	s5 =	smin.u32 s5, $0x79F20  }
0x19: {  	s9 =	rddreg [dreg:$0x1];
	s0 =	sshrl.u32 s5, $0x3  }
0x1a: {  	[dreg:$0x14] =	wrdreg s2;
	s29 =	simm.s32 $0x0;
	s5 =	sadd.s32 s9, s0  }
0x1b: {  	[tilespmem:s29], [sflag:$0x1] =	stream.linear.gather [hbm4b:s5+s29], $0x200, $0x38;
	[tilespmem:$0x4200] =	vst v63  }
0x1c: {  	_ =	swait.ge [sflag:s22], $0x200  }
0x1d: {  	[sflag:s22] =	ssyncset.done $0x0;
	s10 =	rddreg [dreg:$0x4]  }
0x1e: {  	s30 =	simm.s32 $0x200;
	[sflag:s22] =	ssyncadd.s32 $0xFFFFFE00;
	s5 =	sadd.s32 s10, s0  }
0x1f: {  	[tilespmem:s30], [sflag:$0x3] =	stream.linear.gather [hbm4b:s5+s29], $0x200, $0x38;
	[tilespmem:$0x4200] =	vst v63  }
0x20: {  	s20 =	simm.s32 $0x400;
	s30 =	sadd.s32 $0xF424, s5  }
0x21: {  	[tilespmem:s20], [sflag:$0x3] =	stream.linear.gather [hbm4b:s30+s29], $0x200, $0x38;
	[tilespmem:$0x4200] =	vst v63  }
0x22: {  	s11 =	simm.s32 $0x600;
	s5 =	sadd.s32 $0x1E848, s5  }
0x23: {  	[tilespmem:s11], [sflag:$0x3] =	stream.linear.gather [hbm4b:s5+s29], $0x200, $0x38;
	[tilespmem:$0x4200] =	vst v63  }
0x24: {  	s12 =	simm.s32 $0x800;
	s7 =	rddreg [dreg:$0x7]  }
0x25: {  	[tilespmem:s12], [sflag:$0x1] =	stream.indirect.gather [hbm4b:s7+s26], $0x1, s29, s26, $0xb8;
	[tilespmem:$0x4200] =	vst v63  }
0x26: {  	s13 =	simm.s32 $0xA00;
	s8 =	rddreg [dreg:$0x8]  }
0x27: {  	[tilespmem:s13], [sflag:$0x1] =	stream.indirect.gather [hbm4b:s8+s26], $0x1, s29, s26, $0xb8;
	[tilespmem:$0x4200] =	vst v63  }
0x28: {  	s15 =	simm.s32 $0xC00;
	s9 =	rddreg [dreg:$0x9]  }
0x29: {  	[tilespmem:s15], [sflag:$0x1] =	stream.indirect.gather [hbm4b:s9+s26], $0x1, s29, s26, $0xb8;
	[tilespmem:$0x4200] =	vst v63  }
0x2a: {  	s16 =	simm.s32 $0xE00;
	s10 =	rddreg [dreg:$0xa]  }
0x2b: {  	[tilespmem:s16], [sflag:$0x1] =	stream.indirect.gather [hbm4b:s10+s26], $0x1, s29, s26, $0xb8;
	[tilespmem:$0x4200] =	vst v63  }
0x2c: {  	s5 =	simm.s32 $0x1000;
	s11 =	rddreg [dreg:$0xb]  }
0x2d: {  	[tilespmem:s5], [sflag:$0x1] =	stream.indirect.gather [hbm4b:s11+s26], $0x1, s29, s26, $0xb8;
	[tilespmem:$0x4200] =	vst v63  }
0x2e: {  	s20 =	simm.s32 $0x1200;
	s12 =	rddreg [dreg:$0xc]  }
0x2f: {  	[tilespmem:s20], [sflag:$0x1] =	stream.indirect.gather [hbm4b:s12+s26], $0x1, s29, s26, $0xb8;
	[tilespmem:$0x4200] =	vst v63  }
0x30: {  	s17 =	simm.s32 $0x1400;
	s13 =	rddreg [dreg:$0xd]  }
0x31: {  	[tilespmem:s17], [sflag:$0x1] =	stream.indirect.gather [hbm4b:s13+s26], $0x1, s29, s26, $0xb8;
	[tilespmem:$0x4200] =	vst v63  }
0x32: {  	s18 =	simm.s32 $0x1600;
	s15 =	rddreg [dreg:$0xe]  }
0x33: {  	[tilespmem:s18], [sflag:$0x1] =	stream.indirect.gather [hbm4b:s15+s26], $0x1, s29, s26, $0xb8;
	[tilespmem:$0x4200] =	vst v63  }
0x34: {  	s24 =	simm.s32 $0x1800;
	s16 =	rddreg [dreg:$0xf]  }
0x35: {  	[tilespmem:s24], [sflag:$0x1] =	stream.indirect.gather [hbm4b:s16+s26], $0x1, s29, s26, $0xb8;
	[tilespmem:$0x4200] =	vst v63  }
0x36: {  	s25 =	simm.s32 $0x1A00;
	s17 =	rddreg [dreg:$0x10]  }
0x37: {  	[tilespmem:s25], [sflag:$0x1] =	stream.indirect.gather [hbm4b:s17+s26], $0x1, s29, s26, $0xb8;
	[tilespmem:$0x4200] =	vst v63  }
0x38: {  	s2 =	simm.s32 $0x1C00;
	s18 =	rddreg [dreg:$0x11]  }
0x39: {  	[tilespmem:s2], [sflag:$0x1] =	stream.indirect.gather [hbm4b:s18+s26], $0x1, s29, s26, $0xb8;
	[tilespmem:$0x4200] =	vst v63  }
0x3a: {  	s24 =	simm.s32 $0x1E00;
	s25 =	rddreg [dreg:$0x12]  }
0x3b: {  	[tilespmem:s24], [sflag:$0x1] =	stream.indirect.gather [hbm4b:s25+s26], $0x1, s29, s26, $0xb8;
	[tilespmem:$0x4200] =	vst v63  }
0x3c: {  	s29 =	simm.s32 $0x880  }
0x3d: {  	[tilespmem:s29], [sflag:$0x2] =	stream.indirect.gather [hbm4b:s7+s26], $0x1, s26, s26, $0xb8;
	[tilespmem:$0x4200] =	vst v63  }
0x3e: {  	s29 =	simm.s32 $0xA80  }
0x3f: {  	[tilespmem:s29], [sflag:$0x2] =	stream.indirect.gather [hbm4b:s8+s26], $0x1, s26, s26, $0xb8;
	[tilespmem:$0x4200] =	vst v63  }
0x40: {  	s29 =	simm.s32 $0xC80  }
0x41: {  	[tilespmem:s29], [sflag:$0x2] =	stream.indirect.gather [hbm4b:s9+s26], $0x1, s26, s26, $0xb8;
	[tilespmem:$0x4200] =	vst v63  }
0x42: {  	s29 =	simm.s32 $0xE80  }
0x43: {  	[tilespmem:s29], [sflag:$0x2] =	stream.indirect.gather [hbm4b:s10+s26], $0x1, s26, s26, $0xb8;
	[tilespmem:$0x4200] =	vst v63  }
0x44: {  	s29 =	simm.s32 $0x1080  }
0x45: {  	[tilespmem:s29], [sflag:$0x2] =	stream.indirect.gather [hbm4b:s11+s26], $0x1, s26, s26, $0xb8;
	[tilespmem:$0x4200] =	vst v63  }
0x46: {  	_ = 	snop  }
0x47: {  	[tilespmem:s6], [sflag:$0x2] =	stream.indirect.gather [hbm4b:s12+s26], $0x1, s26, s26, $0xb8;
	[tilespmem:$0x4200] =	vst v63  }
0x48: {  	_ = 	snop  }
0x49: {  	[tilespmem:s23], [sflag:$0x2] =	stream.indirect.gather [hbm4b:s13+s26], $0x1, s26, s26, $0xb8;
	[tilespmem:$0x4200] =	vst v63  }
0x4a: {  	_ = 	snop  }
0x4b: {  	[tilespmem:s14], [sflag:$0x2] =	stream.indirect.gather [hbm4b:s15+s26], $0x1, s26, s26, $0xb8;
	[tilespmem:$0x4200] =	vst v63  }
0x4c: {  	s2 =	simm.s32 $0x1880  }
0x4d: {  	[tilespmem:s2], [sflag:$0x2] =	stream.indirect.gather [hbm4b:s16+s26], $0x1, s26, s26, $0xb8;
	[tilespmem:$0x4200] =	vst v63  }
0x4e: {  	s24 =	simm.s32 $0x1A80  }
0x4f: {  	[tilespmem:s24], [sflag:$0x2] =	stream.indirect.gather [hbm4b:s17+s26], $0x1, s26, s26, $0xb8;
	[tilespmem:$0x4200] =	vst v63  }
0x50: {  	s2 =	simm.s32 $0x1C80  }
0x51: {  	[tilespmem:s2], [sflag:$0x2] =	stream.indirect.gather [hbm4b:s18+s26], $0x1, s26, s26, $0xb8;
	[tilespmem:$0x4200] =	vst v63  }
0x52: {  	[dreg:$0x15] =	wrdreg s0;
	s24 =	simm.s32 $0x1E80  }
0x53: {  	[tilespmem:s24], [sflag:$0x2] =	stream.indirect.gather [hbm4b:s25+s26], $0x1, s26, s26, $0xb8;
	[tilespmem:$0x4200] =	vst v63  }
0x54: {  	_ =	swait.ge [sflag:s22], $0x80  }
0x55: {  	[sflag:s22] =	ssyncset.done $0x0  }
0x56: {  	[sflag:s22] =	ssyncadd.s32 $0xFFFFFF80  }
0x57: {  	_ =	swait.ge [sflag:s22], $0x80  }
0x58: {  	[sflag:s22] =	ssyncset.done $0x0  }
0x59: {  	[sflag:s22] =	ssyncadd.s32 $0xFFFFFF80  }
0x5a: {  	_ =	swait.ge [sflag:s22], $0x80  }
0x5b: {  	[sflag:s22] =	ssyncset.done $0x0  }
0x5c: {  	[sflag:s22] =	ssyncadd.s32 $0xFFFFFF80  }
0x5d: {  	_ =	swait.ge [sflag:s22], $0x80  }
0x5e: {  	[sflag:s22] =	ssyncset.done $0x0  }
0x5f: {  	[sflag:s22] =	ssyncadd.s32 $0xFFFFFF80  }
0x60: {  	_ =	swait.ge [sflag:s22], $0x80  }
0x61: {  	[sflag:s22] =	ssyncset.done $0x0  }
0x62: {  	[sflag:s22] =	ssyncadd.s32 $0xFFFFFF80  }
0x63: {  	_ =	swait.ge [sflag:s22], $0x80  }
0x64: {  	[sflag:s22] =	ssyncset.done $0x0  }
0x65: {  	[sflag:s22] =	ssyncadd.s32 $0xFFFFFF80  }
0x66: {  	_ =	swait.ge [sflag:s22], $0x80  }
0x67: {  	[sflag:s22] =	ssyncset.done $0x0  }
0x68: {  	[sflag:s22] =	ssyncadd.s32 $0xFFFFFF80  }
0x69: {  	_ =	swait.ge [sflag:s22], $0x80  }
0x6a: {  	[sflag:s22] =	ssyncset.done $0x0  }
0x6b: {  	[sflag:s22] =	ssyncadd.s32 $0xFFFFFF80  }
0x6c: {  	_ =	swait.ge [sflag:s22], $0x80  }
0x6d: {  	[sflag:s22] =	ssyncset.done $0x0  }
0x6e: {  	[sflag:s22] =	ssyncadd.s32 $0xFFFFFF80  }
0x6f: {  	_ =	swait.ge [sflag:s22], $0x80  }
0x70: {  	[sflag:s22] =	ssyncset.done $0x0  }
0x71: {  	[sflag:s22] =	ssyncadd.s32 $0xFFFFFF80  }
0x72: {  	_ =	swait.ge [sflag:s22], $0x80  }
0x73: {  	[sflag:s22] =	ssyncset.done $0x0  }
0x74: {  	[sflag:s22] =	ssyncadd.s32 $0xFFFFFF80  }
0x75: {  	_ =	swait.ge [sflag:s22], $0x80  }
0x76: {  	[sflag:s22] =	ssyncset.done $0x0  }
0x77: {  	s0 =	simm.s32 $0x100;
	s24 =	simm.s32 $0x900;
	[sflag:s22] =	ssyncadd.s32 $0xFFFFFF80  }
0x78: {  	[tilespmem:s24], [sflag:$0x1] =	stream.indirect.gather [hbm4b:s7+s26], $0x1, s0, s26, $0xb8;
	[tilespmem:$0x4200] =	vst v63  }
0x79: {  	s2 =	simm.s32 $0xB00  }
0x7a: {  	[tilespmem:s2], [sflag:$0x1] =	stream.indirect.gather [hbm4b:s8+s26], $0x1, s0, s26, $0xb8;
	[tilespmem:$0x4200] =	vst v63  }
0x7b: {  	s2 =	simm.s32 $0xD00  }
0x7c: {  	[tilespmem:s2], [sflag:$0x1] =	stream.indirect.gather [hbm4b:s9+s26], $0x1, s0, s26, $0xb8;
	[tilespmem:$0x4200] =	vst v63  }
0x7d: {  	s2 =	simm.s32 $0xF00  }
0x7e: {  	[tilespmem:s2], [sflag:$0x1] =	stream.indirect.gather [hbm4b:s10+s26], $0x1, s0, s26, $0xb8;
	[tilespmem:$0x4200] =	vst v63  }
0x7f: {  	s24 =	simm.s32 $0x1100  }
0x80: {  	[tilespmem:s24], [sflag:$0x1] =	stream.indirect.gather [hbm4b:s11+s26], $0x1, s0, s26, $0xb8;
	[tilespmem:$0x4200] =	vst v63  }
0x81: {  	s2 =	simm.s32 $0x1300  }
0x82: {  	[tilespmem:s2], [sflag:$0x1] =	stream.indirect.gather [hbm4b:s12+s26], $0x1, s0, s26, $0xb8;
	[tilespmem:$0x4200] =	vst v63  }
0x83: {  	_ = 	snop  }
0x84: {  	[tilespmem:s3], [sflag:$0x1] =	stream.indirect.gather [hbm4b:s13+s26], $0x1, s0, s26, $0xb8;
	[tilespmem:$0x4200] =	vst v63  }
0x85: {  	_ = 	snop  }
0x86: {  	[tilespmem:s31], [sflag:$0x1] =	stream.indirect.gather [hbm4b:s15+s26], $0x1, s0, s26, $0xb8;
	[tilespmem:$0x4200] =	vst v63  }
0x87: {  	_ = 	snop  }
0x88: {  	[tilespmem:s28], [sflag:$0x1] =	stream.indirect.gather [hbm4b:s16+s26], $0x1, s0, s26, $0xb8;
	[tilespmem:$0x4200] =	vst v63  }
0x89: {  	_ = 	snop  }
0x8a: {  	[tilespmem:s21], [sflag:$0x1] =	stream.indirect.gather [hbm4b:s17+s26], $0x1, s0, s26, $0xb8;
	[tilespmem:$0x4200] =	vst v63  }
0x8b: {  	s30 =	simm.s32 $0x1D00  }
0x8c: {  	[tilespmem:s30], [sflag:$0x1] =	stream.indirect.gather [hbm4b:s18+s26], $0x1, s0, s26, $0xb8;
	[tilespmem:$0x4200] =	vst v63  }
0x8d: {  	s30 =	simm.s32 $0x1F00  }
0x8e: {  	[tilespmem:s30], [sflag:$0x1] =	stream.indirect.gather [hbm4b:s25+s26], $0x1, s0, s26, $0xb8;
	[tilespmem:$0x4200] =	vst v63  }
0x8f: {  	s0 =	simm.s32 $0x180;
	s30 =	simm.s32 $0x980  }
0x90: {  	[tilespmem:s30], [sflag:$0x2] =	stream.indirect.gather [hbm4b:s7+s26], $0x1, s0, s26, $0xb8;
	[tilespmem:$0x4200] =	vst v63  }
0x91: {  	s7 =	simm.s32 $0xB80  }
0x92: {  	[tilespmem:s7], [sflag:$0x2] =	stream.indirect.gather [hbm4b:s8+s26], $0x1, s0, s26, $0xb8;
	[tilespmem:$0x4200] =	vst v63  }
0x93: {  	s8 =	simm.s32 $0xD80  }
0x94: {  	[tilespmem:s8], [sflag:$0x2] =	stream.indirect.gather [hbm4b:s9+s26], $0x1, s0, s26, $0xb8;
	[tilespmem:$0x4200] =	vst v63  }
0x95: {  	s9 =	simm.s32 $0xF80  }
0x96: {  	[tilespmem:s9], [sflag:$0x2] =	stream.indirect.gather [hbm4b:s10+s26], $0x1, s0, s26, $0xb8;
	[tilespmem:$0x4200] =	vst v63  }
0x97: {  	s7 =	simm.s32 $0x1180  }
0x98: {  	[tilespmem:s7], [sflag:$0x2] =	stream.indirect.gather [hbm4b:s11+s26], $0x1, s0, s26, $0xb8;
	[tilespmem:$0x4200] =	vst v63  }
0x99: {  	s8 =	simm.s32 $0x1380  }
0x9a: {  	[tilespmem:s8], [sflag:$0x2] =	stream.indirect.gather [hbm4b:s12+s26], $0x1, s0, s26, $0xb8;
	[tilespmem:$0x4200] =	vst v63  }
0x9b: {  	s9 =	simm.s32 $0x1580  }
0x9c: {  	[tilespmem:s9], [sflag:$0x2] =	stream.indirect.gather [hbm4b:s13+s26], $0x1, s0, s26, $0xb8;
	[tilespmem:$0x4200] =	vst v63  }
0x9d: {  	s10 =	simm.s32 $0x1780  }
0x9e: {  	[tilespmem:s10], [sflag:$0x2] =	stream.indirect.gather [hbm4b:s15+s26], $0x1, s0, s26, $0xb8;
	[tilespmem:$0x4200] =	vst v63  }
0x9f: {  	s11 =	simm.s32 $0x1980  }
0xa0: {  	[tilespmem:s11], [sflag:$0x2] =	stream.indirect.gather [hbm4b:s16+s26], $0x1, s0, s26, $0xb8;
	[tilespmem:$0x4200] =	vst v63  }
0xa1: {  	s12 =	simm.s32 $0x1B80  }
0xa2: {  	[tilespmem:s12], [sflag:$0x2] =	stream.indirect.gather [hbm4b:s17+s26], $0x1, s0, s26, $0xb8;
	[tilespmem:$0x4200] =	vst v63  }
0xa3: {  	s13 =	simm.s32 $0x1D80  }
0xa4: {  	[tilespmem:s13], [sflag:$0x2] =	stream.indirect.gather [hbm4b:s18+s26], $0x1, s0, s26, $0xb8;
	[tilespmem:$0x4200] =	vst v63  }
0xa5: {  	s15 =	simm.s32 $0x1F80  }
0xa6: {  	[tilespmem:s15], [sflag:$0x2] =	stream.indirect.gather [hbm4b:s25+s26], $0x1, s0, s26, $0xb8;
	[tilespmem:$0x4200] =	vst v63  }
0xa7: {  	_ =	swait.ge [sflag:s22], $0x80  }
0xa8: {  	[sflag:s22] =	ssyncset.done $0x0  }
0xa9: {  	[sflag:s22] =	ssyncadd.s32 $0xFFFFFF80  }
0xaa: {  	_ =	swait.ge [sflag:s22], $0x80  }
0xab: {  	[sflag:s22] =	ssyncset.done $0x0  }
0xac: {  	[sflag:s22] =	ssyncadd.s32 $0xFFFFFF80  }
0xad: {  	_ =	swait.ge [sflag:s22], $0x80  }
0xae: {  	[sflag:s22] =	ssyncset.done $0x0  }
0xaf: {  	[sflag:s22] =	ssyncadd.s32 $0xFFFFFF80  }
0xb0: {  	_ =	swait.ge [sflag:s22], $0x80  }
0xb1: {  	[sflag:s22] =	ssyncset.done $0x0  }
0xb2: {  	[sflag:s22] =	ssyncadd.s32 $0xFFFFFF80  }
0xb3: {  	_ =	swait.ge [sflag:s22], $0x80  }
0xb4: {  	[sflag:s22] =	ssyncset.done $0x0  }
0xb5: {  	[sflag:s22] =	ssyncadd.s32 $0xFFFFFF80  }
0xb6: {  	_ =	swait.ge [sflag:s22], $0x80  }
0xb7: {  	[sflag:s22] =	ssyncset.done $0x0  }
0xb8: {  	[sflag:s22] =	ssyncadd.s32 $0xFFFFFF80  }
0xb9: {  	_ =	swait.ge [sflag:s22], $0x80  }
0xba: {  	[sflag:s22] =	ssyncset.done $0x0  }
0xbb: {  	[sflag:s22] =	ssyncadd.s32 $0xFFFFFF80  }
0xbc: {  	_ =	swait.ge [sflag:s22], $0x80  }
0xbd: {  	[sflag:s22] =	ssyncset.done $0x0  }
0xbe: {  	[sflag:s22] =	ssyncadd.s32 $0xFFFFFF80  }
0xbf: {  	_ =	swait.ge [sflag:s22], $0x80  }
0xc0: {  	[sflag:s22] =	ssyncset.done $0x0  }
0xc1: {  	[sflag:s22] =	ssyncadd.s32 $0xFFFFFF80  }
0xc2: {  	_ =	swait.ge [sflag:s22], $0x80  }
0xc3: {  	[sflag:s22] =	ssyncset.done $0x0  }
0xc4: {  	[sflag:s22] =	ssyncadd.s32 $0xFFFFFF80  }
0xc5: {  	_ =	swait.ge [sflag:s22], $0x80  }
0xc6: {  	[sflag:s22] =	ssyncset.done $0x0  }
0xc7: {  	[sflag:s22] =	ssyncadd.s32 $0xFFFFFF80  }
0xc8: {  	_ =	swait.ge [sflag:s22], $0x80  }
0xc9: {  	[sflag:s22] =	ssyncset.done $0x0  }
0xca: {  	[sflag:s22] =	ssyncadd.s32 $0xFFFFFF80  }
0xcb: {  	_ =	swait.ge [sflag:s4], $0x80  }
0xcc: {  	[sflag:s4] =	ssyncset.done $0x0  }
0xcd: {  	[sflag:s4] =	ssyncadd.s32 $0xFFFFFF80  }
0xce: {  	_ =	swait.ge [sflag:s4], $0x80  }
0xcf: {  	[sflag:s4] =	ssyncset.done $0x0  }
0xd0: {  	[sflag:s4] =	ssyncadd.s32 $0xFFFFFF80  }
0xd1: {  	_ =	swait.ge [sflag:s4], $0x80  }
0xd2: {  	[sflag:s4] =	ssyncset.done $0x0  }
0xd3: {  	[sflag:s4] =	ssyncadd.s32 $0xFFFFFF80  }
0xd4: {  	_ =	swait.ge [sflag:s4], $0x80  }
0xd5: {  	[sflag:s4] =	ssyncset.done $0x0  }
0xd6: {  	[sflag:s4] =	ssyncadd.s32 $0xFFFFFF80  }
0xd7: {  	_ =	swait.ge [sflag:s4], $0x80  }
0xd8: {  	[sflag:s4] =	ssyncset.done $0x0  }
0xd9: {  	[sflag:s4] =	ssyncadd.s32 $0xFFFFFF80  }
0xda: {  	_ =	swait.ge [sflag:s4], $0x80  }
0xdb: {  	[sflag:s4] =	ssyncset.done $0x0  }
0xdc: {  	[sflag:s4] =	ssyncadd.s32 $0xFFFFFF80  }
0xdd: {  	_ =	swait.ge [sflag:s4], $0x80  }
0xde: {  	[sflag:s4] =	ssyncset.done $0x0  }
0xdf: {  	[sflag:s4] =	ssyncadd.s32 $0xFFFFFF80  }
0xe0: {  	_ =	swait.ge [sflag:s4], $0x80  }
0xe1: {  	[sflag:s4] =	ssyncset.done $0x0  }
0xe2: {  	[sflag:s4] =	ssyncadd.s32 $0xFFFFFF80  }
0xe3: {  	_ =	swait.ge [sflag:s4], $0x80  }
0xe4: {  	[sflag:s4] =	ssyncset.done $0x0  }
0xe5: {  	[sflag:s4] =	ssyncadd.s32 $0xFFFFFF80  }
0xe6: {  	_ =	swait.ge [sflag:s4], $0x80  }
0xe7: {  	[sflag:s4] =	ssyncset.done $0x0  }
0xe8: {  	[sflag:s4] =	ssyncadd.s32 $0xFFFFFF80  }
0xe9: {  	_ =	swait.ge [sflag:s4], $0x80  }
0xea: {  	[sflag:s4] =	ssyncset.done $0x0  }
0xeb: {  	[sflag:s4] =	ssyncadd.s32 $0xFFFFFF80  }
0xec: {  	_ =	swait.ge [sflag:s4], $0x80  }
0xed: {  	[sflag:s4] =	ssyncset.done $0x0  }
0xee: {  	[sflag:s4] =	ssyncadd.s32 $0xFFFFFF80  }
0xef: {  	_ =	swait.ge [sflag:s4], $0x80  }
0xf0: {  	[sflag:s4] =	ssyncset.done $0x0  }
0xf1: {  	[sflag:s4] =	ssyncadd.s32 $0xFFFFFF80  }
0xf2: {  	_ =	swait.ge [sflag:s4], $0x80  }
0xf3: {  	[sflag:s4] =	ssyncset.done $0x0  }
0xf4: {  	[sflag:s4] =	ssyncadd.s32 $0xFFFFFF80  }
0xf5: {  	_ =	swait.ge [sflag:s4], $0x80  }
0xf6: {  	[sflag:s4] =	ssyncset.done $0x0  }
0xf7: {  	[sflag:s4] =	ssyncadd.s32 $0xFFFFFF80  }
0xf8: {  	_ =	swait.ge [sflag:s4], $0x80  }
0xf9: {  	[sflag:s4] =	ssyncset.done $0x0  }
0xfa: {  	[sflag:s4] =	ssyncadd.s32 $0xFFFFFF80  }
0xfb: {  	_ =	swait.ge [sflag:s4], $0x80  }
0xfc: {  	[sflag:s4] =	ssyncset.done $0x0  }
0xfd: {  	[sflag:s4] =	ssyncadd.s32 $0xFFFFFF80  }
0xfe: {  	_ =	swait.ge [sflag:s4], $0x80  }
0xff: {  	[sflag:s4] =	ssyncset.done $0x0  }
0x100: {  	[sflag:s4] =	ssyncadd.s32 $0xFFFFFF80  }
0x101: {  	_ =	swait.ge [sflag:s4], $0x80  }
0x102: {  	[sflag:s4] =	ssyncset.done $0x0  }
0x103: {  	[sflag:s4] =	ssyncadd.s32 $0xFFFFFF80  }
0x104: {  	_ =	swait.ge [sflag:s4], $0x80  }
0x105: {  	[sflag:s4] =	ssyncset.done $0x0  }
0x106: {  	[sflag:s4] =	ssyncadd.s32 $0xFFFFFF80  }
0x107: {  	_ =	swait.ge [sflag:s4], $0x80  }
0x108: {  	[sflag:s4] =	ssyncset.done $0x0  }
0x109: {  	[sflag:s4] =	ssyncadd.s32 $0xFFFFFF80  }
0x10a: {  	_ =	swait.ge [sflag:s4], $0x80  }
0x10b: {  	[sflag:s4] =	ssyncset.done $0x0  }
0x10c: {  	[sflag:s4] =	ssyncadd.s32 $0xFFFFFF80  }
0x10d: {  	_ =	swait.ge [sflag:s4], $0x80  }
0x10e: {  	[sflag:s4] =	ssyncset.done $0x0  }
0x10f: {  	[sflag:s4] =	ssyncadd.s32 $0xFFFFFF80  }
0x110: {  	_ =	swait.ge [sflag:s4], $0x80  }
0x111: {  	[sflag:s4] =	ssyncset.done $0x0  }
0x112: {  	s25 =	simm.s32 $0x2000;
	[sflag:s4] =	ssyncadd.s32 $0xFFFFFF80  }
0x113: {  	[tilespmem:s25], [sflag:$0x1] =	stream.indirect.gather [hbm4b:s19+s26], $0x1, s5, s26, $0xb8;
	[tilespmem:$0x4200] =	vst v63  }
0x114: {  	s16 =	simm.s32 $0x3000  }
0x115: {  	[tilespmem:s16], [sflag:$0x1] =	stream.indirect.gather [hbm4b:s1+s26], $0x1, s5, s26, $0xb8;
	[tilespmem:$0x4200] =	vst v63  }
0x116: {  	s17 =	simm.s32 $0x2080  }
0x117: {  	[tilespmem:s17], [sflag:$0x1] =	stream.indirect.gather [hbm4b:s19+s26], $0x1, s29, s26, $0xb8;
	[tilespmem:$0x4200] =	vst v63  }
0x118: {  	s18 =	simm.s32 $0x3080  }
0x119: {  	[tilespmem:s18], [sflag:$0x1] =	stream.indirect.gather [hbm4b:s1+s26], $0x1, s29, s26, $0xb8;
	[tilespmem:$0x4200] =	vst v63  }
0x11a: {  	s25 =	simm.s32 $0x2100  }
0x11b: {  	[tilespmem:s25], [sflag:$0x1] =	stream.indirect.gather [hbm4b:s19+s26], $0x1, s24, s26, $0xb8;
	[tilespmem:$0x4200] =	vst v63  }
0x11c: {  	s5 =	simm.s32 $0x3100  }
0x11d: {  	[tilespmem:s5], [sflag:$0x1] =	stream.indirect.gather [hbm4b:s1+s26], $0x1, s24, s26, $0xb8;
	[tilespmem:$0x4200] =	vst v63  }
0x11e: {  	s16 =	simm.s32 $0x2180  }
0x11f: {  	[tilespmem:s16], [sflag:$0x1] =	stream.indirect.gather [hbm4b:s19+s26], $0x1, s7, s26, $0xb8;
	[tilespmem:$0x4200] =	vst v63  }
0x120: {  	s17 =	simm.s32 $0x3180  }
0x121: {  	[tilespmem:s17], [sflag:$0x1] =	stream.indirect.gather [hbm4b:s1+s26], $0x1, s7, s26, $0xb8;
	[tilespmem:$0x4200] =	vst v63  }
0x122: {  	s18 =	simm.s32 $0x2200  }
0x123: {  	[tilespmem:s18], [sflag:$0x2] =	stream.indirect.gather [hbm4b:s19+s26], $0x1, s20, s26, $0xb8;
	[tilespmem:$0x4200] =	vst v63  }
0x124: {  	s24 =	simm.s32 $0x3200  }
0x125: {  	[tilespmem:s24], [sflag:$0x2] =	stream.indirect.gather [hbm4b:s1+s26], $0x1, s20, s26, $0xb8;
	[tilespmem:$0x4200] =	vst v63  }
0x126: {  	s25 =	simm.s32 $0x2280  }
0x127: {  	[tilespmem:s25], [sflag:$0x2] =	stream.indirect.gather [hbm4b:s19+s26], $0x1, s6, s26, $0xb8;
	[tilespmem:$0x4200] =	vst v63  }
0x128: {  	s5 =	simm.s32 $0x3280  }
0x129: {  	[tilespmem:s5], [sflag:$0x2] =	stream.indirect.gather [hbm4b:s1+s26], $0x1, s6, s26, $0xb8;
	[tilespmem:$0x4200] =	vst v63  }
0x12a: {  	s7 =	simm.s32 $0x2300  }
0x12b: {  	[tilespmem:s7], [sflag:$0x2] =	stream.indirect.gather [hbm4b:s19+s26], $0x1, s2, s26, $0xb8;
	[tilespmem:$0x4200] =	vst v63  }
0x12c: {  	s16 =	simm.s32 $0x3300  }
0x12d: {  	[tilespmem:s16], [sflag:$0x2] =	stream.indirect.gather [hbm4b:s1+s26], $0x1, s2, s26, $0xb8;
	[tilespmem:$0x4200] =	vst v63  }
0x12e: {  	s17 =	simm.s32 $0x2380  }
0x12f: {  	[tilespmem:s17], [sflag:$0x2] =	stream.indirect.gather [hbm4b:s19+s26], $0x1, s8, s26, $0xb8;
	[tilespmem:$0x4200] =	vst v63  }
0x130: {  	s18 =	simm.s32 $0x3380  }
0x131: {  	[tilespmem:s18], [sflag:$0x2] =	stream.indirect.gather [hbm4b:s1+s26], $0x1, s8, s26, $0xb8;
	[tilespmem:$0x4200] =	vst v63  }
0x132: {  	_ =	swait.ge [sflag:s22], $0x80  }
0x133: {  	[sflag:s22] =	ssyncset.done $0x0  }
0x134: {  	[sflag:s22] =	ssyncadd.s32 $0xFFFFFF80  }
0x135: {  	_ =	swait.ge [sflag:s22], $0x80  }
0x136: {  	[sflag:s22] =	ssyncset.done $0x0  }
0x137: {  	[sflag:s22] =	ssyncadd.s32 $0xFFFFFF80  }
0x138: {  	_ =	swait.ge [sflag:s22], $0x80  }
0x139: {  	[sflag:s22] =	ssyncset.done $0x0  }
0x13a: {  	[sflag:s22] =	ssyncadd.s32 $0xFFFFFF80  }
0x13b: {  	_ =	swait.ge [sflag:s22], $0x80  }
0x13c: {  	[sflag:s22] =	ssyncset.done $0x0  }
0x13d: {  	[sflag:s22] =	ssyncadd.s32 $0xFFFFFF80  }
0x13e: {  	_ =	swait.ge [sflag:s22], $0x80  }
0x13f: {  	[sflag:s22] =	ssyncset.done $0x0  }
0x140: {  	[sflag:s22] =	ssyncadd.s32 $0xFFFFFF80  }
0x141: {  	_ =	swait.ge [sflag:s22], $0x80  }
0x142: {  	[sflag:s22] =	ssyncset.done $0x0  }
0x143: {  	[sflag:s22] =	ssyncadd.s32 $0xFFFFFF80  }
0x144: {  	_ =	swait.ge [sflag:s22], $0x80  }
0x145: {  	[sflag:s22] =	ssyncset.done $0x0  }
0x146: {  	[sflag:s22] =	ssyncadd.s32 $0xFFFFFF80  }
0x147: {  	_ =	swait.ge [sflag:s22], $0x80  }
0x148: {  	[sflag:s22] =	ssyncset.done $0x0  }
0x149: {  	s20 =	simm.s32 $0x2400;
	s24 =	simm.s32 $0x1400;
	[sflag:s22] =	ssyncadd.s32 $0xFFFFFF80  }
0x14a: {  	[tilespmem:s20], [sflag:$0x1] =	stream.indirect.gather [hbm4b:s19+s26], $0x1, s24, s26, $0xb8;
	[tilespmem:$0x4200] =	vst v63  }
0x14b: {  	s25 =	simm.s32 $0x3400  }
0x14c: {  	[tilespmem:s25], [sflag:$0x1] =	stream.indirect.gather [hbm4b:s1+s26], $0x1, s24, s26, $0xb8;
	[tilespmem:$0x4200] =	vst v63  }
0x14d: {  	s5 =	simm.s32 $0x2480  }
0x14e: {  	[tilespmem:s5], [sflag:$0x1] =	stream.indirect.gather [hbm4b:s19+s26], $0x1, s23, s26, $0xb8;
	[tilespmem:$0x4200] =	vst v63  }
0x14f: {  	s7 =	simm.s32 $0x3480  }
0x150: {  	[tilespmem:s7], [sflag:$0x1] =	stream.indirect.gather [hbm4b:s1+s26], $0x1, s23, s26, $0xb8;
	[tilespmem:$0x4200] =	vst v63  }
0x151: {  	s8 =	simm.s32 $0x2500  }
0x152: {  	[tilespmem:s8], [sflag:$0x1] =	stream.indirect.gather [hbm4b:s19+s26], $0x1, s3, s26, $0xb8;
	[tilespmem:$0x4200] =	vst v63  }
0x153: {  	s16 =	simm.s32 $0x3500  }
0x154: {  	[tilespmem:s16], [sflag:$0x1] =	stream.indirect.gather [hbm4b:s1+s26], $0x1, s3, s26, $0xb8;
	[tilespmem:$0x4200] =	vst v63  }
0x155: {  	s17 =	simm.s32 $0x2580  }
0x156: {  	[tilespmem:s17], [sflag:$0x1] =	stream.indirect.gather [hbm4b:s19+s26], $0x1, s9, s26, $0xb8;
	[tilespmem:$0x4200] =	vst v63  }
0x157: {  	s18 =	simm.s32 $0x3580  }
0x158: {  	[tilespmem:s18], [sflag:$0x1] =	stream.indirect.gather [hbm4b:s1+s26], $0x1, s9, s26, $0xb8;
	[tilespmem:$0x4200] =	vst v63  }
0x159: {  	s20 =	simm.s32 $0x2600;
	s24 =	simm.s32 $0x1600  }
0x15a: {  	[tilespmem:s20], [sflag:$0x2] =	stream.indirect.gather [hbm4b:s19+s26], $0x1, s24, s26, $0xb8;
	[tilespmem:$0x4200] =	vst v63  }
0x15b: {  	s25 =	simm.s32 $0x3600  }
0x15c: {  	[tilespmem:s25], [sflag:$0x2] =	stream.indirect.gather [hbm4b:s1+s26], $0x1, s24, s26, $0xb8;
	[tilespmem:$0x4200] =	vst v63  }
0x15d: {  	s2 =	simm.s32 $0x2680  }
0x15e: {  	[tilespmem:s2], [sflag:$0x2] =	stream.indirect.gather [hbm4b:s19+s26], $0x1, s14, s26, $0xb8;
	[tilespmem:$0x4200] =	vst v63  }
0x15f: {  	s5 =	simm.s32 $0x3680  }
0x160: {  	[tilespmem:s5], [sflag:$0x2] =	stream.indirect.gather [hbm4b:s1+s26], $0x1, s14, s26, $0xb8;
	[tilespmem:$0x4200] =	vst v63  }
0x161: {  	s7 =	simm.s32 $0x2700  }
0x162: {  	[tilespmem:s7], [sflag:$0x2] =	stream.indirect.gather [hbm4b:s19+s26], $0x1, s31, s26, $0xb8;
	[tilespmem:$0x4200] =	vst v63  }
0x163: {  	s8 =	simm.s32 $0x3700  }
0x164: {  	[tilespmem:s8], [sflag:$0x2] =	stream.indirect.gather [hbm4b:s1+s26], $0x1, s31, s26, $0xb8;
	[tilespmem:$0x4200] =	vst v63  }
0x165: {  	s9 =	simm.s32 $0x2780  }
0x166: {  	[tilespmem:s9], [sflag:$0x2] =	stream.indirect.gather [hbm4b:s19+s26], $0x1, s10, s26, $0xb8;
	[tilespmem:$0x4200] =	vst v63  }
0x167: {  	s16 =	simm.s32 $0x3780  }
0x168: {  	[tilespmem:s16], [sflag:$0x2] =	stream.indirect.gather [hbm4b:s1+s26], $0x1, s10, s26, $0xb8;
	[tilespmem:$0x4200] =	vst v63  }
0x169: {  	_ =	swait.ge [sflag:s22], $0x80  }
0x16a: {  	[sflag:s22] =	ssyncset.done $0x0  }
0x16b: {  	[sflag:s22] =	ssyncadd.s32 $0xFFFFFF80  }
0x16c: {  	_ =	swait.ge [sflag:s22], $0x80  }
0x16d: {  	[sflag:s22] =	ssyncset.done $0x0  }
0x16e: {  	[sflag:s22] =	ssyncadd.s32 $0xFFFFFF80  }
0x16f: {  	_ =	swait.ge [sflag:s22], $0x80  }
0x170: {  	[sflag:s22] =	ssyncset.done $0x0  }
0x171: {  	[sflag:s22] =	ssyncadd.s32 $0xFFFFFF80  }
0x172: {  	_ =	swait.ge [sflag:s22], $0x80  }
0x173: {  	[sflag:s22] =	ssyncset.done $0x0  }
0x174: {  	[sflag:s22] =	ssyncadd.s32 $0xFFFFFF80  }
0x175: {  	_ =	swait.ge [sflag:s22], $0x80  }
0x176: {  	[sflag:s22] =	ssyncset.done $0x0  }
0x177: {  	[sflag:s22] =	ssyncadd.s32 $0xFFFFFF80  }
0x178: {  	_ =	swait.ge [sflag:s22], $0x80  }
0x179: {  	[sflag:s22] =	ssyncset.done $0x0  }
0x17a: {  	[sflag:s22] =	ssyncadd.s32 $0xFFFFFF80  }
0x17b: {  	_ =	swait.ge [sflag:s22], $0x80  }
0x17c: {  	[sflag:s22] =	ssyncset.done $0x0  }
0x17d: {  	[sflag:s22] =	ssyncadd.s32 $0xFFFFFF80  }
0x17e: {  	_ =	swait.ge [sflag:s22], $0x80  }
0x17f: {  	[sflag:s22] =	ssyncset.done $0x0  }
0x180: {  	s17 =	simm.s32 $0x2800;
	s18 =	simm.s32 $0x1800;
	[sflag:s22] =	ssyncadd.s32 $0xFFFFFF80  }
0x181: {  	[tilespmem:s17], [sflag:$0x1] =	stream.indirect.gather [hbm4b:s19+s26], $0x1, s18, s26, $0xb8;
	[tilespmem:$0x4200] =	vst v63  }
0x182: {  	s20 =	simm.s32 $0x3800  }
0x183: {  	[tilespmem:s20], [sflag:$0x1] =	stream.indirect.gather [hbm4b:s1+s26], $0x1, s18, s26, $0xb8;
	[tilespmem:$0x4200] =	vst v63  }
0x184: {  	s24 =	simm.s32 $0x2880;
	s25 =	simm.s32 $0x1880  }
0x185: {  	[tilespmem:s24], [sflag:$0x1] =	stream.indirect.gather [hbm4b:s19+s26], $0x1, s25, s26, $0xb8;
	[tilespmem:$0x4200] =	vst v63  }
0x186: {  	s5 =	simm.s32 $0x3880  }
0x187: {  	[tilespmem:s5], [sflag:$0x1] =	stream.indirect.gather [hbm4b:s1+s26], $0x1, s25, s26, $0xb8;
	[tilespmem:$0x4200] =	vst v63  }
0x188: {  	s7 =	simm.s32 $0x2900  }
0x189: {  	[tilespmem:s7], [sflag:$0x1] =	stream.indirect.gather [hbm4b:s19+s26], $0x1, s28, s26, $0xb8;
	[tilespmem:$0x4200] =	vst v63  }
0x18a: {  	s8 =	simm.s32 $0x3900  }
0x18b: {  	[tilespmem:s8], [sflag:$0x1] =	stream.indirect.gather [hbm4b:s1+s26], $0x1, s28, s26, $0xb8;
	[tilespmem:$0x4200] =	vst v63  }
0x18c: {  	s9 =	simm.s32 $0x2980  }
0x18d: {  	[tilespmem:s9], [sflag:$0x1] =	stream.indirect.gather [hbm4b:s19+s26], $0x1, s11, s26, $0xb8;
	[tilespmem:$0x4200] =	vst v63  }
0x18e: {  	s10 =	simm.s32 $0x3980  }
0x18f: {  	[tilespmem:s10], [sflag:$0x1] =	stream.indirect.gather [hbm4b:s1+s26], $0x1, s11, s26, $0xb8;
	[tilespmem:$0x4200] =	vst v63  }
0x190: {  	s16 =	simm.s32 $0x2A00;
	s17 =	simm.s32 $0x1A00  }
0x191: {  	[tilespmem:s16], [sflag:$0x2] =	stream.indirect.gather [hbm4b:s19+s26], $0x1, s17, s26, $0xb8;
	[tilespmem:$0x4200] =	vst v63  }
0x192: {  	s18 =	simm.s32 $0x3A00  }
0x193: {  	[tilespmem:s18], [sflag:$0x2] =	stream.indirect.gather [hbm4b:s1+s26], $0x1, s17, s26, $0xb8;
	[tilespmem:$0x4200] =	vst v63  }
0x194: {  	s20 =	simm.s32 $0x2A80;
	s24 =	simm.s32 $0x1A80  }
0x195: {  	[tilespmem:s20], [sflag:$0x2] =	stream.indirect.gather [hbm4b:s19+s26], $0x1, s24, s26, $0xb8;
	[tilespmem:$0x4200] =	vst v63  }
0x196: {  	s25 =	simm.s32 $0x3A80  }
0x197: {  	[tilespmem:s25], [sflag:$0x2] =	stream.indirect.gather [hbm4b:s1+s26], $0x1, s24, s26, $0xb8;
	[tilespmem:$0x4200] =	vst v63  }
0x198: {  	s5 =	simm.s32 $0x2B00  }
0x199: {  	[tilespmem:s5], [sflag:$0x2] =	stream.indirect.gather [hbm4b:s19+s26], $0x1, s21, s26, $0xb8;
	[tilespmem:$0x4200] =	vst v63  }
0x19a: {  	s7 =	simm.s32 $0x3B00  }
0x19b: {  	[tilespmem:s7], [sflag:$0x2] =	stream.indirect.gather [hbm4b:s1+s26], $0x1, s21, s26, $0xb8;
	[tilespmem:$0x4200] =	vst v63  }
0x19c: {  	s8 =	simm.s32 $0x2B80  }
0x19d: {  	[tilespmem:s8], [sflag:$0x2] =	stream.indirect.gather [hbm4b:s19+s26], $0x1, s12, s26, $0xb8;
	[tilespmem:$0x4200] =	vst v63  }
0x19e: {  	s9 =	simm.s32 $0x3B80  }
0x19f: {  	[tilespmem:s9], [sflag:$0x2] =	stream.indirect.gather [hbm4b:s1+s26], $0x1, s12, s26, $0xb8;
	[tilespmem:$0x4200] =	vst v63  }
0x1a0: {  	_ =	swait.ge [sflag:s22], $0x80  }
0x1a1: {  	[sflag:s22] =	ssyncset.done $0x0  }
0x1a2: {  	[sflag:s22] =	ssyncadd.s32 $0xFFFFFF80  }
0x1a3: {  	_ =	swait.ge [sflag:s22], $0x80  }
0x1a4: {  	[sflag:s22] =	ssyncset.done $0x0  }
0x1a5: {  	[sflag:s22] =	ssyncadd.s32 $0xFFFFFF80  }
0x1a6: {  	_ =	swait.ge [sflag:s22], $0x80  }
0x1a7: {  	[sflag:s22] =	ssyncset.done $0x0  }
0x1a8: {  	[sflag:s22] =	ssyncadd.s32 $0xFFFFFF80  }
0x1a9: {  	_ =	swait.ge [sflag:s22], $0x80  }
0x1aa: {  	[sflag:s22] =	ssyncset.done $0x0  }
0x1ab: {  	[sflag:s22] =	ssyncadd.s32 $0xFFFFFF80  }
0x1ac: {  	_ =	swait.ge [sflag:s22], $0x80  }
0x1ad: {  	[sflag:s22] =	ssyncset.done $0x0  }
0x1ae: {  	[sflag:s22] =	ssyncadd.s32 $0xFFFFFF80  }
0x1af: {  	_ =	swait.ge [sflag:s22], $0x80  }
0x1b0: {  	[sflag:s22] =	ssyncset.done $0x0  }
0x1b1: {  	[sflag:s22] =	ssyncadd.s32 $0xFFFFFF80  }
0x1b2: {  	_ =	swait.ge [sflag:s22], $0x80  }
0x1b3: {  	[sflag:s22] =	ssyncset.done $0x0  }
0x1b4: {  	[sflag:s22] =	ssyncadd.s32 $0xFFFFFF80  }
0x1b5: {  	_ =	swait.ge [sflag:s22], $0x80  }
0x1b6: {  	[sflag:s22] =	ssyncset.done $0x0  }
0x1b7: {  	s10 =	simm.s32 $0x2C00;
	s11 =	simm.s32 $0x1C00;
	[sflag:s22] =	ssyncadd.s32 $0xFFFFFF80  }
0x1b8: {  	[tilespmem:s10], [sflag:$0x1] =	stream.indirect.gather [hbm4b:s19+s26], $0x1, s11, s26, $0xb8;
	[tilespmem:$0x4200] =	vst v63  }
0x1b9: {  	s12 =	simm.s32 $0x3C00  }
0x1ba: {  	[tilespmem:s12], [sflag:$0x1] =	stream.indirect.gather [hbm4b:s1+s26], $0x1, s11, s26, $0xb8;
	[tilespmem:$0x4200] =	vst v63  }
0x1bb: {  	s16 =	simm.s32 $0x2C80;
	s17 =	simm.s32 $0x1C80  }
0x1bc: {  	[tilespmem:s16], [sflag:$0x1] =	stream.indirect.gather [hbm4b:s19+s26], $0x1, s17, s26, $0xb8;
	[tilespmem:$0x4200] =	vst v63  }
0x1bd: {  	s18 =	simm.s32 $0x3C80  }
0x1be: {  	[tilespmem:s18], [sflag:$0x1] =	stream.indirect.gather [hbm4b:s1+s26], $0x1, s17, s26, $0xb8;
	[tilespmem:$0x4200] =	vst v63  }
0x1bf: {  	s20 =	simm.s32 $0x2D00;
	s24 =	simm.s32 $0x1D00  }
0x1c0: {  	[tilespmem:s20], [sflag:$0x1] =	stream.indirect.gather [hbm4b:s19+s26], $0x1, s24, s26, $0xb8;
	[tilespmem:$0x4200] =	vst v63  }
0x1c1: {  	s25 =	simm.s32 $0x3D00  }
0x1c2: {  	[tilespmem:s25], [sflag:$0x1] =	stream.indirect.gather [hbm4b:s1+s26], $0x1, s24, s26, $0xb8;
	[tilespmem:$0x4200] =	vst v63  }
0x1c3: {  	s5 =	simm.s32 $0x2D80  }
0x1c4: {  	[tilespmem:s5], [sflag:$0x1] =	stream.indirect.gather [hbm4b:s19+s26], $0x1, s13, s26, $0xb8;
	[tilespmem:$0x4200] =	vst v63  }
0x1c5: {  	s7 =	simm.s32 $0x3D80  }
0x1c6: {  	[tilespmem:s7], [sflag:$0x1] =	stream.indirect.gather [hbm4b:s1+s26], $0x1, s13, s26, $0xb8;
	[tilespmem:$0x4200] =	vst v63  }
0x1c7: {  	s8 =	simm.s32 $0x2E00;
	s9 =	simm.s32 $0x1E00  }
0x1c8: {  	[tilespmem:s8], [sflag:$0x2] =	stream.indirect.gather [hbm4b:s19+s26], $0x1, s9, s26, $0xb8;
	[tilespmem:$0x4200] =	vst v63  }
0x1c9: {  	s10 =	simm.s32 $0x3E00  }
0x1ca: {  	[tilespmem:s10], [sflag:$0x2] =	stream.indirect.gather [hbm4b:s1+s26], $0x1, s9, s26, $0xb8;
	[tilespmem:$0x4200] =	vst v63  }
0x1cb: {  	s11 =	simm.s32 $0x2E80;
	s12 =	simm.s32 $0x1E80  }
0x1cc: {  	[tilespmem:s11], [sflag:$0x2] =	stream.indirect.gather [hbm4b:s19+s26], $0x1, s12, s26, $0xb8;
	[tilespmem:$0x4200] =	vst v63  }
0x1cd: {  	s13 =	simm.s32 $0x3E80  }
0x1ce: {  	[tilespmem:s13], [sflag:$0x2] =	stream.indirect.gather [hbm4b:s1+s26], $0x1, s12, s26, $0xb8;
	[tilespmem:$0x4200] =	vst v63  }
0x1cf: {  	s16 =	simm.s32 $0x2F00;
	s17 =	simm.s32 $0x1F00  }
0x1d0: {  	[tilespmem:s16], [sflag:$0x2] =	stream.indirect.gather [hbm4b:s19+s26], $0x1, s17, s26, $0xb8;
	[tilespmem:$0x4200] =	vst v63  }
0x1d1: {  	s18 =	simm.s32 $0x3F00  }
0x1d2: {  	[tilespmem:s18], [sflag:$0x2] =	stream.indirect.gather [hbm4b:s1+s26], $0x1, s17, s26, $0xb8;
	[tilespmem:$0x4200] =	vst v63  }
0x1d3: {  	s20 =	simm.s32 $0x2F80  }
0x1d4: {  	[tilespmem:s20], [sflag:$0x2] =	stream.indirect.gather [hbm4b:s19+s26], $0x1, s15, s26, $0xb8;
	[tilespmem:$0x4200] =	vst v63  }
0x1d5: {  	s24 =	simm.s32 $0x3F80  }
0x1d6: {  	[tilespmem:s24], [sflag:$0x2] =	stream.indirect.gather [hbm4b:s1+s26], $0x1, s15, s26, $0xb8;
	[tilespmem:$0x4200] =	vst v63  }
0x1d7: {  	_ =	swait.ge [sflag:s22], $0x80  }
0x1d8: {  	[sflag:s22] =	ssyncset.done $0x0  }
0x1d9: {  	[sflag:s22] =	ssyncadd.s32 $0xFFFFFF80  }
0x1da: {  	_ =	swait.ge [sflag:s22], $0x80  }
0x1db: {  	[sflag:s22] =	ssyncset.done $0x0  }
0x1dc: {  	[sflag:s22] =	ssyncadd.s32 $0xFFFFFF80  }
0x1dd: {  	_ =	swait.ge [sflag:s22], $0x80  }
0x1de: {  	[sflag:s22] =	ssyncset.done $0x0  }
0x1df: {  	[sflag:s22] =	ssyncadd.s32 $0xFFFFFF80  }
0x1e0: {  	_ =	swait.ge [sflag:s22], $0x80  }
0x1e1: {  	[sflag:s22] =	ssyncset.done $0x0  }
0x1e2: {  	[sflag:s22] =	ssyncadd.s32 $0xFFFFFF80  }
0x1e3: {  	_ =	swait.ge [sflag:s22], $0x80  }
0x1e4: {  	[sflag:s22] =	ssyncset.done $0x0  }
0x1e5: {  	[sflag:s22] =	ssyncadd.s32 $0xFFFFFF80  }
0x1e6: {  	_ =	swait.ge [sflag:s22], $0x80  }
0x1e7: {  	[sflag:s22] =	ssyncset.done $0x0  }
0x1e8: {  	[sflag:s22] =	ssyncadd.s32 $0xFFFFFF80  }
0x1e9: {  	_ =	swait.ge [sflag:s22], $0x80  }
0x1ea: {  	[sflag:s22] =	ssyncset.done $0x0  }
0x1eb: {  	[sflag:s22] =	ssyncadd.s32 $0xFFFFFF80  }
0x1ec: {  	_ =	swait.ge [sflag:s22], $0x80  }
0x1ed: {  	[sflag:s22] =	ssyncset.done $0x0  }
0x1ee: {  	[sflag:s22] =	ssyncadd.s32 $0xFFFFFF80  }
0x1ef: {  	_ =	swait.ge [sflag:s4], $0x80  }
0x1f0: {  	[sflag:s4] =	ssyncset.done $0x0  }
0x1f1: {  	[sflag:s4] =	ssyncadd.s32 $0xFFFFFF80  }
0x1f2: {  	_ =	swait.ge [sflag:s4], $0x80  }
0x1f3: {  	[sflag:s4] =	ssyncset.done $0x0  }
0x1f4: {  	[sflag:s4] =	ssyncadd.s32 $0xFFFFFF80  }
0x1f5: {  	_ =	swait.ge [sflag:s4], $0x80  }
0x1f6: {  	[sflag:s4] =	ssyncset.done $0x0  }
0x1f7: {  	[sflag:s4] =	ssyncadd.s32 $0xFFFFFF80  }
0x1f8: {  	_ =	swait.ge [sflag:s4], $0x80  }
0x1f9: {  	[sflag:s4] =	ssyncset.done $0x0  }
0x1fa: {  	[sflag:s4] =	ssyncadd.s32 $0xFFFFFF80  }
0x1fb: {  	_ =	swait.ge [sflag:s4], $0x80  }
0x1fc: {  	[sflag:s4] =	ssyncset.done $0x0  }
0x1fd: {  	[sflag:s4] =	ssyncadd.s32 $0xFFFFFF80  }
0x1fe: {  	_ =	swait.ge [sflag:s4], $0x80  }
0x1ff: {  	[sflag:s4] =	ssyncset.done $0x0  }
0x200: {  	[sflag:s4] =	ssyncadd.s32 $0xFFFFFF80  }
0x201: {  	_ =	swait.ge [sflag:s4], $0x80  }
0x202: {  	[sflag:s4] =	ssyncset.done $0x0  }
0x203: {  	[sflag:s4] =	ssyncadd.s32 $0xFFFFFF80  }
0x204: {  	_ =	swait.ge [sflag:s4], $0x80  }
0x205: {  	[sflag:s4] =	ssyncset.done $0x0  }
0x206: {  	[sflag:s4] =	ssyncadd.s32 $0xFFFFFF80  }
0x207: {  	_ =	swait.ge [sflag:s4], $0x80  }
0x208: {  	[sflag:s4] =	ssyncset.done $0x0  }
0x209: {  	[sflag:s4] =	ssyncadd.s32 $0xFFFFFF80  }
0x20a: {  	_ =	swait.ge [sflag:s4], $0x80  }
0x20b: {  	[sflag:s4] =	ssyncset.done $0x0  }
0x20c: {  	[sflag:s4] =	ssyncadd.s32 $0xFFFFFF80  }
0x20d: {  	_ =	swait.ge [sflag:s4], $0x80  }
0x20e: {  	[sflag:s4] =	ssyncset.done $0x0  }
0x20f: {  	[sflag:s4] =	ssyncadd.s32 $0xFFFFFF80  }
0x210: {  	_ =	swait.ge [sflag:s4], $0x80  }
0x211: {  	[sflag:s4] =	ssyncset.done $0x0  }
0x212: {  	[sflag:s4] =	ssyncadd.s32 $0xFFFFFF80  }
0x213: {  	_ =	swait.ge [sflag:s4], $0x80  }
0x214: {  	[sflag:s4] =	ssyncset.done $0x0  }
0x215: {  	[sflag:s4] =	ssyncadd.s32 $0xFFFFFF80  }
0x216: {  	_ =	swait.ge [sflag:s4], $0x80  }
0x217: {  	[sflag:s4] =	ssyncset.done $0x0  }
0x218: {  	[sflag:s4] =	ssyncadd.s32 $0xFFFFFF80  }
0x219: {  	_ =	swait.ge [sflag:s4], $0x80  }
0x21a: {  	[sflag:s4] =	ssyncset.done $0x0  }
0x21b: {  	[sflag:s4] =	ssyncadd.s32 $0xFFFFFF80  }
0x21c: {  	_ =	swait.ge [sflag:s4], $0x80  }
0x21d: {  	[sflag:s4] =	ssyncset.done $0x0  }
0x21e: {  	[sflag:s4] =	ssyncadd.s32 $0xFFFFFF80  }
0x21f: {  	_ =	swait.ge [sflag:s4], $0x80  }
0x220: {  	[sflag:s4] =	ssyncset.done $0x0  }
0x221: {  	[sflag:s4] =	ssyncadd.s32 $0xFFFFFF80  }
0x222: {  	_ =	swait.ge [sflag:s4], $0x80  }
0x223: {  	[sflag:s4] =	ssyncset.done $0x0  }
0x224: {  	[sflag:s4] =	ssyncadd.s32 $0xFFFFFF80  }
0x225: {  	_ =	swait.ge [sflag:s4], $0x80  }
0x226: {  	[sflag:s4] =	ssyncset.done $0x0  }
0x227: {  	[sflag:s4] =	ssyncadd.s32 $0xFFFFFF80  }
0x228: {  	_ =	swait.ge [sflag:s4], $0x80  }
0x229: {  	[sflag:s4] =	ssyncset.done $0x0  }
0x22a: {  	[sflag:s4] =	ssyncadd.s32 $0xFFFFFF80  }
0x22b: {  	_ =	swait.ge [sflag:s4], $0x80  }
0x22c: {  	[sflag:s4] =	ssyncset.done $0x0  }
0x22d: {  	[sflag:s4] =	ssyncadd.s32 $0xFFFFFF80  }
0x22e: {  	_ =	swait.ge [sflag:s4], $0x80  }
0x22f: {  	[sflag:s4] =	ssyncset.done $0x0  }
0x230: {  	[sflag:s4] =	ssyncadd.s32 $0xFFFFFF80  }
0x231: {  	_ =	swait.ge [sflag:s4], $0x80  }
0x232: {  	[sflag:s4] =	ssyncset.done $0x0  }
0x233: {  	[sflag:s4] =	ssyncadd.s32 $0xFFFFFF80  }
0x234: {  	_ =	swait.ge [sflag:s4], $0x80  }
0x235: {  	[sflag:s4] =	ssyncset.done $0x0  }
0x236: {  	[sflag:s4] =	ssyncadd.s32 $0xFFFFFF80  }
0x237: {  	_ =	swait.ge [sflag:s4], $0x80  }
0x238: {  	[sflag:s4] =	ssyncset.done $0x0  }
0x239: {  	[sflag:s4] =	ssyncadd.s32 $0xFFFFFF80  }
0x23a: {  	_ =	swait.ge [sflag:s4], $0x80  }
0x23b: {  	[sflag:s4] =	ssyncset.done $0x0  }
0x23c: {  	[sflag:s4] =	ssyncadd.s32 $0xFFFFFF80  }
0x23d: {  	_ =	swait.ge [sflag:s4], $0x80  }
0x23e: {  	[sflag:s4] =	ssyncset.done $0x0  }
0x23f: {  	[sflag:s4] =	ssyncadd.s32 $0xFFFFFF80  }
0x240: {  	_ =	swait.ge [sflag:s4], $0x80  }
0x241: {  	[sflag:s4] =	ssyncset.done $0x0  }
0x242: {  	[sflag:s4] =	ssyncadd.s32 $0xFFFFFF80  }
0x243: {  	_ =	swait.ge [sflag:s4], $0x80  }
0x244: {  	[sflag:s4] =	ssyncset.done $0x0  }
0x245: {  	[sflag:s4] =	ssyncadd.s32 $0xFFFFFF80  }
0x246: {  	_ =	swait.ge [sflag:s4], $0x80  }
0x247: {  	[sflag:s4] =	ssyncset.done $0x0  }
0x248: {  	[sflag:s4] =	ssyncadd.s32 $0xFFFFFF80  }
0x249: {  	_ =	swait.ge [sflag:s4], $0x80  }
0x24a: {  	[sflag:s4] =	ssyncset.done $0x0  }
0x24b: {  	[sflag:s4] =	ssyncadd.s32 $0xFFFFFF80  }
0x24c: {  	_ =	swait.ge [sflag:s4], $0x80  }
0x24d: {  	[sflag:s4] =	ssyncset.done $0x0  }
0x24e: {  	s25 =	simm.s32 $0x3;
	[sflag:s4] =	ssyncadd.s32 $0xFFFFFF80  }
0x24f: {  	_ =	swait.ge [sflag:s25], $0x200  }
0x250: {  	[sflag:s25] =	ssyncset.done $0x0  }
0x251: {  	[sflag:s25] =	ssyncadd.s32 $0xFFFFFE00  }
0x252: {  	_ =	swait.ge [sflag:s25], $0x200  }
0x253: {  	[sflag:s25] =	ssyncset.done $0x0  }
0x254: {  	[sflag:s25] =	ssyncadd.s32 $0xFFFFFE00  }
0x255: {  	_ =	swait.ge [sflag:s25], $0x200  }
0x256: {  	[sflag:s25] =	ssyncset.done $0x0  }
0x257: {  	s29 =	simm.s32 $0x0;
	[sflag:s25] =	ssyncadd.s32 $0xFFFFFE00  }
0x258: {  	v2 =	vld [tilespmem:s29+$0x3C00]  }
0x259: {  	v3 =	vld [tilespmem:s29+$0x2E00]  }
0x25a: {  	v4 =	vld [tilespmem:s29+$0x3A00]  }
0x25b: {  	v5 =	vld [tilespmem:s29+$0x2C00]  }
0x25c: {  	v6 =	vld [tilespmem:s29+$0x3800]  }
0x25d: {  	v7 =	vld [tilespmem:s29+$0x2A00]  }
0x25e: {  	v8 =	vld [tilespmem:s29+$0x3600]  }
0x25f: {  	v9 =	vld [tilespmem:s29+$0x2800]  }
0x260: {  	v10 =	vld [tilespmem:s29+$0x3400]  }
0x261: {  	v11 =	vld [tilespmem:s29+$0x2600]  }
0x262: {  	v12 =	vld [tilespmem:s29+$0x3200]  }
0x263: {  	v13 =	vld [tilespmem:s29+$0x2400]  }
0x264: {  	v14 =	vld [tilespmem:s29+$0x3000]  }
0x265: {  	v15 =	vld [tilespmem:s29+$0xE00]  }
0x266: {  	v17 =	vld [tilespmem:s29+$0x2200]  }
0x267: {  	v20 =	vld [tilespmem:s29+$0x600];
	v16 =	vand.u32 $0xFFFF0000, v2;
	v18 =	vand.u32 $0xFFFF0000, v4;
	v19 =	vshll.u32 v3, $0x10  }
0x268: {  	v22 =	vld [tilespmem:s29+$0xC00];
	v21 =	vshll.u32 v5, $0x10;
	v23 =	vand.u32 $0xFFFF0000, v6;
	v2 =	vshll.u32 v2, $0x10  }
0x269: {  	v24 =	vld [tilespmem:s29+$0xA00];
	v3 =	vand.u32 $0xFFFF0000, v3;
	v25 =	vshll.u32 v7, $0x10;
	v4 =	vshll.u32 v4, $0x10  }
0x26a: {  	v26 =	vld [tilespmem:s29+$0x800];
	v15 =	vmul.f32 $5.000000070e-02, v15;
	v27 =	vand.u32 $0xFFFF0000, v8;
	v5 =	vand.u32 $0xFFFF0000, v5  }
0x26b: {  	v28 =	vld [tilespmem:s29+$0x400];
	v29 =	vshll.u32 v9, $0x10;
	v6 =	vshll.u32 v6, $0x10;
	v7 =	vand.u32 $0xFFFF0000, v7  }
0x26c: {  	v30 =	vld [tilespmem:s29+$0x200];
	v32 =	vand.u32 $0xFFFF0000, v10;
	v33 =	vshll.u32 v11, $0x10;
	v31 =	vmul.f32 $5.000000000e-01, v15  }
0x26d: {  	v34 =	vand.u32 $0xFFFF0000, v12;
	v8 =	vshll.u32 v8, $0x10;
	v9 =	vand.u32 $0xFFFF0000, v9  }
0x26e: {  	v36 =	vshll.u32 v13, $0x10;
	v10 =	vshll.u32 v10, $0x10;
	v24 =	vsub.f32 v24, v31  }
0x26f: {  	v35 =	vld [tilespmem:s29+$0x2000];
	v11 =	vand.u32 $0xFFFF0000, v11;
	v26 =	vsub.f32 v26, v31;
	v22 =	vsub.f32 v22, v31  }
0x270: {  	v54 =	vand.u32 $0xFFFF0000, v14;
	v55 =	vshll.u32 v17, $0x10;
	v24 =	vsub.f32 v28, v24  }
0x271: {  	v12 =	vshll.u32 v12, $0x10;
	v26 =	vsub.f32 v30, v26;
	v20 =	vsub.f32 v20, v22  }
0x272: {  	v13 =	vand.u32 $0xFFFF0000, v13;
	(erf) = vrcp.f32 v15;
	v4 =	vmul.f32 v4, v24  }
0x273: {  	v14 =	vshll.u32 v14, $0x10;
	v27 =	vmul.f32 v27, v20;
	v5 =	vmul.f32 v5, v26  }
0x274: {  	v57 =	vand.u32 $0xFFFF0000, v35;
	v56 =	vmul.f32 v32, v20;
	v6 =	vmul.f32 v6, v24  }
0x275: {  	v22 =	vshll.u32 v35, $0x10;
	v34 =	vmul.f32 v34, v20;
	v9 =	vmul.f32 v9, v26  }
0x276: {  	v58 =	vsub.f32 v20, v15;
	v28 =	vmul.f32 v54, v20;
	v12 =	vmul.f32 v12, v24  }
0x277: {  	v37 =	vsub.f32 v24, v15;
	v14 =	vmul.f32 v14, v24;
	v13 =	vmul.f32 v13, v26  }
0x278: {  	v15 =	vsub.f32 v26, v15;
	v32 =	vmul.f32 v57, v26;
	v38 =	vmul.f32 v16, v58  }
0x279: {  	v16 =	vand.u32 $0xFFFF0000, v17;
	v39 =	vmul.f32 v18, v58;
	v2 =	vmul.f32 v2, v37  }
0x27a: {  	v17 =	vmul.f32 v23, v58;
	v7 =	vmul.f32 v7, v15;
	v5 =	vadd.f32 v21, v5  }
0x27b: {  	v8 =	vmul.f32 v8, v37;
	v13 =	vadd.f32 v36, v13;
	v10 =	vmul.f32 v10, v37;
	v18 =	vpop (erf)  }
0x27c: {  	v21 =	vmul.f32 v26, v18;
	v23 =	vmul.f32 v24, v18;
	v24 =	vadd.f32 v29, v9  }
0x27d: {  	v16 =	vmul.f32 v16, v15;
	v9 =	vadd.f32 v22, v32;
	v2 =	vadd.f32 v2, v5  }
0x27e: {  	v22 =	vmul.f32 v20, v18;
	v18 =	vsub.f32 $1.000000000e+00, v21;
	v20 =	vsub.f32 $1.000000000e+00, v23  }
0x27f: {  	v11 =	vmul.f32 v11, v15;
	v10 =	vadd.f32 v10, v13;
	v16 =	vadd.f32 v55, v16  }
0x280: {  	v9 =	vadd.f32 v9, v14;
	v14 =	vsub.f32 $1.000000000e+00, v22;
	v26 =	vmul.f32 v20, v18  }
0x281: {  	s30 =	simm.s32 $0x10;
	v1 =	vld [tilespmem:s29+$0x3E00];
	v3 =	vmul.f32 v3, v15;
	v11 =	vadd.f32 v33, v11;
	v12 =	vadd.f32 v12, v16  }
0x282: {  	v59 =	vld [tilespmem:s30+$0x3E00];
	v9 =	vadd.f32 v9, v28;
	v60 =	vmul.f32 v20, v21;
	v5 =	vmul.f32 v26, v14  }
0x283: {  	v61 =	vld [tilespmem:s30+$0x3C00];
	v7 =	vadd.f32 v25, v7;
	v3 =	vadd.f32 v19, v3;
	v13 =	vmul.f32 v18, v23  }
0x284: {  	v62 =	vld [tilespmem:s30+$0x2E00];
	v12 =	vadd.f32 v12, v34;
	v16 =	vmul.f32 v60, v14;
	v5 =	vmul.f32 v9, v5  }
0x285: {  	v63 =	vld [tilespmem:s30+$0x3A00];
	v10 =	vadd.f32 v10, v56;
	v8 =	vadd.f32 v8, v11;
	v21 =	vmul.f32 v23, v21  }
0x286: {  	v19 =	vld [tilespmem:s30+$0x2400];
	v12 =	vmul.f32 v12, v16;
	v16 =	vmul.f32 v13, v14;
	v5 =	vadd.f32 $0.0e+00, v5  }
0x287: {  	v0 =	vand.u32 $0xFFFF0000, v1;
	v25 =	vld [tilespmem:s30+$0xA00];
	v6 =	vadd.f32 v6, v24;
	v8 =	vadd.f32 v8, v27  }
0x288: {  	v11 =	vld [tilespmem:s30+$0x3800];
	v14 =	vmul.f32 v14, v21;
	v5 =	vadd.f32 v12, v5;
	v12 =	vmul.f32 v10, v16  }
0x289: {  	v1 =	vshll.u32 v1, $0x10;
	v4 =	vadd.f32 v4, v7;
	v24 =	vld [tilespmem:s30+$0xE00];
	v6 =	vadd.f32 v6, v17  }
0x28a: {  	v18 =	vld [tilespmem:s30+$0x2A00];
	v7 =	vmul.f32 v8, v14;
	v8 =	vmul.f32 v26, v22;
	v5 =	vadd.f32 v12, v5  }
0x28b: {  	v1 =	vmul.f32 v1, v37;
	v17 =	vld [tilespmem:s30+$0x3400];
	v4 =	vadd.f32 v4, v39  }
0x28c: {  	v9 =	vld [tilespmem:s30+$0x2C00];
	v6 =	vmul.f32 v6, v8;
	v5 =	vadd.f32 v7, v5;
	v7 =	vmul.f32 v60, v22  }
0x28d: {  	v2 =	vadd.f32 v2, v38;
	v1 =	vadd.f32 v1, v3;
	v3 =	vmul.f32 v0, v58;
	v20 =	vld [tilespmem:s30+$0x2600]  }
0x28e: {  	v23 =	vld [tilespmem:s30+$0xC00];
	v6 =	vadd.f32 v6, v5;
	v4 =	vmul.f32 v4, v7;
	v7 =	vmul.f32 v13, v22  }
0x28f: {  	v0 =	vand.u32 $0xFFFF0000, v59;
	v3 =	vadd.f32 v1, v3;
	v1 =	vshll.u32 v62, $0x10;
	v14 =	vld [tilespmem:s30+$0x3000]  }
0x290: {  	v10 =	vld [tilespmem:s30+$0x3600];
	v13 =	vmul.f32 v21, v22;
	v4 =	vadd.f32 v4, v6;
	v15 =	vmul.f32 v2, v7  }
0x291: {  	v16 =	vld [tilespmem:s30+$0x2800];
	v8 =	vshll.u32 v9, $0x10;
	v5 =	vand.u32 $0xFFFF0000, v61;
	v22 =	vshll.u32 v63, $0x10  }
0x292: {  	v12 =	vld [tilespmem:s30+$0x3200];
	v7 =	vand.u32 $0xFFFF0000, v63;
	v27 =	vmul.f32 v3, v13;
	v26 =	vadd.f32 v15, v4  }
0x293: {  	v21 =	vld [tilespmem:s30+$0x600];
	v2 =	vshll.u32 v59, $0x10;
	v13 =	vand.u32 $0xFFFF0000, v11;
	v3 =	vand.u32 $0xFFFF0000, v62  }
0x294: {  	s5 =	simm.s32 $0x80;
	v6 =	vld [tilespmem:s30+$0x2200];
	v15 =	vshll.u32 v61, $0x10;
	v4 =	vshll.u32 v18, $0x10;
	v26 =	vadd.f32 v27, v26  }
.LBB2_3:
0x295: {  	p0 =	sne.s32 s5, $0x7C0;
	v27 =	vld [tilespmem:s30+$0x800];
	v24 =	vmul.f32 $5.000000070e-02, v24;
	v28 =	vand.u32 $0xFFFF0000, v10;
	v9 =	vand.u32 $0xFFFF0000, v9  }
0x296: {  	v30 =	vshll.u32 v16, $0x10;
	v11 =	vshll.u32 v11, $0x10;
	v18 =	vand.u32 $0xFFFF0000, v18;
	v29 =	vld [tilespmem:s30+$0x400];
	[tilespmem:s29+$0x4000] =	vst v26;
	s29 =	smov.u32 s30  }
0x297: {  	v32 =	vand.u32 $0xFFFF0000, v17;
	v33 =	vshll.u32 v20, $0x10;
	v26 =	vld [tilespmem:s29+$0x200];
	v31 =	vmul.f32 $5.000000000e-01, v24  }
0x298: {  	v34 =	vand.u32 $0xFFFF0000, v12;
	v10 =	vshll.u32 v10, $0x10;
	v16 =	vand.u32 $0xFFFF0000, v16  }
0x299: {  	v36 =	vshll.u32 v19, $0x10;
	v17 =	vshll.u32 v17, $0x10;
	v25 =	vsub.f32 v25, v31;
	v35 =	vld [tilespmem:s29+$0x2000]  }
0x29a: {  	v20 =	vand.u32 $0xFFFF0000, v20;
	v23 =	vsub.f32 v23, v31;
	v27 =	vsub.f32 v27, v31  }
0x29b: {  	v31 =	vshll.u32 v6, $0x10;
	v25 =	vsub.f32 v29, v25;
	v29 =	vand.u32 $0xFFFF0000, v14  }
0x29c: {  	v21 =	vsub.f32 v21, v23;
	v26 =	vsub.f32 v26, v27;
	(erf) = vrcp.f32 v24  }
0x29d: {  	v12 =	vshll.u32 v12, $0x10;
	v19 =	vand.u32 $0xFFFF0000, v19;
	v22 =	vmul.f32 v22, v25  }
0x29e: {  	v27 =	vmul.f32 v28, v21;
	v23 =	vshll.u32 v35, $0x10;
	v9 =	vmul.f32 v9, v26  }
0x29f: {  	v14 =	vshll.u32 v14, $0x10;
	v28 =	vmul.f32 v32, v21;
	v32 =	vmul.f32 v11, v25  }
0x2a0: {  	v34 =	vmul.f32 v34, v21;
	v11 =	vand.u32 $0xFFFF0000, v35;
	v16 =	vmul.f32 v16, v26  }
0x2a1: {  	v29 =	vmul.f32 v29, v21;
	v12 =	vmul.f32 v12, v25;
	v35 =	vsub.f32 v21, v24  }
0x2a2: {  	v37 =	vsub.f32 v25, v24;
	v14 =	vmul.f32 v14, v25;
	v19 =	vmul.f32 v19, v26  }
0x2a3: {  	v24 =	vsub.f32 v26, v24;
	v11 =	vmul.f32 v11, v26;
	v5 =	vmul.f32 v5, v35  }
0x2a4: {  	v6 =	vand.u32 $0xFFFF0000, v6;
	v15 =	vmul.f32 v15, v37;
	v7 =	vmul.f32 v7, v35  }
0x2a5: {  	v13 =	vmul.f32 v13, v35;
	v18 =	vmul.f32 v18, v24;
	v8 =	vadd.f32 v8, v9;
	v9 =	vpop (erf)  }
0x2a6: {  	v16 =	vadd.f32 v30, v16;
	v26 =	vmul.f32 v26, v9;
	v25 =	vmul.f32 v25, v9  }
0x2a7: {  	v10 =	vmul.f32 v10, v37;
	v6 =	vmul.f32 v6, v24;
	v11 =	vadd.f32 v23, v11  }
0x2a8: {  	v21 =	vmul.f32 v21, v9;
	v9 =	vsub.f32 $1.000000000e+00, v26;
	v23 =	vsub.f32 $1.000000000e+00, v25  }
0x2a9: {  	v17 =	vmul.f32 v17, v37;
	v11 =	vadd.f32 v11, v14;
	v14 =	vadd.f32 v36, v19  }
0x2aa: {  	v6 =	vadd.f32 v31, v6;
	v19 =	vsub.f32 $1.000000000e+00, v21;
	v30 =	vmul.f32 v23, v9  }
0x2ab: {  	s30 =	sshra.s32 s5, $0x2;
	v20 =	vmul.f32 v20, v24;
	v8 =	vadd.f32 v15, v8;
	v11 =	vadd.f32 v11, v29  }
0x2ac: {  	v6 =	vadd.f32 v12, v6;
	v12 =	vmul.f32 v23, v26;
	v15 =	vld [tilespmem:s30+$0x3E00];
	v29 =	vmul.f32 v30, v19  }
0x2ad: {  	v14 =	vadd.f32 v17, v14;
	v23 =	vmul.f32 v9, v25;
	v9 =	vadd.f32 v33, v20;
	v31 =	vld [tilespmem:s30+$0x3C00]  }
0x2ae: {  	v6 =	vadd.f32 v6, v34;
	v17 =	vmul.f32 v12, v19;
	v33 =	vld [tilespmem:s30+$0x2E00];
	v11 =	vmul.f32 v11, v29  }
0x2af: {  	v14 =	vadd.f32 v14, v28;
	v25 =	vmul.f32 v25, v26;
	v10 =	vadd.f32 v10, v9;
	v29 =	vld [tilespmem:s30+$0x3A00]  }
0x2b0: {  	v6 =	vmul.f32 v6, v17;
	v17 =	vmul.f32 v23, v19;
	v9 =	vld [tilespmem:s30+$0x2C00];
	v20 =	vadd.f32 $0.0e+00, v11  }
0x2b1: {  	v16 =	vadd.f32 v32, v16;
	v4 =	vadd.f32 v4, v18;
	v19 =	vmul.f32 v19, v25;
	v11 =	vld [tilespmem:s30+$0x3800]  }
0x2b2: {  	v14 =	vmul.f32 v14, v17;
	v17 =	vadd.f32 v10, v27;
	v18 =	vld [tilespmem:s30+$0x2A00];
	v6 =	vadd.f32 v6, v20  }
0x2b3: {  	v3 =	vmul.f32 v3, v24;
	v13 =	vadd.f32 v16, v13;
	v4 =	vadd.f32 v22, v4;
	v10 =	vld [tilespmem:s30+$0x3600]  }
0x2b4: {  	v16 =	vld [tilespmem:s30+$0x2800];
	v6 =	vadd.f32 v14, v6;
	v14 =	vmul.f32 v17, v19;
	v19 =	vmul.f32 v30, v21  }
0x2b5: {  	v2 =	vmul.f32 v2, v37;
	v1 =	vadd.f32 v1, v3;
	v4 =	vadd.f32 v4, v7;
	v17 =	vld [tilespmem:s30+$0x3400]  }
0x2b6: {  	v7 =	vmul.f32 v12, v21;
	v20 =	vld [tilespmem:s30+$0x2600];
	v3 =	vadd.f32 v14, v6;
	v6 =	vmul.f32 v13, v19  }
0x2b7: {  	v8 =	vadd.f32 v8, v5;
	v1 =	vadd.f32 v2, v1;
	v2 =	vmul.f32 v0, v35;
	v12 =	vld [tilespmem:s30+$0x3200]  }
0x2b8: {  	v4 =	vmul.f32 v4, v7;
	v19 =	vld [tilespmem:s30+$0x2400];
	v3 =	vadd.f32 v6, v3;
	v6 =	vmul.f32 v23, v21  }
0x2b9: {  	v0 =	vand.u32 $0xFFFF0000, v15;
	v5 =	vand.u32 $0xFFFF0000, v31;
	v13 =	vmul.f32 v25, v21;
	v14 =	vld [tilespmem:s30+$0x3000]  }
.Ltmp0:
0x2ba: {  	v22 =	vadd.f32 v1, v2;
	v24 =	vld [tilespmem:s30+$0xE00];
	v3 =	vadd.f32 v4, v3;
	v4 =	vmul.f32 v8, v6;
	(pc) =	sbr.rel @p0 .LBB2_3-.Ltmp0, $4  }
0x2bb: {  	v2 =	vshll.u32 v15, $0x10;
	v1 =	vshll.u32 v33, $0x10;
	v7 =	vand.u32 $0xFFFF0000, v29;
	v6 =	vld [tilespmem:s30+$0x2200]  }
0x2bc: {  	v27 =	vmul.f32 v22, v13;
	v8 =	vshll.u32 v9, $0x10;
	v21 =	vld [tilespmem:s30+$0x600];
	v26 =	vadd.f32 v4, v3  }
0x2bd: {  	v15 =	vshll.u32 v31, $0x10;
	v13 =	vand.u32 $0xFFFF0000, v11;
	v3 =	vand.u32 $0xFFFF0000, v33;
	v23 =	vld [tilespmem:s30+$0xC00]  }
0x2be: {  	s5 =	sadd.s32 $0x40, s5;
	v22 =	vshll.u32 v29, $0x10;
	v4 =	vshll.u32 v18, $0x10;
	v25 =	vld [tilespmem:s30+$0xA00];
	v26 =	vadd.f32 v27, v26  }
0x2bf: {  	v24 =	vmul.f32 $5.000000070e-02, v24;
	v28 =	vand.u32 $0xFFFF0000, v10;
	v9 =	vand.u32 $0xFFFF0000, v9  }
0x2c0: {  	v29 =	vld [tilespmem:s30+$0x400];
	v30 =	vshll.u32 v16, $0x10;
	v11 =	vshll.u32 v11, $0x10;
	v18 =	vand.u32 $0xFFFF0000, v18  }
0x2c1: {  	v32 =	vand.u32 $0xFFFF0000, v17;
	v33 =	vshll.u32 v20, $0x10;
	v31 =	vmul.f32 $5.000000000e-01, v24  }
0x2c2: {  	v27 =	vld [tilespmem:s30+$0x800];
	v34 =	vand.u32 $0xFFFF0000, v12;
	v50 =	vshll.u32 v10, $0x10;
	v51 =	vand.u32 $0xFFFF0000, v16  }
0x2c3: {  	v36 =	vshll.u32 v19, $0x10;
	[tilespmem:s29+$0x4000] =	vst v26;
	v25 =	vsub.f32 v25, v31;
	v23 =	vsub.f32 v23, v31  }
0x2c4: {  	v52 =	vshll.u32 v17, $0x10;
	v53 =	vand.u32 $0xFFFF0000, v20;
	v54 =	vand.u32 $0xFFFF0000, v14;
	v26 =	vld [tilespmem:s30+$0x200]  }
0x2c5: {  	v56 =	vshll.u32 v12, $0x10;
	v35 =	vld [tilespmem:s30+$0x2000];
	v25 =	vsub.f32 v29, v25;
	v21 =	vsub.f32 v21, v23  }
0x2c6: {  	v57 =	vand.u32 $0xFFFF0000, v19;
	v60 =	vshll.u32 v14, $0x10;
	(erf) = vrcp.f32 v24  }
0x2c7: {  	v27 =	vsub.f32 v27, v31;
	v22 =	vmul.f32 v22, v25;
	v59 =	vmul.f32 v28, v21  }
0x2c8: {  	v55 =	vshll.u32 v6, $0x10;
	v61 =	vmul.f32 v32, v21;
	v11 =	vmul.f32 v11, v25  }
0x2c9: {  	v26 =	vsub.f32 v26, v27;
	v34 =	vmul.f32 v34, v21;
	v29 =	vmul.f32 v54, v21  }
0x2ca: {  	v62 =	vand.u32 $0xFFFF0000, v35;
	v12 =	vmul.f32 v56, v25;
	v14 =	vmul.f32 v60, v25  }
0x2cb: {  	v63 =	vsub.f32 v21, v24;
	v9 =	vmul.f32 v9, v26;
	v16 =	vmul.f32 v51, v26  }
0x2cc: {  	v37 =	vsub.f32 v25, v24;
	v19 =	vmul.f32 v57, v26;
	v32 =	vmul.f32 v62, v26  }
0x2cd: {  	v40 =	vand.u32 $0xFFFF0000, v6;
	v5 =	vmul.f32 v5, v63;
	v7 =	vmul.f32 v7, v63  }
0x2ce: {  	v58 =	vshll.u32 v35, $0x10;
	v15 =	vmul.f32 v15, v37;
	v13 =	vmul.f32 v13, v63  }
0x2cf: {  	v24 =	vsub.f32 v26, v24;
	v10 =	vmul.f32 v50, v37;
	v17 =	vmul.f32 v52, v37;
	v41 =	vpop (erf)  }
0x2d0: {  	v8 =	vadd.f32 v8, v9;
	v26 =	vmul.f32 v26, v41;
	v25 =	vmul.f32 v25, v41  }
0x2d1: {  	v16 =	vadd.f32 v30, v16;
	v23 =	vadd.f32 v58, v32;
	v6 =	vmul.f32 v40, v24  }
0x2d2: {  	v9 =	vmul.f32 v21, v41;
	v42 =	vsub.f32 $1.000000000e+00, v26;
	v43 =	vsub.f32 $1.000000000e+00, v25  }
0x2d3: {  	v18 =	vmul.f32 v18, v24;
	v19 =	vadd.f32 v36, v19;
	v14 =	vadd.f32 v23, v14  }
0x2d4: {  	v6 =	vadd.f32 v55, v6;
	v44 =	vsub.f32 $1.000000000e+00, v9;
	v45 =	vmul.f32 v43, v42  }
0x2d5: {  	v20 =	vmul.f32 v53, v24;
	v8 =	vadd.f32 v15, v8;
	v14 =	vadd.f32 v14, v29  }
0x2d6: {  	v6 =	vadd.f32 v12, v6;
	v47 =	vmul.f32 v43, v26;
	v46 =	vmul.f32 v45, v44  }
0x2d7: {  	v17 =	vadd.f32 v17, v19;
	v20 =	vadd.f32 v33, v20;
	v48 =	vmul.f32 v42, v25  }
0x2d8: {  	v6 =	vadd.f32 v6, v34;
	v49 =	vmul.f32 v47, v44;
	v14 =	vmul.f32 v14, v46  }
0x2d9: {  	v50 =	vmul.f32 v25, v26;
	v17 =	vadd.f32 v17, v61;
	v10 =	vadd.f32 v10, v20  }
0x2da: {  	v51 =	vmul.f32 v48, v44;
	v6 =	vmul.f32 v6, v49;
	v14 =	vadd.f32 $0.0e+00, v14  }
0x2db: {  	v11 =	vadd.f32 v11, v16;
	v4 =	vadd.f32 v4, v18;
	v52 =	vmul.f32 v44, v50  }
0x2dc: {  	v10 =	vadd.f32 v10, v59;
	v53 =	vmul.f32 v17, v51;
	v6 =	vadd.f32 v6, v14  }
0x2dd: {  	v3 =	vmul.f32 v3, v24;
	v11 =	vadd.f32 v11, v13;
	v4 =	vadd.f32 v22, v4  }
0x2de: {  	v54 =	vmul.f32 v45, v9;
	v10 =	vmul.f32 v10, v52;
	v6 =	vadd.f32 v53, v6  }
0x2df: {  	v2 =	vmul.f32 v2, v37;
	v1 =	vadd.f32 v1, v3;
	v4 =	vadd.f32 v4, v7  }
0x2e0: {  	v57 =	vmul.f32 v47, v9;
	v56 =	vmul.f32 v11, v54;
	v55 =	vadd.f32 v10, v6  }
0x2e1: {  	v0 =	vmul.f32 v0, v63;
	v5 =	vadd.f32 v8, v5;
	v1 =	vadd.f32 v2, v1  }
0x2e2: {  	v60 =	vmul.f32 v48, v9;
	v59 =	vmul.f32 v4, v57;
	v58 =	vadd.f32 v56, v55  }
0x2e3: {  	v61 =	vmul.f32 v50, v9  }
0x2e4: {  	v0 =	vadd.f32 v1, v0;
	v62 =	vmul.f32 v5, v60;
	v2 =	vadd.f32 v59, v58;
	_ =	sdelay $0x1  }
0x2e5: {  	v0 =	vmul.f32 v0, v61;
	v63 =	vadd.f32 v62, v2;
	_ =	sdelay $0x1  }
0x2e6: {  	s5 =	rddreg [dreg:$0x2];
	v0 =	vadd.f32 v0, v63  }
0x2e7: {  	s0 =	rddreg [dreg:$0x15];
	s25 =	simm.s32 $0x0  }
0x2e8: {  	s5 =	sadd.s32 s5, s0;
	s29 =	simm.s32 $0x4000;
	[tilespmem:s30+$0x4000] =	vst v0;
	s30 =	simm.s32 $0x4  }
0x2e9: {  	[hbm4b:s5+s25] =	stream.linear.scatter [tilespmem:s29], [sflag:$0x4], $0x200, $0x38;
	[tilespmem:$0x4200] =	vst v63  }
0x2ea: {  	_ =	swait.ge [sflag:s30], $0x200  }
0x2eb: {  	s2 =	rddreg [dreg:$0x14]  }
0x2ec: {  	s2 =	sadd.s32 $0x1, s2  }
0x2ed: {  	p0 =	sne.s32 s2, $0x1F  }
.Ltmp1:
0x2ee: {  	_ = 	snop;
	(pc) =	sbr.rel @p0 .LBB2_2-.Ltmp1, $3  }
0x2ef: {  	_ =	sdelay $0x1  }
0x2f0: {  	[sflag:s30] =	ssyncset.done $0x0  }
0x2f1: {  	[sflag:s30] =	ssyncadd.s32 $0xFFFFFE00  }
0x2f2: {  	s0 =	rddreg [dreg:$0x13]  }
0x2f3: {  	s5 =	rddreg [dreg:$0x6];
	s0 =	sadd.s32 $0x1, s0  }
0x2f4: {  	p0 =	sne.s32 s0, s5  }
.Ltmp2:
0x2f5: {  	_ = 	snop;
	(pc) =	sbr.rel @p0 .LBB2_1-.Ltmp2, $1  }
0x2f6: {  	_ =	sdelay $0x3  }
0x2f7: {  	_ =	sfence.sel $0x180000  }
0x2f8: {  	[bflag:$0x0] =	sbarrier.arrive $0xFFFF  }
0x2f9: {  	_ =	strace $0x90000047  }
0x2fa: {  	s0 =	stileid.u32;
	[bflag:$0x2] =	sbarrier.arrive $0xFFFF  }
0x2fb: {  	p0 =	sne.s32 s0, $0x0;
	s0 =	rddreg [dreg:$0x3]  }
0x2fc: {  	s0 =	sadd.s32 @!p0 $0x100000, s0  }
0x2fd: {  	[sflag:s0] =	ssyncadd.tile.s32 @!p0 $0x1;
	_ =	shalt  }
.Lfunc_end2:
_tile_overlayer_lowered:
.L_overlay_start_2:
0x2fe: {  	(tag) =	ssettag $0x2  }
0x2ff: {  	s0 =	rddreg [dreg:$0x0];
	s2 =	stileid.u32  }
0x300: {  	s1 =	rddreg [dreg:$0x1];
	p0 =	sne.s32 s2, $0x0  }
0x301: {  	s3 =	rddreg [dreg:$0x2];
	[bflag:$0x3] =	sbarrier.arrive $0xFFFF;
	s2 =	simm.s32 @!p0 $0x1C04  }
0x302: {  	[timem:s3], [sflag:s2] =	dma.local @!p0 [hbm:s0], s1  }
0x303: {  	s0 =	simm.s32 @!p0 $0x4  }
0x304: {  	_ =	swait.ge @!p0 [sflag:s0], s1  }
0x305: {  	s1 =	ssub.s32 @!p0 $0x0, s1;
	[sflag:s0] =	ssyncset.done @!p0 $0x0  }
0x306: {  	[sflag:s0] =	ssyncadd.s32 @!p0 s1  }
0x307: {  	[bflag:$0x3] =	sbarrier.arrive $0xFFFF  }
0x308: {  	_ =	shalt  }

</sc_bundles>
